<compile_context>
chip_gen: v7x
topology: tpu7x:2x2x1
jax: 0.10.2.dev20260603
libtpu: 0.0.44.dev20260713+nightly
codegen_flags: <defaults>
</compile_context>

<pallas_src>
import functools

import jax
import jax.numpy as jnp
from jax import lax
from jax.experimental import pallas as pl
from jax.experimental.pallas import tpu as pltpu
from jax.experimental.pallas import tpu_sc as plsc

N = 10000
E = 320000
H = 128
HH = 64
A_DIM = 8
MLP_H = 64

NB = 10
NBS = N // NB
EBLK = 80
EBS = E // EBLK

NC = 2
NT = 16
K = 40
CPT = E // (K * NT)

EPS_DEN = 1e-6
EPS_BN = 1e-5

_F32 = jnp.float32


def _dot(a, b):
    return jnp.dot(a, b, preferred_element_type=_F32)



def _node_pre_body(h_ref, wh, a1, b1, e1w, d1, h0_o, st_o, dt_o, hd_o):
    h0 = _dot(h_ref[...], wh[...])
    h0_o[...] = h0
    ha = _dot(h0, a1[...])
    hv = _dot(h0, e1w[...])
    st_o[0] = jnp.concatenate([ha[:, :HH], hv[:, :HH]], axis=1)
    st_o[1] = jnp.concatenate([ha[:, HH:], hv[:, HH:]], axis=1)
    dt_o[...] = _dot(h0, b1[...])
    hd_o[...] = _dot(h0, d1[...])


def _edge_lin_body(e_ref, we_ref, c_ref, out_ref):
    wec = _dot(we_ref[...], c_ref[...])
    out_ref[...] = _dot(e_ref[...], wec)


def _upd_stats_body(hd_ref, nd_ref, hn_o, st_o):
    num = jnp.concatenate([nd_ref[0, :, :HH], nd_ref[1, :, :HH]], axis=1)
    den = jnp.concatenate([nd_ref[0, :, HH:], nd_ref[1, :, HH:]], axis=1)
    hn = hd_ref[...] + num / (den + EPS_DEN)
    hn_o[...] = hn

    @pl.when(pl.program_id(0) == 0)
    def _():
        st_o[...] = jnp.zeros_like(st_o)

    part = jnp.concatenate(
        [jnp.sum(hn, 0, keepdims=True), jnp.sum(hn * hn, 0, keepdims=True)], 0)
    st_o[0:2, :] += part


def _h1_pre2_body(hres_ref, hn_ref, st_ref, a2, b2, e2w, d2,
                  h1_o, st_o, dt_o, hd_o):
    m = st_ref[0:1, :] / N
    var = st_ref[1:2, :] / N - m * m
    rstd = lax.rsqrt(var + EPS_BN)
    h1 = hres_ref[...] + jnp.maximum((hn_ref[...] - m) * rstd, 0.0)
    h1_o[...] = h1
    ha = _dot(h1, a2[...])
    hv = _dot(h1, e2w[...])
    st_o[0] = jnp.concatenate([ha[:, :HH], hv[:, :HH]], axis=1)
    st_o[1] = jnp.concatenate([ha[:, HH:], hv[:, HH:]], axis=1)
    dt_o[...] = _dot(h1, b2[...])
    hd_o[...] = _dot(h1, d2[...])


def _estats_body(en_ref, st_o):
    x = jnp.concatenate([en_ref[0][:, :HH], en_ref[1][:, HH:]], axis=1)
    s = jnp.sum(x, 0, keepdims=True)
    q = jnp.sum(x * x, 0, keepdims=True)

    @pl.when(pl.program_id(0) == 0)
    def _():
        st_o[...] = jnp.zeros_like(st_o)

    st_o[0:2, :] += jnp.concatenate([s, q], 0)


def _edge2_body(en_ref, e_ref, st_ref, we_ref, c2_ref, out_ref):
    m = st_ref[0:1, :] / E
    var = st_ref[1:2, :] / E - m * m
    rstd = lax.rsqrt(var + EPS_BN)
    en = jnp.concatenate([en_ref[0][:, :HH], en_ref[1][:, HH:]], axis=1)
    r = jnp.maximum((en - m) * rstd, 0.0)
    wec2 = _dot(we_ref[...], c2_ref[...])
    out_ref[...] = _dot(r, c2_ref[...]) + _dot(e_ref[...], wec2)


def _final_body(h1_ref, hn_ref, st_ref, a_ref, wm1, bm1, wm2t, bm2,
                out_ref, acc):
    m = st_ref[0:1, :] / N
    var = st_ref[1:2, :] / N - m * m
    rstd = lax.rsqrt(var + EPS_BN)
    h2 = h1_ref[...] + jnp.maximum((hn_ref[...] - m) * rstd, 0.0)
    cs = jnp.sum(h2, 0, keepdims=True)
    pid = pl.program_id(0)

    @pl.when(pid == 0)
    def _():
        acc[...] = jnp.zeros_like(acc)

    acc[0:1, :] += cs

    @pl.when(pid == NB - 1)
    def _():
        hg = acc[0:1, :] / N
        z = jnp.concatenate([hg, a_ref[...]], axis=1)
        q = jnp.maximum(_dot(z, wm1[...]) + bm1[...], 0.0)
        out_ref[...] = jnp.sum(q * wm2t[...], axis=1, keepdims=True) + bm2[...]



def _full(shape):
    return pl.BlockSpec(shape, lambda i: tuple(0 for _ in shape))


def _node_pre(h, Wh, A1, B1, E1, D1):
    row = pl.BlockSpec((NBS, H), lambda i: (i, 0))
    srow = pl.BlockSpec((NC, NBS, H), lambda i: (0, i, 0))
    w = _full((H, H))
    return pl.pallas_call(
        _node_pre_body,
        grid=(NB,),
        in_specs=[row, w, w, w, w, w],
        out_specs=[row, srow, row, row],
        out_shape=[jax.ShapeDtypeStruct((N, H), _F32),
                   jax.ShapeDtypeStruct((NC, N, H), _F32),
                   jax.ShapeDtypeStruct((N, H), _F32),
                   jax.ShapeDtypeStruct((N, H), _F32)],
    )(h, Wh, A1, B1, E1, D1)


def _edge_lin(e, We, C1):
    return pl.pallas_call(
        _edge_lin_body,
        grid=(EBLK,),
        in_specs=[pl.BlockSpec((EBS, 16), lambda i: (i, 0)),
                  _full((16, H)), _full((H, H))],
        out_specs=pl.BlockSpec((EBS, H), lambda i: (i, 0)),
        out_shape=jax.ShapeDtypeStruct((E, H), _F32),
    )(e, We, C1)


def _upd_stats(hd, nd):
    row = pl.BlockSpec((NBS, H), lambda i: (i, 0))
    return pl.pallas_call(
        _upd_stats_body,
        grid=(NB,),
        in_specs=[row, pl.BlockSpec((NC, NBS, H), lambda i: (0, i, 0))],
        out_specs=[row, _full((8, H))],
        out_shape=[jax.ShapeDtypeStruct((N, H), _F32),
                   jax.ShapeDtypeStruct((8, H), _F32)],
    )(hd, nd)


def _h1_pre2(h0, hn1, st1, A2, B2, E2, D2):
    row = pl.BlockSpec((NBS, H), lambda i: (i, 0))
    srow = pl.BlockSpec((NC, NBS, H), lambda i: (0, i, 0))
    w = _full((H, H))
    return pl.pallas_call(
        _h1_pre2_body,
        grid=(NB,),
        in_specs=[row, row, _full((8, H)), w, w, w, w],
        out_specs=[row, srow, row, row],
        out_shape=[jax.ShapeDtypeStruct((N, H), _F32),
                   jax.ShapeDtypeStruct((NC, N, H), _F32),
                   jax.ShapeDtypeStruct((N, H), _F32),
                   jax.ShapeDtypeStruct((N, H), _F32)],
    )(h0, hn1, st1, A2, B2, E2, D2)


def _estats(enew):
    return pl.pallas_call(
        _estats_body,
        grid=(EBLK,),
        in_specs=[pl.BlockSpec((NC, EBS, H), lambda i: (0, i, 0))],
        out_specs=_full((8, H)),
        out_shape=jax.ShapeDtypeStruct((8, H), _F32),
    )(enew)


def _edge2(enew, e, est, We, C2):
    return pl.pallas_call(
        _edge2_body,
        grid=(EBLK,),
        in_specs=[pl.BlockSpec((NC, EBS, H), lambda i: (0, i, 0)),
                  pl.BlockSpec((EBS, 16), lambda i: (i, 0)),
                  _full((8, H)), _full((16, H)), _full((H, H))],
        out_specs=pl.BlockSpec((EBS, H), lambda i: (i, 0)),
        out_shape=jax.ShapeDtypeStruct((E, H), _F32),
    )(enew, e, est, We, C2)


def _final(h1, hn2, st2, a, Wm1, bm1, Wm2, bm2):
    row = pl.BlockSpec((NBS, H), lambda i: (i, 0))
    return pl.pallas_call(
        _final_body,
        grid=(NB,),
        in_specs=[row, row, _full((8, H)), _full((1, A_DIM)),
                  _full((H + A_DIM, MLP_H)), _full((1, MLP_H)),
                  _full((1, MLP_H)), _full((1, 1))],
        out_specs=_full((1, 1)),
        out_shape=jax.ShapeDtypeStruct((1, 1), _F32),
        scratch_shapes=[pltpu.VMEM((8, H), _F32)],
    )(h1, hn2, st2, a, Wm1, bm1, Wm2, bm2)



def _make_edge_pass(write_enew):
    mesh = plsc.VectorSubcoreMesh(core_axis_name="c", subcore_axis_name="s",
                                  num_cores=NC, num_subcores=NT)
    outs = [jax.ShapeDtypeStruct((NC, N, H), _F32)]
    if write_enew:
        outs.append(jax.ShapeDtypeStruct((NC, E, H), _F32))
    scratch = [
        pltpu.VMEM((K,), jnp.int32),
        pltpu.VMEM((K,), jnp.int32),
        pltpu.VMEM((K,), jnp.int32),
        pltpu.VMEM((K,), jnp.int32),
        pltpu.VMEM((K, H), _F32),
        pltpu.VMEM((K, H), _F32),
        pltpu.VMEM((K, H), _F32),
        pltpu.VMEM((K, H), _F32),
        pltpu.VMEM((K, H), _F32),
        pltpu.VMEM((K, H), _F32),
        pltpu.VMEM((K, H), _F32),
        pltpu.VMEM((K, H), _F32),
        pltpu.VMEM((K, H), _F32),
        pltpu.SemaphoreType.DMA,
        pltpu.SemaphoreType.DMA,
        pltpu.SemaphoreType.DMA,
        pltpu.SemaphoreType.DMA,
        pltpu.SemaphoreType.DMA,
        pltpu.SemaphoreType.DMA,
        pltpu.VMEM_SHARED((N, H), _F32),
    ]

    @functools.partial(pl.kernel, mesh=mesh,
                       out_type=tuple(outs) if write_enew else outs[0],
                       scratch_types=scratch)
    def edge_pass(ei_hbm, stab, dtab, ec, zb, *refs):
        if write_enew:
            nd_out, en_out = refs[0], refs[1]
            scr = refs[2:]
        else:
            nd_out = refs[0]
            en_out = None
            scr = refs[1:]
        (si0, di0, si1, di1, sr0, sr1, dr0, dr1, eb0, eb1, outb, en0, en1,
         semi0, semi1, semg0, semg1, semw0, semw1, acc) = scr
        sib, dib = (si0, si1), (di0, di1)
        srb, drb, ecbb = (sr0, sr1), (dr0, dr1), (eb0, eb1)
        enbb = (en0, en1)
        semi, semg, semw = (semi0, semi1), (semg0, semg1), (semw0, semw1)
        c = lax.axis_index("c")
        s = lax.axis_index("s")
        tbase = s * (CPT * K)

        def issue_idx(i, b):
            base = tbase + i * K
            pltpu.async_copy(ei_hbm.at[pl.ds(base, K)], sib[b], semi[b])
            pltpu.async_copy(ei_hbm.at[pl.ds(E + base, K)], dib[b], semi[b])

        def wait_idx(b):
            pltpu.make_async_copy(ei_hbm.at[pl.ds(0, K)], sib[b],
                                  semi[b]).wait()
            pltpu.make_async_copy(ei_hbm.at[pl.ds(0, K)], dib[b],
                                  semi[b]).wait()

        def issue_gather(i, b):
            base = tbase + i * K
            pltpu.async_copy(stab.at[c].at[sib[b]], srb[b], semg[b])
            pltpu.async_copy(dtab.at[dib[b]], drb[b], semg[b])
            pltpu.async_copy(ec.at[pl.ds(base, K), :], ecbb[b], semg[b])

        def wait_gather(b):
            pltpu.make_async_copy(stab.at[c].at[sib[b]], srb[b],
                                  semg[b]).wait()
            pltpu.make_async_copy(dtab.at[dib[b]], drb[b],
                                  semg[b]).wait()
            pltpu.make_async_copy(ec.at[pl.ds(0, K), :], ecbb[b],
                                  semg[b]).wait()

        def wait_enew(b):
            pltpu.make_async_copy(enbb[b], en_out.at[c, pl.ds(0, K), :],
                                  semw[b]).wait()

        @pl.when(s < NB)
        def _():
            pltpu.sync_copy(zb, acc.at[pl.ds(s * NBS, NBS), :])
        plsc.subcore_barrier()

        issue_idx(0, 0)
        wait_idx(0)
        issue_gather(0, 0)
        issue_idx(1, 1)

        def do_chunk(i, b):
            srows, drows, ecb, enb = srb[b], drb[b], ecbb[b], enbb[b]
            wait_gather(b)

            @pl.when(i + 1 < CPT)
            def _():
                wait_idx(1 - b)
                issue_gather(i + 1, 1 - b)

            if write_enew:
                @pl.when(i >= 2)
                def _():
                    wait_enew(b)

            @plsc.parallel_loop(0, K, 1, unroll=2)
            def edge(j):
                for v in range(HH // 16):
                    sl = pl.ds(16 * v, 16)
                    sl2 = pl.ds(HH + 16 * v, 16)
                    slc = pl.ds(c * HH + 16 * v, 16)
                    en = srows[j, sl] + drows[j, slc] + ecb[j, slc]
                    sg = 1.0 / (1.0 + jnp.exp(-en))
                    outb[j, sl] = sg * srows[j, sl2]
                    outb[j, sl2] = sg
                    if write_enew:
                        enb[j, slc] = en

            pltpu.sync_copy(outb, acc.at[dib[b]], add=True)
            if write_enew:
                base = tbase + i * K
                pltpu.async_copy(enb, en_out.at[c, pl.ds(base, K), :],
                                 semw[b])

            @pl.when(i + 2 < CPT)
            def _():
                issue_idx(i + 2, b)

        def outer(g, carry):
            for b in (0, 1):
                do_chunk(g * 2 + b, b)
            return carry

        lax.fori_loop(0, CPT // 2, outer, 0)
        if write_enew:
            wait_enew(0)
            wait_enew(1)
        plsc.subcore_barrier()

        @pl.when(s < NB)
        def _():
            rsl = pl.ds(s * NBS, NBS)
            pltpu.sync_copy(acc.at[rsl, :], nd_out.at[c, rsl, :])

    return edge_pass


_make_edge_pass = functools.lru_cache(maxsize=None)(_make_edge_pass)


def _edge_pass_a(*args):
    return _make_edge_pass(True)(*args)


def _edge_pass_b(*args):
    return _make_edge_pass(False)(*args)



def kernel(h, e, edge_index, a, Wh, We, A1, B1, C1, D1, E1,
           A2, B2, C2, D2, E2, Wm1, bm1, Wm2, bm2):
    zb = jnp.zeros((NBS, H), _F32)

    h0, stab1, dtab1, hD1 = _node_pre(h, Wh, A1, B1, E1, D1)
    ec1 = _edge_lin(e, We, C1)

    nd1, enew1 = _edge_pass_a(edge_index.reshape(-1), stab1, dtab1, ec1, zb)

    hn1, st1 = _upd_stats(hD1, nd1)
    h1, stab2, dtab2, hD2 = _h1_pre2(h0, hn1, st1, A2, B2, E2, D2)

    est = _estats(enew1)
    ec2 = _edge2(enew1, e, est, We, C2)

    nd2 = _edge_pass_b(edge_index.reshape(-1), stab2, dtab2, ec2, zb)

    hn2, st2 = _upd_stats(hD2, nd2)
    return _final(h1, hn2, st2, a, Wm1, bm1.reshape(1, MLP_H),
                  Wm2.reshape(1, MLP_H), bm2.reshape(1, 1))

# --- scband reference (transcript-rebuilt; emitter-appended) ---
"""Pipeline reference for scband-critic-1254130450980 (READ-ONLY COPY).

The authoritative reference and input builder live on the scoring server;
editing this copy changes nothing except your own understanding.
"""

import jax, jax.numpy as jnp
import numpy as np

N = 10000
E_EDGES = 320000
D_NODE = 128
D_EDGE = 16
H = 128
A_DIM = 8
MLP_H = 64


def setup_inputs(seed: int = 0) -> dict:
    key = jax.random.key(seed)
    ks = jax.random.split(key, 24)
    inp = {}
    inp['h'] = jax.random.normal(ks[0], (N, D_NODE), dtype=jnp.float32)
    inp['e'] = jax.random.normal(ks[1], (E_EDGES, D_EDGE), dtype=jnp.float32)
    inp['edge_index'] = jax.random.randint(ks[2], (2, E_EDGES), 0, N, dtype=jnp.int32)
    inp['a'] = jax.random.normal(ks[3], (1, A_DIM), dtype=jnp.float32)
    # learned params
    inp['Wh'] = jax.random.normal(ks[4], (D_NODE, H), dtype=jnp.float32) * 0.05
    inp['We'] = jax.random.normal(ks[5], (D_EDGE, H), dtype=jnp.float32) * 0.05
    names = ['A1', 'B1', 'C1', 'D1', 'E1', 'A2', 'B2', 'C2', 'D2', 'E2']
    for i, nm in enumerate(names):
        inp[nm] = jax.random.normal(ks[6 + i], (H, H), dtype=jnp.float32) * 0.05
    inp['Wm1'] = jax.random.normal(ks[16], (H + A_DIM, MLP_H), dtype=jnp.float32) * 0.05
    inp['bm1'] = jnp.zeros((MLP_H,), dtype=jnp.float32)
    inp['Wm2'] = jax.random.normal(ks[17], (MLP_H, 1), dtype=jnp.float32) * 0.05
    inp['bm2'] = jnp.zeros((1,), dtype=jnp.float32)
    return inp


def _bn(x):
    m = jnp.mean(x, axis=0, keepdims=True)
    v = jnp.var(x, axis=0, keepdims=True)
    return (x - m) / jnp.sqrt(v + 1e-5)


def _gated_gcn_layer(h, e, src, dst, A, B, C, D, Ew):
    # e_ij' = A h_i + B h_j + C e_ij
    e_new = h[src] @ A + h[dst] @ B + e @ C
    sigma = jax.nn.sigmoid(e_new)
    Vh = h @ Ew
    num = jax.ops.segment_sum(sigma * Vh[src], dst, num_segments=N)
    den = jax.ops.segment_sum(sigma, dst, num_segments=N)
    h_new = h @ D + num / (den + 1e-6)
    # batch_norm=True, activation=relu, residual=True
    h_out = h + jax.nn.relu(_bn(h_new))
    e_out = e + jax.nn.relu(_bn(e_new))
    return h_out, e_out


def reference(h, e, edge_index, a, Wh, We, A1, B1, C1, D1, E1, A2, B2, C2, D2, E2, Wm1, bm1, Wm2, bm2):
    src = edge_index[0]
    dst = edge_index[1]
    # input embeddings (GatedGCNNet embedding_h / embedding_e)
    h0 = h @ Wh
    e0 = e @ We
    h1, e1 = _gated_gcn_layer(h0, e0, src, dst, A1, B1, C1, D1, E1)
    h2, e2 = _gated_gcn_layer(h1, e1, src, dst, A2, B2, C2, D2, E2)
    # dgl.readout_nodes(g, 'h', op='mean') over a single graph
    hg = jnp.mean(h2, axis=0, keepdims=True)
    z = jnp.concatenate([hg, a], axis=-1)
    z = jax.nn.relu(z @ Wm1 + bm1)
    out = z @ Wm2 + bm2
    return out

if __name__ == "__main__":
    import jax
    _d = setup_inputs()
    print(jax.jit(kernel)(*tuple(_d.values())))

</pallas_src>

<mosaic_0001>
#map = affine_map<(d0, d1) -> (0)>
#map1 = affine_map<(d0, d1) -> (0, 0, 0)>
#map2 = affine_map<(d0, d1) -> (0, 0)>
module attributes {stable_mosaic.version = 14 : i64} {
  func.func @edge_pass(%arg0: i32, %arg1: i32, %arg2: memref<640000xi32, #tpu.memory_space<hbm>>, %arg3: memref<2x10000x128xf32, #tpu.memory_space<hbm>>, %arg4: memref<10000x128xf32, #tpu.memory_space<hbm>>, %arg5: memref<320000x128xf32, #tpu.memory_space<hbm>>, %arg6: memref<1000x128xf32, #tpu.memory_space<hbm>>, %arg7: memref<2x10000x128xf32, #tpu.memory_space<hbm>>, %arg8: memref<40xi32, #tpu.memory_space<vmem>>, %arg9: memref<40xi32, #tpu.memory_space<vmem>>, %arg10: memref<40xi32, #tpu.memory_space<vmem>>, %arg11: memref<40xi32, #tpu.memory_space<vmem>>, %arg12: memref<40x128xf32, #tpu.memory_space<vmem>>, %arg13: memref<40x128xf32, #tpu.memory_space<vmem>>, %arg14: memref<40x128xf32, #tpu.memory_space<vmem>>, %arg15: memref<40x128xf32, #tpu.memory_space<vmem>>, %arg16: memref<40x128xf32, #tpu.memory_space<vmem>>, %arg17: memref<40x128xf32, #tpu.memory_space<vmem>>, %arg18: memref<40x128xf32, #tpu.memory_space<vmem>>, %arg19: memref<40x128xf32, #tpu.memory_space<vmem>>, %arg20: memref<40x128xf32, #tpu.memory_space<vmem>>, %arg21: memref<!tpu.dma_semaphore, #tpu.memory_space<semaphore_mem>>, %arg22: memref<!tpu.dma_semaphore, #tpu.memory_space<semaphore_mem>>, %arg23: memref<!tpu.dma_semaphore, #tpu.memory_space<semaphore_mem>>, %arg24: memref<!tpu.dma_semaphore, #tpu.memory_space<semaphore_mem>>, %arg25: memref<!tpu.dma_semaphore, #tpu.memory_space<semaphore_mem>>, %arg26: memref<!tpu.dma_semaphore, #tpu.memory_space<semaphore_mem>>, %arg27: memref<10000x128xf32, #tpu.memory_space<vmem_shared>>) attributes {dimension_semantics = [#tpu.dimension_semantics<core_parallel>, #tpu.dimension_semantics<subcore_parallel>], iteration_bounds = array<i64: 2, 16>, scalar_prefetch = 0 : i64, scratch_operands = 20 : i64, tpu.core_type = #tpu.core_type<sc_vector_subcore>, window_params = [{transform_indices = #map}, {transform_indices = #map1}, {transform_indices = #map2}, {transform_indices = #map2}, {transform_indices = #map2}, {transform_indices = #map1}]} {
    %mul3A = arith.constant 20000 : i32
    %mul3A_0 = arith.muli %arg1, %mul3A : i32
    %lt3A = arith.constant 10 : i32
    %lt3A_1 = arith.cmpi slt, %arg1, %lt3A : i32
    %convert_element_type3A = arith.extui %lt3A_1 : i1 to i32
    %cond3A = arith.constant 0 : i32
    %cond3A_2 = arith.cmpi ne, %convert_element_type3A, %cond3A : i32
    scf.if %cond3A_2 {
      %mul3A_51 = arith.constant 1000 : i32
      %mul3A_52 = arith.muli %arg1, %mul3A_51 : i32
      "tpu.region"() ({
        %run_scoped3A = tpu.sem_alloc : memref<!tpu.dma_semaphore, #tpu.memory_space<semaphore_mem>>
        %dma_start3A_53 = arith.constant 0 : i32
        %dma_start3A_54 = tpu.memref_slice %arg27[%mul3A_52, %dma_start3A_53] : memref<10000x128xf32, #tpu.memory_space<vmem_shared>> -> memref<1000x128xf32, #tpu.memory_space<vmem_shared>>
        tpu.enqueue_dma source(%arg6 : memref<1000x128xf32, #tpu.memory_space<hbm>>) target(%dma_start3A_54 : memref<1000x128xf32, #tpu.memory_space<vmem_shared>>) target_semaphore(%run_scoped3A : memref<!tpu.dma_semaphore, #tpu.memory_space<semaphore_mem>>)
        %dma_wait3A_55 = arith.constant 0 : i32
        %dma_wait3A_56 = tpu.memref_slice %arg27[%mul3A_52, %dma_wait3A_55] : memref<10000x128xf32, #tpu.memory_space<vmem_shared>> -> memref<1000x128xf32, #tpu.memory_space<vmem_shared>>
        tpu.wait_dma2 semaphore(%run_scoped3A : memref<!tpu.dma_semaphore, #tpu.memory_space<semaphore_mem>>) src(%arg6 : memref<1000x128xf32, #tpu.memory_space<hbm>>) dst(%dma_wait3A_56 : memref<1000x128xf32, #tpu.memory_space<vmem_shared>>)
        tpu.yield
      }) : () -> ()
    } else {
    }
    %barrier3A = arith.constant 0 : index
    tpu.barrier barrier_id(%barrier3A)
    %add3A = arith.constant 0 : i32
    %add3A_3 = arith.addi %mul3A_0, %add3A : i32
    %dma_start3A = tpu.memref_slice %arg2[%add3A_3] : memref<640000xi32, #tpu.memory_space<hbm>> -> memref<40xi32, #tpu.memory_space<hbm>>
    %dma_start3A_4 = tpu.memref_slice %arg2[%add3A_3] : memref<640000xi32, #tpu.memory_space<hbm>> -> memref<40xi32, #tpu.memory_space<hbm>>
    tpu.enqueue_dma source(%dma_start3A_4 : memref<40xi32, #tpu.memory_space<hbm>>) target(%arg8 : memref<40xi32, #tpu.memory_space<vmem>>) target_semaphore(%arg21 : memref<!tpu.dma_semaphore, #tpu.memory_space<semaphore_mem>>)
    %add3A_5 = arith.constant 320000 : i32
    %add3A_6 = arith.addi %add3A_5, %add3A_3 : i32
    %dma_start3A_7 = tpu.memref_slice %arg2[%add3A_6] : memref<640000xi32, #tpu.memory_space<hbm>> -> memref<40xi32, #tpu.memory_space<hbm>>
    %dma_start3A_8 = tpu.memref_slice %arg2[%add3A_6] : memref<640000xi32, #tpu.memory_space<hbm>> -> memref<40xi32, #tpu.memory_space<hbm>>
    tpu.enqueue_dma source(%dma_start3A_8 : memref<40xi32, #tpu.memory_space<hbm>>) target(%arg9 : memref<40xi32, #tpu.memory_space<vmem>>) target_semaphore(%arg21 : memref<!tpu.dma_semaphore, #tpu.memory_space<semaphore_mem>>)
    %dma_wait3A = arith.constant 0 : i32
    %dma_wait3A_9 = tpu.memref_slice %arg2[%dma_wait3A] : memref<640000xi32, #tpu.memory_space<hbm>> -> memref<40xi32, #tpu.memory_space<hbm>>
    %dma_wait3A_10 = arith.constant 0 : i32
    %dma_wait3A_11 = tpu.memref_slice %arg2[%dma_wait3A_10] : memref<640000xi32, #tpu.memory_space<hbm>> -> memref<40xi32, #tpu.memory_space<hbm>>
    tpu.wait_dma2 semaphore(%arg21 : memref<!tpu.dma_semaphore, #tpu.memory_space<semaphore_mem>>) src(%dma_wait3A_11 : memref<40xi32, #tpu.memory_space<hbm>>) dst(%arg8 : memref<40xi32, #tpu.memory_space<vmem>>)
    %dma_wait3A_12 = arith.constant 0 : i32
    %dma_wait3A_13 = tpu.memref_slice %arg2[%dma_wait3A_12] : memref<640000xi32, #tpu.memory_space<hbm>> -> memref<40xi32, #tpu.memory_space<hbm>>
    %dma_wait3A_14 = arith.constant 0 : i32
    %dma_wait3A_15 = tpu.memref_slice %arg2[%dma_wait3A_14] : memref<640000xi32, #tpu.memory_space<hbm>> -> memref<40xi32, #tpu.memory_space<hbm>>
    tpu.wait_dma2 semaphore(%arg21 : memref<!tpu.dma_semaphore, #tpu.memory_space<semaphore_mem>>) src(%dma_wait3A_15 : memref<40xi32, #tpu.memory_space<hbm>>) dst(%arg9 : memref<40xi32, #tpu.memory_space<vmem>>)
    %add3A_16 = arith.constant 0 : i32
    %add3A_17 = arith.addi %mul3A_0, %add3A_16 : i32
    %dma_start3A_18 = arith.constant 0 : i32
    %dma_start3A_19 = arith.constant 0 : i32
    %dma_start3A_20 = tpu.memref_slice %arg3[%arg0, %dma_start3A_18, %dma_start3A_19] : memref<2x10000x128xf32, #tpu.memory_space<hbm>> -> memref<1x10000x128xf32, #tpu.memory_space<hbm>>
    %dma_start3A_21 = tpu.memref_squeeze %dma_start3A_20 : memref<1x10000x128xf32, #tpu.memory_space<hbm>> -> memref<10000x128xf32, #tpu.memory_space<hbm>>
    %dma_start3A_22 = arith.constant 0 : i32
    %dma_start3A_23 = arith.constant 0 : i32
    %dma_start3A_24 = tpu.memref_slice %dma_start3A_21[%dma_start3A_22, %dma_start3A_23] : memref<10000x128xf32, #tpu.memory_space<hbm>> -> memref<10000x128xf32, #tpu.memory_space<hbm>>
    tpu.enqueue_indirect_dma source(%dma_start3A_24 : memref<10000x128xf32, #tpu.memory_space<hbm>>) target(%arg12 : memref<40x128xf32, #tpu.memory_space<vmem>>) offsets(%arg8 : memref<40xi32, #tpu.memory_space<vmem>>) semaphore(%arg23 : memref<!tpu.dma_semaphore, #tpu.memory_space<semaphore_mem>>)
    %dma_start3A_25 = arith.constant 0 : i32
    %dma_start3A_26 = arith.constant 0 : i32
    %dma_start3A_27 = tpu.memref_slice %arg4[%dma_start3A_25, %dma_start3A_26] : memref<10000x128xf32, #tpu.memory_space<hbm>> -> memref<10000x128xf32, #tpu.memory_space<hbm>>
    tpu.enqueue_indirect_dma source(%dma_start3A_27 : memref<10000x128xf32, #tpu.memory_space<hbm>>) target(%arg14 : memref<40x128xf32, #tpu.memory_space<vmem>>) offsets(%arg9 : memref<40xi32, #tpu.memory_space<vmem>>) semaphore(%arg23 : memref<!tpu.dma_semaphore, #tpu.memory_space<semaphore_mem>>)
    %dma_start3A_28 = arith.constant 0 : i32
    %dma_start3A_29 = tpu.memref_slice %arg5[%add3A_17, %dma_start3A_28] : memref<320000x128xf32, #tpu.memory_space<hbm>> -> memref<40x128xf32, #tpu.memory_space<hbm>>
    %dma_start3A_30 = arith.constant 0 : i32
    %dma_start3A_31 = tpu.memref_slice %arg5[%add3A_17, %dma_start3A_30] : memref<320000x128xf32, #tpu.memory_space<hbm>> -> memref<40x128xf32, #tpu.memory_space<hbm>>
    tpu.enqueue_dma source(%dma_start3A_31 : memref<40x128xf32, #tpu.memory_space<hbm>>) target(%arg16 : memref<40x128xf32, #tpu.memory_space<vmem>>) target_semaphore(%arg23 : memref<!tpu.dma_semaphore, #tpu.memory_space<semaphore_mem>>)
    %add3A_32 = arith.constant 40 : i32
    %add3A_33 = arith.addi %mul3A_0, %add3A_32 : i32
    %dma_start3A_34 = tpu.memref_slice %arg2[%add3A_33] : memref<640000xi32, #tpu.memory_space<hbm>> -> memref<40xi32, #tpu.memory_space<hbm>>
    %dma_start3A_35 = tpu.memref_slice %arg2[%add3A_33] : memref<640000xi32, #tpu.memory_space<hbm>> -> memref<40xi32, #tpu.memory_space<hbm>>
    tpu.enqueue_dma source(%dma_start3A_35 : memref<40xi32, #tpu.memory_space<hbm>>) target(%arg10 : memref<40xi32, #tpu.memory_space<vmem>>) target_semaphore(%arg22 : memref<!tpu.dma_semaphore, #tpu.memory_space<semaphore_mem>>)
    %add3A_36 = arith.constant 320000 : i32
    %add3A_37 = arith.addi %add3A_36, %add3A_33 : i32
    %dma_start3A_38 = tpu.memref_slice %arg2[%add3A_37] : memref<640000xi32, #tpu.memory_space<hbm>> -> memref<40xi32, #tpu.memory_space<hbm>>
    %dma_start3A_39 = tpu.memref_slice %arg2[%add3A_37] : memref<640000xi32, #tpu.memory_space<hbm>> -> memref<40xi32, #tpu.memory_space<hbm>>
    tpu.enqueue_dma source(%dma_start3A_39 : memref<40xi32, #tpu.memory_space<hbm>>) target(%arg11 : memref<40xi32, #tpu.memory_space<vmem>>) target_semaphore(%arg22 : memref<!tpu.dma_semaphore, #tpu.memory_space<semaphore_mem>>)
    %scan3A = arith.constant 0 : i32
    %scan3A_40 = arith.constant 0 : i32
    %scan3A_41 = arith.constant 250 : i32
    %scan3A_42 = arith.addi %scan3A_40, %scan3A_41 : i32
    %scan3A_43 = arith.constant 1 : i32
    scf.for %scan3A_51 = %scan3A_40 to %scan3A_42 step %scan3A_43  : i32 {
      %mul3A_52 = arith.constant 2 : i32
      %mul3A_53 = arith.muli %scan3A_51, %mul3A_52 : i32
      %add3A_54 = arith.constant 0 : i32
      %add3A_55 = arith.addi %mul3A_53, %add3A_54 : i32
      %dma_wait3A_56 = arith.constant 0 : i32
      %dma_wait3A_57 = arith.constant 0 : i32
      %dma_wait3A_58 = tpu.memref_slice %arg3[%arg0, %dma_wait3A_56, %dma_wait3A_57] : memref<2x10000x128xf32, #tpu.memory_space<hbm>> -> memref<1x10000x128xf32, #tpu.memory_space<hbm>>
      %dma_wait3A_59 = tpu.memref_squeeze %dma_wait3A_58 : memref<1x10000x128xf32, #tpu.memory_space<hbm>> -> memref<10000x128xf32, #tpu.memory_space<hbm>>
      %dma_wait3A_60 = arith.constant 0 : i32
      %dma_wait3A_61 = arith.constant 0 : i32
      %dma_wait3A_62 = tpu.memref_slice %dma_wait3A_59[%dma_wait3A_60, %dma_wait3A_61] : memref<10000x128xf32, #tpu.memory_space<hbm>> -> memref<10000x128xf32, #tpu.memory_space<hbm>>
      tpu.wait_indirect_dma semaphore(%arg23 : memref<!tpu.dma_semaphore, #tpu.memory_space<semaphore_mem>>) src(%dma_wait3A_62 : memref<10000x128xf32, #tpu.memory_space<hbm>>) dst(%arg12 : memref<40x128xf32, #tpu.memory_space<vmem>>)
      %dma_wait3A_63 = arith.constant 0 : i32
      %dma_wait3A_64 = arith.constant 0 : i32
      %dma_wait3A_65 = tpu.memref_slice %arg4[%dma_wait3A_63, %dma_wait3A_64] : memref<10000x128xf32, #tpu.memory_space<hbm>> -> memref<10000x128xf32, #tpu.memory_space<hbm>>
      tpu.wait_indirect_dma semaphore(%arg23 : memref<!tpu.dma_semaphore, #tpu.memory_space<semaphore_mem>>) src(%dma_wait3A_65 : memref<10000x128xf32, #tpu.memory_space<hbm>>) dst(%arg14 : memref<40x128xf32, #tpu.memory_space<vmem>>)
      %dma_wait3A_66 = arith.constant 0 : i32
      %dma_wait3A_67 = arith.constant 0 : i32
      %dma_wait3A_68 = tpu.memref_slice %arg5[%dma_wait3A_66, %dma_wait3A_67] : memref<320000x128xf32, #tpu.memory_space<hbm>> -> memref<40x128xf32, #tpu.memory_space<hbm>>
      %dma_wait3A_69 = arith.constant 0 : i32
      %dma_wait3A_70 = arith.constant 0 : i32
      %dma_wait3A_71 = tpu.memref_slice %arg5[%dma_wait3A_69, %dma_wait3A_70] : memref<320000x128xf32, #tpu.memory_space<hbm>> -> memref<40x128xf32, #tpu.memory_space<hbm>>
      tpu.wait_dma2 semaphore(%arg23 : memref<!tpu.dma_semaphore, #tpu.memory_space<semaphore_mem>>) src(%dma_wait3A_71 : memref<40x128xf32, #tpu.memory_space<hbm>>) dst(%arg16 : memref<40x128xf32, #tpu.memory_space<vmem>>)
      %add3A_72 = arith.constant 1 : i32
      %add3A_73 = arith.addi %add3A_55, %add3A_72 : i32
      %lt3A_74 = arith.constant 500 : i32
      %lt3A_75 = arith.cmpi slt, %add3A_73, %lt3A_74 : i32
      %convert_element_type3A_76 = arith.extui %lt3A_75 : i1 to i32
      %cond3A_77 = arith.constant 0 : i32
      %cond3A_78 = arith.cmpi ne, %convert_element_type3A_76, %cond3A_77 : i32
      scf.if %cond3A_78 {
        %dma_wait3A_125 = arith.constant 0 : i32
        %dma_wait3A_126 = tpu.memref_slice %arg2[%dma_wait3A_125] : memref<640000xi32, #tpu.memory_space<hbm>> -> memref<40xi32, #tpu.memory_space<hbm>>
        %dma_wait3A_127 = arith.constant 0 : i32
        %dma_wait3A_128 = tpu.memref_slice %arg2[%dma_wait3A_127] : memref<640000xi32, #tpu.memory_space<hbm>> -> memref<40xi32, #tpu.memory_space<hbm>>
        tpu.wait_dma2 semaphore(%arg22 : memref<!tpu.dma_semaphore, #tpu.memory_space<semaphore_mem>>) src(%dma_wait3A_128 : memref<40xi32, #tpu.memory_space<hbm>>) dst(%arg10 : memref<40xi32, #tpu.memory_space<vmem>>)
        %dma_wait3A_129 = arith.constant 0 : i32
        %dma_wait3A_130 = tpu.memref_slice %arg2[%dma_wait3A_129] : memref<640000xi32, #tpu.memory_space<hbm>> -> memref<40xi32, #tpu.memory_space<hbm>>
        %dma_wait3A_131 = arith.constant 0 : i32
        %dma_wait3A_132 = tpu.memref_slice %arg2[%dma_wait3A_131] : memref<640000xi32, #tpu.memory_space<hbm>> -> memref<40xi32, #tpu.memory_space<hbm>>
        tpu.wait_dma2 semaphore(%arg22 : memref<!tpu.dma_semaphore, #tpu.memory_space<semaphore_mem>>) src(%dma_wait3A_132 : memref<40xi32, #tpu.memory_space<hbm>>) dst(%arg11 : memref<40xi32, #tpu.memory_space<vmem>>)
        %add3A_133 = arith.constant 1 : i32
        %add3A_134 = arith.addi %add3A_55, %add3A_133 : i32
        %mul3A_135 = arith.constant 40 : i32
        %mul3A_136 = arith.muli %add3A_134, %mul3A_135 : i32
        %add3A_137 = arith.addi %mul3A_0, %mul3A_136 : i32
        %dma_start3A_138 = arith.constant 0 : i32
        %dma_start3A_139 = arith.constant 0 : i32
        %dma_start3A_140 = tpu.memref_slice %arg3[%arg0, %dma_start3A_138, %dma_start3A_139] : memref<2x10000x128xf32, #tpu.memory_space<hbm>> -> memref<1x10000x128xf32, #tpu.memory_space<hbm>>
        %dma_start3A_141 = tpu.memref_squeeze %dma_start3A_140 : memref<1x10000x128xf32, #tpu.memory_space<hbm>> -> memref<10000x128xf32, #tpu.memory_space<hbm>>
        %dma_start3A_142 = arith.constant 0 : i32
        %dma_start3A_143 = arith.constant 0 : i32
        %dma_start3A_144 = tpu.memref_slice %dma_start3A_141[%dma_start3A_142, %dma_start3A_143] : memref<10000x128xf32, #tpu.memory_space<hbm>> -> memref<10000x128xf32, #tpu.memory_space<hbm>>
        tpu.enqueue_indirect_dma source(%dma_start3A_144 : memref<10000x128xf32, #tpu.memory_space<hbm>>) target(%arg13 : memref<40x128xf32, #tpu.memory_space<vmem>>) offsets(%arg10 : memref<40xi32, #tpu.memory_space<vmem>>) semaphore(%arg24 : memref<!tpu.dma_semaphore, #tpu.memory_space<semaphore_mem>>)
        %dma_start3A_145 = arith.constant 0 : i32
        %dma_start3A_146 = arith.constant 0 : i32
        %dma_start3A_147 = tpu.memref_slice %arg4[%dma_start3A_145, %dma_start3A_146] : memref<10000x128xf32, #tpu.memory_space<hbm>> -> memref<10000x128xf32, #tpu.memory_space<hbm>>
        tpu.enqueue_indirect_dma source(%dma_start3A_147 : memref<10000x128xf32, #tpu.memory_space<hbm>>) target(%arg15 : memref<40x128xf32, #tpu.memory_space<vmem>>) offsets(%arg11 : memref<40xi32, #tpu.memory_space<vmem>>) semaphore(%arg24 : memref<!tpu.dma_semaphore, #tpu.memory_space<semaphore_mem>>)
        %dma_start3A_148 = arith.constant 0 : i32
        %dma_start3A_149 = tpu.memref_slice %arg5[%add3A_137, %dma_start3A_148] : memref<320000x128xf32, #tpu.memory_space<hbm>> -> memref<40x128xf32, #tpu.memory_space<hbm>>
        %dma_start3A_150 = arith.constant 0 : i32
        %dma_start3A_151 = tpu.memref_slice %arg5[%add3A_137, %dma_start3A_150] : memref<320000x128xf32, #tpu.memory_space<hbm>> -> memref<40x128xf32, #tpu.memory_space<hbm>>
        tpu.enqueue_dma source(%dma_start3A_151 : memref<40x128xf32, #tpu.memory_space<hbm>>) target(%arg17 : memref<40x128xf32, #tpu.memory_space<vmem>>) target_semaphore(%arg24 : memref<!tpu.dma_semaphore, #tpu.memory_space<semaphore_mem>>)
      } else {
      }
      %parallel_loop3A = arith.constant 0 : i32
      %parallel_loop3A_79 = arith.constant 40 : i32
      %parallel_loop3A_80 = arith.constant 1 : i32
      scf.for %parallel_loop3A_125 = %parallel_loop3A to %parallel_loop3A_79 step %parallel_loop3A_80  : i32 {
        %parallel_loop3A_126 = arith.constant 64 : i32
        %parallel_loop3A_127 = arith.muli %arg0, %parallel_loop3A_126 : i32
        %parallel_loop3A_128 = arith.constant 0 : i32
        %parallel_loop3A_129 = arith.addi %parallel_loop3A_127, %parallel_loop3A_128 : i32
        %parallel_loop3A_130 = arith.index_cast %parallel_loop3A_125 : i32 to index
        %parallel_loop3A_131 = arith.constant 0 : index
        %parallel_loop3A_132 = tpu.vector_load %arg12[%parallel_loop3A_130, %parallel_loop3A_131] {strides = array<i32>} : memref<40x128xf32, #tpu.memory_space<vmem>>, vector<1x16xf32>,
        %parallel_loop3A_133 = vector.shape_cast %parallel_loop3A_132 : vector<1x16xf32> to vector<16xf32>
        %parallel_loop3A_134 = arith.index_cast %parallel_loop3A_125 : i32 to index
        %parallel_loop3A_135 = arith.index_cast %parallel_loop3A_129 : i32 to index
        %parallel_loop3A_136 = tpu.vector_load %arg14[%parallel_loop3A_134, %parallel_loop3A_135] {strides = array<i32>} : memref<40x128xf32, #tpu.memory_space<vmem>>, vector<1x16xf32>,
        %parallel_loop3A_137 = vector.shape_cast %parallel_loop3A_136 : vector<1x16xf32> to vector<16xf32>
        %parallel_loop3A_138 = arith.addf %parallel_loop3A_133, %parallel_loop3A_137 : vector<16xf32>
        %parallel_loop3A_139 = arith.index_cast %parallel_loop3A_125 : i32 to index
        %parallel_loop3A_140 = arith.index_cast %parallel_loop3A_129 : i32 to index
        %parallel_loop3A_141 = tpu.vector_load %arg16[%parallel_loop3A_139, %parallel_loop3A_140] {strides = array<i32>} : memref<40x128xf32, #tpu.memory_space<vmem>>, vector<1x16xf32>,
        %parallel_loop3A_142 = vector.shape_cast %parallel_loop3A_141 : vector<1x16xf32> to vector<16xf32>
        %parallel_loop3A_143 = arith.addf %parallel_loop3A_138, %parallel_loop3A_142 : vector<16xf32>
        %parallel_loop3A_144 = arith.constant 0.000000e+00 : f32
        %parallel_loop3A_145 = vector.broadcast %parallel_loop3A_144 : f32 to vector<16xf32>
        %parallel_loop3A_146 = arith.subf %parallel_loop3A_145, %parallel_loop3A_143 : vector<16xf32>
        %parallel_loop3A_147 = math.exp %parallel_loop3A_146 : vector<16xf32>
        %parallel_loop3A_148 = arith.constant 1.000000e+00 : f32
        %parallel_loop3A_149 = vector.broadcast %parallel_loop3A_148 : f32 to vector<16xf32>
        %parallel_loop3A_150 = arith.addf %parallel_loop3A_149, %parallel_loop3A_147 : vector<16xf32>
        %parallel_loop3A_151 = arith.constant 1.000000e+00 : f32
        %parallel_loop3A_152 = vector.broadcast %parallel_loop3A_151 : f32 to vector<16xf32>
        %parallel_loop3A_153 = arith.divf %parallel_loop3A_152, %parallel_loop3A_150 : vector<16xf32>
        %parallel_loop3A_154 = arith.index_cast %parallel_loop3A_125 : i32 to index
        %parallel_loop3A_155 = arith.constant 64 : index
        %parallel_loop3A_156 = tpu.vector_load %arg12[%parallel_loop3A_154, %parallel_loop3A_155] {strides = array<i32>} : memref<40x128xf32, #tpu.memory_space<vmem>>, vector<1x16xf32>,
        %parallel_loop3A_157 = vector.shape_cast %parallel_loop3A_156 : vector<1x16xf32> to vector<16xf32>
        %parallel_loop3A_158 = arith.mulf %parallel_loop3A_153, %parallel_loop3A_157 : vector<16xf32>
        %parallel_loop3A_159 = arith.index_cast %parallel_loop3A_125 : i32 to index
        %parallel_loop3A_160 = arith.constant 0 : index
        %parallel_loop3A_161 = tpu.vector_load %arg18[%parallel_loop3A_159, %parallel_loop3A_160] {strides = array<i32>} : memref<40x128xf32, #tpu.memory_space<vmem>>, vector<1x16xf32>,
        %parallel_loop3A_162 = vector.shape_cast %parallel_loop3A_161 : vector<1x16xf32> to vector<16xf32>
        %parallel_loop3A_163 = vector.shape_cast %parallel_loop3A_158 : vector<16xf32> to vector<1x16xf32>
        tpu.vector_store %arg18[%parallel_loop3A_159, %parallel_loop3A_160], %parallel_loop3A_163 {strides = array<i32>} : memref<40x128xf32, #tpu.memory_space<vmem>>, vector<1x16xf32>,
        %parallel_loop3A_164 = arith.index_cast %parallel_loop3A_125 : i32 to index
        %parallel_loop3A_165 = arith.constant 64 : index
        %parallel_loop3A_166 = tpu.vector_load %arg18[%parallel_loop3A_164, %parallel_loop3A_165] {strides = array<i32>} : memref<40x128xf32, #tpu.memory_space<vmem>>, vector<1x16xf32>,
        %parallel_loop3A_167 = vector.shape_cast %parallel_loop3A_166 : vector<1x16xf32> to vector<16xf32>
        %parallel_loop3A_168 = vector.shape_cast %parallel_loop3A_153 : vector<16xf32> to vector<1x16xf32>
        tpu.vector_store %arg18[%parallel_loop3A_164, %parallel_loop3A_165], %parallel_loop3A_168 {strides = array<i32>} : memref<40x128xf32, #tpu.memory_space<vmem>>, vector<1x16xf32>,
        %parallel_loop3A_169 = arith.constant 64 : i32
        %parallel_loop3A_170 = arith.muli %arg0, %parallel_loop3A_169 : i32
        %parallel_loop3A_171 = arith.constant 16 : i32
        %parallel_loop3A_172 = arith.addi %parallel_loop3A_170, %parallel_loop3A_171 : i32
        %parallel_loop3A_173 = arith.index_cast %parallel_loop3A_125 : i32 to index
        %parallel_loop3A_174 = arith.constant 16 : index
        %parallel_loop3A_175 = tpu.vector_load %arg12[%parallel_loop3A_173, %parallel_loop3A_174] {strides = array<i32>} : memref<40x128xf32, #tpu.memory_space<vmem>>, vector<1x16xf32>,
        %parallel_loop3A_176 = vector.shape_cast %parallel_loop3A_175 : vector<1x16xf32> to vector<16xf32>
        %parallel_loop3A_177 = arith.index_cast %parallel_loop3A_125 : i32 to index
        %parallel_loop3A_178 = arith.index_cast %parallel_loop3A_172 : i32 to index
        %parallel_loop3A_179 = tpu.vector_load %arg14[%parallel_loop3A_177, %parallel_loop3A_178] {strides = array<i32>} : memref<40x128xf32, #tpu.memory_space<vmem>>, vector<1x16xf32>,
        %parallel_loop3A_180 = vector.shape_cast %parallel_loop3A_179 : vector<1x16xf32> to vector<16xf32>
        %parallel_loop3A_181 = arith.addf %parallel_loop3A_176, %parallel_loop3A_180 : vector<16xf32>
        %parallel_loop3A_182 = arith.index_cast %parallel_loop3A_125 : i32 to index
        %parallel_loop3A_183 = arith.index_cast %parallel_loop3A_172 : i32 to index
        %parallel_loop3A_184 = tpu.vector_load %arg16[%parallel_loop3A_182, %parallel_loop3A_183] {strides = array<i32>} : memref<40x128xf32, #tpu.memory_space<vmem>>, vector<1x16xf32>,
        %parallel_loop3A_185 = vector.shape_cast %parallel_loop3A_184 : vector<1x16xf32> to vector<16xf32>
        %parallel_loop3A_186 = arith.addf %parallel_loop3A_181, %parallel_loop3A_185 : vector<16xf32>
        %parallel_loop3A_187 = arith.constant 0.000000e+00 : f32
        %parallel_loop3A_188 = vector.broadcast %parallel_loop3A_187 : f32 to vector<16xf32>
        %parallel_loop3A_189 = arith.subf %parallel_loop3A_188, %parallel_loop3A_186 : vector<16xf32>
        %parallel_loop3A_190 = math.exp %parallel_loop3A_189 : vector<16xf32>
        %parallel_loop3A_191 = arith.constant 1.000000e+00 : f32
        %parallel_loop3A_192 = vector.broadcast %parallel_loop3A_191 : f32 to vector<16xf32>
        %parallel_loop3A_193 = arith.addf %parallel_loop3A_192, %parallel_loop3A_190 : vector<16xf32>
        %parallel_loop3A_194 = arith.constant 1.000000e+00 : f32
        %parallel_loop3A_195 = vector.broadcast %parallel_loop3A_194 : f32 to vector<16xf32>
        %parallel_loop3A_196 = arith.divf %parallel_loop3A_195, %parallel_loop3A_193 : vector<16xf32>
        %parallel_loop3A_197 = arith.index_cast %parallel_loop3A_125 : i32 to index
        %parallel_loop3A_198 = arith.constant 80 : index
        %parallel_loop3A_199 = tpu.vector_load %arg12[%parallel_loop3A_197, %parallel_loop3A_198] {strides = array<i32>} : memref<40x128xf32, #tpu.memory_space<vmem>>, vector<1x16xf32>,
        %parallel_loop3A_200 = vector.shape_cast %parallel_loop3A_199 : vector<1x16xf32> to vector<16xf32>
        %parallel_loop3A_201 = arith.mulf %parallel_loop3A_196, %parallel_loop3A_200 : vector<16xf32>
        %parallel_loop3A_202 = arith.index_cast %parallel_loop3A_125 : i32 to index
        %parallel_loop3A_203 = arith.constant 16 : index
        %parallel_loop3A_204 = tpu.vector_load %arg18[%parallel_loop3A_202, %parallel_loop3A_203] {strides = array<i32>} : memref<40x128xf32, #tpu.memory_space<vmem>>, vector<1x16xf32>,
        %parallel_loop3A_205 = vector.shape_cast %parallel_loop3A_204 : vector<1x16xf32> to vector<16xf32>
        %parallel_loop3A_206 = vector.shape_cast %parallel_loop3A_201 : vector<16xf32> to vector<1x16xf32>
        tpu.vector_store %arg18[%parallel_loop3A_202, %parallel_loop3A_203], %parallel_loop3A_206 {strides = array<i32>} : memref<40x128xf32, #tpu.memory_space<vmem>>, vector<1x16xf32>,
        %parallel_loop3A_207 = arith.index_cast %parallel_loop3A_125 : i32 to index
        %parallel_loop3A_208 = arith.constant 80 : index
        %parallel_loop3A_209 = tpu.vector_load %arg18[%parallel_loop3A_207, %parallel_loop3A_208] {strides = array<i32>} : memref<40x128xf32, #tpu.memory_space<vmem>>, vector<1x16xf32>,
        %parallel_loop3A_210 = vector.shape_cast %parallel_loop3A_209 : vector<1x16xf32> to vector<16xf32>
        %parallel_loop3A_211 = vector.shape_cast %parallel_loop3A_196 : vector<16xf32> to vector<1x16xf32>
        tpu.vector_store %arg18[%parallel_loop3A_207, %parallel_loop3A_208], %parallel_loop3A_211 {strides = array<i32>} : memref<40x128xf32, #tpu.memory_space<vmem>>, vector<1x16xf32>,
        %parallel_loop3A_212 = arith.constant 64 : i32
        %parallel_loop3A_213 = arith.muli %arg0, %parallel_loop3A_212 : i32
        %parallel_loop3A_214 = arith.constant 32 : i32
        %parallel_loop3A_215 = arith.addi %parallel_loop3A_213, %parallel_loop3A_214 : i32
        %parallel_loop3A_216 = arith.index_cast %parallel_loop3A_125 : i32 to index
        %parallel_loop3A_217 = arith.constant 32 : index
        %parallel_loop3A_218 = tpu.vector_load %arg12[%parallel_loop3A_216, %parallel_loop3A_217] {strides = array<i32>} : memref<40x128xf32, #tpu.memory_space<vmem>>, vector<1x16xf32>,
        %parallel_loop3A_219 = vector.shape_cast %parallel_loop3A_218 : vector<1x16xf32> to vector<16xf32>
        %parallel_loop3A_220 = arith.index_cast %parallel_loop3A_125 : i32 to index
        %parallel_loop3A_221 = arith.index_cast %parallel_loop3A_215 : i32 to index
        %parallel_loop3A_222 = tpu.vector_load %arg14[%parallel_loop3A_220, %parallel_loop3A_221] {strides = array<i32>} : memref<40x128xf32, #tpu.memory_space<vmem>>, vector<1x16xf32>,
        %parallel_loop3A_223 = vector.shape_cast %parallel_loop3A_222 : vector<1x16xf32> to vector<16xf32>
        %parallel_loop3A_224 = arith.addf %parallel_loop3A_219, %parallel_loop3A_223 : vector<16xf32>
        %parallel_loop3A_225 = arith.index_cast %parallel_loop3A_125 : i32 to index
        %parallel_loop3A_226 = arith.index_cast %parallel_loop3A_215 : i32 to index
        %parallel_loop3A_227 = tpu.vector_load %arg16[%parallel_loop3A_225, %parallel_loop3A_226] {strides = array<i32>} : memref<40x128xf32, #tpu.memory_space<vmem>>, vector<1x16xf32>,
        %parallel_loop3A_228 = vector.shape_cast %parallel_loop3A_227 : vector<1x16xf32> to vector<16xf32>
        %parallel_loop3A_229 = arith.addf %parallel_loop3A_224, %parallel_loop3A_228 : vector<16xf32>
        %parallel_loop3A_230 = arith.constant 0.000000e+00 : f32
        %parallel_loop3A_231 = vector.broadcast %parallel_loop3A_230 : f32 to vector<16xf32>
        %parallel_loop3A_232 = arith.subf %parallel_loop3A_231, %parallel_loop3A_229 : vector<16xf32>
        %parallel_loop3A_233 = math.exp %parallel_loop3A_232 : vector<16xf32>
        %parallel_loop3A_234 = arith.constant 1.000000e+00 : f32
        %parallel_loop3A_235 = vector.broadcast %parallel_loop3A_234 : f32 to vector<16xf32>
        %parallel_loop3A_236 = arith.addf %parallel_loop3A_235, %parallel_loop3A_233 : vector<16xf32>
        %parallel_loop3A_237 = arith.constant 1.000000e+00 : f32
        %parallel_loop3A_238 = vector.broadcast %parallel_loop3A_237 : f32 to vector<16xf32>
        %parallel_loop3A_239 = arith.divf %parallel_loop3A_238, %parallel_loop3A_236 : vector<16xf32>
        %parallel_loop3A_240 = arith.index_cast %parallel_loop3A_125 : i32 to index
        %parallel_loop3A_241 = arith.constant 96 : index
        %parallel_loop3A_242 = tpu.vector_load %arg12[%parallel_loop3A_240, %parallel_loop3A_241] {strides = array<i32>} : memref<40x128xf32, #tpu.memory_space<vmem>>, vector<1x16xf32>,
        %parallel_loop3A_243 = vector.shape_cast %parallel_loop3A_242 : vector<1x16xf32> to vector<16xf32>
        %parallel_loop3A_244 = arith.mulf %parallel_loop3A_239, %parallel_loop3A_243 : vector<16xf32>
        %parallel_loop3A_245 = arith.index_cast %parallel_loop3A_125 : i32 to index
        %parallel_loop3A_246 = arith.constant 32 : index
        %parallel_loop3A_247 = tpu.vector_load %arg18[%parallel_loop3A_245, %parallel_loop3A_246] {strides = array<i32>} : memref<40x128xf32, #tpu.memory_space<vmem>>, vector<1x16xf32>,
        %parallel_loop3A_248 = vector.shape_cast %parallel_loop3A_247 : vector<1x16xf32> to vector<16xf32>
        %parallel_loop3A_249 = vector.shape_cast %parallel_loop3A_244 : vector<16xf32> to vector<1x16xf32>
        tpu.vector_store %arg18[%parallel_loop3A_245, %parallel_loop3A_246], %parallel_loop3A_249 {strides = array<i32>} : memref<40x128xf32, #tpu.memory_space<vmem>>, vector<1x16xf32>,
        %parallel_loop3A_250 = arith.index_cast %parallel_loop3A_125 : i32 to index
        %parallel_loop3A_251 = arith.constant 96 : index
        %parallel_loop3A_252 = tpu.vector_load %arg18[%parallel_loop3A_250, %parallel_loop3A_251] {strides = array<i32>} : memref<40x128xf32, #tpu.memory_space<vmem>>, vector<1x16xf32>,
        %parallel_loop3A_253 = vector.shape_cast %parallel_loop3A_252 : vector<1x16xf32> to vector<16xf32>
        %parallel_loop3A_254 = vector.shape_cast %parallel_loop3A_239 : vector<16xf32> to vector<1x16xf32>
        tpu.vector_store %arg18[%parallel_loop3A_250, %parallel_loop3A_251], %parallel_loop3A_254 {strides = array<i32>} : memref<40x128xf32, #tpu.memory_space<vmem>>, vector<1x16xf32>,
        %parallel_loop3A_255 = arith.constant 64 : i32
        %parallel_loop3A_256 = arith.muli %arg0, %parallel_loop3A_255 : i32
        %parallel_loop3A_257 = arith.constant 48 : i32
        %parallel_loop3A_258 = arith.addi %parallel_loop3A_256, %parallel_loop3A_257 : i32
        %parallel_loop3A_259 = arith.index_cast %parallel_loop3A_125 : i32 to index
        %parallel_loop3A_260 = arith.constant 48 : index
        %parallel_loop3A_261 = tpu.vector_load %arg12[%parallel_loop3A_259, %parallel_loop3A_260] {strides = array<i32>} : memref<40x128xf32, #tpu.memory_space<vmem>>, vector<1x16xf32>,
        %parallel_loop3A_262 = vector.shape_cast %parallel_loop3A_261 : vector<1x16xf32> to vector<16xf32>
        %parallel_loop3A_263 = arith.index_cast %parallel_loop3A_125 : i32 to index
        %parallel_loop3A_264 = arith.index_cast %parallel_loop3A_258 : i32 to index
        %parallel_loop3A_265 = tpu.vector_load %arg14[%parallel_loop3A_263, %parallel_loop3A_264] {strides = array<i32>} : memref<40x128xf32, #tpu.memory_space<vmem>>, vector<1x16xf32>,
        %parallel_loop3A_266 = vector.shape_cast %parallel_loop3A_265 : vector<1x16xf32> to vector<16xf32>
        %parallel_loop3A_267 = arith.addf %parallel_loop3A_262, %parallel_loop3A_266 : vector<16xf32>
        %parallel_loop3A_268 = arith.index_cast %parallel_loop3A_125 : i32 to index
        %parallel_loop3A_269 = arith.index_cast %parallel_loop3A_258 : i32 to index
        %parallel_loop3A_270 = tpu.vector_load %arg16[%parallel_loop3A_268, %parallel_loop3A_269] {strides = array<i32>} : memref<40x128xf32, #tpu.memory_space<vmem>>, vector<1x16xf32>,
        %parallel_loop3A_271 = vector.shape_cast %parallel_loop3A_270 : vector<1x16xf32> to vector<16xf32>
        %parallel_loop3A_272 = arith.addf %parallel_loop3A_267, %parallel_loop3A_271 : vector<16xf32>
        %parallel_loop3A_273 = arith.constant 0.000000e+00 : f32
        %parallel_loop3A_274 = vector.broadcast %parallel_loop3A_273 : f32 to vector<16xf32>
        %parallel_loop3A_275 = arith.subf %parallel_loop3A_274, %parallel_loop3A_272 : vector<16xf32>
        %parallel_loop3A_276 = math.exp %parallel_loop3A_275 : vector<16xf32>
        %parallel_loop3A_277 = arith.constant 1.000000e+00 : f32
        %parallel_loop3A_278 = vector.broadcast %parallel_loop3A_277 : f32 to vector<16xf32>
        %parallel_loop3A_279 = arith.addf %parallel_loop3A_278, %parallel_loop3A_276 : vector<16xf32>
        %parallel_loop3A_280 = arith.constant 1.000000e+00 : f32
        %parallel_loop3A_281 = vector.broadcast %parallel_loop3A_280 : f32 to vector<16xf32>
        %parallel_loop3A_282 = arith.divf %parallel_loop3A_281, %parallel_loop3A_279 : vector<16xf32>
        %parallel_loop3A_283 = arith.index_cast %parallel_loop3A_125 : i32 to index
        %parallel_loop3A_284 = arith.constant 112 : index
        %parallel_loop3A_285 = tpu.vector_load %arg12[%parallel_loop3A_283, %parallel_loop3A_284] {strides = array<i32>} : memref<40x128xf32, #tpu.memory_space<vmem>>, vector<1x16xf32>,
        %parallel_loop3A_286 = vector.shape_cast %parallel_loop3A_285 : vector<1x16xf32> to vector<16xf32>
        %parallel_loop3A_287 = arith.mulf %parallel_loop3A_282, %parallel_loop3A_286 : vector<16xf32>
        %parallel_loop3A_288 = arith.index_cast %parallel_loop3A_125 : i32 to index
        %parallel_loop3A_289 = arith.constant 48 : index
        %parallel_loop3A_290 = tpu.vector_load %arg18[%parallel_loop3A_288, %parallel_loop3A_289] {strides = array<i32>} : memref<40x128xf32, #tpu.memory_space<vmem>>, vector<1x16xf32>,
        %parallel_loop3A_291 = vector.shape_cast %parallel_loop3A_290 : vector<1x16xf32> to vector<16xf32>
        %parallel_loop3A_292 = vector.shape_cast %parallel_loop3A_287 : vector<16xf32> to vector<1x16xf32>
        tpu.vector_store %arg18[%parallel_loop3A_288, %parallel_loop3A_289], %parallel_loop3A_292 {strides = array<i32>} : memref<40x128xf32, #tpu.memory_space<vmem>>, vector<1x16xf32>,
        %parallel_loop3A_293 = arith.index_cast %parallel_loop3A_125 : i32 to index
        %parallel_loop3A_294 = arith.constant 112 : index
        %parallel_loop3A_295 = tpu.vector_load %arg18[%parallel_loop3A_293, %parallel_loop3A_294] {strides = array<i32>} : memref<40x128xf32, #tpu.memory_space<vmem>>, vector<1x16xf32>,
        %parallel_loop3A_296 = vector.shape_cast %parallel_loop3A_295 : vector<1x16xf32> to vector<16xf32>
        %parallel_loop3A_297 = vector.shape_cast %parallel_loop3A_282 : vector<16xf32> to vector<1x16xf32>
        tpu.vector_store %arg18[%parallel_loop3A_293, %parallel_loop3A_294], %parallel_loop3A_297 {strides = array<i32>} : memref<40x128xf32, #tpu.memory_space<vmem>>, vector<1x16xf32>,
      } {sc.loop_unroll_factor = 2 : i64, sc.parallel_access}
      "tpu.region"() ({
        %run_scoped3A = tpu.sem_alloc : memref<!tpu.dma_semaphore, #tpu.memory_space<semaphore_mem>>
        %dma_start3A_125 = arith.constant 0 : i32
        %dma_start3A_126 = arith.constant 0 : i32
        %dma_start3A_127 = tpu.memref_slice %arg27[%dma_start3A_125, %dma_start3A_126] : memref<10000x128xf32, #tpu.memory_space<vmem_shared>> -> memref<10000x128xf32, #tpu.memory_space<vmem_shared>>
        tpu.enqueue_indirect_dma source(%arg18 : memref<40x128xf32, #tpu.memory_space<vmem>>) target(%dma_start3A_127 : memref<10000x128xf32, #tpu.memory_space<vmem_shared>>) offsets(%arg9 : memref<40xi32, #tpu.memory_space<vmem>>) semaphore(%run_scoped3A : memref<!tpu.dma_semaphore, #tpu.memory_space<semaphore_mem>>) {add = true}
        %dma_wait3A_128 = arith.constant 0 : i32
        %dma_wait3A_129 = arith.constant 0 : i32
        %dma_wait3A_130 = tpu.memref_slice %arg27[%dma_wait3A_128, %dma_wait3A_129] : memref<10000x128xf32, #tpu.memory_space<vmem_shared>> -> memref<10000x128xf32, #tpu.memory_space<vmem_shared>>
        tpu.wait_indirect_dma semaphore(%run_scoped3A : memref<!tpu.dma_semaphore, #tpu.memory_space<semaphore_mem>>) src(%arg18 : memref<40x128xf32, #tpu.memory_space<vmem>>) dst(%dma_wait3A_130 : memref<10000x128xf32, #tpu.memory_space<vmem_shared>>)
        tpu.yield
      }) : () -> ()
      %add3A_81 = arith.constant 2 : i32
      %add3A_82 = arith.addi %add3A_55, %add3A_81 : i32
      %lt3A_83 = arith.constant 500 : i32
      %lt3A_84 = arith.cmpi slt, %add3A_82, %lt3A_83 : i32
      %convert_element_type3A_85 = arith.extui %lt3A_84 : i1 to i32
      %cond3A_86 = arith.constant 0 : i32
      %cond3A_87 = arith.cmpi ne, %convert_element_type3A_85, %cond3A_86 : i32
      scf.if %cond3A_87 {
        %add3A_125 = arith.constant 2 : i32
        %add3A_126 = arith.addi %add3A_55, %add3A_125 : i32
        %mul3A_127 = arith.constant 40 : i32
        %mul3A_128 = arith.muli %add3A_126, %mul3A_127 : i32
        %add3A_129 = arith.addi %mul3A_0, %mul3A_128 : i32
        %dma_start3A_130 = tpu.memref_slice %arg2[%add3A_129] : memref<640000xi32, #tpu.memory_space<hbm>> -> memref<40xi32, #tpu.memory_space<hbm>>
        %dma_start3A_131 = tpu.memref_slice %arg2[%add3A_129] : memref<640000xi32, #tpu.memory_space<hbm>> -> memref<40xi32, #tpu.memory_space<hbm>>
        tpu.enqueue_dma source(%dma_start3A_131 : memref<40xi32, #tpu.memory_space<hbm>>) target(%arg8 : memref<40xi32, #tpu.memory_space<vmem>>) target_semaphore(%arg21 : memref<!tpu.dma_semaphore, #tpu.memory_space<semaphore_mem>>)
        %add3A_132 = arith.constant 320000 : i32
        %add3A_133 = arith.addi %add3A_132, %add3A_129 : i32
        %dma_start3A_134 = tpu.memref_slice %arg2[%add3A_133] : memref<640000xi32, #tpu.memory_space<hbm>> -> memref<40xi32, #tpu.memory_space<hbm>>
        %dma_start3A_135 = tpu.memref_slice %arg2[%add3A_133] : memref<640000xi32, #tpu.memory_space<hbm>> -> memref<40xi32, #tpu.memory_space<hbm>>
        tpu.enqueue_dma source(%dma_start3A_135 : memref<40xi32, #tpu.memory_space<hbm>>) target(%arg9 : memref<40xi32, #tpu.memory_space<vmem>>) target_semaphore(%arg21 : memref<!tpu.dma_semaphore, #tpu.memory_space<semaphore_mem>>)
      } else {
      }
      %mul3A_88 = arith.constant 2 : i32
      %mul3A_89 = arith.muli %scan3A_51, %mul3A_88 : i32
      %add3A_90 = arith.constant 1 : i32
      %add3A_91 = arith.addi %mul3A_89, %add3A_90 : i32
      %dma_wait3A_92 = arith.constant 0 : i32
      %dma_wait3A_93 = arith.constant 0 : i32
      %dma_wait3A_94 = tpu.memref_slice %arg3[%arg0, %dma_wait3A_92, %dma_wait3A_93] : memref<2x10000x128xf32, #tpu.memory_space<hbm>> -> memref<1x10000x128xf32, #tpu.memory_space<hbm>>
      %dma_wait3A_95 = tpu.memref_squeeze %dma_wait3A_94 : memref<1x10000x128xf32, #tpu.memory_space<hbm>> -> memref<10000x128xf32, #tpu.memory_space<hbm>>
      %dma_wait3A_96 = arith.constant 0 : i32
      %dma_wait3A_97 = arith.constant 0 : i32
      %dma_wait3A_98 = tpu.memref_slice %dma_wait3A_95[%dma_wait3A_96, %dma_wait3A_97] : memref<10000x128xf32, #tpu.memory_space<hbm>> -> memref<10000x128xf32, #tpu.memory_space<hbm>>
      tpu.wait_indirect_dma semaphore(%arg24 : memref<!tpu.dma_semaphore, #tpu.memory_space<semaphore_mem>>) src(%dma_wait3A_98 : memref<10000x128xf32, #tpu.memory_space<hbm>>) dst(%arg13 : memref<40x128xf32, #tpu.memory_space<vmem>>)
      %dma_wait3A_99 = arith.constant 0 : i32
      %dma_wait3A_100 = arith.constant 0 : i32
      %dma_wait3A_101 = tpu.memref_slice %arg4[%dma_wait3A_99, %dma_wait3A_100] : memref<10000x128xf32, #tpu.memory_space<hbm>> -> memref<10000x128xf32, #tpu.memory_space<hbm>>
      tpu.wait_indirect_dma semaphore(%arg24 : memref<!tpu.dma_semaphore, #tpu.memory_space<semaphore_mem>>) src(%dma_wait3A_101 : memref<10000x128xf32, #tpu.memory_space<hbm>>) dst(%arg15 : memref<40x128xf32, #tpu.memory_space<vmem>>)
      %dma_wait3A_102 = arith.constant 0 : i32
      %dma_wait3A_103 = arith.constant 0 : i32
      %dma_wait3A_104 = tpu.memref_slice %arg5[%dma_wait3A_102, %dma_wait3A_103] : memref<320000x128xf32, #tpu.memory_space<hbm>> -> memref<40x128xf32, #tpu.memory_space<hbm>>
      %dma_wait3A_105 = arith.constant 0 : i32
      %dma_wait3A_106 = arith.constant 0 : i32
      %dma_wait3A_107 = tpu.memref_slice %arg5[%dma_wait3A_105, %dma_wait3A_106] : memref<320000x128xf32, #tpu.memory_space<hbm>> -> memref<40x128xf32, #tpu.memory_space<hbm>>
      tpu.wait_dma2 semaphore(%arg24 : memref<!tpu.dma_semaphore, #tpu.memory_space<semaphore_mem>>) src(%dma_wait3A_107 : memref<40x128xf32, #tpu.memory_space<hbm>>) dst(%arg17 : memref<40x128xf32, #tpu.memory_space<vmem>>)
      %add3A_108 = arith.constant 1 : i32
      %add3A_109 = arith.addi %add3A_91, %add3A_108 : i32
      %lt3A_110 = arith.constant 500 : i32
      %lt3A_111 = arith.cmpi slt, %add3A_109, %lt3A_110 : i32
      %convert_element_type3A_112 = arith.extui %lt3A_111 : i1 to i32
      %cond3A_113 = arith.constant 0 : i32
      %cond3A_114 = arith.cmpi ne, %convert_element_type3A_112, %cond3A_113 : i32
      scf.if %cond3A_114 {
        %dma_wait3A_125 = arith.constant 0 : i32
        %dma_wait3A_126 = tpu.memref_slice %arg2[%dma_wait3A_125] : memref<640000xi32, #tpu.memory_space<hbm>> -> memref<40xi32, #tpu.memory_space<hbm>>
        %dma_wait3A_127 = arith.constant 0 : i32
        %dma_wait3A_128 = tpu.memref_slice %arg2[%dma_wait3A_127] : memref<640000xi32, #tpu.memory_space<hbm>> -> memref<40xi32, #tpu.memory_space<hbm>>
        tpu.wait_dma2 semaphore(%arg21 : memref<!tpu.dma_semaphore, #tpu.memory_space<semaphore_mem>>) src(%dma_wait3A_128 : memref<40xi32, #tpu.memory_space<hbm>>) dst(%arg8 : memref<40xi32, #tpu.memory_space<vmem>>)
        %dma_wait3A_129 = arith.constant 0 : i32
        %dma_wait3A_130 = tpu.memref_slice %arg2[%dma_wait3A_129] : memref<640000xi32, #tpu.memory_space<hbm>> -> memref<40xi32, #tpu.memory_space<hbm>>
        %dma_wait3A_131 = arith.constant 0 : i32
        %dma_wait3A_132 = tpu.memref_slice %arg2[%dma_wait3A_131] : memref<640000xi32, #tpu.memory_space<hbm>> -> memref<40xi32, #tpu.memory_space<hbm>>
        tpu.wait_dma2 semaphore(%arg21 : memref<!tpu.dma_semaphore, #tpu.memory_space<semaphore_mem>>) src(%dma_wait3A_132 : memref<40xi32, #tpu.memory_space<hbm>>) dst(%arg9 : memref<40xi32, #tpu.memory_space<vmem>>)
        %add3A_133 = arith.constant 1 : i32
        %add3A_134 = arith.addi %add3A_91, %add3A_133 : i32
        %mul3A_135 = arith.constant 40 : i32
        %mul3A_136 = arith.muli %add3A_134, %mul3A_135 : i32
        %add3A_137 = arith.addi %mul3A_0, %mul3A_136 : i32
        %dma_start3A_138 = arith.constant 0 : i32
        %dma_start3A_139 = arith.constant 0 : i32
        %dma_start3A_140 = tpu.memref_slice %arg3[%arg0, %dma_start3A_138, %dma_start3A_139] : memref<2x10000x128xf32, #tpu.memory_space<hbm>> -> memref<1x10000x128xf32, #tpu.memory_space<hbm>>
        %dma_start3A_141 = tpu.memref_squeeze %dma_start3A_140 : memref<1x10000x128xf32, #tpu.memory_space<hbm>> -> memref<10000x128xf32, #tpu.memory_space<hbm>>
        %dma_start3A_142 = arith.constant 0 : i32
        %dma_start3A_143 = arith.constant 0 : i32
        %dma_start3A_144 = tpu.memref_slice %dma_start3A_141[%dma_start3A_142, %dma_start3A_143] : memref<10000x128xf32, #tpu.memory_space<hbm>> -> memref<10000x128xf32, #tpu.memory_space<hbm>>
        tpu.enqueue_indirect_dma source(%dma_start3A_144 : memref<10000x128xf32, #tpu.memory_space<hbm>>) target(%arg12 : memref<40x128xf32, #tpu.memory_space<vmem>>) offsets(%arg8 : memref<40xi32, #tpu.memory_space<vmem>>) semaphore(%arg23 : memref<!tpu.dma_semaphore, #tpu.memory_space<semaphore_mem>>)
        %dma_start3A_145 = arith.constant 0 : i32
        %dma_start3A_146 = arith.constant 0 : i32
        %dma_start3A_147 = tpu.memref_slice %arg4[%dma_start3A_145, %dma_start3A_146] : memref<10000x128xf32, #tpu.memory_space<hbm>> -> memref<10000x128xf32, #tpu.memory_space<hbm>>
        tpu.enqueue_indirect_dma source(%dma_start3A_147 : memref<10000x128xf32, #tpu.memory_space<hbm>>) target(%arg14 : memref<40x128xf32, #tpu.memory_space<vmem>>) offsets(%arg9 : memref<40xi32, #tpu.memory_space<vmem>>) semaphore(%arg23 : memref<!tpu.dma_semaphore, #tpu.memory_space<semaphore_mem>>)
        %dma_start3A_148 = arith.constant 0 : i32
        %dma_start3A_149 = tpu.memref_slice %arg5[%add3A_137, %dma_start3A_148] : memref<320000x128xf32, #tpu.memory_space<hbm>> -> memref<40x128xf32, #tpu.memory_space<hbm>>
        %dma_start3A_150 = arith.constant 0 : i32
        %dma_start3A_151 = tpu.memref_slice %arg5[%add3A_137, %dma_start3A_150] : memref<320000x128xf32, #tpu.memory_space<hbm>> -> memref<40x128xf32, #tpu.memory_space<hbm>>
        tpu.enqueue_dma source(%dma_start3A_151 : memref<40x128xf32, #tpu.memory_space<hbm>>) target(%arg16 : memref<40x128xf32, #tpu.memory_space<vmem>>) target_semaphore(%arg23 : memref<!tpu.dma_semaphore, #tpu.memory_space<semaphore_mem>>)
      } else {
      }
      %parallel_loop3A_115 = arith.constant 0 : i32
      %parallel_loop3A_116 = arith.constant 40 : i32
      %parallel_loop3A_117 = arith.constant 1 : i32
      scf.for %parallel_loop3A_125 = %parallel_loop3A_115 to %parallel_loop3A_116 step %parallel_loop3A_117  : i32 {
        %parallel_loop3A_126 = arith.constant 64 : i32
        %parallel_loop3A_127 = arith.muli %arg0, %parallel_loop3A_126 : i32
        %parallel_loop3A_128 = arith.constant 0 : i32
        %parallel_loop3A_129 = arith.addi %parallel_loop3A_127, %parallel_loop3A_128 : i32
        %parallel_loop3A_130 = arith.index_cast %parallel_loop3A_125 : i32 to index
        %parallel_loop3A_131 = arith.constant 0 : index
        %parallel_loop3A_132 = tpu.vector_load %arg13[%parallel_loop3A_130, %parallel_loop3A_131] {strides = array<i32>} : memref<40x128xf32, #tpu.memory_space<vmem>>, vector<1x16xf32>,
        %parallel_loop3A_133 = vector.shape_cast %parallel_loop3A_132 : vector<1x16xf32> to vector<16xf32>
        %parallel_loop3A_134 = arith.index_cast %parallel_loop3A_125 : i32 to index
        %parallel_loop3A_135 = arith.index_cast %parallel_loop3A_129 : i32 to index
        %parallel_loop3A_136 = tpu.vector_load %arg15[%parallel_loop3A_134, %parallel_loop3A_135] {strides = array<i32>} : memref<40x128xf32, #tpu.memory_space<vmem>>, vector<1x16xf32>,
        %parallel_loop3A_137 = vector.shape_cast %parallel_loop3A_136 : vector<1x16xf32> to vector<16xf32>
        %parallel_loop3A_138 = arith.addf %parallel_loop3A_133, %parallel_loop3A_137 : vector<16xf32>
        %parallel_loop3A_139 = arith.index_cast %parallel_loop3A_125 : i32 to index
        %parallel_loop3A_140 = arith.index_cast %parallel_loop3A_129 : i32 to index
        %parallel_loop3A_141 = tpu.vector_load %arg17[%parallel_loop3A_139, %parallel_loop3A_140] {strides = array<i32>} : memref<40x128xf32, #tpu.memory_space<vmem>>, vector<1x16xf32>,
        %parallel_loop3A_142 = vector.shape_cast %parallel_loop3A_141 : vector<1x16xf32> to vector<16xf32>
        %parallel_loop3A_143 = arith.addf %parallel_loop3A_138, %parallel_loop3A_142 : vector<16xf32>
        %parallel_loop3A_144 = arith.constant 0.000000e+00 : f32
        %parallel_loop3A_145 = vector.broadcast %parallel_loop3A_144 : f32 to vector<16xf32>
        %parallel_loop3A_146 = arith.subf %parallel_loop3A_145, %parallel_loop3A_143 : vector<16xf32>
        %parallel_loop3A_147 = math.exp %parallel_loop3A_146 : vector<16xf32>
        %parallel_loop3A_148 = arith.constant 1.000000e+00 : f32
        %parallel_loop3A_149 = vector.broadcast %parallel_loop3A_148 : f32 to vector<16xf32>
        %parallel_loop3A_150 = arith.addf %parallel_loop3A_149, %parallel_loop3A_147 : vector<16xf32>
        %parallel_loop3A_151 = arith.constant 1.000000e+00 : f32
        %parallel_loop3A_152 = vector.broadcast %parallel_loop3A_151 : f32 to vector<16xf32>
        %parallel_loop3A_153 = arith.divf %parallel_loop3A_152, %parallel_loop3A_150 : vector<16xf32>
        %parallel_loop3A_154 = arith.index_cast %parallel_loop3A_125 : i32 to index
        %parallel_loop3A_155 = arith.constant 64 : index
        %parallel_loop3A_156 = tpu.vector_load %arg13[%parallel_loop3A_154, %parallel_loop3A_155] {strides = array<i32>} : memref<40x128xf32, #tpu.memory_space<vmem>>, vector<1x16xf32>,
        %parallel_loop3A_157 = vector.shape_cast %parallel_loop3A_156 : vector<1x16xf32> to vector<16xf32>
        %parallel_loop3A_158 = arith.mulf %parallel_loop3A_153, %parallel_loop3A_157 : vector<16xf32>
        %parallel_loop3A_159 = arith.index_cast %parallel_loop3A_125 : i32 to index
        %parallel_loop3A_160 = arith.constant 0 : index
        %parallel_loop3A_161 = tpu.vector_load %arg18[%parallel_loop3A_159, %parallel_loop3A_160] {strides = array<i32>} : memref<40x128xf32, #tpu.memory_space<vmem>>, vector<1x16xf32>,
        %parallel_loop3A_162 = vector.shape_cast %parallel_loop3A_161 : vector<1x16xf32> to vector<16xf32>
        %parallel_loop3A_163 = vector.shape_cast %parallel_loop3A_158 : vector<16xf32> to vector<1x16xf32>
        tpu.vector_store %arg18[%parallel_loop3A_159, %parallel_loop3A_160], %parallel_loop3A_163 {strides = array<i32>} : memref<40x128xf32, #tpu.memory_space<vmem>>, vector<1x16xf32>,
        %parallel_loop3A_164 = arith.index_cast %parallel_loop3A_125 : i32 to index
        %parallel_loop3A_165 = arith.constant 64 : index
        %parallel_loop3A_166 = tpu.vector_load %arg18[%parallel_loop3A_164, %parallel_loop3A_165] {strides = array<i32>} : memref<40x128xf32, #tpu.memory_space<vmem>>, vector<1x16xf32>,
        %parallel_loop3A_167 = vector.shape_cast %parallel_loop3A_166 : vector<1x16xf32> to vector<16xf32>
        %parallel_loop3A_168 = vector.shape_cast %parallel_loop3A_153 : vector<16xf32> to vector<1x16xf32>
        tpu.vector_store %arg18[%parallel_loop3A_164, %parallel_loop3A_165], %parallel_loop3A_168 {strides = array<i32>} : memref<40x128xf32, #tpu.memory_space<vmem>>, vector<1x16xf32>,
        %parallel_loop3A_169 = arith.constant 64 : i32
        %parallel_loop3A_170 = arith.muli %arg0, %parallel_loop3A_169 : i32
        %parallel_loop3A_171 = arith.constant 16 : i32
        %parallel_loop3A_172 = arith.addi %parallel_loop3A_170, %parallel_loop3A_171 : i32
        %parallel_loop3A_173 = arith.index_cast %parallel_loop3A_125 : i32 to index
        %parallel_loop3A_174 = arith.constant 16 : index
        %parallel_loop3A_175 = tpu.vector_load %arg13[%parallel_loop3A_173, %parallel_loop3A_174] {strides = array<i32>} : memref<40x128xf32, #tpu.memory_space<vmem>>, vector<1x16xf32>,
        %parallel_loop3A_176 = vector.shape_cast %parallel_loop3A_175 : vector<1x16xf32> to vector<16xf32>
        %parallel_loop3A_177 = arith.index_cast %parallel_loop3A_125 : i32 to index
        %parallel_loop3A_178 = arith.index_cast %parallel_loop3A_172 : i32 to index
        %parallel_loop3A_179 = tpu.vector_load %arg15[%parallel_loop3A_177, %parallel_loop3A_178] {strides = array<i32>} : memref<40x128xf32, #tpu.memory_space<vmem>>, vector<1x16xf32>,
        %parallel_loop3A_180 = vector.shape_cast %parallel_loop3A_179 : vector<1x16xf32> to vector<16xf32>
        %parallel_loop3A_181 = arith.addf %parallel_loop3A_176, %parallel_loop3A_180 : vector<16xf32>
        %parallel_loop3A_182 = arith.index_cast %parallel_loop3A_125 : i32 to index
        %parallel_loop3A_183 = arith.index_cast %parallel_loop3A_172 : i32 to index
        %parallel_loop3A_184 = tpu.vector_load %arg17[%parallel_loop3A_182, %parallel_loop3A_183] {strides = array<i32>} : memref<40x128xf32, #tpu.memory_space<vmem>>, vector<1x16xf32>,
        %parallel_loop3A_185 = vector.shape_cast %parallel_loop3A_184 : vector<1x16xf32> to vector<16xf32>
        %parallel_loop3A_186 = arith.addf %parallel_loop3A_181, %parallel_loop3A_185 : vector<16xf32>
        %parallel_loop3A_187 = arith.constant 0.000000e+00 : f32
        %parallel_loop3A_188 = vector.broadcast %parallel_loop3A_187 : f32 to vector<16xf32>
        %parallel_loop3A_189 = arith.subf %parallel_loop3A_188, %parallel_loop3A_186 : vector<16xf32>
        %parallel_loop3A_190 = math.exp %parallel_loop3A_189 : vector<16xf32>
        %parallel_loop3A_191 = arith.constant 1.000000e+00 : f32
        %parallel_loop3A_192 = vector.broadcast %parallel_loop3A_191 : f32 to vector<16xf32>
        %parallel_loop3A_193 = arith.addf %parallel_loop3A_192, %parallel_loop3A_190 : vector<16xf32>
        %parallel_loop3A_194 = arith.constant 1.000000e+00 : f32
        %parallel_loop3A_195 = vector.broadcast %parallel_loop3A_194 : f32 to vector<16xf32>
        %parallel_loop3A_196 = arith.divf %parallel_loop3A_195, %parallel_loop3A_193 : vector<16xf32>
        %parallel_loop3A_197 = arith.index_cast %parallel_loop3A_125 : i32 to index
        %parallel_loop3A_198 = arith.constant 80 : index
        %parallel_loop3A_199 = tpu.vector_load %arg13[%parallel_loop3A_197, %parallel_loop3A_198] {strides = array<i32>} : memref<40x128xf32, #tpu.memory_space<vmem>>, vector<1x16xf32>,
        %parallel_loop3A_200 = vector.shape_cast %parallel_loop3A_199 : vector<1x16xf32> to vector<16xf32>
        %parallel_loop3A_201 = arith.mulf %parallel_loop3A_196, %parallel_loop3A_200 : vector<16xf32>
        %parallel_loop3A_202 = arith.index_cast %parallel_loop3A_125 : i32 to index
        %parallel_loop3A_203 = arith.constant 16 : index
        %parallel_loop3A_204 = tpu.vector_load %arg18[%parallel_loop3A_202, %parallel_loop3A_203] {strides = array<i32>} : memref<40x128xf32, #tpu.memory_space<vmem>>, vector<1x16xf32>,
        %parallel_loop3A_205 = vector.shape_cast %parallel_loop3A_204 : vector<1x16xf32> to vector<16xf32>
        %parallel_loop3A_206 = vector.shape_cast %parallel_loop3A_201 : vector<16xf32> to vector<1x16xf32>
        tpu.vector_store %arg18[%parallel_loop3A_202, %parallel_loop3A_203], %parallel_loop3A_206 {strides = array<i32>} : memref<40x128xf32, #tpu.memory_space<vmem>>, vector<1x16xf32>,
        %parallel_loop3A_207 = arith.index_cast %parallel_loop3A_125 : i32 to index
        %parallel_loop3A_208 = arith.constant 80 : index
        %parallel_loop3A_209 = tpu.vector_load %arg18[%parallel_loop3A_207, %parallel_loop3A_208] {strides = array<i32>} : memref<40x128xf32, #tpu.memory_space<vmem>>, vector<1x16xf32>,
        %parallel_loop3A_210 = vector.shape_cast %parallel_loop3A_209 : vector<1x16xf32> to vector<16xf32>
        %parallel_loop3A_211 = vector.shape_cast %parallel_loop3A_196 : vector<16xf32> to vector<1x16xf32>
        tpu.vector_store %arg18[%parallel_loop3A_207, %parallel_loop3A_208], %parallel_loop3A_211 {strides = array<i32>} : memref<40x128xf32, #tpu.memory_space<vmem>>, vector<1x16xf32>,
        %parallel_loop3A_212 = arith.constant 64 : i32
        %parallel_loop3A_213 = arith.muli %arg0, %parallel_loop3A_212 : i32
        %parallel_loop3A_214 = arith.constant 32 : i32
        %parallel_loop3A_215 = arith.addi %parallel_loop3A_213, %parallel_loop3A_214 : i32
        %parallel_loop3A_216 = arith.index_cast %parallel_loop3A_125 : i32 to index
        %parallel_loop3A_217 = arith.constant 32 : index
        %parallel_loop3A_218 = tpu.vector_load %arg13[%parallel_loop3A_216, %parallel_loop3A_217] {strides = array<i32>} : memref<40x128xf32, #tpu.memory_space<vmem>>, vector<1x16xf32>,
        %parallel_loop3A_219 = vector.shape_cast %parallel_loop3A_218 : vector<1x16xf32> to vector<16xf32>
        %parallel_loop3A_220 = arith.index_cast %parallel_loop3A_125 : i32 to index
        %parallel_loop3A_221 = arith.index_cast %parallel_loop3A_215 : i32 to index
        %parallel_loop3A_222 = tpu.vector_load %arg15[%parallel_loop3A_220, %parallel_loop3A_221] {strides = array<i32>} : memref<40x128xf32, #tpu.memory_space<vmem>>, vector<1x16xf32>,
        %parallel_loop3A_223 = vector.shape_cast %parallel_loop3A_222 : vector<1x16xf32> to vector<16xf32>
        %parallel_loop3A_224 = arith.addf %parallel_loop3A_219, %parallel_loop3A_223 : vector<16xf32>
        %parallel_loop3A_225 = arith.index_cast %parallel_loop3A_125 : i32 to index
        %parallel_loop3A_226 = arith.index_cast %parallel_loop3A_215 : i32 to index
        %parallel_loop3A_227 = tpu.vector_load %arg17[%parallel_loop3A_225, %parallel_loop3A_226] {strides = array<i32>} : memref<40x128xf32, #tpu.memory_space<vmem>>, vector<1x16xf32>,
        %parallel_loop3A_228 = vector.shape_cast %parallel_loop3A_227 : vector<1x16xf32> to vector<16xf32>
        %parallel_loop3A_229 = arith.addf %parallel_loop3A_224, %parallel_loop3A_228 : vector<16xf32>
        %parallel_loop3A_230 = arith.constant 0.000000e+00 : f32
        %parallel_loop3A_231 = vector.broadcast %parallel_loop3A_230 : f32 to vector<16xf32>
        %parallel_loop3A_232 = arith.subf %parallel_loop3A_231, %parallel_loop3A_229 : vector<16xf32>
        %parallel_loop3A_233 = math.exp %parallel_loop3A_232 : vector<16xf32>
        %parallel_loop3A_234 = arith.constant 1.000000e+00 : f32
        %parallel_loop3A_235 = vector.broadcast %parallel_loop3A_234 : f32 to vector<16xf32>
        %parallel_loop3A_236 = arith.addf %parallel_loop3A_235, %parallel_loop3A_233 : vector<16xf32>
        %parallel_loop3A_237 = arith.constant 1.000000e+00 : f32
        %parallel_loop3A_238 = vector.broadcast %parallel_loop3A_237 : f32 to vector<16xf32>
        %parallel_loop3A_239 = arith.divf %parallel_loop3A_238, %parallel_loop3A_236 : vector<16xf32>
        %parallel_loop3A_240 = arith.index_cast %parallel_loop3A_125 : i32 to index
        %parallel_loop3A_241 = arith.constant 96 : index
        %parallel_loop3A_242 = tpu.vector_load %arg13[%parallel_loop3A_240, %parallel_loop3A_241] {strides = array<i32>} : memref<40x128xf32, #tpu.memory_space<vmem>>, vector<1x16xf32>,
        %parallel_loop3A_243 = vector.shape_cast %parallel_loop3A_242 : vector<1x16xf32> to vector<16xf32>
        %parallel_loop3A_244 = arith.mulf %parallel_loop3A_239, %parallel_loop3A_243 : vector<16xf32>
        %parallel_loop3A_245 = arith.index_cast %parallel_loop3A_125 : i32 to index
        %parallel_loop3A_246 = arith.constant 32 : index
        %parallel_loop3A_247 = tpu.vector_load %arg18[%parallel_loop3A_245, %parallel_loop3A_246] {strides = array<i32>} : memref<40x128xf32, #tpu.memory_space<vmem>>, vector<1x16xf32>,
        %parallel_loop3A_248 = vector.shape_cast %parallel_loop3A_247 : vector<1x16xf32> to vector<16xf32>
        %parallel_loop3A_249 = vector.shape_cast %parallel_loop3A_244 : vector<16xf32> to vector<1x16xf32>
        tpu.vector_store %arg18[%parallel_loop3A_245, %parallel_loop3A_246], %parallel_loop3A_249 {strides = array<i32>} : memref<40x128xf32, #tpu.memory_space<vmem>>, vector<1x16xf32>,
        %parallel_loop3A_250 = arith.index_cast %parallel_loop3A_125 : i32 to index
        %parallel_loop3A_251 = arith.constant 96 : index
        %parallel_loop3A_252 = tpu.vector_load %arg18[%parallel_loop3A_250, %parallel_loop3A_251] {strides = array<i32>} : memref<40x128xf32, #tpu.memory_space<vmem>>, vector<1x16xf32>,
        %parallel_loop3A_253 = vector.shape_cast %parallel_loop3A_252 : vector<1x16xf32> to vector<16xf32>
        %parallel_loop3A_254 = vector.shape_cast %parallel_loop3A_239 : vector<16xf32> to vector<1x16xf32>
        tpu.vector_store %arg18[%parallel_loop3A_250, %parallel_loop3A_251], %parallel_loop3A_254 {strides = array<i32>} : memref<40x128xf32, #tpu.memory_space<vmem>>, vector<1x16xf32>,
        %parallel_loop3A_255 = arith.constant 64 : i32
        %parallel_loop3A_256 = arith.muli %arg0, %parallel_loop3A_255 : i32
        %parallel_loop3A_257 = arith.constant 48 : i32
        %parallel_loop3A_258 = arith.addi %parallel_loop3A_256, %parallel_loop3A_257 : i32
        %parallel_loop3A_259 = arith.index_cast %parallel_loop3A_125 : i32 to index
        %parallel_loop3A_260 = arith.constant 48 : index
        %parallel_loop3A_261 = tpu.vector_load %arg13[%parallel_loop3A_259, %parallel_loop3A_260] {strides = array<i32>} : memref<40x128xf32, #tpu.memory_space<vmem>>, vector<1x16xf32>,
        %parallel_loop3A_262 = vector.shape_cast %parallel_loop3A_261 : vector<1x16xf32> to vector<16xf32>
        %parallel_loop3A_263 = arith.index_cast %parallel_loop3A_125 : i32 to index
        %parallel_loop3A_264 = arith.index_cast %parallel_loop3A_258 : i32 to index
        %parallel_loop3A_265 = tpu.vector_load %arg15[%parallel_loop3A_263, %parallel_loop3A_264] {strides = array<i32>} : memref<40x128xf32, #tpu.memory_space<vmem>>, vector<1x16xf32>,
        %parallel_loop3A_266 = vector.shape_cast %parallel_loop3A_265 : vector<1x16xf32> to vector<16xf32>
        %parallel_loop3A_267 = arith.addf %parallel_loop3A_262, %parallel_loop3A_266 : vector<16xf32>
        %parallel_loop3A_268 = arith.index_cast %parallel_loop3A_125 : i32 to index
        %parallel_loop3A_269 = arith.index_cast %parallel_loop3A_258 : i32 to index
        %parallel_loop3A_270 = tpu.vector_load %arg17[%parallel_loop3A_268, %parallel_loop3A_269] {strides = array<i32>} : memref<40x128xf32, #tpu.memory_space<vmem>>, vector<1x16xf32>,
        %parallel_loop3A_271 = vector.shape_cast %parallel_loop3A_270 : vector<1x16xf32> to vector<16xf32>
        %parallel_loop3A_272 = arith.addf %parallel_loop3A_267, %parallel_loop3A_271 : vector<16xf32>
        %parallel_loop3A_273 = arith.constant 0.000000e+00 : f32
        %parallel_loop3A_274 = vector.broadcast %parallel_loop3A_273 : f32 to vector<16xf32>
        %parallel_loop3A_275 = arith.subf %parallel_loop3A_274, %parallel_loop3A_272 : vector<16xf32>
        %parallel_loop3A_276 = math.exp %parallel_loop3A_275 : vector<16xf32>
        %parallel_loop3A_277 = arith.constant 1.000000e+00 : f32
        %parallel_loop3A_278 = vector.broadcast %parallel_loop3A_277 : f32 to vector<16xf32>
        %parallel_loop3A_279 = arith.addf %parallel_loop3A_278, %parallel_loop3A_276 : vector<16xf32>
        %parallel_loop3A_280 = arith.constant 1.000000e+00 : f32
        %parallel_loop3A_281 = vector.broadcast %parallel_loop3A_280 : f32 to vector<16xf32>
        %parallel_loop3A_282 = arith.divf %parallel_loop3A_281, %parallel_loop3A_279 : vector<16xf32>
        %parallel_loop3A_283 = arith.index_cast %parallel_loop3A_125 : i32 to index
        %parallel_loop3A_284 = arith.constant 112 : index
        %parallel_loop3A_285 = tpu.vector_load %arg13[%parallel_loop3A_283, %parallel_loop3A_284] {strides = array<i32>} : memref<40x128xf32, #tpu.memory_space<vmem>>, vector<1x16xf32>,
        %parallel_loop3A_286 = vector.shape_cast %parallel_loop3A_285 : vector<1x16xf32> to vector<16xf32>
        %parallel_loop3A_287 = arith.mulf %parallel_loop3A_282, %parallel_loop3A_286 : vector<16xf32>
        %parallel_loop3A_288 = arith.index_cast %parallel_loop3A_125 : i32 to index
        %parallel_loop3A_289 = arith.constant 48 : index
        %parallel_loop3A_290 = tpu.vector_load %arg18[%parallel_loop3A_288, %parallel_loop3A_289] {strides = array<i32>} : memref<40x128xf32, #tpu.memory_space<vmem>>, vector<1x16xf32>,
        %parallel_loop3A_291 = vector.shape_cast %parallel_loop3A_290 : vector<1x16xf32> to vector<16xf32>
        %parallel_loop3A_292 = vector.shape_cast %parallel_loop3A_287 : vector<16xf32> to vector<1x16xf32>
        tpu.vector_store %arg18[%parallel_loop3A_288, %parallel_loop3A_289], %parallel_loop3A_292 {strides = array<i32>} : memref<40x128xf32, #tpu.memory_space<vmem>>, vector<1x16xf32>,
        %parallel_loop3A_293 = arith.index_cast %parallel_loop3A_125 : i32 to index
        %parallel_loop3A_294 = arith.constant 112 : index
        %parallel_loop3A_295 = tpu.vector_load %arg18[%parallel_loop3A_293, %parallel_loop3A_294] {strides = array<i32>} : memref<40x128xf32, #tpu.memory_space<vmem>>, vector<1x16xf32>,
        %parallel_loop3A_296 = vector.shape_cast %parallel_loop3A_295 : vector<1x16xf32> to vector<16xf32>
        %parallel_loop3A_297 = vector.shape_cast %parallel_loop3A_282 : vector<16xf32> to vector<1x16xf32>
        tpu.vector_store %arg18[%parallel_loop3A_293, %parallel_loop3A_294], %parallel_loop3A_297 {strides = array<i32>} : memref<40x128xf32, #tpu.memory_space<vmem>>, vector<1x16xf32>,
      } {sc.loop_unroll_factor = 2 : i64, sc.parallel_access}
      "tpu.region"() ({
        %run_scoped3A = tpu.sem_alloc : memref<!tpu.dma_semaphore, #tpu.memory_space<semaphore_mem>>
        %dma_start3A_125 = arith.constant 0 : i32
        %dma_start3A_126 = arith.constant 0 : i32
        %dma_start3A_127 = tpu.memref_slice %arg27[%dma_start3A_125, %dma_start3A_126] : memref<10000x128xf32, #tpu.memory_space<vmem_shared>> -> memref<10000x128xf32, #tpu.memory_space<vmem_shared>>
        tpu.enqueue_indirect_dma source(%arg18 : memref<40x128xf32, #tpu.memory_space<vmem>>) target(%dma_start3A_127 : memref<10000x128xf32, #tpu.memory_space<vmem_shared>>) offsets(%arg11 : memref<40xi32, #tpu.memory_space<vmem>>) semaphore(%run_scoped3A : memref<!tpu.dma_semaphore, #tpu.memory_space<semaphore_mem>>) {add = true}
        %dma_wait3A_128 = arith.constant 0 : i32
        %dma_wait3A_129 = arith.constant 0 : i32
        %dma_wait3A_130 = tpu.memref_slice %arg27[%dma_wait3A_128, %dma_wait3A_129] : memref<10000x128xf32, #tpu.memory_space<vmem_shared>> -> memref<10000x128xf32, #tpu.memory_space<vmem_shared>>
        tpu.wait_indirect_dma semaphore(%run_scoped3A : memref<!tpu.dma_semaphore, #tpu.memory_space<semaphore_mem>>) src(%arg18 : memref<40x128xf32, #tpu.memory_space<vmem>>) dst(%dma_wait3A_130 : memref<10000x128xf32, #tpu.memory_space<vmem_shared>>)
        tpu.yield
      }) : () -> ()
      %add3A_118 = arith.constant 2 : i32
      %add3A_119 = arith.addi %add3A_91, %add3A_118 : i32
      %lt3A_120 = arith.constant 500 : i32
      %lt3A_121 = arith.cmpi slt, %add3A_119, %lt3A_120 : i32
      %convert_element_type3A_122 = arith.extui %lt3A_121 : i1 to i32
      %cond3A_123 = arith.constant 0 : i32
      %cond3A_124 = arith.cmpi ne, %convert_element_type3A_122, %cond3A_123 : i32
      scf.if %cond3A_124 {
        %add3A_125 = arith.constant 2 : i32
        %add3A_126 = arith.addi %add3A_91, %add3A_125 : i32
        %mul3A_127 = arith.constant 40 : i32
        %mul3A_128 = arith.muli %add3A_126, %mul3A_127 : i32
        %add3A_129 = arith.addi %mul3A_0, %mul3A_128 : i32
        %dma_start3A_130 = tpu.memref_slice %arg2[%add3A_129] : memref<640000xi32, #tpu.memory_space<hbm>> -> memref<40xi32, #tpu.memory_space<hbm>>
        %dma_start3A_131 = tpu.memref_slice %arg2[%add3A_129] : memref<640000xi32, #tpu.memory_space<hbm>> -> memref<40xi32, #tpu.memory_space<hbm>>
        tpu.enqueue_dma source(%dma_start3A_131 : memref<40xi32, #tpu.memory_space<hbm>>) target(%arg10 : memref<40xi32, #tpu.memory_space<vmem>>) target_semaphore(%arg22 : memref<!tpu.dma_semaphore, #tpu.memory_space<semaphore_mem>>)
        %add3A_132 = arith.constant 320000 : i32
        %add3A_133 = arith.addi %add3A_132, %add3A_129 : i32
        %dma_start3A_134 = tpu.memref_slice %arg2[%add3A_133] : memref<640000xi32, #tpu.memory_space<hbm>> -> memref<40xi32, #tpu.memory_space<hbm>>
        %dma_start3A_135 = tpu.memref_slice %arg2[%add3A_133] : memref<640000xi32, #tpu.memory_space<hbm>> -> memref<40xi32, #tpu.memory_space<hbm>>
        tpu.enqueue_dma source(%dma_start3A_135 : memref<40xi32, #tpu.memory_space<hbm>>) target(%arg11 : memref<40xi32, #tpu.memory_space<vmem>>) target_semaphore(%arg22 : memref<!tpu.dma_semaphore, #tpu.memory_space<semaphore_mem>>)
      } else {
      }
    }
    %scan3A_44 = arith.constant 250 : i32
    %barrier3A_45 = arith.constant 0 : index
    tpu.barrier barrier_id(%barrier3A_45)
    %lt3A_46 = arith.constant 10 : i32
    %lt3A_47 = arith.cmpi slt, %arg1, %lt3A_46 : i32
    %convert_element_type3A_48 = arith.extui %lt3A_47 : i1 to i32
    %cond3A_49 = arith.constant 0 : i32
    %cond3A_50 = arith.cmpi ne, %convert_element_type3A_48, %cond3A_49 : i32
    scf.if %cond3A_50 {
      %mul3A_51 = arith.constant 1000 : i32
      %mul3A_52 = arith.muli %arg1, %mul3A_51 : i32
      "tpu.region"() ({
        %run_scoped3A = tpu.sem_alloc : memref<!tpu.dma_semaphore, #tpu.memory_space<semaphore_mem>>
        %dma_start3A_53 = arith.constant 0 : i32
        %dma_start3A_54 = tpu.memref_slice %arg7[%arg0, %mul3A_52, %dma_start3A_53] : memref<2x10000x128xf32, #tpu.memory_space<hbm>> -> memref<1x1000x128xf32, #tpu.memory_space<hbm>>
        %dma_start3A_55 = tpu.memref_squeeze %dma_start3A_54 : memref<1x1000x128xf32, #tpu.memory_space<hbm>> -> memref<1000x128xf32, #tpu.memory_space<hbm>>
        %dma_start3A_56 = arith.constant 0 : i32
        %dma_start3A_57 = tpu.memref_slice %arg27[%mul3A_52, %dma_start3A_56] : memref<10000x128xf32, #tpu.memory_space<vmem_shared>> -> memref<1000x128xf32, #tpu.memory_space<vmem_shared>>
        tpu.enqueue_dma source(%dma_start3A_57 : memref<1000x128xf32, #tpu.memory_space<vmem_shared>>) target(%dma_start3A_55 : memref<1000x128xf32, #tpu.memory_space<hbm>>) target_semaphore(%run_scoped3A : memref<!tpu.dma_semaphore, #tpu.memory_space<semaphore_mem>>)
        %dma_wait3A_58 = arith.constant 0 : i32
        %dma_wait3A_59 = tpu.memref_slice %arg7[%arg0, %mul3A_52, %dma_wait3A_58] : memref<2x10000x128xf32, #tpu.memory_space<hbm>> -> memref<1x1000x128xf32, #tpu.memory_space<hbm>>
        %dma_wait3A_60 = tpu.memref_squeeze %dma_wait3A_59 : memref<1x1000x128xf32, #tpu.memory_space<hbm>> -> memref<1000x128xf32, #tpu.memory_space<hbm>>
        %dma_wait3A_61 = arith.constant 0 : i32
        %dma_wait3A_62 = tpu.memref_slice %arg27[%mul3A_52, %dma_wait3A_61] : memref<10000x128xf32, #tpu.memory_space<vmem_shared>> -> memref<1000x128xf32, #tpu.memory_space<vmem_shared>>
        tpu.wait_dma2 semaphore(%run_scoped3A : memref<!tpu.dma_semaphore, #tpu.memory_space<semaphore_mem>>) src(%dma_wait3A_62 : memref<1000x128xf32, #tpu.memory_space<vmem_shared>>) dst(%dma_wait3A_60 : memref<1000x128xf32, #tpu.memory_space<hbm>>)
        tpu.yield
      }) : () -> ()
    } else {
    }
    return
  }
}

#map = affine_map<(d0, d1) -> (0)>
#map1 = affine_map<(d0, d1) -> (0, 0, 0)>
#map2 = affine_map<(d0, d1) -> (0, 0)>
module attributes {stable_mosaic.version = 14 : i64} {
  func.func @edge_pass(%arg0: i32, %arg1: i32, %arg2: memref<640000xi32, #tpu.memory_space<hbm>>, %arg3: memref<2x10000x128xf32, #tpu.memory_space<hbm>>, %arg4: memref<10000x128xf32, #tpu.memory_space<hbm>>, %arg5: memref<320000x128xf32, #tpu.memory_space<hbm>>, %arg6: memref<1000x128xf32, #tpu.memory_space<hbm>>, %arg7: memref<2x10000x128xf32, #tpu.memory_space<hbm>>, %arg8: memref<2x320000x128xf32, #tpu.memory_space<hbm>>, %arg9: memref<40xi32, #tpu.memory_space<vmem>>, %arg10: memref<40xi32, #tpu.memory_space<vmem>>, %arg11: memref<40xi32, #tpu.memory_space<vmem>>, %arg12: memref<40xi32, #tpu.memory_space<vmem>>, %arg13: memref<40x128xf32, #tpu.memory_space<vmem>>, %arg14: memref<40x128xf32, #tpu.memory_space<vmem>>, %arg15: memref<40x128xf32, #tpu.memory_space<vmem>>, %arg16: memref<40x128xf32, #tpu.memory_space<vmem>>, %arg17: memref<40x128xf32, #tpu.memory_space<vmem>>, %arg18: memref<40x128xf32, #tpu.memory_space<vmem>>, %arg19: memref<40x128xf32, #tpu.memory_space<vmem>>, %arg20: memref<40x128xf32, #tpu.memory_space<vmem>>, %arg21: memref<40x128xf32, #tpu.memory_space<vmem>>, %arg22: memref<!tpu.dma_semaphore, #tpu.memory_space<semaphore_mem>>, %arg23: memref<!tpu.dma_semaphore, #tpu.memory_space<semaphore_mem>>, %arg24: memref<!tpu.dma_semaphore, #tpu.memory_space<semaphore_mem>>, %arg25: memref<!tpu.dma_semaphore, #tpu.memory_space<semaphore_mem>>, %arg26: memref<!tpu.dma_semaphore, #tpu.memory_space<semaphore_mem>>, %arg27: memref<!tpu.dma_semaphore, #tpu.memory_space<semaphore_mem>>, %arg28: memref<10000x128xf32, #tpu.memory_space<vmem_shared>>) attributes {dimension_semantics = [#tpu.dimension_semantics<core_parallel>, #tpu.dimension_semantics<subcore_parallel>], iteration_bounds = array<i64: 2, 16>, scalar_prefetch = 0 : i64, scratch_operands = 20 : i64, tpu.core_type = #tpu.core_type<sc_vector_subcore>, window_params = [{transform_indices = #map}, {transform_indices = #map1}, {transform_indices = #map2}, {transform_indices = #map2}, {transform_indices = #map2}, {transform_indices = #map1}, {transform_indices = #map1}]} {
    %mul3A = arith.constant 20000 : i32
    %mul3A_0 = arith.muli %arg1, %mul3A : i32
    %lt3A = arith.constant 10 : i32
    %lt3A_1 = arith.cmpi slt, %arg1, %lt3A : i32
    %convert_element_type3A = arith.extui %lt3A_1 : i1 to i32
    %cond3A = arith.constant 0 : i32
    %cond3A_2 = arith.cmpi ne, %convert_element_type3A, %cond3A : i32
    scf.if %cond3A_2 {
      %mul3A_67 = arith.constant 1000 : i32
      %mul3A_68 = arith.muli %arg1, %mul3A_67 : i32
      "tpu.region"() ({
        %run_scoped3A = tpu.sem_alloc : memref<!tpu.dma_semaphore, #tpu.memory_space<semaphore_mem>>
        %dma_start3A_69 = arith.constant 0 : i32
        %dma_start3A_70 = tpu.memref_slice %arg28[%mul3A_68, %dma_start3A_69] : memref<10000x128xf32, #tpu.memory_space<vmem_shared>> -> memref<1000x128xf32, #tpu.memory_space<vmem_shared>>
        tpu.enqueue_dma source(%arg6 : memref<1000x128xf32, #tpu.memory_space<hbm>>) target(%dma_start3A_70 : memref<1000x128xf32, #tpu.memory_space<vmem_shared>>) target_semaphore(%run_scoped3A : memref<!tpu.dma_semaphore, #tpu.memory_space<semaphore_mem>>)
        %dma_wait3A_71 = arith.constant 0 : i32
        %dma_wait3A_72 = tpu.memref_slice %arg28[%mul3A_68, %dma_wait3A_71] : memref<10000x128xf32, #tpu.memory_space<vmem_shared>> -> memref<1000x128xf32, #tpu.memory_space<vmem_shared>>
        tpu.wait_dma2 semaphore(%run_scoped3A : memref<!tpu.dma_semaphore, #tpu.memory_space<semaphore_mem>>) src(%arg6 : memref<1000x128xf32, #tpu.memory_space<hbm>>) dst(%dma_wait3A_72 : memref<1000x128xf32, #tpu.memory_space<vmem_shared>>)
        tpu.yield
      }) : () -> ()
    } else {
    }
    %barrier3A = arith.constant 0 : index
    tpu.barrier barrier_id(%barrier3A)
    %add3A = arith.constant 0 : i32
    %add3A_3 = arith.addi %mul3A_0, %add3A : i32
    %dma_start3A = tpu.memref_slice %arg2[%add3A_3] : memref<640000xi32, #tpu.memory_space<hbm>> -> memref<40xi32, #tpu.memory_space<hbm>>
    %dma_start3A_4 = tpu.memref_slice %arg2[%add3A_3] : memref<640000xi32, #tpu.memory_space<hbm>> -> memref<40xi32, #tpu.memory_space<hbm>>
    tpu.enqueue_dma source(%dma_start3A_4 : memref<40xi32, #tpu.memory_space<hbm>>) target(%arg9 : memref<40xi32, #tpu.memory_space<vmem>>) target_semaphore(%arg22 : memref<!tpu.dma_semaphore, #tpu.memory_space<semaphore_mem>>)
    %add3A_5 = arith.constant 320000 : i32
    %add3A_6 = arith.addi %add3A_5, %add3A_3 : i32
    %dma_start3A_7 = tpu.memref_slice %arg2[%add3A_6] : memref<640000xi32, #tpu.memory_space<hbm>> -> memref<40xi32, #tpu.memory_space<hbm>>
    %dma_start3A_8 = tpu.memref_slice %arg2[%add3A_6] : memref<640000xi32, #tpu.memory_space<hbm>> -> memref<40xi32, #tpu.memory_space<hbm>>
    tpu.enqueue_dma source(%dma_start3A_8 : memref<40xi32, #tpu.memory_space<hbm>>) target(%arg10 : memref<40xi32, #tpu.memory_space<vmem>>) target_semaphore(%arg22 : memref<!tpu.dma_semaphore, #tpu.memory_space<semaphore_mem>>)
    %dma_wait3A = arith.constant 0 : i32
    %dma_wait3A_9 = tpu.memref_slice %arg2[%dma_wait3A] : memref<640000xi32, #tpu.memory_space<hbm>> -> memref<40xi32, #tpu.memory_space<hbm>>
    %dma_wait3A_10 = arith.constant 0 : i32
    %dma_wait3A_11 = tpu.memref_slice %arg2[%dma_wait3A_10] : memref<640000xi32, #tpu.memory_space<hbm>> -> memref<40xi32, #tpu.memory_space<hbm>>
    tpu.wait_dma2 semaphore(%arg22 : memref<!tpu.dma_semaphore, #tpu.memory_space<semaphore_mem>>) src(%dma_wait3A_11 : memref<40xi32, #tpu.memory_space<hbm>>) dst(%arg9 : memref<40xi32, #tpu.memory_space<vmem>>)
    %dma_wait3A_12 = arith.constant 0 : i32
    %dma_wait3A_13 = tpu.memref_slice %arg2[%dma_wait3A_12] : memref<640000xi32, #tpu.memory_space<hbm>> -> memref<40xi32, #tpu.memory_space<hbm>>
    %dma_wait3A_14 = arith.constant 0 : i32
    %dma_wait3A_15 = tpu.memref_slice %arg2[%dma_wait3A_14] : memref<640000xi32, #tpu.memory_space<hbm>> -> memref<40xi32, #tpu.memory_space<hbm>>
    tpu.wait_dma2 semaphore(%arg22 : memref<!tpu.dma_semaphore, #tpu.memory_space<semaphore_mem>>) src(%dma_wait3A_15 : memref<40xi32, #tpu.memory_space<hbm>>) dst(%arg10 : memref<40xi32, #tpu.memory_space<vmem>>)
    %add3A_16 = arith.constant 0 : i32
    %add3A_17 = arith.addi %mul3A_0, %add3A_16 : i32
    %dma_start3A_18 = arith.constant 0 : i32
    %dma_start3A_19 = arith.constant 0 : i32
    %dma_start3A_20 = tpu.memref_slice %arg3[%arg0, %dma_start3A_18, %dma_start3A_19] : memref<2x10000x128xf32, #tpu.memory_space<hbm>> -> memref<1x10000x128xf32, #tpu.memory_space<hbm>>
    %dma_start3A_21 = tpu.memref_squeeze %dma_start3A_20 : memref<1x10000x128xf32, #tpu.memory_space<hbm>> -> memref<10000x128xf32, #tpu.memory_space<hbm>>
    %dma_start3A_22 = arith.constant 0 : i32
    %dma_start3A_23 = arith.constant 0 : i32
    %dma_start3A_24 = tpu.memref_slice %dma_start3A_21[%dma_start3A_22, %dma_start3A_23] : memref<10000x128xf32, #tpu.memory_space<hbm>> -> memref<10000x128xf32, #tpu.memory_space<hbm>>
    tpu.enqueue_indirect_dma source(%dma_start3A_24 : memref<10000x128xf32, #tpu.memory_space<hbm>>) target(%arg13 : memref<40x128xf32, #tpu.memory_space<vmem>>) offsets(%arg9 : memref<40xi32, #tpu.memory_space<vmem>>) semaphore(%arg24 : memref<!tpu.dma_semaphore, #tpu.memory_space<semaphore_mem>>)
    %dma_start3A_25 = arith.constant 0 : i32
    %dma_start3A_26 = arith.constant 0 : i32
    %dma_start3A_27 = tpu.memref_slice %arg4[%dma_start3A_25, %dma_start3A_26] : memref<10000x128xf32, #tpu.memory_space<hbm>> -> memref<10000x128xf32, #tpu.memory_space<hbm>>
    tpu.enqueue_indirect_dma source(%dma_start3A_27 : memref<10000x128xf32, #tpu.memory_space<hbm>>) target(%arg15 : memref<40x128xf32, #tpu.memory_space<vmem>>) offsets(%arg10 : memref<40xi32, #tpu.memory_space<vmem>>) semaphore(%arg24 : memref<!tpu.dma_semaphore, #tpu.memory_space<semaphore_mem>>)
    %dma_start3A_28 = arith.constant 0 : i32
    %dma_start3A_29 = tpu.memref_slice %arg5[%add3A_17, %dma_start3A_28] : memref<320000x128xf32, #tpu.memory_space<hbm>> -> memref<40x128xf32, #tpu.memory_space<hbm>>
    %dma_start3A_30 = arith.constant 0 : i32
    %dma_start3A_31 = tpu.memref_slice %arg5[%add3A_17, %dma_start3A_30] : memref<320000x128xf32, #tpu.memory_space<hbm>> -> memref<40x128xf32, #tpu.memory_space<hbm>>
    tpu.enqueue_dma source(%dma_start3A_31 : memref<40x128xf32, #tpu.memory_space<hbm>>) target(%arg17 : memref<40x128xf32, #tpu.memory_space<vmem>>) target_semaphore(%arg24 : memref<!tpu.dma_semaphore, #tpu.memory_space<semaphore_mem>>)
    %add3A_32 = arith.constant 40 : i32
    %add3A_33 = arith.addi %mul3A_0, %add3A_32 : i32
    %dma_start3A_34 = tpu.memref_slice %arg2[%add3A_33] : memref<640000xi32, #tpu.memory_space<hbm>> -> memref<40xi32, #tpu.memory_space<hbm>>
    %dma_start3A_35 = tpu.memref_slice %arg2[%add3A_33] : memref<640000xi32, #tpu.memory_space<hbm>> -> memref<40xi32, #tpu.memory_space<hbm>>
    tpu.enqueue_dma source(%dma_start3A_35 : memref<40xi32, #tpu.memory_space<hbm>>) target(%arg11 : memref<40xi32, #tpu.memory_space<vmem>>) target_semaphore(%arg23 : memref<!tpu.dma_semaphore, #tpu.memory_space<semaphore_mem>>)
    %add3A_36 = arith.constant 320000 : i32
    %add3A_37 = arith.addi %add3A_36, %add3A_33 : i32
    %dma_start3A_38 = tpu.memref_slice %arg2[%add3A_37] : memref<640000xi32, #tpu.memory_space<hbm>> -> memref<40xi32, #tpu.memory_space<hbm>>
    %dma_start3A_39 = tpu.memref_slice %arg2[%add3A_37] : memref<640000xi32, #tpu.memory_space<hbm>> -> memref<40xi32, #tpu.memory_space<hbm>>
    tpu.enqueue_dma source(%dma_start3A_39 : memref<40xi32, #tpu.memory_space<hbm>>) target(%arg12 : memref<40xi32, #tpu.memory_space<vmem>>) target_semaphore(%arg23 : memref<!tpu.dma_semaphore, #tpu.memory_space<semaphore_mem>>)
    %scan3A = arith.constant 0 : i32
    %scan3A_40 = arith.constant 0 : i32
    %scan3A_41 = arith.constant 250 : i32
    %scan3A_42 = arith.addi %scan3A_40, %scan3A_41 : i32
    %scan3A_43 = arith.constant 1 : i32
    scf.for %scan3A_67 = %scan3A_40 to %scan3A_42 step %scan3A_43  : i32 {
      %mul3A_68 = arith.constant 2 : i32
      %mul3A_69 = arith.muli %scan3A_67, %mul3A_68 : i32
      %add3A_70 = arith.constant 0 : i32
      %add3A_71 = arith.addi %mul3A_69, %add3A_70 : i32
      %dma_wait3A_72 = arith.constant 0 : i32
      %dma_wait3A_73 = arith.constant 0 : i32
      %dma_wait3A_74 = tpu.memref_slice %arg3[%arg0, %dma_wait3A_72, %dma_wait3A_73] : memref<2x10000x128xf32, #tpu.memory_space<hbm>> -> memref<1x10000x128xf32, #tpu.memory_space<hbm>>
      %dma_wait3A_75 = tpu.memref_squeeze %dma_wait3A_74 : memref<1x10000x128xf32, #tpu.memory_space<hbm>> -> memref<10000x128xf32, #tpu.memory_space<hbm>>
      %dma_wait3A_76 = arith.constant 0 : i32
      %dma_wait3A_77 = arith.constant 0 : i32
      %dma_wait3A_78 = tpu.memref_slice %dma_wait3A_75[%dma_wait3A_76, %dma_wait3A_77] : memref<10000x128xf32, #tpu.memory_space<hbm>> -> memref<10000x128xf32, #tpu.memory_space<hbm>>
      tpu.wait_indirect_dma semaphore(%arg24 : memref<!tpu.dma_semaphore, #tpu.memory_space<semaphore_mem>>) src(%dma_wait3A_78 : memref<10000x128xf32, #tpu.memory_space<hbm>>) dst(%arg13 : memref<40x128xf32, #tpu.memory_space<vmem>>)
      %dma_wait3A_79 = arith.constant 0 : i32
      %dma_wait3A_80 = arith.constant 0 : i32
      %dma_wait3A_81 = tpu.memref_slice %arg4[%dma_wait3A_79, %dma_wait3A_80] : memref<10000x128xf32, #tpu.memory_space<hbm>> -> memref<10000x128xf32, #tpu.memory_space<hbm>>
      tpu.wait_indirect_dma semaphore(%arg24 : memref<!tpu.dma_semaphore, #tpu.memory_space<semaphore_mem>>) src(%dma_wait3A_81 : memref<10000x128xf32, #tpu.memory_space<hbm>>) dst(%arg15 : memref<40x128xf32, #tpu.memory_space<vmem>>)
      %dma_wait3A_82 = arith.constant 0 : i32
      %dma_wait3A_83 = arith.constant 0 : i32
      %dma_wait3A_84 = tpu.memref_slice %arg5[%dma_wait3A_82, %dma_wait3A_83] : memref<320000x128xf32, #tpu.memory_space<hbm>> -> memref<40x128xf32, #tpu.memory_space<hbm>>
      %dma_wait3A_85 = arith.constant 0 : i32
      %dma_wait3A_86 = arith.constant 0 : i32
      %dma_wait3A_87 = tpu.memref_slice %arg5[%dma_wait3A_85, %dma_wait3A_86] : memref<320000x128xf32, #tpu.memory_space<hbm>> -> memref<40x128xf32, #tpu.memory_space<hbm>>
      tpu.wait_dma2 semaphore(%arg24 : memref<!tpu.dma_semaphore, #tpu.memory_space<semaphore_mem>>) src(%dma_wait3A_87 : memref<40x128xf32, #tpu.memory_space<hbm>>) dst(%arg17 : memref<40x128xf32, #tpu.memory_space<vmem>>)
      %add3A_88 = arith.constant 1 : i32
      %add3A_89 = arith.addi %add3A_71, %add3A_88 : i32
      %lt3A_90 = arith.constant 500 : i32
      %lt3A_91 = arith.cmpi slt, %add3A_89, %lt3A_90 : i32
      %convert_element_type3A_92 = arith.extui %lt3A_91 : i1 to i32
      %cond3A_93 = arith.constant 0 : i32
      %cond3A_94 = arith.cmpi ne, %convert_element_type3A_92, %cond3A_93 : i32
      scf.if %cond3A_94 {
        %dma_wait3A_168 = arith.constant 0 : i32
        %dma_wait3A_169 = tpu.memref_slice %arg2[%dma_wait3A_168] : memref<640000xi32, #tpu.memory_space<hbm>> -> memref<40xi32, #tpu.memory_space<hbm>>
        %dma_wait3A_170 = arith.constant 0 : i32
        %dma_wait3A_171 = tpu.memref_slice %arg2[%dma_wait3A_170] : memref<640000xi32, #tpu.memory_space<hbm>> -> memref<40xi32, #tpu.memory_space<hbm>>
        tpu.wait_dma2 semaphore(%arg23 : memref<!tpu.dma_semaphore, #tpu.memory_space<semaphore_mem>>) src(%dma_wait3A_171 : memref<40xi32, #tpu.memory_space<hbm>>) dst(%arg11 : memref<40xi32, #tpu.memory_space<vmem>>)
        %dma_wait3A_172 = arith.constant 0 : i32
        %dma_wait3A_173 = tpu.memref_slice %arg2[%dma_wait3A_172] : memref<640000xi32, #tpu.memory_space<hbm>> -> memref<40xi32, #tpu.memory_space<hbm>>
        %dma_wait3A_174 = arith.constant 0 : i32
        %dma_wait3A_175 = tpu.memref_slice %arg2[%dma_wait3A_174] : memref<640000xi32, #tpu.memory_space<hbm>> -> memref<40xi32, #tpu.memory_space<hbm>>
        tpu.wait_dma2 semaphore(%arg23 : memref<!tpu.dma_semaphore, #tpu.memory_space<semaphore_mem>>) src(%dma_wait3A_175 : memref<40xi32, #tpu.memory_space<hbm>>) dst(%arg12 : memref<40xi32, #tpu.memory_space<vmem>>)
        %add3A_176 = arith.constant 1 : i32
        %add3A_177 = arith.addi %add3A_71, %add3A_176 : i32
        %mul3A_178 = arith.constant 40 : i32
        %mul3A_179 = arith.muli %add3A_177, %mul3A_178 : i32
        %add3A_180 = arith.addi %mul3A_0, %mul3A_179 : i32
        %dma_start3A_181 = arith.constant 0 : i32
        %dma_start3A_182 = arith.constant 0 : i32
        %dma_start3A_183 = tpu.memref_slice %arg3[%arg0, %dma_start3A_181, %dma_start3A_182] : memref<2x10000x128xf32, #tpu.memory_space<hbm>> -> memref<1x10000x128xf32, #tpu.memory_space<hbm>>
        %dma_start3A_184 = tpu.memref_squeeze %dma_start3A_183 : memref<1x10000x128xf32, #tpu.memory_space<hbm>> -> memref<10000x128xf32, #tpu.memory_space<hbm>>
        %dma_start3A_185 = arith.constant 0 : i32
        %dma_start3A_186 = arith.constant 0 : i32
        %dma_start3A_187 = tpu.memref_slice %dma_start3A_184[%dma_start3A_185, %dma_start3A_186] : memref<10000x128xf32, #tpu.memory_space<hbm>> -> memref<10000x128xf32, #tpu.memory_space<hbm>>
        tpu.enqueue_indirect_dma source(%dma_start3A_187 : memref<10000x128xf32, #tpu.memory_space<hbm>>) target(%arg14 : memref<40x128xf32, #tpu.memory_space<vmem>>) offsets(%arg11 : memref<40xi32, #tpu.memory_space<vmem>>) semaphore(%arg25 : memref<!tpu.dma_semaphore, #tpu.memory_space<semaphore_mem>>)
        %dma_start3A_188 = arith.constant 0 : i32
        %dma_start3A_189 = arith.constant 0 : i32
        %dma_start3A_190 = tpu.memref_slice %arg4[%dma_start3A_188, %dma_start3A_189] : memref<10000x128xf32, #tpu.memory_space<hbm>> -> memref<10000x128xf32, #tpu.memory_space<hbm>>
        tpu.enqueue_indirect_dma source(%dma_start3A_190 : memref<10000x128xf32, #tpu.memory_space<hbm>>) target(%arg16 : memref<40x128xf32, #tpu.memory_space<vmem>>) offsets(%arg12 : memref<40xi32, #tpu.memory_space<vmem>>) semaphore(%arg25 : memref<!tpu.dma_semaphore, #tpu.memory_space<semaphore_mem>>)
        %dma_start3A_191 = arith.constant 0 : i32
        %dma_start3A_192 = tpu.memref_slice %arg5[%add3A_180, %dma_start3A_191] : memref<320000x128xf32, #tpu.memory_space<hbm>> -> memref<40x128xf32, #tpu.memory_space<hbm>>
        %dma_start3A_193 = arith.constant 0 : i32
        %dma_start3A_194 = tpu.memref_slice %arg5[%add3A_180, %dma_start3A_193] : memref<320000x128xf32, #tpu.memory_space<hbm>> -> memref<40x128xf32, #tpu.memory_space<hbm>>
        tpu.enqueue_dma source(%dma_start3A_194 : memref<40x128xf32, #tpu.memory_space<hbm>>) target(%arg18 : memref<40x128xf32, #tpu.memory_space<vmem>>) target_semaphore(%arg25 : memref<!tpu.dma_semaphore, #tpu.memory_space<semaphore_mem>>)
      } else {
      }
      %ge3A = arith.constant 2 : i32
      %ge3A_95 = arith.cmpi sge, %add3A_71, %ge3A : i32
      %convert_element_type3A_96 = arith.extui %ge3A_95 : i1 to i32
      %cond3A_97 = arith.constant 0 : i32
      %cond3A_98 = arith.cmpi ne, %convert_element_type3A_96, %cond3A_97 : i32
      scf.if %cond3A_98 {
        %dma_wait3A_168 = arith.constant 0 : i32
        %dma_wait3A_169 = arith.constant 0 : i32
        %dma_wait3A_170 = tpu.memref_slice %arg8[%arg0, %dma_wait3A_168, %dma_wait3A_169] : memref<2x320000x128xf32, #tpu.memory_space<hbm>> -> memref<1x40x128xf32, #tpu.memory_space<hbm>>
        %dma_wait3A_171 = tpu.memref_squeeze %dma_wait3A_170 : memref<1x40x128xf32, #tpu.memory_space<hbm>> -> memref<40x128xf32, #tpu.memory_space<hbm>>
        %dma_wait3A_172 = arith.constant 0 : i32
        %dma_wait3A_173 = arith.constant 0 : i32
        %dma_wait3A_174 = tpu.memref_slice %arg8[%arg0, %dma_wait3A_172, %dma_wait3A_173] : memref<2x320000x128xf32, #tpu.memory_space<hbm>> -> memref<1x40x128xf32, #tpu.memory_space<hbm>>
        %dma_wait3A_175 = tpu.memref_squeeze %dma_wait3A_174 : memref<1x40x128xf32, #tpu.memory_space<hbm>> -> memref<40x128xf32, #tpu.memory_space<hbm>>
        tpu.wait_dma2 semaphore(%arg26 : memref<!tpu.dma_semaphore, #tpu.memory_space<semaphore_mem>>) src(%arg20 : memref<40x128xf32, #tpu.memory_space<vmem>>) dst(%dma_wait3A_175 : memref<40x128xf32, #tpu.memory_space<hbm>>)
      } else {
      }
      %parallel_loop3A = arith.constant 0 : i32
      %parallel_loop3A_99 = arith.constant 40 : i32
      %parallel_loop3A_100 = arith.constant 1 : i32
      scf.for %parallel_loop3A_168 = %parallel_loop3A to %parallel_loop3A_99 step %parallel_loop3A_100  : i32 {
        %parallel_loop3A_169 = arith.constant 64 : i32
        %parallel_loop3A_170 = arith.muli %arg0, %parallel_loop3A_169 : i32
        %parallel_loop3A_171 = arith.constant 0 : i32
        %parallel_loop3A_172 = arith.addi %parallel_loop3A_170, %parallel_loop3A_171 : i32
        %parallel_loop3A_173 = arith.index_cast %parallel_loop3A_168 : i32 to index
        %parallel_loop3A_174 = arith.constant 0 : index
        %parallel_loop3A_175 = tpu.vector_load %arg13[%parallel_loop3A_173, %parallel_loop3A_174] {strides = array<i32>} : memref<40x128xf32, #tpu.memory_space<vmem>>, vector<1x16xf32>,
        %parallel_loop3A_176 = vector.shape_cast %parallel_loop3A_175 : vector<1x16xf32> to vector<16xf32>
        %parallel_loop3A_177 = arith.index_cast %parallel_loop3A_168 : i32 to index
        %parallel_loop3A_178 = arith.index_cast %parallel_loop3A_172 : i32 to index
        %parallel_loop3A_179 = tpu.vector_load %arg15[%parallel_loop3A_177, %parallel_loop3A_178] {strides = array<i32>} : memref<40x128xf32, #tpu.memory_space<vmem>>, vector<1x16xf32>,
        %parallel_loop3A_180 = vector.shape_cast %parallel_loop3A_179 : vector<1x16xf32> to vector<16xf32>
        %parallel_loop3A_181 = arith.addf %parallel_loop3A_176, %parallel_loop3A_180 : vector<16xf32>
        %parallel_loop3A_182 = arith.index_cast %parallel_loop3A_168 : i32 to index
        %parallel_loop3A_183 = arith.index_cast %parallel_loop3A_172 : i32 to index
        %parallel_loop3A_184 = tpu.vector_load %arg17[%parallel_loop3A_182, %parallel_loop3A_183] {strides = array<i32>} : memref<40x128xf32, #tpu.memory_space<vmem>>, vector<1x16xf32>,
        %parallel_loop3A_185 = vector.shape_cast %parallel_loop3A_184 : vector<1x16xf32> to vector<16xf32>
        %parallel_loop3A_186 = arith.addf %parallel_loop3A_181, %parallel_loop3A_185 : vector<16xf32>
        %parallel_loop3A_187 = arith.constant 0.000000e+00 : f32
        %parallel_loop3A_188 = vector.broadcast %parallel_loop3A_187 : f32 to vector<16xf32>
        %parallel_loop3A_189 = arith.subf %parallel_loop3A_188, %parallel_loop3A_186 : vector<16xf32>
        %parallel_loop3A_190 = math.exp %parallel_loop3A_189 : vector<16xf32>
        %parallel_loop3A_191 = arith.constant 1.000000e+00 : f32
        %parallel_loop3A_192 = vector.broadcast %parallel_loop3A_191 : f32 to vector<16xf32>
        %parallel_loop3A_193 = arith.addf %parallel_loop3A_192, %parallel_loop3A_190 : vector<16xf32>
        %parallel_loop3A_194 = arith.constant 1.000000e+00 : f32
        %parallel_loop3A_195 = vector.broadcast %parallel_loop3A_194 : f32 to vector<16xf32>
        %parallel_loop3A_196 = arith.divf %parallel_loop3A_195, %parallel_loop3A_193 : vector<16xf32>
        %parallel_loop3A_197 = arith.index_cast %parallel_loop3A_168 : i32 to index
        %parallel_loop3A_198 = arith.constant 64 : index
        %parallel_loop3A_199 = tpu.vector_load %arg13[%parallel_loop3A_197, %parallel_loop3A_198] {strides = array<i32>} : memref<40x128xf32, #tpu.memory_space<vmem>>, vector<1x16xf32>,
        %parallel_loop3A_200 = vector.shape_cast %parallel_loop3A_199 : vector<1x16xf32> to vector<16xf32>
        %parallel_loop3A_201 = arith.mulf %parallel_loop3A_196, %parallel_loop3A_200 : vector<16xf32>
        %parallel_loop3A_202 = arith.index_cast %parallel_loop3A_168 : i32 to index
        %parallel_loop3A_203 = arith.constant 0 : index
        %parallel_loop3A_204 = tpu.vector_load %arg19[%parallel_loop3A_202, %parallel_loop3A_203] {strides = array<i32>} : memref<40x128xf32, #tpu.memory_space<vmem>>, vector<1x16xf32>,
        %parallel_loop3A_205 = vector.shape_cast %parallel_loop3A_204 : vector<1x16xf32> to vector<16xf32>
        %parallel_loop3A_206 = vector.shape_cast %parallel_loop3A_201 : vector<16xf32> to vector<1x16xf32>
        tpu.vector_store %arg19[%parallel_loop3A_202, %parallel_loop3A_203], %parallel_loop3A_206 {strides = array<i32>} : memref<40x128xf32, #tpu.memory_space<vmem>>, vector<1x16xf32>,
        %parallel_loop3A_207 = arith.index_cast %parallel_loop3A_168 : i32 to index
        %parallel_loop3A_208 = arith.constant 64 : index
        %parallel_loop3A_209 = tpu.vector_load %arg19[%parallel_loop3A_207, %parallel_loop3A_208] {strides = array<i32>} : memref<40x128xf32, #tpu.memory_space<vmem>>, vector<1x16xf32>,
        %parallel_loop3A_210 = vector.shape_cast %parallel_loop3A_209 : vector<1x16xf32> to vector<16xf32>
        %parallel_loop3A_211 = vector.shape_cast %parallel_loop3A_196 : vector<16xf32> to vector<1x16xf32>
        tpu.vector_store %arg19[%parallel_loop3A_207, %parallel_loop3A_208], %parallel_loop3A_211 {strides = array<i32>} : memref<40x128xf32, #tpu.memory_space<vmem>>, vector<1x16xf32>,
        %parallel_loop3A_212 = arith.index_cast %parallel_loop3A_168 : i32 to index
        %parallel_loop3A_213 = arith.index_cast %parallel_loop3A_172 : i32 to index
        %parallel_loop3A_214 = tpu.vector_load %arg20[%parallel_loop3A_212, %parallel_loop3A_213] {strides = array<i32>} : memref<40x128xf32, #tpu.memory_space<vmem>>, vector<1x16xf32>,
        %parallel_loop3A_215 = vector.shape_cast %parallel_loop3A_214 : vector<1x16xf32> to vector<16xf32>
        %parallel_loop3A_216 = vector.shape_cast %parallel_loop3A_186 : vector<16xf32> to vector<1x16xf32>
        tpu.vector_store %arg20[%parallel_loop3A_212, %parallel_loop3A_213], %parallel_loop3A_216 {strides = array<i32>} : memref<40x128xf32, #tpu.memory_space<vmem>>, vector<1x16xf32>,
        %parallel_loop3A_217 = arith.constant 64 : i32
        %parallel_loop3A_218 = arith.muli %arg0, %parallel_loop3A_217 : i32
        %parallel_loop3A_219 = arith.constant 16 : i32
        %parallel_loop3A_220 = arith.addi %parallel_loop3A_218, %parallel_loop3A_219 : i32
        %parallel_loop3A_221 = arith.index_cast %parallel_loop3A_168 : i32 to index
        %parallel_loop3A_222 = arith.constant 16 : index
        %parallel_loop3A_223 = tpu.vector_load %arg13[%parallel_loop3A_221, %parallel_loop3A_222] {strides = array<i32>} : memref<40x128xf32, #tpu.memory_space<vmem>>, vector<1x16xf32>,
        %parallel_loop3A_224 = vector.shape_cast %parallel_loop3A_223 : vector<1x16xf32> to vector<16xf32>
        %parallel_loop3A_225 = arith.index_cast %parallel_loop3A_168 : i32 to index
        %parallel_loop3A_226 = arith.index_cast %parallel_loop3A_220 : i32 to index
        %parallel_loop3A_227 = tpu.vector_load %arg15[%parallel_loop3A_225, %parallel_loop3A_226] {strides = array<i32>} : memref<40x128xf32, #tpu.memory_space<vmem>>, vector<1x16xf32>,
        %parallel_loop3A_228 = vector.shape_cast %parallel_loop3A_227 : vector<1x16xf32> to vector<16xf32>
        %parallel_loop3A_229 = arith.addf %parallel_loop3A_224, %parallel_loop3A_228 : vector<16xf32>
        %parallel_loop3A_230 = arith.index_cast %parallel_loop3A_168 : i32 to index
        %parallel_loop3A_231 = arith.index_cast %parallel_loop3A_220 : i32 to index
        %parallel_loop3A_232 = tpu.vector_load %arg17[%parallel_loop3A_230, %parallel_loop3A_231] {strides = array<i32>} : memref<40x128xf32, #tpu.memory_space<vmem>>, vector<1x16xf32>,
        %parallel_loop3A_233 = vector.shape_cast %parallel_loop3A_232 : vector<1x16xf32> to vector<16xf32>
        %parallel_loop3A_234 = arith.addf %parallel_loop3A_229, %parallel_loop3A_233 : vector<16xf32>
        %parallel_loop3A_235 = arith.constant 0.000000e+00 : f32
        %parallel_loop3A_236 = vector.broadcast %parallel_loop3A_235 : f32 to vector<16xf32>
        %parallel_loop3A_237 = arith.subf %parallel_loop3A_236, %parallel_loop3A_234 : vector<16xf32>
        %parallel_loop3A_238 = math.exp %parallel_loop3A_237 : vector<16xf32>
        %parallel_loop3A_239 = arith.constant 1.000000e+00 : f32
        %parallel_loop3A_240 = vector.broadcast %parallel_loop3A_239 : f32 to vector<16xf32>
        %parallel_loop3A_241 = arith.addf %parallel_loop3A_240, %parallel_loop3A_238 : vector<16xf32>
        %parallel_loop3A_242 = arith.constant 1.000000e+00 : f32
        %parallel_loop3A_243 = vector.broadcast %parallel_loop3A_242 : f32 to vector<16xf32>
        %parallel_loop3A_244 = arith.divf %parallel_loop3A_243, %parallel_loop3A_241 : vector<16xf32>
        %parallel_loop3A_245 = arith.index_cast %parallel_loop3A_168 : i32 to index
        %parallel_loop3A_246 = arith.constant 80 : index
        %parallel_loop3A_247 = tpu.vector_load %arg13[%parallel_loop3A_245, %parallel_loop3A_246] {strides = array<i32>} : memref<40x128xf32, #tpu.memory_space<vmem>>, vector<1x16xf32>,
        %parallel_loop3A_248 = vector.shape_cast %parallel_loop3A_247 : vector<1x16xf32> to vector<16xf32>
        %parallel_loop3A_249 = arith.mulf %parallel_loop3A_244, %parallel_loop3A_248 : vector<16xf32>
        %parallel_loop3A_250 = arith.index_cast %parallel_loop3A_168 : i32 to index
        %parallel_loop3A_251 = arith.constant 16 : index
        %parallel_loop3A_252 = tpu.vector_load %arg19[%parallel_loop3A_250, %parallel_loop3A_251] {strides = array<i32>} : memref<40x128xf32, #tpu.memory_space<vmem>>, vector<1x16xf32>,
        %parallel_loop3A_253 = vector.shape_cast %parallel_loop3A_252 : vector<1x16xf32> to vector<16xf32>
        %parallel_loop3A_254 = vector.shape_cast %parallel_loop3A_249 : vector<16xf32> to vector<1x16xf32>
        tpu.vector_store %arg19[%parallel_loop3A_250, %parallel_loop3A_251], %parallel_loop3A_254 {strides = array<i32>} : memref<40x128xf32, #tpu.memory_space<vmem>>, vector<1x16xf32>,
        %parallel_loop3A_255 = arith.index_cast %parallel_loop3A_168 : i32 to index
        %parallel_loop3A_256 = arith.constant 80 : index
        %parallel_loop3A_257 = tpu.vector_load %arg19[%parallel_loop3A_255, %parallel_loop3A_256] {strides = array<i32>} : memref<40x128xf32, #tpu.memory_space<vmem>>, vector<1x16xf32>,
        %parallel_loop3A_258 = vector.shape_cast %parallel_loop3A_257 : vector<1x16xf32> to vector<16xf32>
        %parallel_loop3A_259 = vector.shape_cast %parallel_loop3A_244 : vector<16xf32> to vector<1x16xf32>
        tpu.vector_store %arg19[%parallel_loop3A_255, %parallel_loop3A_256], %parallel_loop3A_259 {strides = array<i32>} : memref<40x128xf32, #tpu.memory_space<vmem>>, vector<1x16xf32>,
        %parallel_loop3A_260 = arith.index_cast %parallel_loop3A_168 : i32 to index
        %parallel_loop3A_261 = arith.index_cast %parallel_loop3A_220 : i32 to index
        %parallel_loop3A_262 = tpu.vector_load %arg20[%parallel_loop3A_260, %parallel_loop3A_261] {strides = array<i32>} : memref<40x128xf32, #tpu.memory_space<vmem>>, vector<1x16xf32>,
        %parallel_loop3A_263 = vector.shape_cast %parallel_loop3A_262 : vector<1x16xf32> to vector<16xf32>
        %parallel_loop3A_264 = vector.shape_cast %parallel_loop3A_234 : vector<16xf32> to vector<1x16xf32>
        tpu.vector_store %arg20[%parallel_loop3A_260, %parallel_loop3A_261], %parallel_loop3A_264 {strides = array<i32>} : memref<40x128xf32, #tpu.memory_space<vmem>>, vector<1x16xf32>,
        %parallel_loop3A_265 = arith.constant 64 : i32
        %parallel_loop3A_266 = arith.muli %arg0, %parallel_loop3A_265 : i32
        %parallel_loop3A_267 = arith.constant 32 : i32
        %parallel_loop3A_268 = arith.addi %parallel_loop3A_266, %parallel_loop3A_267 : i32
        %parallel_loop3A_269 = arith.index_cast %parallel_loop3A_168 : i32 to index
        %parallel_loop3A_270 = arith.constant 32 : index
        %parallel_loop3A_271 = tpu.vector_load %arg13[%parallel_loop3A_269, %parallel_loop3A_270] {strides = array<i32>} : memref<40x128xf32, #tpu.memory_space<vmem>>, vector<1x16xf32>,
        %parallel_loop3A_272 = vector.shape_cast %parallel_loop3A_271 : vector<1x16xf32> to vector<16xf32>
        %parallel_loop3A_273 = arith.index_cast %parallel_loop3A_168 : i32 to index
        %parallel_loop3A_274 = arith.index_cast %parallel_loop3A_268 : i32 to index
        %parallel_loop3A_275 = tpu.vector_load %arg15[%parallel_loop3A_273, %parallel_loop3A_274] {strides = array<i32>} : memref<40x128xf32, #tpu.memory_space<vmem>>, vector<1x16xf32>,
        %parallel_loop3A_276 = vector.shape_cast %parallel_loop3A_275 : vector<1x16xf32> to vector<16xf32>
        %parallel_loop3A_277 = arith.addf %parallel_loop3A_272, %parallel_loop3A_276 : vector<16xf32>
        %parallel_loop3A_278 = arith.index_cast %parallel_loop3A_168 : i32 to index
        %parallel_loop3A_279 = arith.index_cast %parallel_loop3A_268 : i32 to index
        %parallel_loop3A_280 = tpu.vector_load %arg17[%parallel_loop3A_278, %parallel_loop3A_279] {strides = array<i32>} : memref<40x128xf32, #tpu.memory_space<vmem>>, vector<1x16xf32>,
        %parallel_loop3A_281 = vector.shape_cast %parallel_loop3A_280 : vector<1x16xf32> to vector<16xf32>
        %parallel_loop3A_282 = arith.addf %parallel_loop3A_277, %parallel_loop3A_281 : vector<16xf32>
        %parallel_loop3A_283 = arith.constant 0.000000e+00 : f32
        %parallel_loop3A_284 = vector.broadcast %parallel_loop3A_283 : f32 to vector<16xf32>
        %parallel_loop3A_285 = arith.subf %parallel_loop3A_284, %parallel_loop3A_282 : vector<16xf32>
        %parallel_loop3A_286 = math.exp %parallel_loop3A_285 : vector<16xf32>
        %parallel_loop3A_287 = arith.constant 1.000000e+00 : f32
        %parallel_loop3A_288 = vector.broadcast %parallel_loop3A_287 : f32 to vector<16xf32>
        %parallel_loop3A_289 = arith.addf %parallel_loop3A_288, %parallel_loop3A_286 : vector<16xf32>
        %parallel_loop3A_290 = arith.constant 1.000000e+00 : f32
        %parallel_loop3A_291 = vector.broadcast %parallel_loop3A_290 : f32 to vector<16xf32>
        %parallel_loop3A_292 = arith.divf %parallel_loop3A_291, %parallel_loop3A_289 : vector<16xf32>
        %parallel_loop3A_293 = arith.index_cast %parallel_loop3A_168 : i32 to index
        %parallel_loop3A_294 = arith.constant 96 : index
        %parallel_loop3A_295 = tpu.vector_load %arg13[%parallel_loop3A_293, %parallel_loop3A_294] {strides = array<i32>} : memref<40x128xf32, #tpu.memory_space<vmem>>, vector<1x16xf32>,
        %parallel_loop3A_296 = vector.shape_cast %parallel_loop3A_295 : vector<1x16xf32> to vector<16xf32>
        %parallel_loop3A_297 = arith.mulf %parallel_loop3A_292, %parallel_loop3A_296 : vector<16xf32>
        %parallel_loop3A_298 = arith.index_cast %parallel_loop3A_168 : i32 to index
        %parallel_loop3A_299 = arith.constant 32 : index
        %parallel_loop3A_300 = tpu.vector_load %arg19[%parallel_loop3A_298, %parallel_loop3A_299] {strides = array<i32>} : memref<40x128xf32, #tpu.memory_space<vmem>>, vector<1x16xf32>,
        %parallel_loop3A_301 = vector.shape_cast %parallel_loop3A_300 : vector<1x16xf32> to vector<16xf32>
        %parallel_loop3A_302 = vector.shape_cast %parallel_loop3A_297 : vector<16xf32> to vector<1x16xf32>
        tpu.vector_store %arg19[%parallel_loop3A_298, %parallel_loop3A_299], %parallel_loop3A_302 {strides = array<i32>} : memref<40x128xf32, #tpu.memory_space<vmem>>, vector<1x16xf32>,
        %parallel_loop3A_303 = arith.index_cast %parallel_loop3A_168 : i32 to index
        %parallel_loop3A_304 = arith.constant 96 : index
        %parallel_loop3A_305 = tpu.vector_load %arg19[%parallel_loop3A_303, %parallel_loop3A_304] {strides = array<i32>} : memref<40x128xf32, #tpu.memory_space<vmem>>, vector<1x16xf32>,
        %parallel_loop3A_306 = vector.shape_cast %parallel_loop3A_305 : vector<1x16xf32> to vector<16xf32>
        %parallel_loop3A_307 = vector.shape_cast %parallel_loop3A_292 : vector<16xf32> to vector<1x16xf32>
        tpu.vector_store %arg19[%parallel_loop3A_303, %parallel_loop3A_304], %parallel_loop3A_307 {strides = array<i32>} : memref<40x128xf32, #tpu.memory_space<vmem>>, vector<1x16xf32>,
        %parallel_loop3A_308 = arith.index_cast %parallel_loop3A_168 : i32 to index
        %parallel_loop3A_309 = arith.index_cast %parallel_loop3A_268 : i32 to index
        %parallel_loop3A_310 = tpu.vector_load %arg20[%parallel_loop3A_308, %parallel_loop3A_309] {strides = array<i32>} : memref<40x128xf32, #tpu.memory_space<vmem>>, vector<1x16xf32>,
        %parallel_loop3A_311 = vector.shape_cast %parallel_loop3A_310 : vector<1x16xf32> to vector<16xf32>
        %parallel_loop3A_312 = vector.shape_cast %parallel_loop3A_282 : vector<16xf32> to vector<1x16xf32>
        tpu.vector_store %arg20[%parallel_loop3A_308, %parallel_loop3A_309], %parallel_loop3A_312 {strides = array<i32>} : memref<40x128xf32, #tpu.memory_space<vmem>>, vector<1x16xf32>,
        %parallel_loop3A_313 = arith.constant 64 : i32
        %parallel_loop3A_314 = arith.muli %arg0, %parallel_loop3A_313 : i32
        %parallel_loop3A_315 = arith.constant 48 : i32
        %parallel_loop3A_316 = arith.addi %parallel_loop3A_314, %parallel_loop3A_315 : i32
        %parallel_loop3A_317 = arith.index_cast %parallel_loop3A_168 : i32 to index
        %parallel_loop3A_318 = arith.constant 48 : index
        %parallel_loop3A_319 = tpu.vector_load %arg13[%parallel_loop3A_317, %parallel_loop3A_318] {strides = array<i32>} : memref<40x128xf32, #tpu.memory_space<vmem>>, vector<1x16xf32>,
        %parallel_loop3A_320 = vector.shape_cast %parallel_loop3A_319 : vector<1x16xf32> to vector<16xf32>
        %parallel_loop3A_321 = arith.index_cast %parallel_loop3A_168 : i32 to index
        %parallel_loop3A_322 = arith.index_cast %parallel_loop3A_316 : i32 to index
        %parallel_loop3A_323 = tpu.vector_load %arg15[%parallel_loop3A_321, %parallel_loop3A_322] {strides = array<i32>} : memref<40x128xf32, #tpu.memory_space<vmem>>, vector<1x16xf32>,
        %parallel_loop3A_324 = vector.shape_cast %parallel_loop3A_323 : vector<1x16xf32> to vector<16xf32>
        %parallel_loop3A_325 = arith.addf %parallel_loop3A_320, %parallel_loop3A_324 : vector<16xf32>
        %parallel_loop3A_326 = arith.index_cast %parallel_loop3A_168 : i32 to index
        %parallel_loop3A_327 = arith.index_cast %parallel_loop3A_316 : i32 to index
        %parallel_loop3A_328 = tpu.vector_load %arg17[%parallel_loop3A_326, %parallel_loop3A_327] {strides = array<i32>} : memref<40x128xf32, #tpu.memory_space<vmem>>, vector<1x16xf32>,
        %parallel_loop3A_329 = vector.shape_cast %parallel_loop3A_328 : vector<1x16xf32> to vector<16xf32>
        %parallel_loop3A_330 = arith.addf %parallel_loop3A_325, %parallel_loop3A_329 : vector<16xf32>
        %parallel_loop3A_331 = arith.constant 0.000000e+00 : f32
        %parallel_loop3A_332 = vector.broadcast %parallel_loop3A_331 : f32 to vector<16xf32>
        %parallel_loop3A_333 = arith.subf %parallel_loop3A_332, %parallel_loop3A_330 : vector<16xf32>
        %parallel_loop3A_334 = math.exp %parallel_loop3A_333 : vector<16xf32>
        %parallel_loop3A_335 = arith.constant 1.000000e+00 : f32
        %parallel_loop3A_336 = vector.broadcast %parallel_loop3A_335 : f32 to vector<16xf32>
        %parallel_loop3A_337 = arith.addf %parallel_loop3A_336, %parallel_loop3A_334 : vector<16xf32>
        %parallel_loop3A_338 = arith.constant 1.000000e+00 : f32
        %parallel_loop3A_339 = vector.broadcast %parallel_loop3A_338 : f32 to vector<16xf32>
        %parallel_loop3A_340 = arith.divf %parallel_loop3A_339, %parallel_loop3A_337 : vector<16xf32>
        %parallel_loop3A_341 = arith.index_cast %parallel_loop3A_168 : i32 to index
        %parallel_loop3A_342 = arith.constant 112 : index
        %parallel_loop3A_343 = tpu.vector_load %arg13[%parallel_loop3A_341, %parallel_loop3A_342] {strides = array<i32>} : memref<40x128xf32, #tpu.memory_space<vmem>>, vector<1x16xf32>,
        %parallel_loop3A_344 = vector.shape_cast %parallel_loop3A_343 : vector<1x16xf32> to vector<16xf32>
        %parallel_loop3A_345 = arith.mulf %parallel_loop3A_340, %parallel_loop3A_344 : vector<16xf32>
        %parallel_loop3A_346 = arith.index_cast %parallel_loop3A_168 : i32 to index
        %parallel_loop3A_347 = arith.constant 48 : index
        %parallel_loop3A_348 = tpu.vector_load %arg19[%parallel_loop3A_346, %parallel_loop3A_347] {strides = array<i32>} : memref<40x128xf32, #tpu.memory_space<vmem>>, vector<1x16xf32>,
        %parallel_loop3A_349 = vector.shape_cast %parallel_loop3A_348 : vector<1x16xf32> to vector<16xf32>
        %parallel_loop3A_350 = vector.shape_cast %parallel_loop3A_345 : vector<16xf32> to vector<1x16xf32>
        tpu.vector_store %arg19[%parallel_loop3A_346, %parallel_loop3A_347], %parallel_loop3A_350 {strides = array<i32>} : memref<40x128xf32, #tpu.memory_space<vmem>>, vector<1x16xf32>,
        %parallel_loop3A_351 = arith.index_cast %parallel_loop3A_168 : i32 to index
        %parallel_loop3A_352 = arith.constant 112 : index
        %parallel_loop3A_353 = tpu.vector_load %arg19[%parallel_loop3A_351, %parallel_loop3A_352] {strides = array<i32>} : memref<40x128xf32, #tpu.memory_space<vmem>>, vector<1x16xf32>,
        %parallel_loop3A_354 = vector.shape_cast %parallel_loop3A_353 : vector<1x16xf32> to vector<16xf32>
        %parallel_loop3A_355 = vector.shape_cast %parallel_loop3A_340 : vector<16xf32> to vector<1x16xf32>
        tpu.vector_store %arg19[%parallel_loop3A_351, %parallel_loop3A_352], %parallel_loop3A_355 {strides = array<i32>} : memref<40x128xf32, #tpu.memory_space<vmem>>, vector<1x16xf32>,
        %parallel_loop3A_356 = arith.index_cast %parallel_loop3A_168 : i32 to index
        %parallel_loop3A_357 = arith.index_cast %parallel_loop3A_316 : i32 to index
        %parallel_loop3A_358 = tpu.vector_load %arg20[%parallel_loop3A_356, %parallel_loop3A_357] {strides = array<i32>} : memref<40x128xf32, #tpu.memory_space<vmem>>, vector<1x16xf32>,
        %parallel_loop3A_359 = vector.shape_cast %parallel_loop3A_358 : vector<1x16xf32> to vector<16xf32>
        %parallel_loop3A_360 = vector.shape_cast %parallel_loop3A_330 : vector<16xf32> to vector<1x16xf32>
        tpu.vector_store %arg20[%parallel_loop3A_356, %parallel_loop3A_357], %parallel_loop3A_360 {strides = array<i32>} : memref<40x128xf32, #tpu.memory_space<vmem>>, vector<1x16xf32>,
      } {sc.loop_unroll_factor = 2 : i64, sc.parallel_access}
      "tpu.region"() ({
        %run_scoped3A = tpu.sem_alloc : memref<!tpu.dma_semaphore, #tpu.memory_space<semaphore_mem>>
        %dma_start3A_168 = arith.constant 0 : i32
        %dma_start3A_169 = arith.constant 0 : i32
        %dma_start3A_170 = tpu.memref_slice %arg28[%dma_start3A_168, %dma_start3A_169] : memref<10000x128xf32, #tpu.memory_space<vmem_shared>> -> memref<10000x128xf32, #tpu.memory_space<vmem_shared>>
        tpu.enqueue_indirect_dma source(%arg19 : memref<40x128xf32, #tpu.memory_space<vmem>>) target(%dma_start3A_170 : memref<10000x128xf32, #tpu.memory_space<vmem_shared>>) offsets(%arg10 : memref<40xi32, #tpu.memory_space<vmem>>) semaphore(%run_scoped3A : memref<!tpu.dma_semaphore, #tpu.memory_space<semaphore_mem>>) {add = true}
        %dma_wait3A_171 = arith.constant 0 : i32
        %dma_wait3A_172 = arith.constant 0 : i32
        %dma_wait3A_173 = tpu.memref_slice %arg28[%dma_wait3A_171, %dma_wait3A_172] : memref<10000x128xf32, #tpu.memory_space<vmem_shared>> -> memref<10000x128xf32, #tpu.memory_space<vmem_shared>>
        tpu.wait_indirect_dma semaphore(%run_scoped3A : memref<!tpu.dma_semaphore, #tpu.memory_space<semaphore_mem>>) src(%arg19 : memref<40x128xf32, #tpu.memory_space<vmem>>) dst(%dma_wait3A_173 : memref<10000x128xf32, #tpu.memory_space<vmem_shared>>)
        tpu.yield
      }) : () -> ()
      %mul3A_101 = arith.constant 40 : i32
      %mul3A_102 = arith.muli %add3A_71, %mul3A_101 : i32
      %add3A_103 = arith.addi %mul3A_0, %mul3A_102 : i32
      %dma_start3A_104 = arith.constant 0 : i32
      %dma_start3A_105 = tpu.memref_slice %arg8[%arg0, %add3A_103, %dma_start3A_104] : memref<2x320000x128xf32, #tpu.memory_space<hbm>> -> memref<1x40x128xf32, #tpu.memory_space<hbm>>
      %dma_start3A_106 = tpu.memref_squeeze %dma_start3A_105 : memref<1x40x128xf32, #tpu.memory_space<hbm>> -> memref<40x128xf32, #tpu.memory_space<hbm>>
      %dma_start3A_107 = arith.constant 0 : i32
      %dma_start3A_108 = tpu.memref_slice %arg8[%arg0, %add3A_103, %dma_start3A_107] : memref<2x320000x128xf32, #tpu.memory_space<hbm>> -> memref<1x40x128xf32, #tpu.memory_space<hbm>>
      %dma_start3A_109 = tpu.memref_squeeze %dma_start3A_108 : memref<1x40x128xf32, #tpu.memory_space<hbm>> -> memref<40x128xf32, #tpu.memory_space<hbm>>
      tpu.enqueue_dma source(%arg20 : memref<40x128xf32, #tpu.memory_space<vmem>>) target(%dma_start3A_109 : memref<40x128xf32, #tpu.memory_space<hbm>>) target_semaphore(%arg26 : memref<!tpu.dma_semaphore, #tpu.memory_space<semaphore_mem>>)
      %add3A_110 = arith.constant 2 : i32
      %add3A_111 = arith.addi %add3A_71, %add3A_110 : i32
      %lt3A_112 = arith.constant 500 : i32
      %lt3A_113 = arith.cmpi slt, %add3A_111, %lt3A_112 : i32
      %convert_element_type3A_114 = arith.extui %lt3A_113 : i1 to i32
      %cond3A_115 = arith.constant 0 : i32
      %cond3A_116 = arith.cmpi ne, %convert_element_type3A_114, %cond3A_115 : i32
      scf.if %cond3A_116 {
        %add3A_168 = arith.constant 2 : i32
        %add3A_169 = arith.addi %add3A_71, %add3A_168 : i32
        %mul3A_170 = arith.constant 40 : i32
        %mul3A_171 = arith.muli %add3A_169, %mul3A_170 : i32
        %add3A_172 = arith.addi %mul3A_0, %mul3A_171 : i32
        %dma_start3A_173 = tpu.memref_slice %arg2[%add3A_172] : memref<640000xi32, #tpu.memory_space<hbm>> -> memref<40xi32, #tpu.memory_space<hbm>>
        %dma_start3A_174 = tpu.memref_slice %arg2[%add3A_172] : memref<640000xi32, #tpu.memory_space<hbm>> -> memref<40xi32, #tpu.memory_space<hbm>>
        tpu.enqueue_dma source(%dma_start3A_174 : memref<40xi32, #tpu.memory_space<hbm>>) target(%arg9 : memref<40xi32, #tpu.memory_space<vmem>>) target_semaphore(%arg22 : memref<!tpu.dma_semaphore, #tpu.memory_space<semaphore_mem>>)
        %add3A_175 = arith.constant 320000 : i32
        %add3A_176 = arith.addi %add3A_175, %add3A_172 : i32
        %dma_start3A_177 = tpu.memref_slice %arg2[%add3A_176] : memref<640000xi32, #tpu.memory_space<hbm>> -> memref<40xi32, #tpu.memory_space<hbm>>
        %dma_start3A_178 = tpu.memref_slice %arg2[%add3A_176] : memref<640000xi32, #tpu.memory_space<hbm>> -> memref<40xi32, #tpu.memory_space<hbm>>
        tpu.enqueue_dma source(%dma_start3A_178 : memref<40xi32, #tpu.memory_space<hbm>>) target(%arg10 : memref<40xi32, #tpu.memory_space<vmem>>) target_semaphore(%arg22 : memref<!tpu.dma_semaphore, #tpu.memory_space<semaphore_mem>>)
      } else {
      }
      %mul3A_117 = arith.constant 2 : i32
      %mul3A_118 = arith.muli %scan3A_67, %mul3A_117 : i32
      %add3A_119 = arith.constant 1 : i32
      %add3A_120 = arith.addi %mul3A_118, %add3A_119 : i32
      %dma_wait3A_121 = arith.constant 0 : i32
      %dma_wait3A_122 = arith.constant 0 : i32
      %dma_wait3A_123 = tpu.memref_slice %arg3[%arg0, %dma_wait3A_121, %dma_wait3A_122] : memref<2x10000x128xf32, #tpu.memory_space<hbm>> -> memref<1x10000x128xf32, #tpu.memory_space<hbm>>
      %dma_wait3A_124 = tpu.memref_squeeze %dma_wait3A_123 : memref<1x10000x128xf32, #tpu.memory_space<hbm>> -> memref<10000x128xf32, #tpu.memory_space<hbm>>
      %dma_wait3A_125 = arith.constant 0 : i32
      %dma_wait3A_126 = arith.constant 0 : i32
      %dma_wait3A_127 = tpu.memref_slice %dma_wait3A_124[%dma_wait3A_125, %dma_wait3A_126] : memref<10000x128xf32, #tpu.memory_space<hbm>> -> memref<10000x128xf32, #tpu.memory_space<hbm>>
      tpu.wait_indirect_dma semaphore(%arg25 : memref<!tpu.dma_semaphore, #tpu.memory_space<semaphore_mem>>) src(%dma_wait3A_127 : memref<10000x128xf32, #tpu.memory_space<hbm>>) dst(%arg14 : memref<40x128xf32, #tpu.memory_space<vmem>>)
      %dma_wait3A_128 = arith.constant 0 : i32
      %dma_wait3A_129 = arith.constant 0 : i32
      %dma_wait3A_130 = tpu.memref_slice %arg4[%dma_wait3A_128, %dma_wait3A_129] : memref<10000x128xf32, #tpu.memory_space<hbm>> -> memref<10000x128xf32, #tpu.memory_space<hbm>>
      tpu.wait_indirect_dma semaphore(%arg25 : memref<!tpu.dma_semaphore, #tpu.memory_space<semaphore_mem>>) src(%dma_wait3A_130 : memref<10000x128xf32, #tpu.memory_space<hbm>>) dst(%arg16 : memref<40x128xf32, #tpu.memory_space<vmem>>)
      %dma_wait3A_131 = arith.constant 0 : i32
      %dma_wait3A_132 = arith.constant 0 : i32
      %dma_wait3A_133 = tpu.memref_slice %arg5[%dma_wait3A_131, %dma_wait3A_132] : memref<320000x128xf32, #tpu.memory_space<hbm>> -> memref<40x128xf32, #tpu.memory_space<hbm>>
      %dma_wait3A_134 = arith.constant 0 : i32
      %dma_wait3A_135 = arith.constant 0 : i32
      %dma_wait3A_136 = tpu.memref_slice %arg5[%dma_wait3A_134, %dma_wait3A_135] : memref<320000x128xf32, #tpu.memory_space<hbm>> -> memref<40x128xf32, #tpu.memory_space<hbm>>
      tpu.wait_dma2 semaphore(%arg25 : memref<!tpu.dma_semaphore, #tpu.memory_space<semaphore_mem>>) src(%dma_wait3A_136 : memref<40x128xf32, #tpu.memory_space<hbm>>) dst(%arg18 : memref<40x128xf32, #tpu.memory_space<vmem>>)
      %add3A_137 = arith.constant 1 : i32
      %add3A_138 = arith.addi %add3A_120, %add3A_137 : i32
      %lt3A_139 = arith.constant 500 : i32
      %lt3A_140 = arith.cmpi slt, %add3A_138, %lt3A_139 : i32
      %convert_element_type3A_141 = arith.extui %lt3A_140 : i1 to i32
      %cond3A_142 = arith.constant 0 : i32
      %cond3A_143 = arith.cmpi ne, %convert_element_type3A_141, %cond3A_142 : i32
      scf.if %cond3A_143 {
        %dma_wait3A_168 = arith.constant 0 : i32
        %dma_wait3A_169 = tpu.memref_slice %arg2[%dma_wait3A_168] : memref<640000xi32, #tpu.memory_space<hbm>> -> memref<40xi32, #tpu.memory_space<hbm>>
        %dma_wait3A_170 = arith.constant 0 : i32
        %dma_wait3A_171 = tpu.memref_slice %arg2[%dma_wait3A_170] : memref<640000xi32, #tpu.memory_space<hbm>> -> memref<40xi32, #tpu.memory_space<hbm>>
        tpu.wait_dma2 semaphore(%arg22 : memref<!tpu.dma_semaphore, #tpu.memory_space<semaphore_mem>>) src(%dma_wait3A_171 : memref<40xi32, #tpu.memory_space<hbm>>) dst(%arg9 : memref<40xi32, #tpu.memory_space<vmem>>)
        %dma_wait3A_172 = arith.constant 0 : i32
        %dma_wait3A_173 = tpu.memref_slice %arg2[%dma_wait3A_172] : memref<640000xi32, #tpu.memory_space<hbm>> -> memref<40xi32, #tpu.memory_space<hbm>>
        %dma_wait3A_174 = arith.constant 0 : i32
        %dma_wait3A_175 = tpu.memref_slice %arg2[%dma_wait3A_174] : memref<640000xi32, #tpu.memory_space<hbm>> -> memref<40xi32, #tpu.memory_space<hbm>>
        tpu.wait_dma2 semaphore(%arg22 : memref<!tpu.dma_semaphore, #tpu.memory_space<semaphore_mem>>) src(%dma_wait3A_175 : memref<40xi32, #tpu.memory_space<hbm>>) dst(%arg10 : memref<40xi32, #tpu.memory_space<vmem>>)
        %add3A_176 = arith.constant 1 : i32
        %add3A_177 = arith.addi %add3A_120, %add3A_176 : i32
        %mul3A_178 = arith.constant 40 : i32
        %mul3A_179 = arith.muli %add3A_177, %mul3A_178 : i32
        %add3A_180 = arith.addi %mul3A_0, %mul3A_179 : i32
        %dma_start3A_181 = arith.constant 0 : i32
        %dma_start3A_182 = arith.constant 0 : i32
        %dma_start3A_183 = tpu.memref_slice %arg3[%arg0, %dma_start3A_181, %dma_start3A_182] : memref<2x10000x128xf32, #tpu.memory_space<hbm>> -> memref<1x10000x128xf32, #tpu.memory_space<hbm>>
        %dma_start3A_184 = tpu.memref_squeeze %dma_start3A_183 : memref<1x10000x128xf32, #tpu.memory_space<hbm>> -> memref<10000x128xf32, #tpu.memory_space<hbm>>
        %dma_start3A_185 = arith.constant 0 : i32
        %dma_start3A_186 = arith.constant 0 : i32
        %dma_start3A_187 = tpu.memref_slice %dma_start3A_184[%dma_start3A_185, %dma_start3A_186] : memref<10000x128xf32, #tpu.memory_space<hbm>> -> memref<10000x128xf32, #tpu.memory_space<hbm>>
        tpu.enqueue_indirect_dma source(%dma_start3A_187 : memref<10000x128xf32, #tpu.memory_space<hbm>>) target(%arg13 : memref<40x128xf32, #tpu.memory_space<vmem>>) offsets(%arg9 : memref<40xi32, #tpu.memory_space<vmem>>) semaphore(%arg24 : memref<!tpu.dma_semaphore, #tpu.memory_space<semaphore_mem>>)
        %dma_start3A_188 = arith.constant 0 : i32
        %dma_start3A_189 = arith.constant 0 : i32
        %dma_start3A_190 = tpu.memref_slice %arg4[%dma_start3A_188, %dma_start3A_189] : memref<10000x128xf32, #tpu.memory_space<hbm>> -> memref<10000x128xf32, #tpu.memory_space<hbm>>
        tpu.enqueue_indirect_dma source(%dma_start3A_190 : memref<10000x128xf32, #tpu.memory_space<hbm>>) target(%arg15 : memref<40x128xf32, #tpu.memory_space<vmem>>) offsets(%arg10 : memref<40xi32, #tpu.memory_space<vmem>>) semaphore(%arg24 : memref<!tpu.dma_semaphore, #tpu.memory_space<semaphore_mem>>)
        %dma_start3A_191 = arith.constant 0 : i32
        %dma_start3A_192 = tpu.memref_slice %arg5[%add3A_180, %dma_start3A_191] : memref<320000x128xf32, #tpu.memory_space<hbm>> -> memref<40x128xf32, #tpu.memory_space<hbm>>
        %dma_start3A_193 = arith.constant 0 : i32
        %dma_start3A_194 = tpu.memref_slice %arg5[%add3A_180, %dma_start3A_193] : memref<320000x128xf32, #tpu.memory_space<hbm>> -> memref<40x128xf32, #tpu.memory_space<hbm>>
        tpu.enqueue_dma source(%dma_start3A_194 : memref<40x128xf32, #tpu.memory_space<hbm>>) target(%arg17 : memref<40x128xf32, #tpu.memory_space<vmem>>) target_semaphore(%arg24 : memref<!tpu.dma_semaphore, #tpu.memory_space<semaphore_mem>>)
      } else {
      }
      %ge3A_144 = arith.constant 2 : i32
      %ge3A_145 = arith.cmpi sge, %add3A_120, %ge3A_144 : i32
      %convert_element_type3A_146 = arith.extui %ge3A_145 : i1 to i32
      %cond3A_147 = arith.constant 0 : i32
      %cond3A_148 = arith.cmpi ne, %convert_element_type3A_146, %cond3A_147 : i32
      scf.if %cond3A_148 {
        %dma_wait3A_168 = arith.constant 0 : i32
        %dma_wait3A_169 = arith.constant 0 : i32
        %dma_wait3A_170 = tpu.memref_slice %arg8[%arg0, %dma_wait3A_168, %dma_wait3A_169] : memref<2x320000x128xf32, #tpu.memory_space<hbm>> -> memref<1x40x128xf32, #tpu.memory_space<hbm>>
        %dma_wait3A_171 = tpu.memref_squeeze %dma_wait3A_170 : memref<1x40x128xf32, #tpu.memory_space<hbm>> -> memref<40x128xf32, #tpu.memory_space<hbm>>
        %dma_wait3A_172 = arith.constant 0 : i32
        %dma_wait3A_173 = arith.constant 0 : i32
        %dma_wait3A_174 = tpu.memref_slice %arg8[%arg0, %dma_wait3A_172, %dma_wait3A_173] : memref<2x320000x128xf32, #tpu.memory_space<hbm>> -> memref<1x40x128xf32, #tpu.memory_space<hbm>>
        %dma_wait3A_175 = tpu.memref_squeeze %dma_wait3A_174 : memref<1x40x128xf32, #tpu.memory_space<hbm>> -> memref<40x128xf32, #tpu.memory_space<hbm>>
        tpu.wait_dma2 semaphore(%arg27 : memref<!tpu.dma_semaphore, #tpu.memory_space<semaphore_mem>>) src(%arg21 : memref<40x128xf32, #tpu.memory_space<vmem>>) dst(%dma_wait3A_175 : memref<40x128xf32, #tpu.memory_space<hbm>>)
      } else {
      }
      %parallel_loop3A_149 = arith.constant 0 : i32
      %parallel_loop3A_150 = arith.constant 40 : i32
      %parallel_loop3A_151 = arith.constant 1 : i32
      scf.for %parallel_loop3A_168 = %parallel_loop3A_149 to %parallel_loop3A_150 step %parallel_loop3A_151  : i32 {
        %parallel_loop3A_169 = arith.constant 64 : i32
        %parallel_loop3A_170 = arith.muli %arg0, %parallel_loop3A_169 : i32
        %parallel_loop3A_171 = arith.constant 0 : i32
        %parallel_loop3A_172 = arith.addi %parallel_loop3A_170, %parallel_loop3A_171 : i32
        %parallel_loop3A_173 = arith.index_cast %parallel_loop3A_168 : i32 to index
        %parallel_loop3A_174 = arith.constant 0 : index
        %parallel_loop3A_175 = tpu.vector_load %arg14[%parallel_loop3A_173, %parallel_loop3A_174] {strides = array<i32>} : memref<40x128xf32, #tpu.memory_space<vmem>>, vector<1x16xf32>,
        %parallel_loop3A_176 = vector.shape_cast %parallel_loop3A_175 : vector<1x16xf32> to vector<16xf32>
        %parallel_loop3A_177 = arith.index_cast %parallel_loop3A_168 : i32 to index
        %parallel_loop3A_178 = arith.index_cast %parallel_loop3A_172 : i32 to index
        %parallel_loop3A_179 = tpu.vector_load %arg16[%parallel_loop3A_177, %parallel_loop3A_178] {strides = array<i32>} : memref<40x128xf32, #tpu.memory_space<vmem>>, vector<1x16xf32>,
        %parallel_loop3A_180 = vector.shape_cast %parallel_loop3A_179 : vector<1x16xf32> to vector<16xf32>
        %parallel_loop3A_181 = arith.addf %parallel_loop3A_176, %parallel_loop3A_180 : vector<16xf32>
        %parallel_loop3A_182 = arith.index_cast %parallel_loop3A_168 : i32 to index
        %parallel_loop3A_183 = arith.index_cast %parallel_loop3A_172 : i32 to index
        %parallel_loop3A_184 = tpu.vector_load %arg18[%parallel_loop3A_182, %parallel_loop3A_183] {strides = array<i32>} : memref<40x128xf32, #tpu.memory_space<vmem>>, vector<1x16xf32>,
        %parallel_loop3A_185 = vector.shape_cast %parallel_loop3A_184 : vector<1x16xf32> to vector<16xf32>
        %parallel_loop3A_186 = arith.addf %parallel_loop3A_181, %parallel_loop3A_185 : vector<16xf32>
        %parallel_loop3A_187 = arith.constant 0.000000e+00 : f32
        %parallel_loop3A_188 = vector.broadcast %parallel_loop3A_187 : f32 to vector<16xf32>
        %parallel_loop3A_189 = arith.subf %parallel_loop3A_188, %parallel_loop3A_186 : vector<16xf32>
        %parallel_loop3A_190 = math.exp %parallel_loop3A_189 : vector<16xf32>
        %parallel_loop3A_191 = arith.constant 1.000000e+00 : f32
        %parallel_loop3A_192 = vector.broadcast %parallel_loop3A_191 : f32 to vector<16xf32>
        %parallel_loop3A_193 = arith.addf %parallel_loop3A_192, %parallel_loop3A_190 : vector<16xf32>
        %parallel_loop3A_194 = arith.constant 1.000000e+00 : f32
        %parallel_loop3A_195 = vector.broadcast %parallel_loop3A_194 : f32 to vector<16xf32>
        %parallel_loop3A_196 = arith.divf %parallel_loop3A_195, %parallel_loop3A_193 : vector<16xf32>
        %parallel_loop3A_197 = arith.index_cast %parallel_loop3A_168 : i32 to index
        %parallel_loop3A_198 = arith.constant 64 : index
        %parallel_loop3A_199 = tpu.vector_load %arg14[%parallel_loop3A_197, %parallel_loop3A_198] {strides = array<i32>} : memref<40x128xf32, #tpu.memory_space<vmem>>, vector<1x16xf32>,
        %parallel_loop3A_200 = vector.shape_cast %parallel_loop3A_199 : vector<1x16xf32> to vector<16xf32>
        %parallel_loop3A_201 = arith.mulf %parallel_loop3A_196, %parallel_loop3A_200 : vector<16xf32>
        %parallel_loop3A_202 = arith.index_cast %parallel_loop3A_168 : i32 to index
        %parallel_loop3A_203 = arith.constant 0 : index
        %parallel_loop3A_204 = tpu.vector_load %arg19[%parallel_loop3A_202, %parallel_loop3A_203] {strides = array<i32>} : memref<40x128xf32, #tpu.memory_space<vmem>>, vector<1x16xf32>,
        %parallel_loop3A_205 = vector.shape_cast %parallel_loop3A_204 : vector<1x16xf32> to vector<16xf32>
        %parallel_loop3A_206 = vector.shape_cast %parallel_loop3A_201 : vector<16xf32> to vector<1x16xf32>
        tpu.vector_store %arg19[%parallel_loop3A_202, %parallel_loop3A_203], %parallel_loop3A_206 {strides = array<i32>} : memref<40x128xf32, #tpu.memory_space<vmem>>, vector<1x16xf32>,
        %parallel_loop3A_207 = arith.index_cast %parallel_loop3A_168 : i32 to index
        %parallel_loop3A_208 = arith.constant 64 : index
        %parallel_loop3A_209 = tpu.vector_load %arg19[%parallel_loop3A_207, %parallel_loop3A_208] {strides = array<i32>} : memref<40x128xf32, #tpu.memory_space<vmem>>, vector<1x16xf32>,
        %parallel_loop3A_210 = vector.shape_cast %parallel_loop3A_209 : vector<1x16xf32> to vector<16xf32>
        %parallel_loop3A_211 = vector.shape_cast %parallel_loop3A_196 : vector<16xf32> to vector<1x16xf32>
        tpu.vector_store %arg19[%parallel_loop3A_207, %parallel_loop3A_208], %parallel_loop3A_211 {strides = array<i32>} : memref<40x128xf32, #tpu.memory_space<vmem>>, vector<1x16xf32>,
        %parallel_loop3A_212 = arith.index_cast %parallel_loop3A_168 : i32 to index
        %parallel_loop3A_213 = arith.index_cast %parallel_loop3A_172 : i32 to index
        %parallel_loop3A_214 = tpu.vector_load %arg21[%parallel_loop3A_212, %parallel_loop3A_213] {strides = array<i32>} : memref<40x128xf32, #tpu.memory_space<vmem>>, vector<1x16xf32>,
        %parallel_loop3A_215 = vector.shape_cast %parallel_loop3A_214 : vector<1x16xf32> to vector<16xf32>
        %parallel_loop3A_216 = vector.shape_cast %parallel_loop3A_186 : vector<16xf32> to vector<1x16xf32>
        tpu.vector_store %arg21[%parallel_loop3A_212, %parallel_loop3A_213], %parallel_loop3A_216 {strides = array<i32>} : memref<40x128xf32, #tpu.memory_space<vmem>>, vector<1x16xf32>,
        %parallel_loop3A_217 = arith.constant 64 : i32
        %parallel_loop3A_218 = arith.muli %arg0, %parallel_loop3A_217 : i32
        %parallel_loop3A_219 = arith.constant 16 : i32
        %parallel_loop3A_220 = arith.addi %parallel_loop3A_218, %parallel_loop3A_219 : i32
        %parallel_loop3A_221 = arith.index_cast %parallel_loop3A_168 : i32 to index
        %parallel_loop3A_222 = arith.constant 16 : index
        %parallel_loop3A_223 = tpu.vector_load %arg14[%parallel_loop3A_221, %parallel_loop3A_222] {strides = array<i32>} : memref<40x128xf32, #tpu.memory_space<vmem>>, vector<1x16xf32>,
        %parallel_loop3A_224 = vector.shape_cast %parallel_loop3A_223 : vector<1x16xf32> to vector<16xf32>
        %parallel_loop3A_225 = arith.index_cast %parallel_loop3A_168 : i32 to index
        %parallel_loop3A_226 = arith.index_cast %parallel_loop3A_220 : i32 to index
        %parallel_loop3A_227 = tpu.vector_load %arg16[%parallel_loop3A_225, %parallel_loop3A_226] {strides = array<i32>} : memref<40x128xf32, #tpu.memory_space<vmem>>, vector<1x16xf32>,
        %parallel_loop3A_228 = vector.shape_cast %parallel_loop3A_227 : vector<1x16xf32> to vector<16xf32>
        %parallel_loop3A_229 = arith.addf %parallel_loop3A_224, %parallel_loop3A_228 : vector<16xf32>
        %parallel_loop3A_230 = arith.index_cast %parallel_loop3A_168 : i32 to index
        %parallel_loop3A_231 = arith.index_cast %parallel_loop3A_220 : i32 to index
        %parallel_loop3A_232 = tpu.vector_load %arg18[%parallel_loop3A_230, %parallel_loop3A_231] {strides = array<i32>} : memref<40x128xf32, #tpu.memory_space<vmem>>, vector<1x16xf32>,
        %parallel_loop3A_233 = vector.shape_cast %parallel_loop3A_232 : vector<1x16xf32> to vector<16xf32>
        %parallel_loop3A_234 = arith.addf %parallel_loop3A_229, %parallel_loop3A_233 : vector<16xf32>
        %parallel_loop3A_235 = arith.constant 0.000000e+00 : f32
        %parallel_loop3A_236 = vector.broadcast %parallel_loop3A_235 : f32 to vector<16xf32>
        %parallel_loop3A_237 = arith.subf %parallel_loop3A_236, %parallel_loop3A_234 : vector<16xf32>
        %parallel_loop3A_238 = math.exp %parallel_loop3A_237 : vector<16xf32>
        %parallel_loop3A_239 = arith.constant 1.000000e+00 : f32
        %parallel_loop3A_240 = vector.broadcast %parallel_loop3A_239 : f32 to vector<16xf32>
        %parallel_loop3A_241 = arith.addf %parallel_loop3A_240, %parallel_loop3A_238 : vector<16xf32>
        %parallel_loop3A_242 = arith.constant 1.000000e+00 : f32
        %parallel_loop3A_243 = vector.broadcast %parallel_loop3A_242 : f32 to vector<16xf32>
        %parallel_loop3A_244 = arith.divf %parallel_loop3A_243, %parallel_loop3A_241 : vector<16xf32>
        %parallel_loop3A_245 = arith.index_cast %parallel_loop3A_168 : i32 to index
        %parallel_loop3A_246 = arith.constant 80 : index
        %parallel_loop3A_247 = tpu.vector_load %arg14[%parallel_loop3A_245, %parallel_loop3A_246] {strides = array<i32>} : memref<40x128xf32, #tpu.memory_space<vmem>>, vector<1x16xf32>,
        %parallel_loop3A_248 = vector.shape_cast %parallel_loop3A_247 : vector<1x16xf32> to vector<16xf32>
        %parallel_loop3A_249 = arith.mulf %parallel_loop3A_244, %parallel_loop3A_248 : vector<16xf32>
        %parallel_loop3A_250 = arith.index_cast %parallel_loop3A_168 : i32 to index
        %parallel_loop3A_251 = arith.constant 16 : index
        %parallel_loop3A_252 = tpu.vector_load %arg19[%parallel_loop3A_250, %parallel_loop3A_251] {strides = array<i32>} : memref<40x128xf32, #tpu.memory_space<vmem>>, vector<1x16xf32>,
        %parallel_loop3A_253 = vector.shape_cast %parallel_loop3A_252 : vector<1x16xf32> to vector<16xf32>
        %parallel_loop3A_254 = vector.shape_cast %parallel_loop3A_249 : vector<16xf32> to vector<1x16xf32>
        tpu.vector_store %arg19[%parallel_loop3A_250, %parallel_loop3A_251], %parallel_loop3A_254 {strides = array<i32>} : memref<40x128xf32, #tpu.memory_space<vmem>>, vector<1x16xf32>,
        %parallel_loop3A_255 = arith.index_cast %parallel_loop3A_168 : i32 to index
        %parallel_loop3A_256 = arith.constant 80 : index
        %parallel_loop3A_257 = tpu.vector_load %arg19[%parallel_loop3A_255, %parallel_loop3A_256] {strides = array<i32>} : memref<40x128xf32, #tpu.memory_space<vmem>>, vector<1x16xf32>,
        %parallel_loop3A_258 = vector.shape_cast %parallel_loop3A_257 : vector<1x16xf32> to vector<16xf32>
        %parallel_loop3A_259 = vector.shape_cast %parallel_loop3A_244 : vector<16xf32> to vector<1x16xf32>
        tpu.vector_store %arg19[%parallel_loop3A_255, %parallel_loop3A_256], %parallel_loop3A_259 {strides = array<i32>} : memref<40x128xf32, #tpu.memory_space<vmem>>, vector<1x16xf32>,
        %parallel_loop3A_260 = arith.index_cast %parallel_loop3A_168 : i32 to index
        %parallel_loop3A_261 = arith.index_cast %parallel_loop3A_220 : i32 to index
        %parallel_loop3A_262 = tpu.vector_load %arg21[%parallel_loop3A_260, %parallel_loop3A_261] {strides = array<i32>} : memref<40x128xf32, #tpu.memory_space<vmem>>, vector<1x16xf32>,
        %parallel_loop3A_263 = vector.shape_cast %parallel_loop3A_262 : vector<1x16xf32> to vector<16xf32>
        %parallel_loop3A_264 = vector.shape_cast %parallel_loop3A_234 : vector<16xf32> to vector<1x16xf32>
        tpu.vector_store %arg21[%parallel_loop3A_260, %parallel_loop3A_261], %parallel_loop3A_264 {strides = array<i32>} : memref<40x128xf32, #tpu.memory_space<vmem>>, vector<1x16xf32>,
        %parallel_loop3A_265 = arith.constant 64 : i32
        %parallel_loop3A_266 = arith.muli %arg0, %parallel_loop3A_265 : i32
        %parallel_loop3A_267 = arith.constant 32 : i32
        %parallel_loop3A_268 = arith.addi %parallel_loop3A_266, %parallel_loop3A_267 : i32
        %parallel_loop3A_269 = arith.index_cast %parallel_loop3A_168 : i32 to index
        %parallel_loop3A_270 = arith.constant 32 : index
        %parallel_loop3A_271 = tpu.vector_load %arg14[%parallel_loop3A_269, %parallel_loop3A_270] {strides = array<i32>} : memref<40x128xf32, #tpu.memory_space<vmem>>, vector<1x16xf32>,
        %parallel_loop3A_272 = vector.shape_cast %parallel_loop3A_271 : vector<1x16xf32> to vector<16xf32>
        %parallel_loop3A_273 = arith.index_cast %parallel_loop3A_168 : i32 to index
        %parallel_loop3A_274 = arith.index_cast %parallel_loop3A_268 : i32 to index
        %parallel_loop3A_275 = tpu.vector_load %arg16[%parallel_loop3A_273, %parallel_loop3A_274] {strides = array<i32>} : memref<40x128xf32, #tpu.memory_space<vmem>>, vector<1x16xf32>,
        %parallel_loop3A_276 = vector.shape_cast %parallel_loop3A_275 : vector<1x16xf32> to vector<16xf32>
        %parallel_loop3A_277 = arith.addf %parallel_loop3A_272, %parallel_loop3A_276 : vector<16xf32>
        %parallel_loop3A_278 = arith.index_cast %parallel_loop3A_168 : i32 to index
        %parallel_loop3A_279 = arith.index_cast %parallel_loop3A_268 : i32 to index
        %parallel_loop3A_280 = tpu.vector_load %arg18[%parallel_loop3A_278, %parallel_loop3A_279] {strides = array<i32>} : memref<40x128xf32, #tpu.memory_space<vmem>>, vector<1x16xf32>,
        %parallel_loop3A_281 = vector.shape_cast %parallel_loop3A_280 : vector<1x16xf32> to vector<16xf32>
        %parallel_loop3A_282 = arith.addf %parallel_loop3A_277, %parallel_loop3A_281 : vector<16xf32>
        %parallel_loop3A_283 = arith.constant 0.000000e+00 : f32
        %parallel_loop3A_284 = vector.broadcast %parallel_loop3A_283 : f32 to vector<16xf32>
        %parallel_loop3A_285 = arith.subf %parallel_loop3A_284, %parallel_loop3A_282 : vector<16xf32>
        %parallel_loop3A_286 = math.exp %parallel_loop3A_285 : vector<16xf32>
        %parallel_loop3A_287 = arith.constant 1.000000e+00 : f32
        %parallel_loop3A_288 = vector.broadcast %parallel_loop3A_287 : f32 to vector<16xf32>
        %parallel_loop3A_289 = arith.addf %parallel_loop3A_288, %parallel_loop3A_286 : vector<16xf32>
        %parallel_loop3A_290 = arith.constant 1.000000e+00 : f32
        %parallel_loop3A_291 = vector.broadcast %parallel_loop3A_290 : f32 to vector<16xf32>
        %parallel_loop3A_292 = arith.divf %parallel_loop3A_291, %parallel_loop3A_289 : vector<16xf32>
        %parallel_loop3A_293 = arith.index_cast %parallel_loop3A_168 : i32 to index
        %parallel_loop3A_294 = arith.constant 96 : index
        %parallel_loop3A_295 = tpu.vector_load %arg14[%parallel_loop3A_293, %parallel_loop3A_294] {strides = array<i32>} : memref<40x128xf32, #tpu.memory_space<vmem>>, vector<1x16xf32>,
        %parallel_loop3A_296 = vector.shape_cast %parallel_loop3A_295 : vector<1x16xf32> to vector<16xf32>
        %parallel_loop3A_297 = arith.mulf %parallel_loop3A_292, %parallel_loop3A_296 : vector<16xf32>
        %parallel_loop3A_298 = arith.index_cast %parallel_loop3A_168 : i32 to index
        %parallel_loop3A_299 = arith.constant 32 : index
        %parallel_loop3A_300 = tpu.vector_load %arg19[%parallel_loop3A_298, %parallel_loop3A_299] {strides = array<i32>} : memref<40x128xf32, #tpu.memory_space<vmem>>, vector<1x16xf32>,
        %parallel_loop3A_301 = vector.shape_cast %parallel_loop3A_300 : vector<1x16xf32> to vector<16xf32>
        %parallel_loop3A_302 = vector.shape_cast %parallel_loop3A_297 : vector<16xf32> to vector<1x16xf32>
        tpu.vector_store %arg19[%parallel_loop3A_298, %parallel_loop3A_299], %parallel_loop3A_302 {strides = array<i32>} : memref<40x128xf32, #tpu.memory_space<vmem>>, vector<1x16xf32>,
        %parallel_loop3A_303 = arith.index_cast %parallel_loop3A_168 : i32 to index
        %parallel_loop3A_304 = arith.constant 96 : index
        %parallel_loop3A_305 = tpu.vector_load %arg19[%parallel_loop3A_303, %parallel_loop3A_304] {strides = array<i32>} : memref<40x128xf32, #tpu.memory_space<vmem>>, vector<1x16xf32>,
        %parallel_loop3A_306 = vector.shape_cast %parallel_loop3A_305 : vector<1x16xf32> to vector<16xf32>
        %parallel_loop3A_307 = vector.shape_cast %parallel_loop3A_292 : vector<16xf32> to vector<1x16xf32>
        tpu.vector_store %arg19[%parallel_loop3A_303, %parallel_loop3A_304], %parallel_loop3A_307 {strides = array<i32>} : memref<40x128xf32, #tpu.memory_space<vmem>>, vector<1x16xf32>,
        %parallel_loop3A_308 = arith.index_cast %parallel_loop3A_168 : i32 to index
        %parallel_loop3A_309 = arith.index_cast %parallel_loop3A_268 : i32 to index
        %parallel_loop3A_310 = tpu.vector_load %arg21[%parallel_loop3A_308, %parallel_loop3A_309] {strides = array<i32>} : memref<40x128xf32, #tpu.memory_space<vmem>>, vector<1x16xf32>,
        %parallel_loop3A_311 = vector.shape_cast %parallel_loop3A_310 : vector<1x16xf32> to vector<16xf32>
        %parallel_loop3A_312 = vector.shape_cast %parallel_loop3A_282 : vector<16xf32> to vector<1x16xf32>
        tpu.vector_store %arg21[%parallel_loop3A_308, %parallel_loop3A_309], %parallel_loop3A_312 {strides = array<i32>} : memref<40x128xf32, #tpu.memory_space<vmem>>, vector<1x16xf32>,
        %parallel_loop3A_313 = arith.constant 64 : i32
        %parallel_loop3A_314 = arith.muli %arg0, %parallel_loop3A_313 : i32
        %parallel_loop3A_315 = arith.constant 48 : i32
        %parallel_loop3A_316 = arith.addi %parallel_loop3A_314, %parallel_loop3A_315 : i32
        %parallel_loop3A_317 = arith.index_cast %parallel_loop3A_168 : i32 to index
        %parallel_loop3A_318 = arith.constant 48 : index
        %parallel_loop3A_319 = tpu.vector_load %arg14[%parallel_loop3A_317, %parallel_loop3A_318] {strides = array<i32>} : memref<40x128xf32, #tpu.memory_space<vmem>>, vector<1x16xf32>,
        %parallel_loop3A_320 = vector.shape_cast %parallel_loop3A_319 : vector<1x16xf32> to vector<16xf32>
        %parallel_loop3A_321 = arith.index_cast %parallel_loop3A_168 : i32 to index
        %parallel_loop3A_322 = arith.index_cast %parallel_loop3A_316 : i32 to index
        %parallel_loop3A_323 = tpu.vector_load %arg16[%parallel_loop3A_321, %parallel_loop3A_322] {strides = array<i32>} : memref<40x128xf32, #tpu.memory_space<vmem>>, vector<1x16xf32>,
        %parallel_loop3A_324 = vector.shape_cast %parallel_loop3A_323 : vector<1x16xf32> to vector<16xf32>
        %parallel_loop3A_325 = arith.addf %parallel_loop3A_320, %parallel_loop3A_324 : vector<16xf32>
        %parallel_loop3A_326 = arith.index_cast %parallel_loop3A_168 : i32 to index
        %parallel_loop3A_327 = arith.index_cast %parallel_loop3A_316 : i32 to index
        %parallel_loop3A_328 = tpu.vector_load %arg18[%parallel_loop3A_326, %parallel_loop3A_327] {strides = array<i32>} : memref<40x128xf32, #tpu.memory_space<vmem>>, vector<1x16xf32>,
        %parallel_loop3A_329 = vector.shape_cast %parallel_loop3A_328 : vector<1x16xf32> to vector<16xf32>
        %parallel_loop3A_330 = arith.addf %parallel_loop3A_325, %parallel_loop3A_329 : vector<16xf32>
        %parallel_loop3A_331 = arith.constant 0.000000e+00 : f32
        %parallel_loop3A_332 = vector.broadcast %parallel_loop3A_331 : f32 to vector<16xf32>
        %parallel_loop3A_333 = arith.subf %parallel_loop3A_332, %parallel_loop3A_330 : vector<16xf32>
        %parallel_loop3A_334 = math.exp %parallel_loop3A_333 : vector<16xf32>
        %parallel_loop3A_335 = arith.constant 1.000000e+00 : f32
        %parallel_loop3A_336 = vector.broadcast %parallel_loop3A_335 : f32 to vector<16xf32>
        %parallel_loop3A_337 = arith.addf %parallel_loop3A_336, %parallel_loop3A_334 : vector<16xf32>
        %parallel_loop3A_338 = arith.constant 1.000000e+00 : f32
        %parallel_loop3A_339 = vector.broadcast %parallel_loop3A_338 : f32 to vector<16xf32>
        %parallel_loop3A_340 = arith.divf %parallel_loop3A_339, %parallel_loop3A_337 : vector<16xf32>
        %parallel_loop3A_341 = arith.index_cast %parallel_loop3A_168 : i32 to index
        %parallel_loop3A_342 = arith.constant 112 : index
        %parallel_loop3A_343 = tpu.vector_load %arg14[%parallel_loop3A_341, %parallel_loop3A_342] {strides = array<i32>} : memref<40x128xf32, #tpu.memory_space<vmem>>, vector<1x16xf32>,
        %parallel_loop3A_344 = vector.shape_cast %parallel_loop3A_343 : vector<1x16xf32> to vector<16xf32>
        %parallel_loop3A_345 = arith.mulf %parallel_loop3A_340, %parallel_loop3A_344 : vector<16xf32>
        %parallel_loop3A_346 = arith.index_cast %parallel_loop3A_168 : i32 to index
        %parallel_loop3A_347 = arith.constant 48 : index
        %parallel_loop3A_348 = tpu.vector_load %arg19[%parallel_loop3A_346, %parallel_loop3A_347] {strides = array<i32>} : memref<40x128xf32, #tpu.memory_space<vmem>>, vector<1x16xf32>,
        %parallel_loop3A_349 = vector.shape_cast %parallel_loop3A_348 : vector<1x16xf32> to vector<16xf32>
        %parallel_loop3A_350 = vector.shape_cast %parallel_loop3A_345 : vector<16xf32> to vector<1x16xf32>
        tpu.vector_store %arg19[%parallel_loop3A_346, %parallel_loop3A_347], %parallel_loop3A_350 {strides = array<i32>} : memref<40x128xf32, #tpu.memory_space<vmem>>, vector<1x16xf32>,
        %parallel_loop3A_351 = arith.index_cast %parallel_loop3A_168 : i32 to index
        %parallel_loop3A_352 = arith.constant 112 : index
        %parallel_loop3A_353 = tpu.vector_load %arg19[%parallel_loop3A_351, %parallel_loop3A_352] {strides = array<i32>} : memref<40x128xf32, #tpu.memory_space<vmem>>, vector<1x16xf32>,
        %parallel_loop3A_354 = vector.shape_cast %parallel_loop3A_353 : vector<1x16xf32> to vector<16xf32>
        %parallel_loop3A_355 = vector.shape_cast %parallel_loop3A_340 : vector<16xf32> to vector<1x16xf32>
        tpu.vector_store %arg19[%parallel_loop3A_351, %parallel_loop3A_352], %parallel_loop3A_355 {strides = array<i32>} : memref<40x128xf32, #tpu.memory_space<vmem>>, vector<1x16xf32>,
        %parallel_loop3A_356 = arith.index_cast %parallel_loop3A_168 : i32 to index
        %parallel_loop3A_357 = arith.index_cast %parallel_loop3A_316 : i32 to index
        %parallel_loop3A_358 = tpu.vector_load %arg21[%parallel_loop3A_356, %parallel_loop3A_357] {strides = array<i32>} : memref<40x128xf32, #tpu.memory_space<vmem>>, vector<1x16xf32>,
        %parallel_loop3A_359 = vector.shape_cast %parallel_loop3A_358 : vector<1x16xf32> to vector<16xf32>
        %parallel_loop3A_360 = vector.shape_cast %parallel_loop3A_330 : vector<16xf32> to vector<1x16xf32>
        tpu.vector_store %arg21[%parallel_loop3A_356, %parallel_loop3A_357], %parallel_loop3A_360 {strides = array<i32>} : memref<40x128xf32, #tpu.memory_space<vmem>>, vector<1x16xf32>,
      } {sc.loop_unroll_factor = 2 : i64, sc.parallel_access}
      "tpu.region"() ({
        %run_scoped3A = tpu.sem_alloc : memref<!tpu.dma_semaphore, #tpu.memory_space<semaphore_mem>>
        %dma_start3A_168 = arith.constant 0 : i32
        %dma_start3A_169 = arith.constant 0 : i32
        %dma_start3A_170 = tpu.memref_slice %arg28[%dma_start3A_168, %dma_start3A_169] : memref<10000x128xf32, #tpu.memory_space<vmem_shared>> -> memref<10000x128xf32, #tpu.memory_space<vmem_shared>>
        tpu.enqueue_indirect_dma source(%arg19 : memref<40x128xf32, #tpu.memory_space<vmem>>) target(%dma_start3A_170 : memref<10000x128xf32, #tpu.memory_space<vmem_shared>>) offsets(%arg12 : memref<40xi32, #tpu.memory_space<vmem>>) semaphore(%run_scoped3A : memref<!tpu.dma_semaphore, #tpu.memory_space<semaphore_mem>>) {add = true}
        %dma_wait3A_171 = arith.constant 0 : i32
        %dma_wait3A_172 = arith.constant 0 : i32
        %dma_wait3A_173 = tpu.memref_slice %arg28[%dma_wait3A_171, %dma_wait3A_172] : memref<10000x128xf32, #tpu.memory_space<vmem_shared>> -> memref<10000x128xf32, #tpu.memory_space<vmem_shared>>
        tpu.wait_indirect_dma semaphore(%run_scoped3A : memref<!tpu.dma_semaphore, #tpu.memory_space<semaphore_mem>>) src(%arg19 : memref<40x128xf32, #tpu.memory_space<vmem>>) dst(%dma_wait3A_173 : memref<10000x128xf32, #tpu.memory_space<vmem_shared>>)
        tpu.yield
      }) : () -> ()
      %mul3A_152 = arith.constant 40 : i32
      %mul3A_153 = arith.muli %add3A_120, %mul3A_152 : i32
      %add3A_154 = arith.addi %mul3A_0, %mul3A_153 : i32
      %dma_start3A_155 = arith.constant 0 : i32
      %dma_start3A_156 = tpu.memref_slice %arg8[%arg0, %add3A_154, %dma_start3A_155] : memref<2x320000x128xf32, #tpu.memory_space<hbm>> -> memref<1x40x128xf32, #tpu.memory_space<hbm>>
      %dma_start3A_157 = tpu.memref_squeeze %dma_start3A_156 : memref<1x40x128xf32, #tpu.memory_space<hbm>> -> memref<40x128xf32, #tpu.memory_space<hbm>>
      %dma_start3A_158 = arith.constant 0 : i32
      %dma_start3A_159 = tpu.memref_slice %arg8[%arg0, %add3A_154, %dma_start3A_158] : memref<2x320000x128xf32, #tpu.memory_space<hbm>> -> memref<1x40x128xf32, #tpu.memory_space<hbm>>
      %dma_start3A_160 = tpu.memref_squeeze %dma_start3A_159 : memref<1x40x128xf32, #tpu.memory_space<hbm>> -> memref<40x128xf32, #tpu.memory_space<hbm>>
      tpu.enqueue_dma source(%arg21 : memref<40x128xf32, #tpu.memory_space<vmem>>) target(%dma_start3A_160 : memref<40x128xf32, #tpu.memory_space<hbm>>) target_semaphore(%arg27 : memref<!tpu.dma_semaphore, #tpu.memory_space<semaphore_mem>>)
      %add3A_161 = arith.constant 2 : i32
      %add3A_162 = arith.addi %add3A_120, %add3A_161 : i32
      %lt3A_163 = arith.constant 500 : i32
      %lt3A_164 = arith.cmpi slt, %add3A_162, %lt3A_163 : i32
      %convert_element_type3A_165 = arith.extui %lt3A_164 : i1 to i32
      %cond3A_166 = arith.constant 0 : i32
      %cond3A_167 = arith.cmpi ne, %convert_element_type3A_165, %cond3A_166 : i32
      scf.if %cond3A_167 {
        %add3A_168 = arith.constant 2 : i32
        %add3A_169 = arith.addi %add3A_120, %add3A_168 : i32
        %mul3A_170 = arith.constant 40 : i32
        %mul3A_171 = arith.muli %add3A_169, %mul3A_170 : i32
        %add3A_172 = arith.addi %mul3A_0, %mul3A_171 : i32
        %dma_start3A_173 = tpu.memref_slice %arg2[%add3A_172] : memref<640000xi32, #tpu.memory_space<hbm>> -> memref<40xi32, #tpu.memory_space<hbm>>
        %dma_start3A_174 = tpu.memref_slice %arg2[%add3A_172] : memref<640000xi32, #tpu.memory_space<hbm>> -> memref<40xi32, #tpu.memory_space<hbm>>
        tpu.enqueue_dma source(%dma_start3A_174 : memref<40xi32, #tpu.memory_space<hbm>>) target(%arg11 : memref<40xi32, #tpu.memory_space<vmem>>) target_semaphore(%arg23 : memref<!tpu.dma_semaphore, #tpu.memory_space<semaphore_mem>>)
        %add3A_175 = arith.constant 320000 : i32
        %add3A_176 = arith.addi %add3A_175, %add3A_172 : i32
        %dma_start3A_177 = tpu.memref_slice %arg2[%add3A_176] : memref<640000xi32, #tpu.memory_space<hbm>> -> memref<40xi32, #tpu.memory_space<hbm>>
        %dma_start3A_178 = tpu.memref_slice %arg2[%add3A_176] : memref<640000xi32, #tpu.memory_space<hbm>> -> memref<40xi32, #tpu.memory_space<hbm>>
        tpu.enqueue_dma source(%dma_start3A_178 : memref<40xi32, #tpu.memory_space<hbm>>) target(%arg12 : memref<40xi32, #tpu.memory_space<vmem>>) target_semaphore(%arg23 : memref<!tpu.dma_semaphore, #tpu.memory_space<semaphore_mem>>)
      } else {
      }
    }
    %scan3A_44 = arith.constant 250 : i32
    %dma_wait3A_45 = arith.constant 0 : i32
    %dma_wait3A_46 = arith.constant 0 : i32
    %dma_wait3A_47 = tpu.memref_slice %arg8[%arg0, %dma_wait3A_45, %dma_wait3A_46] : memref<2x320000x128xf32, #tpu.memory_space<hbm>> -> memref<1x40x128xf32, #tpu.memory_space<hbm>>
    %dma_wait3A_48 = tpu.memref_squeeze %dma_wait3A_47 : memref<1x40x128xf32, #tpu.memory_space<hbm>> -> memref<40x128xf32, #tpu.memory_space<hbm>>
    %dma_wait3A_49 = arith.constant 0 : i32
    %dma_wait3A_50 = arith.constant 0 : i32
    %dma_wait3A_51 = tpu.memref_slice %arg8[%arg0, %dma_wait3A_49, %dma_wait3A_50] : memref<2x320000x128xf32, #tpu.memory_space<hbm>> -> memref<1x40x128xf32, #tpu.memory_space<hbm>>
    %dma_wait3A_52 = tpu.memref_squeeze %dma_wait3A_51 : memref<1x40x128xf32, #tpu.memory_space<hbm>> -> memref<40x128xf32, #tpu.memory_space<hbm>>
    tpu.wait_dma2 semaphore(%arg26 : memref<!tpu.dma_semaphore, #tpu.memory_space<semaphore_mem>>) src(%arg20 : memref<40x128xf32, #tpu.memory_space<vmem>>) dst(%dma_wait3A_52 : memref<40x128xf32, #tpu.memory_space<hbm>>)
    %dma_wait3A_53 = arith.constant 0 : i32
    %dma_wait3A_54 = arith.constant 0 : i32
    %dma_wait3A_55 = tpu.memref_slice %arg8[%arg0, %dma_wait3A_53, %dma_wait3A_54] : memref<2x320000x128xf32, #tpu.memory_space<hbm>> -> memref<1x40x128xf32, #tpu.memory_space<hbm>>
    %dma_wait3A_56 = tpu.memref_squeeze %dma_wait3A_55 : memref<1x40x128xf32, #tpu.memory_space<hbm>> -> memref<40x128xf32, #tpu.memory_space<hbm>>
    %dma_wait3A_57 = arith.constant 0 : i32
    %dma_wait3A_58 = arith.constant 0 : i32
    %dma_wait3A_59 = tpu.memref_slice %arg8[%arg0, %dma_wait3A_57, %dma_wait3A_58] : memref<2x320000x128xf32, #tpu.memory_space<hbm>> -> memref<1x40x128xf32, #tpu.memory_space<hbm>>
    %dma_wait3A_60 = tpu.memref_squeeze %dma_wait3A_59 : memref<1x40x128xf32, #tpu.memory_space<hbm>> -> memref<40x128xf32, #tpu.memory_space<hbm>>
    tpu.wait_dma2 semaphore(%arg27 : memref<!tpu.dma_semaphore, #tpu.memory_space<semaphore_mem>>) src(%arg21 : memref<40x128xf32, #tpu.memory_space<vmem>>) dst(%dma_wait3A_60 : memref<40x128xf32, #tpu.memory_space<hbm>>)
    %barrier3A_61 = arith.constant 0 : index
    tpu.barrier barrier_id(%barrier3A_61)
    %lt3A_62 = arith.constant 10 : i32
    %lt3A_63 = arith.cmpi slt, %arg1, %lt3A_62 : i32
    %convert_element_type3A_64 = arith.extui %lt3A_63 : i1 to i32
    %cond3A_65 = arith.constant 0 : i32
    %cond3A_66 = arith.cmpi ne, %convert_element_type3A_64, %cond3A_65 : i32
    scf.if %cond3A_66 {
      %mul3A_67 = arith.constant 1000 : i32
      %mul3A_68 = arith.muli %arg1, %mul3A_67 : i32
      "tpu.region"() ({
        %run_scoped3A = tpu.sem_alloc : memref<!tpu.dma_semaphore, #tpu.memory_space<semaphore_mem>>
        %dma_start3A_69 = arith.constant 0 : i32
        %dma_start3A_70 = tpu.memref_slice %arg7[%arg0, %mul3A_68, %dma_start3A_69] : memref<2x10000x128xf32, #tpu.memory_space<hbm>> -> memref<1x1000x128xf32, #tpu.memory_space<hbm>>
        %dma_start3A_71 = tpu.memref_squeeze %dma_start3A_70 : memref<1x1000x128xf32, #tpu.memory_space<hbm>> -> memref<1000x128xf32, #tpu.memory_space<hbm>>
        %dma_start3A_72 = arith.constant 0 : i32
        %dma_start3A_73 = tpu.memref_slice %arg28[%mul3A_68, %dma_start3A_72] : memref<10000x128xf32, #tpu.memory_space<vmem_shared>> -> memref<1000x128xf32, #tpu.memory_space<vmem_shared>>
        tpu.enqueue_dma source(%dma_start3A_73 : memref<1000x128xf32, #tpu.memory_space<vmem_shared>>) target(%dma_start3A_71 : memref<1000x128xf32, #tpu.memory_space<hbm>>) target_semaphore(%run_scoped3A : memref<!tpu.dma_semaphore, #tpu.memory_space<semaphore_mem>>)
        %dma_wait3A_74 = arith.constant 0 : i32
        %dma_wait3A_75 = tpu.memref_slice %arg7[%arg0, %mul3A_68, %dma_wait3A_74] : memref<2x10000x128xf32, #tpu.memory_space<hbm>> -> memref<1x1000x128xf32, #tpu.memory_space<hbm>>
        %dma_wait3A_76 = tpu.memref_squeeze %dma_wait3A_75 : memref<1x1000x128xf32, #tpu.memory_space<hbm>> -> memref<1000x128xf32, #tpu.memory_space<hbm>>
        %dma_wait3A_77 = arith.constant 0 : i32
        %dma_wait3A_78 = tpu.memref_slice %arg28[%mul3A_68, %dma_wait3A_77] : memref<10000x128xf32, #tpu.memory_space<vmem_shared>> -> memref<1000x128xf32, #tpu.memory_space<vmem_shared>>
        tpu.wait_dma2 semaphore(%run_scoped3A : memref<!tpu.dma_semaphore, #tpu.memory_space<semaphore_mem>>) src(%dma_wait3A_78 : memref<1000x128xf32, #tpu.memory_space<vmem_shared>>) dst(%dma_wait3A_76 : memref<1000x128xf32, #tpu.memory_space<hbm>>)
        tpu.yield
      }) : () -> ()
    } else {
    }
    return
  }
}

module attributes {stable_mosaic.version = 14 : i64} {
  func.func @_node_pre_body(%arg0: i32, %arg1: memref<1000x128xf32, #tpu.memory_space<vmem>>, %arg2: memref<128x128xf32, #tpu.memory_space<vmem>>, %arg3: memref<128x128xf32, #tpu.memory_space<vmem>>, %arg4: memref<128x128xf32, #tpu.memory_space<vmem>>, %arg5: memref<128x128xf32, #tpu.memory_space<vmem>>, %arg6: memref<128x128xf32, #tpu.memory_space<vmem>>, %arg7: memref<1000x128xf32, #tpu.memory_space<vmem>>, %arg8: memref<2x1000x128xf32, #tpu.memory_space<vmem>>, %arg9: memref<1000x128xf32, #tpu.memory_space<vmem>>, %arg10: memref<1000x128xf32, #tpu.memory_space<vmem>>) attributes {dimension_semantics = [#tpu.dimension_semantics<arbitrary>], iteration_bounds = array<i64: 10>, scalar_prefetch = 0 : i64, scratch_operands = 0 : i64, tpu.core_type = #tpu.core_type<tc>, window_params = [{transform_indices = @transform_0, window_bounds = array<i64: 1000, 128>}, {pipeline_mode = #tpu.pipeline_mode<synchronous>, transform_indices = @transform_1, window_bounds = array<i64: 128, 128>}, {pipeline_mode = #tpu.pipeline_mode<synchronous>, transform_indices = @transform_2, window_bounds = array<i64: 128, 128>}, {pipeline_mode = #tpu.pipeline_mode<synchronous>, transform_indices = @transform_3, window_bounds = array<i64: 128, 128>}, {pipeline_mode = #tpu.pipeline_mode<synchronous>, transform_indices = @transform_4, window_bounds = array<i64: 128, 128>}, {pipeline_mode = #tpu.pipeline_mode<synchronous>, transform_indices = @transform_5, window_bounds = array<i64: 128, 128>}, {transform_indices = @transform_6, window_bounds = array<i64: 1000, 128>}, {transform_indices = @transform_7, window_bounds = array<i64: 2, 1000, 128>}, {transform_indices = @transform_8, window_bounds = array<i64: 1000, 128>}, {transform_indices = @transform_9, window_bounds = array<i64: 1000, 128>}]} {
    %get3A = arith.constant 0 : index
    %get3A_0 = arith.constant 0 : index
    %get3A_1 = vector.load %arg1[%get3A, %get3A_0] : memref<1000x128xf32, #tpu.memory_space<vmem>>, vector<1000x128xf32>
    %get3A_2 = arith.constant 0 : index
    %get3A_3 = arith.constant 0 : index
    %get3A_4 = vector.load %arg2[%get3A_2, %get3A_3] : memref<128x128xf32, #tpu.memory_space<vmem>>, vector<128x128xf32>
    %dot_general3A = arith.constant dense<0.000000e+00> : vector<1000x128xf32>
    %dot_general3A_5 = tpu.matmul %get3A_1, %get3A_4, %dot_general3A {dimension_numbers = #tpu.dot_dimension_numbers<[1], [0], [0], [1], [0, 0, 1, 1], [], []>, transpose_lhs_hint = false} : vector<1000x128xf32>, vector<128x128xf32>, vector<1000x128xf32> -> vector<1000x128xf32>
    %swap3A = arith.constant 0 : index
    %swap3A_6 = arith.constant 0 : index
    %swap3A_7 = vector.load %arg7[%swap3A, %swap3A_6] : memref<1000x128xf32, #tpu.memory_space<vmem>>, vector<1000x128xf32>
    tpu.vector_store %arg7[%swap3A, %swap3A_6], %dot_general3A_5 {strides = array<i32>} : memref<1000x128xf32, #tpu.memory_space<vmem>>, vector<1000x128xf32>,
    %get3A_8 = arith.constant 0 : index
    %get3A_9 = arith.constant 0 : index
    %get3A_10 = vector.load %arg3[%get3A_8, %get3A_9] : memref<128x128xf32, #tpu.memory_space<vmem>>, vector<128x128xf32>
    %dot_general3A_11 = arith.constant dense<0.000000e+00> : vector<1000x128xf32>
    %dot_general3A_12 = tpu.matmul %dot_general3A_5, %get3A_10, %dot_general3A_11 {dimension_numbers = #tpu.dot_dimension_numbers<[1], [0], [0], [1], [0, 0, 1, 1], [], []>, transpose_lhs_hint = false} : vector<1000x128xf32>, vector<128x128xf32>, vector<1000x128xf32> -> vector<1000x128xf32>
    %get3A_13 = arith.constant 0 : index
    %get3A_14 = arith.constant 0 : index
    %get3A_15 = vector.load %arg5[%get3A_13, %get3A_14] : memref<128x128xf32, #tpu.memory_space<vmem>>, vector<128x128xf32>
    %dot_general3A_16 = arith.constant dense<0.000000e+00> : vector<1000x128xf32>
    %dot_general3A_17 = tpu.matmul %dot_general3A_5, %get3A_15, %dot_general3A_16 {dimension_numbers = #tpu.dot_dimension_numbers<[1], [0], [0], [1], [0, 0, 1, 1], [], []>, transpose_lhs_hint = false} : vector<1000x128xf32>, vector<128x128xf32>, vector<1000x128xf32> -> vector<1000x128xf32>
    %slice3A = vector.extract_strided_slice %dot_general3A_12 {offsets = [0, 0], sizes = [1000, 64], strides = [1, 1]} : vector<1000x128xf32> to vector<1000x64xf32>
    %slice3A_18 = vector.extract_strided_slice %dot_general3A_17 {offsets = [0, 0], sizes = [1000, 64], strides = [1, 1]} : vector<1000x128xf32> to vector<1000x64xf32>
    %concatenate3A = tpu.concatenate %slice3A, %slice3A_18 in 1 : vector<1000x64xf32>, vector<1000x64xf32> -> vector<1000x128xf32>
    %swap3A_19 = arith.constant 0 : index
    %swap3A_20 = arith.constant 0 : index
    %swap3A_21 = arith.constant 0 : index
    %swap3A_22 = vector.load %arg8[%swap3A_19, %swap3A_20, %swap3A_21] : memref<2x1000x128xf32, #tpu.memory_space<vmem>>, vector<1x1000x128xf32>
    %swap3A_23 = vector.shape_cast %swap3A_22 : vector<1x1000x128xf32> to vector<1000x128xf32>
    %swap3A_24 = vector.shape_cast %concatenate3A : vector<1000x128xf32> to vector<1x1000x128xf32>
    tpu.vector_store %arg8[%swap3A_19, %swap3A_20, %swap3A_21], %swap3A_24 {strides = array<i32>} : memref<2x1000x128xf32, #tpu.memory_space<vmem>>, vector<1x1000x128xf32>,
    %slice3A_25 = vector.extract_strided_slice %dot_general3A_12 {offsets = [0, 64], sizes = [1000, 64], strides = [1, 1]} : vector<1000x128xf32> to vector<1000x64xf32>
    %slice3A_26 = vector.extract_strided_slice %dot_general3A_17 {offsets = [0, 64], sizes = [1000, 64], strides = [1, 1]} : vector<1000x128xf32> to vector<1000x64xf32>
    %concatenate3A_27 = tpu.concatenate %slice3A_25, %slice3A_26 in 1 : vector<1000x64xf32>, vector<1000x64xf32> -> vector<1000x128xf32>
    %swap3A_28 = arith.constant 1 : index
    %swap3A_29 = arith.constant 0 : index
    %swap3A_30 = arith.constant 0 : index
    %swap3A_31 = vector.load %arg8[%swap3A_28, %swap3A_29, %swap3A_30] : memref<2x1000x128xf32, #tpu.memory_space<vmem>>, vector<1x1000x128xf32>
    %swap3A_32 = vector.shape_cast %swap3A_31 : vector<1x1000x128xf32> to vector<1000x128xf32>
    %swap3A_33 = vector.shape_cast %concatenate3A_27 : vector<1000x128xf32> to vector<1x1000x128xf32>
    tpu.vector_store %arg8[%swap3A_28, %swap3A_29, %swap3A_30], %swap3A_33 {strides = array<i32>} : memref<2x1000x128xf32, #tpu.memory_space<vmem>>, vector<1x1000x128xf32>,
    %get3A_34 = arith.constant 0 : index
    %get3A_35 = arith.constant 0 : index
    %get3A_36 = vector.load %arg4[%get3A_34, %get3A_35] : memref<128x128xf32, #tpu.memory_space<vmem>>, vector<128x128xf32>
    %dot_general3A_37 = arith.constant dense<0.000000e+00> : vector<1000x128xf32>
    %dot_general3A_38 = tpu.matmul %dot_general3A_5, %get3A_36, %dot_general3A_37 {dimension_numbers = #tpu.dot_dimension_numbers<[1], [0], [0], [1], [0, 0, 1, 1], [], []>, transpose_lhs_hint = false} : vector<1000x128xf32>, vector<128x128xf32>, vector<1000x128xf32> -> vector<1000x128xf32>
    %swap3A_39 = arith.constant 0 : index
    %swap3A_40 = arith.constant 0 : index
    %swap3A_41 = vector.load %arg9[%swap3A_39, %swap3A_40] : memref<1000x128xf32, #tpu.memory_space<vmem>>, vector<1000x128xf32>
    tpu.vector_store %arg9[%swap3A_39, %swap3A_40], %dot_general3A_38 {strides = array<i32>} : memref<1000x128xf32, #tpu.memory_space<vmem>>, vector<1000x128xf32>,
    %get3A_42 = arith.constant 0 : index
    %get3A_43 = arith.constant 0 : index
    %get3A_44 = vector.load %arg6[%get3A_42, %get3A_43] : memref<128x128xf32, #tpu.memory_space<vmem>>, vector<128x128xf32>
    %dot_general3A_45 = arith.constant dense<0.000000e+00> : vector<1000x128xf32>
    %dot_general3A_46 = tpu.matmul %dot_general3A_5, %get3A_44, %dot_general3A_45 {dimension_numbers = #tpu.dot_dimension_numbers<[1], [0], [0], [1], [0, 0, 1, 1], [], []>, transpose_lhs_hint = false} : vector<1000x128xf32>, vector<128x128xf32>, vector<1000x128xf32> -> vector<1000x128xf32>
    %swap3A_47 = arith.constant 0 : index
    %swap3A_48 = arith.constant 0 : index
    %swap3A_49 = vector.load %arg10[%swap3A_47, %swap3A_48] : memref<1000x128xf32, #tpu.memory_space<vmem>>, vector<1000x128xf32>
    tpu.vector_store %arg10[%swap3A_47, %swap3A_48], %dot_general3A_46 {strides = array<i32>} : memref<1000x128xf32, #tpu.memory_space<vmem>>, vector<1000x128xf32>,
    return
  }
  func.func @transform_0(%arg0: i32) -> (i32, i32) {
    %c0_i32 = arith.constant 0 : i32
    %c0_i32_0 = arith.constant 0 : i32
    return %arg0, %c0_i32 : i32, i32
  }
  func.func @transform_1(%arg0: i32) -> (i32, i32) {
    %c0_i32 = arith.constant 0 : i32
    %c0_i32_0 = arith.constant 0 : i32
    %c0_i32_1 = arith.constant 0 : i32
    return %c0_i32, %c0_i32_0 : i32, i32
  }
  func.func @transform_2(%arg0: i32) -> (i32, i32) {
    %c0_i32 = arith.constant 0 : i32
    %c0_i32_0 = arith.constant 0 : i32
    %c0_i32_1 = arith.constant 0 : i32
    return %c0_i32, %c0_i32_0 : i32, i32
  }
  func.func @transform_3(%arg0: i32) -> (i32, i32) {
    %c0_i32 = arith.constant 0 : i32
    %c0_i32_0 = arith.constant 0 : i32
    %c0_i32_1 = arith.constant 0 : i32
    return %c0_i32, %c0_i32_0 : i32, i32
  }
  func.func @transform_4(%arg0: i32) -> (i32, i32) {
    %c0_i32 = arith.constant 0 : i32
    %c0_i32_0 = arith.constant 0 : i32
    %c0_i32_1 = arith.constant 0 : i32
    return %c0_i32, %c0_i32_0 : i32, i32
  }
  func.func @transform_5(%arg0: i32) -> (i32, i32) {
    %c0_i32 = arith.constant 0 : i32
    %c0_i32_0 = arith.constant 0 : i32
    %c0_i32_1 = arith.constant 0 : i32
    return %c0_i32, %c0_i32_0 : i32, i32
  }
  func.func @transform_6(%arg0: i32) -> (i32, i32) {
    %c0_i32 = arith.constant 0 : i32
    %c0_i32_0 = arith.constant 0 : i32
    return %arg0, %c0_i32 : i32, i32
  }
  func.func @transform_7(%arg0: i32) -> (i32, i32, i32) {
    %c0_i32 = arith.constant 0 : i32
    %c0_i32_0 = arith.constant 0 : i32
    %c0_i32_1 = arith.constant 0 : i32
    return %c0_i32, %arg0, %c0_i32_0 : i32, i32, i32
  }
  func.func @transform_8(%arg0: i32) -> (i32, i32) {
    %c0_i32 = arith.constant 0 : i32
    %c0_i32_0 = arith.constant 0 : i32
    return %arg0, %c0_i32 : i32, i32
  }
  func.func @transform_9(%arg0: i32) -> (i32, i32) {
    %c0_i32 = arith.constant 0 : i32
    %c0_i32_0 = arith.constant 0 : i32
    return %arg0, %c0_i32 : i32, i32
  }
}

module attributes {stable_mosaic.version = 14 : i64} {
  func.func @_edge_lin_body(%arg0: i32, %arg1: memref<4000x16xf32, #tpu.memory_space<vmem>>, %arg2: memref<16x128xf32, #tpu.memory_space<vmem>>, %arg3: memref<128x128xf32, #tpu.memory_space<vmem>>, %arg4: memref<4000x128xf32, #tpu.memory_space<vmem>>) attributes {dimension_semantics = [#tpu.dimension_semantics<arbitrary>], iteration_bounds = array<i64: 80>, scalar_prefetch = 0 : i64, scratch_operands = 0 : i64, tpu.core_type = #tpu.core_type<tc>, window_params = [{transform_indices = @transform_0, window_bounds = array<i64: 4000, 16>}, {pipeline_mode = #tpu.pipeline_mode<synchronous>, transform_indices = @transform_1, window_bounds = array<i64: 16, 128>}, {pipeline_mode = #tpu.pipeline_mode<synchronous>, transform_indices = @transform_2, window_bounds = array<i64: 128, 128>}, {transform_indices = @transform_3, window_bounds = array<i64: 4000, 128>}]} {
    %get3A = arith.constant 0 : index
    %get3A_0 = arith.constant 0 : index
    %get3A_1 = vector.load %arg2[%get3A, %get3A_0] : memref<16x128xf32, #tpu.memory_space<vmem>>, vector<16x128xf32>
    %get3A_2 = arith.constant 0 : index
    %get3A_3 = arith.constant 0 : index
    %get3A_4 = vector.load %arg3[%get3A_2, %get3A_3] : memref<128x128xf32, #tpu.memory_space<vmem>>, vector<128x128xf32>
    %dot_general3A = arith.constant dense<0.000000e+00> : vector<16x128xf32>
    %dot_general3A_5 = tpu.matmul %get3A_1, %get3A_4, %dot_general3A {dimension_numbers = #tpu.dot_dimension_numbers<[1], [0], [0], [1], [0, 0, 1, 1], [], []>, transpose_lhs_hint = false} : vector<16x128xf32>, vector<128x128xf32>, vector<16x128xf32> -> vector<16x128xf32>
    %get3A_6 = arith.constant 0 : index
    %get3A_7 = arith.constant 0 : index
    %get3A_8 = vector.load %arg1[%get3A_6, %get3A_7] : memref<4000x16xf32, #tpu.memory_space<vmem>>, vector<4000x16xf32>
    %dot_general3A_9 = arith.constant dense<0.000000e+00> : vector<4000x128xf32>
    %dot_general3A_10 = tpu.matmul %get3A_8, %dot_general3A_5, %dot_general3A_9 {dimension_numbers = #tpu.dot_dimension_numbers<[1], [0], [0], [1], [0, 0, 1, 1], [], []>, transpose_lhs_hint = false} : vector<4000x16xf32>, vector<16x128xf32>, vector<4000x128xf32> -> vector<4000x128xf32>
    %swap3A = arith.constant 0 : index
    %swap3A_11 = arith.constant 0 : index
    %swap3A_12 = vector.load %arg4[%swap3A, %swap3A_11] : memref<4000x128xf32, #tpu.memory_space<vmem>>, vector<4000x128xf32>
    tpu.vector_store %arg4[%swap3A, %swap3A_11], %dot_general3A_10 {strides = array<i32>} : memref<4000x128xf32, #tpu.memory_space<vmem>>, vector<4000x128xf32>,
    return
  }
  func.func @transform_0(%arg0: i32) -> (i32, i32) {
    %c0_i32 = arith.constant 0 : i32
    %c0_i32_0 = arith.constant 0 : i32
    return %arg0, %c0_i32 : i32, i32
  }
  func.func @transform_1(%arg0: i32) -> (i32, i32) {
    %c0_i32 = arith.constant 0 : i32
    %c0_i32_0 = arith.constant 0 : i32
    %c0_i32_1 = arith.constant 0 : i32
    return %c0_i32, %c0_i32_0 : i32, i32
  }
  func.func @transform_2(%arg0: i32) -> (i32, i32) {
    %c0_i32 = arith.constant 0 : i32
    %c0_i32_0 = arith.constant 0 : i32
    %c0_i32_1 = arith.constant 0 : i32
    return %c0_i32, %c0_i32_0 : i32, i32
  }
  func.func @transform_3(%arg0: i32) -> (i32, i32) {
    %c0_i32 = arith.constant 0 : i32
    %c0_i32_0 = arith.constant 0 : i32
    return %arg0, %c0_i32 : i32, i32
  }
}

module attributes {stable_mosaic.version = 14 : i64} {
  func.func @_estats_body(%arg0: i32, %arg1: memref<2x4000x128xf32, #tpu.memory_space<vmem>>, %arg2: memref<8x128xf32, #tpu.memory_space<vmem>>) attributes {dimension_semantics = [#tpu.dimension_semantics<arbitrary>], iteration_bounds = array<i64: 80>, scalar_prefetch = 0 : i64, scratch_operands = 0 : i64, tpu.core_type = #tpu.core_type<tc>, window_params = [{transform_indices = @transform_0, window_bounds = array<i64: 2, 4000, 128>}, {pipeline_mode = #tpu.pipeline_mode<synchronous>, transform_indices = @transform_1, window_bounds = array<i64: 8, 128>}]} {
    %get3A = arith.constant 0 : index
    %get3A_0 = arith.constant 0 : index
    %get3A_1 = arith.constant 0 : index
    %get3A_2 = vector.load %arg1[%get3A, %get3A_0, %get3A_1] : memref<2x4000x128xf32, #tpu.memory_space<vmem>>, vector<1x4000x128xf32>
    %get3A_3 = vector.shape_cast %get3A_2 : vector<1x4000x128xf32> to vector<4000x128xf32>
    %slice3A = vector.extract_strided_slice %get3A_3 {offsets = [0, 0], sizes = [4000, 64], strides = [1, 1]} : vector<4000x128xf32> to vector<4000x64xf32>
    %get3A_4 = arith.constant 1 : index
    %get3A_5 = arith.constant 0 : index
    %get3A_6 = arith.constant 0 : index
    %get3A_7 = vector.load %arg1[%get3A_4, %get3A_5, %get3A_6] : memref<2x4000x128xf32, #tpu.memory_space<vmem>>, vector<1x4000x128xf32>
    %get3A_8 = vector.shape_cast %get3A_7 : vector<1x4000x128xf32> to vector<4000x128xf32>
    %slice3A_9 = vector.extract_strided_slice %get3A_8 {offsets = [0, 64], sizes = [4000, 64], strides = [1, 1]} : vector<4000x128xf32> to vector<4000x64xf32>
    %concatenate3A = tpu.concatenate %slice3A, %slice3A_9 in 1 : vector<4000x64xf32>, vector<4000x64xf32> -> vector<4000x128xf32>
    %reduce_sum3A = arith.constant dense<0.000000e+00> : vector<128xf32>
    %reduce_sum3A_10 = vector.multi_reduction <add>, %concatenate3A, %reduce_sum3A [0] : vector<4000x128xf32> to vector<128xf32>
    %broadcast_in_dim3A = vector.shape_cast %reduce_sum3A_10 : vector<128xf32> to vector<1x128xf32>
    %mul3A = arith.mulf %concatenate3A, %concatenate3A : vector<4000x128xf32>
    %reduce_sum3A_11 = arith.constant dense<0.000000e+00> : vector<128xf32>
    %reduce_sum3A_12 = vector.multi_reduction <add>, %mul3A, %reduce_sum3A_11 [0] : vector<4000x128xf32> to vector<128xf32>
    %broadcast_in_dim3A_13 = vector.shape_cast %reduce_sum3A_12 : vector<128xf32> to vector<1x128xf32>
    %eq3A = arith.constant 0 : i32
    %eq3A_14 = arith.cmpi eq, %arg0, %eq3A : i32
    %convert_element_type3A = arith.extui %eq3A_14 : i1 to i32
    %cond3A = arith.constant 0 : i32
    %cond3A_15 = arith.cmpi ne, %convert_element_type3A, %cond3A : i32
    scf.if %cond3A_15 {
      %broadcast_in_dim3A_22 = arith.constant 0.000000e+00 : f32
      %broadcast_in_dim3A_23 = vector.broadcast %broadcast_in_dim3A_22 : f32 to vector<8x128xf32>
      %swap3A_24 = arith.constant 0 : index
      %swap3A_25 = arith.constant 0 : index
      %swap3A_26 = vector.load %arg2[%swap3A_24, %swap3A_25] : memref<8x128xf32, #tpu.memory_space<vmem>>, vector<8x128xf32>
      tpu.vector_store %arg2[%swap3A_24, %swap3A_25], %broadcast_in_dim3A_23 {strides = array<i32>} : memref<8x128xf32, #tpu.memory_space<vmem>>, vector<8x128xf32>,
    } else {
    }
    %get3A_16 = arith.constant 0 : index
    %get3A_17 = arith.constant 0 : index
    %get3A_18 = vector.load %arg2[%get3A_16, %get3A_17] : memref<8x128xf32, #tpu.memory_space<vmem>>, vector<2x128xf32>
    %concatenate3A_19 = tpu.concatenate %broadcast_in_dim3A, %broadcast_in_dim3A_13 in 0 : vector<1x128xf32>, vector<1x128xf32> -> vector<2x128xf32>
    %add3A = arith.addf %get3A_18, %concatenate3A_19 : vector<2x128xf32>
    %swap3A = arith.constant 0 : index
    %swap3A_20 = arith.constant 0 : index
    %swap3A_21 = vector.load %arg2[%swap3A, %swap3A_20] : memref<8x128xf32, #tpu.memory_space<vmem>>, vector<2x128xf32>
    tpu.vector_store %arg2[%swap3A, %swap3A_20], %add3A {strides = array<i32>} : memref<8x128xf32, #tpu.memory_space<vmem>>, vector<2x128xf32>,
    return
  }
  func.func @transform_0(%arg0: i32) -> (i32, i32, i32) {
    %c0_i32 = arith.constant 0 : i32
    %c0_i32_0 = arith.constant 0 : i32
    %c0_i32_1 = arith.constant 0 : i32
    return %c0_i32, %arg0, %c0_i32_0 : i32, i32, i32
  }
  func.func @transform_1(%arg0: i32) -> (i32, i32) {
    %c0_i32 = arith.constant 0 : i32
    %c0_i32_0 = arith.constant 0 : i32
    %c0_i32_1 = arith.constant 0 : i32
    return %c0_i32, %c0_i32_0 : i32, i32
  }
}

module attributes {stable_mosaic.version = 14 : i64} {
  func.func @_upd_stats_body(%arg0: i32, %arg1: memref<1000x128xf32, #tpu.memory_space<vmem>>, %arg2: memref<2x1000x128xf32, #tpu.memory_space<vmem>>, %arg3: memref<1000x128xf32, #tpu.memory_space<vmem>>, %arg4: memref<8x128xf32, #tpu.memory_space<vmem>>) attributes {dimension_semantics = [#tpu.dimension_semantics<arbitrary>], iteration_bounds = array<i64: 10>, scalar_prefetch = 0 : i64, scratch_operands = 0 : i64, tpu.core_type = #tpu.core_type<tc>, window_params = [{transform_indices = @transform_0, window_bounds = array<i64: 1000, 128>}, {transform_indices = @transform_1, window_bounds = array<i64: 2, 1000, 128>}, {transform_indices = @transform_2, window_bounds = array<i64: 1000, 128>}, {pipeline_mode = #tpu.pipeline_mode<synchronous>, transform_indices = @transform_3, window_bounds = array<i64: 8, 128>}]} {
    %get3A = arith.constant 0 : index
    %get3A_0 = arith.constant 0 : index
    %get3A_1 = arith.constant 0 : index
    %get3A_2 = vector.load %arg2[%get3A, %get3A_0, %get3A_1] : memref<2x1000x128xf32, #tpu.memory_space<vmem>>, vector<1x1000x64xf32>
    %get3A_3 = vector.shape_cast %get3A_2 : vector<1x1000x64xf32> to vector<1000x64xf32>
    %get3A_4 = arith.constant 1 : index
    %get3A_5 = arith.constant 0 : index
    %get3A_6 = arith.constant 0 : index
    %get3A_7 = vector.load %arg2[%get3A_4, %get3A_5, %get3A_6] : memref<2x1000x128xf32, #tpu.memory_space<vmem>>, vector<1x1000x64xf32>
    %get3A_8 = vector.shape_cast %get3A_7 : vector<1x1000x64xf32> to vector<1000x64xf32>
    %concatenate3A = tpu.concatenate %get3A_3, %get3A_8 in 1 : vector<1000x64xf32>, vector<1000x64xf32> -> vector<1000x128xf32>
    %get3A_9 = arith.constant 0 : index
    %get3A_10 = arith.constant 0 : index
    %get3A_11 = arith.constant 64 : index
    %get3A_12 = vector.load %arg2[%get3A_9, %get3A_10, %get3A_11] : memref<2x1000x128xf32, #tpu.memory_space<vmem>>, vector<1x1000x64xf32>
    %get3A_13 = vector.shape_cast %get3A_12 : vector<1x1000x64xf32> to vector<1000x64xf32>
    %get3A_14 = arith.constant 1 : index
    %get3A_15 = arith.constant 0 : index
    %get3A_16 = arith.constant 64 : index
    %get3A_17 = vector.load %arg2[%get3A_14, %get3A_15, %get3A_16] : memref<2x1000x128xf32, #tpu.memory_space<vmem>>, vector<1x1000x64xf32>
    %get3A_18 = vector.shape_cast %get3A_17 : vector<1x1000x64xf32> to vector<1000x64xf32>
    %concatenate3A_19 = tpu.concatenate %get3A_13, %get3A_18 in 1 : vector<1000x64xf32>, vector<1000x64xf32> -> vector<1000x128xf32>
    %get3A_20 = arith.constant 0 : index
    %get3A_21 = arith.constant 0 : index
    %get3A_22 = vector.load %arg1[%get3A_20, %get3A_21] : memref<1000x128xf32, #tpu.memory_space<vmem>>, vector<1000x128xf32>
    %add3A = arith.constant 9.99999997E-7 : f32
    %add3A_23 = vector.broadcast %add3A : f32 to vector<1000x128xf32>
    %add3A_24 = arith.addf %concatenate3A_19, %add3A_23 : vector<1000x128xf32>
    %div3A = arith.divf %concatenate3A, %add3A_24 : vector<1000x128xf32>
    %add3A_25 = arith.addf %get3A_22, %div3A : vector<1000x128xf32>
    %swap3A = arith.constant 0 : index
    %swap3A_26 = arith.constant 0 : index
    %swap3A_27 = vector.load %arg3[%swap3A, %swap3A_26] : memref<1000x128xf32, #tpu.memory_space<vmem>>, vector<1000x128xf32>
    tpu.vector_store %arg3[%swap3A, %swap3A_26], %add3A_25 {strides = array<i32>} : memref<1000x128xf32, #tpu.memory_space<vmem>>, vector<1000x128xf32>,
    %eq3A = arith.constant 0 : i32
    %eq3A_28 = arith.cmpi eq, %arg0, %eq3A : i32
    %convert_element_type3A = arith.extui %eq3A_28 : i1 to i32
    %cond3A = arith.constant 0 : i32
    %cond3A_29 = arith.cmpi ne, %convert_element_type3A, %cond3A : i32
    scf.if %cond3A_29 {
      %broadcast_in_dim3A_42 = arith.constant 0.000000e+00 : f32
      %broadcast_in_dim3A_43 = vector.broadcast %broadcast_in_dim3A_42 : f32 to vector<8x128xf32>
      %swap3A_44 = arith.constant 0 : index
      %swap3A_45 = arith.constant 0 : index
      %swap3A_46 = vector.load %arg4[%swap3A_44, %swap3A_45] : memref<8x128xf32, #tpu.memory_space<vmem>>, vector<8x128xf32>
      tpu.vector_store %arg4[%swap3A_44, %swap3A_45], %broadcast_in_dim3A_43 {strides = array<i32>} : memref<8x128xf32, #tpu.memory_space<vmem>>, vector<8x128xf32>,
    } else {
    }
    %reduce_sum3A = arith.constant dense<0.000000e+00> : vector<128xf32>
    %reduce_sum3A_30 = vector.multi_reduction <add>, %add3A_25, %reduce_sum3A [0] : vector<1000x128xf32> to vector<128xf32>
    %broadcast_in_dim3A = vector.shape_cast %reduce_sum3A_30 : vector<128xf32> to vector<1x128xf32>
    %mul3A = arith.mulf %add3A_25, %add3A_25 : vector<1000x128xf32>
    %reduce_sum3A_31 = arith.constant dense<0.000000e+00> : vector<128xf32>
    %reduce_sum3A_32 = vector.multi_reduction <add>, %mul3A, %reduce_sum3A_31 [0] : vector<1000x128xf32> to vector<128xf32>
    %broadcast_in_dim3A_33 = vector.shape_cast %reduce_sum3A_32 : vector<128xf32> to vector<1x128xf32>
    %concatenate3A_34 = tpu.concatenate %broadcast_in_dim3A, %broadcast_in_dim3A_33 in 0 : vector<1x128xf32>, vector<1x128xf32> -> vector<2x128xf32>
    %get3A_35 = arith.constant 0 : index
    %get3A_36 = arith.constant 0 : index
    %get3A_37 = vector.load %arg4[%get3A_35, %get3A_36] : memref<8x128xf32, #tpu.memory_space<vmem>>, vector<2x128xf32>
    %add3A_38 = arith.addf %get3A_37, %concatenate3A_34 : vector<2x128xf32>
    %swap3A_39 = arith.constant 0 : index
    %swap3A_40 = arith.constant 0 : index
    %swap3A_41 = vector.load %arg4[%swap3A_39, %swap3A_40] : memref<8x128xf32, #tpu.memory_space<vmem>>, vector<2x128xf32>
    tpu.vector_store %arg4[%swap3A_39, %swap3A_40], %add3A_38 {strides = array<i32>} : memref<8x128xf32, #tpu.memory_space<vmem>>, vector<2x128xf32>,
    return
  }
  func.func @transform_0(%arg0: i32) -> (i32, i32) {
    %c0_i32 = arith.constant 0 : i32
    %c0_i32_0 = arith.constant 0 : i32
    return %arg0, %c0_i32 : i32, i32
  }
  func.func @transform_1(%arg0: i32) -> (i32, i32, i32) {
    %c0_i32 = arith.constant 0 : i32
    %c0_i32_0 = arith.constant 0 : i32
    %c0_i32_1 = arith.constant 0 : i32
    return %c0_i32, %arg0, %c0_i32_0 : i32, i32, i32
  }
  func.func @transform_2(%arg0: i32) -> (i32, i32) {
    %c0_i32 = arith.constant 0 : i32
    %c0_i32_0 = arith.constant 0 : i32
    return %arg0, %c0_i32 : i32, i32
  }
  func.func @transform_3(%arg0: i32) -> (i32, i32) {
    %c0_i32 = arith.constant 0 : i32
    %c0_i32_0 = arith.constant 0 : i32
    %c0_i32_1 = arith.constant 0 : i32
    return %c0_i32, %c0_i32_0 : i32, i32
  }
}

module attributes {stable_mosaic.version = 14 : i64} {
  func.func @_edge2_body(%arg0: i32, %arg1: memref<2x4000x128xf32, #tpu.memory_space<vmem>>, %arg2: memref<4000x16xf32, #tpu.memory_space<vmem>>, %arg3: memref<8x128xf32, #tpu.memory_space<vmem>>, %arg4: memref<16x128xf32, #tpu.memory_space<vmem>>, %arg5: memref<128x128xf32, #tpu.memory_space<vmem>>, %arg6: memref<4000x128xf32, #tpu.memory_space<vmem>>) attributes {dimension_semantics = [#tpu.dimension_semantics<arbitrary>], iteration_bounds = array<i64: 80>, scalar_prefetch = 0 : i64, scratch_operands = 0 : i64, tpu.core_type = #tpu.core_type<tc>, window_params = [{transform_indices = @transform_0, window_bounds = array<i64: 2, 4000, 128>}, {transform_indices = @transform_1, window_bounds = array<i64: 4000, 16>}, {pipeline_mode = #tpu.pipeline_mode<synchronous>, transform_indices = @transform_2, window_bounds = array<i64: 8, 128>}, {pipeline_mode = #tpu.pipeline_mode<synchronous>, transform_indices = @transform_3, window_bounds = array<i64: 16, 128>}, {pipeline_mode = #tpu.pipeline_mode<synchronous>, transform_indices = @transform_4, window_bounds = array<i64: 128, 128>}, {transform_indices = @transform_5, window_bounds = array<i64: 4000, 128>}]} {
    %get3A = arith.constant 0 : index
    %get3A_0 = arith.constant 0 : index
    %get3A_1 = vector.load %arg3[%get3A, %get3A_0] : memref<8x128xf32, #tpu.memory_space<vmem>>, vector<1x128xf32>
    %div3A = arith.constant 3.200000e+05 : f32
    %div3A_2 = vector.broadcast %div3A : f32 to vector<1x128xf32>
    %div3A_3 = arith.divf %get3A_1, %div3A_2 : vector<1x128xf32>
    %get3A_4 = arith.constant 1 : index
    %get3A_5 = arith.constant 0 : index
    %get3A_6 = vector.load %arg3[%get3A_4, %get3A_5] : memref<8x128xf32, #tpu.memory_space<vmem>>, vector<1x128xf32>
    %div3A_7 = arith.constant 3.200000e+05 : f32
    %div3A_8 = vector.broadcast %div3A_7 : f32 to vector<1x128xf32>
    %div3A_9 = arith.divf %get3A_6, %div3A_8 : vector<1x128xf32>
    %mul3A = arith.mulf %div3A_3, %div3A_3 : vector<1x128xf32>
    %sub3A = arith.subf %div3A_9, %mul3A : vector<1x128xf32>
    %add3A = arith.constant 9.99999974E-6 : f32
    %add3A_10 = vector.broadcast %add3A : f32 to vector<1x128xf32>
    %add3A_11 = arith.addf %sub3A, %add3A_10 : vector<1x128xf32>
    %rsqrt3A = math.rsqrt %add3A_11 : vector<1x128xf32>
    %get3A_12 = arith.constant 0 : index
    %get3A_13 = arith.constant 0 : index
    %get3A_14 = arith.constant 0 : index
    %get3A_15 = vector.load %arg1[%get3A_12, %get3A_13, %get3A_14] : memref<2x4000x128xf32, #tpu.memory_space<vmem>>, vector<1x4000x128xf32>
    %get3A_16 = vector.shape_cast %get3A_15 : vector<1x4000x128xf32> to vector<4000x128xf32>
    %slice3A = vector.extract_strided_slice %get3A_16 {offsets = [0, 0], sizes = [4000, 64], strides = [1, 1]} : vector<4000x128xf32> to vector<4000x64xf32>
    %get3A_17 = arith.constant 1 : index
    %get3A_18 = arith.constant 0 : index
    %get3A_19 = arith.constant 0 : index
    %get3A_20 = vector.load %arg1[%get3A_17, %get3A_18, %get3A_19] : memref<2x4000x128xf32, #tpu.memory_space<vmem>>, vector<1x4000x128xf32>
    %get3A_21 = vector.shape_cast %get3A_20 : vector<1x4000x128xf32> to vector<4000x128xf32>
    %slice3A_22 = vector.extract_strided_slice %get3A_21 {offsets = [0, 64], sizes = [4000, 64], strides = [1, 1]} : vector<4000x128xf32> to vector<4000x64xf32>
    %concatenate3A = tpu.concatenate %slice3A, %slice3A_22 in 1 : vector<4000x64xf32>, vector<4000x64xf32> -> vector<4000x128xf32>
    %sub3A_23 = vector.broadcast %div3A_3 : vector<1x128xf32> to vector<4000x128xf32>
    %sub3A_24 = arith.subf %concatenate3A, %sub3A_23 : vector<4000x128xf32>
    %mul3A_25 = vector.broadcast %rsqrt3A : vector<1x128xf32> to vector<4000x128xf32>
    %mul3A_26 = arith.mulf %sub3A_24, %mul3A_25 : vector<4000x128xf32>
    %max3A = arith.constant 0.000000e+00 : f32
    %max3A_27 = vector.broadcast %max3A : f32 to vector<4000x128xf32>
    %max3A_28 = arith.maximumf %mul3A_26, %max3A_27 : vector<4000x128xf32>
    %get3A_29 = arith.constant 0 : index
    %get3A_30 = arith.constant 0 : index
    %get3A_31 = vector.load %arg4[%get3A_29, %get3A_30] : memref<16x128xf32, #tpu.memory_space<vmem>>, vector<16x128xf32>
    %get3A_32 = arith.constant 0 : index
    %get3A_33 = arith.constant 0 : index
    %get3A_34 = vector.load %arg5[%get3A_32, %get3A_33] : memref<128x128xf32, #tpu.memory_space<vmem>>, vector<128x128xf32>
    %dot_general3A = arith.constant dense<0.000000e+00> : vector<16x128xf32>
    %dot_general3A_35 = tpu.matmul %get3A_31, %get3A_34, %dot_general3A {dimension_numbers = #tpu.dot_dimension_numbers<[1], [0], [0], [1], [0, 0, 1, 1], [], []>, transpose_lhs_hint = false} : vector<16x128xf32>, vector<128x128xf32>, vector<16x128xf32> -> vector<16x128xf32>
    %get3A_36 = arith.constant 0 : index
    %get3A_37 = arith.constant 0 : index
    %get3A_38 = vector.load %arg5[%get3A_36, %get3A_37] : memref<128x128xf32, #tpu.memory_space<vmem>>, vector<128x128xf32>
    %dot_general3A_39 = arith.constant dense<0.000000e+00> : vector<4000x128xf32>
    %dot_general3A_40 = tpu.matmul %max3A_28, %get3A_38, %dot_general3A_39 {dimension_numbers = #tpu.dot_dimension_numbers<[1], [0], [0], [1], [0, 0, 1, 1], [], []>, transpose_lhs_hint = false} : vector<4000x128xf32>, vector<128x128xf32>, vector<4000x128xf32> -> vector<4000x128xf32>
    %get3A_41 = arith.constant 0 : index
    %get3A_42 = arith.constant 0 : index
    %get3A_43 = vector.load %arg2[%get3A_41, %get3A_42] : memref<4000x16xf32, #tpu.memory_space<vmem>>, vector<4000x16xf32>
    %dot_general3A_44 = arith.constant dense<0.000000e+00> : vector<4000x128xf32>
    %dot_general3A_45 = tpu.matmul %get3A_43, %dot_general3A_35, %dot_general3A_44 {dimension_numbers = #tpu.dot_dimension_numbers<[1], [0], [0], [1], [0, 0, 1, 1], [], []>, transpose_lhs_hint = false} : vector<4000x16xf32>, vector<16x128xf32>, vector<4000x128xf32> -> vector<4000x128xf32>
    %add3A_46 = arith.addf %dot_general3A_40, %dot_general3A_45 : vector<4000x128xf32>
    %swap3A = arith.constant 0 : index
    %swap3A_47 = arith.constant 0 : index
    %swap3A_48 = vector.load %arg6[%swap3A, %swap3A_47] : memref<4000x128xf32, #tpu.memory_space<vmem>>, vector<4000x128xf32>
    tpu.vector_store %arg6[%swap3A, %swap3A_47], %add3A_46 {strides = array<i32>} : memref<4000x128xf32, #tpu.memory_space<vmem>>, vector<4000x128xf32>,
    return
  }
  func.func @transform_0(%arg0: i32) -> (i32, i32, i32) {
    %c0_i32 = arith.constant 0 : i32
    %c0_i32_0 = arith.constant 0 : i32
    %c0_i32_1 = arith.constant 0 : i32
    return %c0_i32, %arg0, %c0_i32_0 : i32, i32, i32
  }
  func.func @transform_1(%arg0: i32) -> (i32, i32) {
    %c0_i32 = arith.constant 0 : i32
    %c0_i32_0 = arith.constant 0 : i32
    return %arg0, %c0_i32 : i32, i32
  }
  func.func @transform_2(%arg0: i32) -> (i32, i32) {
    %c0_i32 = arith.constant 0 : i32
    %c0_i32_0 = arith.constant 0 : i32
    %c0_i32_1 = arith.constant 0 : i32
    return %c0_i32, %c0_i32_0 : i32, i32
  }
  func.func @transform_3(%arg0: i32) -> (i32, i32) {
    %c0_i32 = arith.constant 0 : i32
    %c0_i32_0 = arith.constant 0 : i32
    %c0_i32_1 = arith.constant 0 : i32
    return %c0_i32, %c0_i32_0 : i32, i32
  }
  func.func @transform_4(%arg0: i32) -> (i32, i32) {
    %c0_i32 = arith.constant 0 : i32
    %c0_i32_0 = arith.constant 0 : i32
    %c0_i32_1 = arith.constant 0 : i32
    return %c0_i32, %c0_i32_0 : i32, i32
  }
  func.func @transform_5(%arg0: i32) -> (i32, i32) {
    %c0_i32 = arith.constant 0 : i32
    %c0_i32_0 = arith.constant 0 : i32
    return %arg0, %c0_i32 : i32, i32
  }
}

module attributes {stable_mosaic.version = 14 : i64} {
  func.func @_h1_pre2_body(%arg0: i32, %arg1: memref<1000x128xf32, #tpu.memory_space<vmem>>, %arg2: memref<1000x128xf32, #tpu.memory_space<vmem>>, %arg3: memref<8x128xf32, #tpu.memory_space<vmem>>, %arg4: memref<128x128xf32, #tpu.memory_space<vmem>>, %arg5: memref<128x128xf32, #tpu.memory_space<vmem>>, %arg6: memref<128x128xf32, #tpu.memory_space<vmem>>, %arg7: memref<128x128xf32, #tpu.memory_space<vmem>>, %arg8: memref<1000x128xf32, #tpu.memory_space<vmem>>, %arg9: memref<2x1000x128xf32, #tpu.memory_space<vmem>>, %arg10: memref<1000x128xf32, #tpu.memory_space<vmem>>, %arg11: memref<1000x128xf32, #tpu.memory_space<vmem>>) attributes {dimension_semantics = [#tpu.dimension_semantics<arbitrary>], iteration_bounds = array<i64: 10>, scalar_prefetch = 0 : i64, scratch_operands = 0 : i64, tpu.core_type = #tpu.core_type<tc>, window_params = [{transform_indices = @transform_0, window_bounds = array<i64: 1000, 128>}, {transform_indices = @transform_1, window_bounds = array<i64: 1000, 128>}, {pipeline_mode = #tpu.pipeline_mode<synchronous>, transform_indices = @transform_2, window_bounds = array<i64: 8, 128>}, {pipeline_mode = #tpu.pipeline_mode<synchronous>, transform_indices = @transform_3, window_bounds = array<i64: 128, 128>}, {pipeline_mode = #tpu.pipeline_mode<synchronous>, transform_indices = @transform_4, window_bounds = array<i64: 128, 128>}, {pipeline_mode = #tpu.pipeline_mode<synchronous>, transform_indices = @transform_5, window_bounds = array<i64: 128, 128>}, {pipeline_mode = #tpu.pipeline_mode<synchronous>, transform_indices = @transform_6, window_bounds = array<i64: 128, 128>}, {transform_indices = @transform_7, window_bounds = array<i64: 1000, 128>}, {transform_indices = @transform_8, window_bounds = array<i64: 2, 1000, 128>}, {transform_indices = @transform_9, window_bounds = array<i64: 1000, 128>}, {transform_indices = @transform_10, window_bounds = array<i64: 1000, 128>}]} {
    %get3A = arith.constant 0 : index
    %get3A_0 = arith.constant 0 : index
    %get3A_1 = vector.load %arg3[%get3A, %get3A_0] : memref<8x128xf32, #tpu.memory_space<vmem>>, vector<1x128xf32>
    %div3A = arith.constant 1.000000e+04 : f32
    %div3A_2 = vector.broadcast %div3A : f32 to vector<1x128xf32>
    %div3A_3 = arith.divf %get3A_1, %div3A_2 : vector<1x128xf32>
    %get3A_4 = arith.constant 1 : index
    %get3A_5 = arith.constant 0 : index
    %get3A_6 = vector.load %arg3[%get3A_4, %get3A_5] : memref<8x128xf32, #tpu.memory_space<vmem>>, vector<1x128xf32>
    %div3A_7 = arith.constant 1.000000e+04 : f32
    %div3A_8 = vector.broadcast %div3A_7 : f32 to vector<1x128xf32>
    %div3A_9 = arith.divf %get3A_6, %div3A_8 : vector<1x128xf32>
    %mul3A = arith.mulf %div3A_3, %div3A_3 : vector<1x128xf32>
    %sub3A = arith.subf %div3A_9, %mul3A : vector<1x128xf32>
    %add3A = arith.constant 9.99999974E-6 : f32
    %add3A_10 = vector.broadcast %add3A : f32 to vector<1x128xf32>
    %add3A_11 = arith.addf %sub3A, %add3A_10 : vector<1x128xf32>
    %rsqrt3A = math.rsqrt %add3A_11 : vector<1x128xf32>
    %get3A_12 = arith.constant 0 : index
    %get3A_13 = arith.constant 0 : index
    %get3A_14 = vector.load %arg1[%get3A_12, %get3A_13] : memref<1000x128xf32, #tpu.memory_space<vmem>>, vector<1000x128xf32>
    %get3A_15 = arith.constant 0 : index
    %get3A_16 = arith.constant 0 : index
    %get3A_17 = vector.load %arg2[%get3A_15, %get3A_16] : memref<1000x128xf32, #tpu.memory_space<vmem>>, vector<1000x128xf32>
    %sub3A_18 = vector.broadcast %div3A_3 : vector<1x128xf32> to vector<1000x128xf32>
    %sub3A_19 = arith.subf %get3A_17, %sub3A_18 : vector<1000x128xf32>
    %mul3A_20 = vector.broadcast %rsqrt3A : vector<1x128xf32> to vector<1000x128xf32>
    %mul3A_21 = arith.mulf %sub3A_19, %mul3A_20 : vector<1000x128xf32>
    %max3A = arith.constant 0.000000e+00 : f32
    %max3A_22 = vector.broadcast %max3A : f32 to vector<1000x128xf32>
    %max3A_23 = arith.maximumf %mul3A_21, %max3A_22 : vector<1000x128xf32>
    %add3A_24 = arith.addf %get3A_14, %max3A_23 : vector<1000x128xf32>
    %swap3A = arith.constant 0 : index
    %swap3A_25 = arith.constant 0 : index
    %swap3A_26 = vector.load %arg8[%swap3A, %swap3A_25] : memref<1000x128xf32, #tpu.memory_space<vmem>>, vector<1000x128xf32>
    tpu.vector_store %arg8[%swap3A, %swap3A_25], %add3A_24 {strides = array<i32>} : memref<1000x128xf32, #tpu.memory_space<vmem>>, vector<1000x128xf32>,
    %get3A_27 = arith.constant 0 : index
    %get3A_28 = arith.constant 0 : index
    %get3A_29 = vector.load %arg4[%get3A_27, %get3A_28] : memref<128x128xf32, #tpu.memory_space<vmem>>, vector<128x128xf32>
    %dot_general3A = arith.constant dense<0.000000e+00> : vector<1000x128xf32>
    %dot_general3A_30 = tpu.matmul %add3A_24, %get3A_29, %dot_general3A {dimension_numbers = #tpu.dot_dimension_numbers<[1], [0], [0], [1], [0, 0, 1, 1], [], []>, transpose_lhs_hint = false} : vector<1000x128xf32>, vector<128x128xf32>, vector<1000x128xf32> -> vector<1000x128xf32>
    %get3A_31 = arith.constant 0 : index
    %get3A_32 = arith.constant 0 : index
    %get3A_33 = vector.load %arg6[%get3A_31, %get3A_32] : memref<128x128xf32, #tpu.memory_space<vmem>>, vector<128x128xf32>
    %dot_general3A_34 = arith.constant dense<0.000000e+00> : vector<1000x128xf32>
    %dot_general3A_35 = tpu.matmul %add3A_24, %get3A_33, %dot_general3A_34 {dimension_numbers = #tpu.dot_dimension_numbers<[1], [0], [0], [1], [0, 0, 1, 1], [], []>, transpose_lhs_hint = false} : vector<1000x128xf32>, vector<128x128xf32>, vector<1000x128xf32> -> vector<1000x128xf32>
    %slice3A = vector.extract_strided_slice %dot_general3A_30 {offsets = [0, 0], sizes = [1000, 64], strides = [1, 1]} : vector<1000x128xf32> to vector<1000x64xf32>
    %slice3A_36 = vector.extract_strided_slice %dot_general3A_35 {offsets = [0, 0], sizes = [1000, 64], strides = [1, 1]} : vector<1000x128xf32> to vector<1000x64xf32>
    %concatenate3A = tpu.concatenate %slice3A, %slice3A_36 in 1 : vector<1000x64xf32>, vector<1000x64xf32> -> vector<1000x128xf32>
    %swap3A_37 = arith.constant 0 : index
    %swap3A_38 = arith.constant 0 : index
    %swap3A_39 = arith.constant 0 : index
    %swap3A_40 = vector.load %arg9[%swap3A_37, %swap3A_38, %swap3A_39] : memref<2x1000x128xf32, #tpu.memory_space<vmem>>, vector<1x1000x128xf32>
    %swap3A_41 = vector.shape_cast %swap3A_40 : vector<1x1000x128xf32> to vector<1000x128xf32>
    %swap3A_42 = vector.shape_cast %concatenate3A : vector<1000x128xf32> to vector<1x1000x128xf32>
    tpu.vector_store %arg9[%swap3A_37, %swap3A_38, %swap3A_39], %swap3A_42 {strides = array<i32>} : memref<2x1000x128xf32, #tpu.memory_space<vmem>>, vector<1x1000x128xf32>,
    %slice3A_43 = vector.extract_strided_slice %dot_general3A_30 {offsets = [0, 64], sizes = [1000, 64], strides = [1, 1]} : vector<1000x128xf32> to vector<1000x64xf32>
    %slice3A_44 = vector.extract_strided_slice %dot_general3A_35 {offsets = [0, 64], sizes = [1000, 64], strides = [1, 1]} : vector<1000x128xf32> to vector<1000x64xf32>
    %concatenate3A_45 = tpu.concatenate %slice3A_43, %slice3A_44 in 1 : vector<1000x64xf32>, vector<1000x64xf32> -> vector<1000x128xf32>
    %swap3A_46 = arith.constant 1 : index
    %swap3A_47 = arith.constant 0 : index
    %swap3A_48 = arith.constant 0 : index
    %swap3A_49 = vector.load %arg9[%swap3A_46, %swap3A_47, %swap3A_48] : memref<2x1000x128xf32, #tpu.memory_space<vmem>>, vector<1x1000x128xf32>
    %swap3A_50 = vector.shape_cast %swap3A_49 : vector<1x1000x128xf32> to vector<1000x128xf32>
    %swap3A_51 = vector.shape_cast %concatenate3A_45 : vector<1000x128xf32> to vector<1x1000x128xf32>
    tpu.vector_store %arg9[%swap3A_46, %swap3A_47, %swap3A_48], %swap3A_51 {strides = array<i32>} : memref<2x1000x128xf32, #tpu.memory_space<vmem>>, vector<1x1000x128xf32>,
    %get3A_52 = arith.constant 0 : index
    %get3A_53 = arith.constant 0 : index
    %get3A_54 = vector.load %arg5[%get3A_52, %get3A_53] : memref<128x128xf32, #tpu.memory_space<vmem>>, vector<128x128xf32>
    %dot_general3A_55 = arith.constant dense<0.000000e+00> : vector<1000x128xf32>
    %dot_general3A_56 = tpu.matmul %add3A_24, %get3A_54, %dot_general3A_55 {dimension_numbers = #tpu.dot_dimension_numbers<[1], [0], [0], [1], [0, 0, 1, 1], [], []>, transpose_lhs_hint = false} : vector<1000x128xf32>, vector<128x128xf32>, vector<1000x128xf32> -> vector<1000x128xf32>
    %swap3A_57 = arith.constant 0 : index
    %swap3A_58 = arith.constant 0 : index
    %swap3A_59 = vector.load %arg10[%swap3A_57, %swap3A_58] : memref<1000x128xf32, #tpu.memory_space<vmem>>, vector<1000x128xf32>
    tpu.vector_store %arg10[%swap3A_57, %swap3A_58], %dot_general3A_56 {strides = array<i32>} : memref<1000x128xf32, #tpu.memory_space<vmem>>, vector<1000x128xf32>,
    %get3A_60 = arith.constant 0 : index
    %get3A_61 = arith.constant 0 : index
    %get3A_62 = vector.load %arg7[%get3A_60, %get3A_61] : memref<128x128xf32, #tpu.memory_space<vmem>>, vector<128x128xf32>
    %dot_general3A_63 = arith.constant dense<0.000000e+00> : vector<1000x128xf32>
    %dot_general3A_64 = tpu.matmul %add3A_24, %get3A_62, %dot_general3A_63 {dimension_numbers = #tpu.dot_dimension_numbers<[1], [0], [0], [1], [0, 0, 1, 1], [], []>, transpose_lhs_hint = false} : vector<1000x128xf32>, vector<128x128xf32>, vector<1000x128xf32> -> vector<1000x128xf32>
    %swap3A_65 = arith.constant 0 : index
    %swap3A_66 = arith.constant 0 : index
    %swap3A_67 = vector.load %arg11[%swap3A_65, %swap3A_66] : memref<1000x128xf32, #tpu.memory_space<vmem>>, vector<1000x128xf32>
    tpu.vector_store %arg11[%swap3A_65, %swap3A_66], %dot_general3A_64 {strides = array<i32>} : memref<1000x128xf32, #tpu.memory_space<vmem>>, vector<1000x128xf32>,
    return
  }
  func.func @transform_0(%arg0: i32) -> (i32, i32) {
    %c0_i32 = arith.constant 0 : i32
    %c0_i32_0 = arith.constant 0 : i32
    return %arg0, %c0_i32 : i32, i32
  }
  func.func @transform_1(%arg0: i32) -> (i32, i32) {
    %c0_i32 = arith.constant 0 : i32
    %c0_i32_0 = arith.constant 0 : i32
    return %arg0, %c0_i32 : i32, i32
  }
  func.func @transform_2(%arg0: i32) -> (i32, i32) {
    %c0_i32 = arith.constant 0 : i32
    %c0_i32_0 = arith.constant 0 : i32
    %c0_i32_1 = arith.constant 0 : i32
    return %c0_i32, %c0_i32_0 : i32, i32
  }
  func.func @transform_3(%arg0: i32) -> (i32, i32) {
    %c0_i32 = arith.constant 0 : i32
    %c0_i32_0 = arith.constant 0 : i32
    %c0_i32_1 = arith.constant 0 : i32
    return %c0_i32, %c0_i32_0 : i32, i32
  }
  func.func @transform_4(%arg0: i32) -> (i32, i32) {
    %c0_i32 = arith.constant 0 : i32
    %c0_i32_0 = arith.constant 0 : i32
    %c0_i32_1 = arith.constant 0 : i32
    return %c0_i32, %c0_i32_0 : i32, i32
  }
  func.func @transform_5(%arg0: i32) -> (i32, i32) {
    %c0_i32 = arith.constant 0 : i32
    %c0_i32_0 = arith.constant 0 : i32
    %c0_i32_1 = arith.constant 0 : i32
    return %c0_i32, %c0_i32_0 : i32, i32
  }
  func.func @transform_6(%arg0: i32) -> (i32, i32) {
    %c0_i32 = arith.constant 0 : i32
    %c0_i32_0 = arith.constant 0 : i32
    %c0_i32_1 = arith.constant 0 : i32
    return %c0_i32, %c0_i32_0 : i32, i32
  }
  func.func @transform_7(%arg0: i32) -> (i32, i32) {
    %c0_i32 = arith.constant 0 : i32
    %c0_i32_0 = arith.constant 0 : i32
    return %arg0, %c0_i32 : i32, i32
  }
  func.func @transform_8(%arg0: i32) -> (i32, i32, i32) {
    %c0_i32 = arith.constant 0 : i32
    %c0_i32_0 = arith.constant 0 : i32
    %c0_i32_1 = arith.constant 0 : i32
    return %c0_i32, %arg0, %c0_i32_0 : i32, i32, i32
  }
  func.func @transform_9(%arg0: i32) -> (i32, i32) {
    %c0_i32 = arith.constant 0 : i32
    %c0_i32_0 = arith.constant 0 : i32
    return %arg0, %c0_i32 : i32, i32
  }
  func.func @transform_10(%arg0: i32) -> (i32, i32) {
    %c0_i32 = arith.constant 0 : i32
    %c0_i32_0 = arith.constant 0 : i32
    return %arg0, %c0_i32 : i32, i32
  }
}

module attributes {stable_mosaic.version = 14 : i64} {
  func.func @_final_body(%arg0: i32, %arg1: memref<1000x128xf32, #tpu.memory_space<vmem>>, %arg2: memref<1000x128xf32, #tpu.memory_space<vmem>>, %arg3: memref<8x128xf32, #tpu.memory_space<vmem>>, %arg4: memref<1x8xf32, #tpu.memory_space<vmem>>, %arg5: memref<136x64xf32, #tpu.memory_space<vmem>>, %arg6: memref<1x64xf32, #tpu.memory_space<vmem>>, %arg7: memref<1x64xf32, #tpu.memory_space<vmem>>, %arg8: memref<1x1xf32, #tpu.memory_space<vmem>>, %arg9: memref<1x1xf32, #tpu.memory_space<vmem>>, %arg10: memref<8x128xf32, #tpu.memory_space<vmem>>) attributes {dimension_semantics = [#tpu.dimension_semantics<arbitrary>], iteration_bounds = array<i64: 10>, scalar_prefetch = 0 : i64, scratch_operands = 1 : i64, tpu.core_type = #tpu.core_type<tc>, window_params = [{transform_indices = @transform_0, window_bounds = array<i64: 1000, 128>}, {transform_indices = @transform_1, window_bounds = array<i64: 1000, 128>}, {pipeline_mode = #tpu.pipeline_mode<synchronous>, transform_indices = @transform_2, window_bounds = array<i64: 8, 128>}, {pipeline_mode = #tpu.pipeline_mode<synchronous>, transform_indices = @transform_3, window_bounds = array<i64: 1, 8>}, {pipeline_mode = #tpu.pipeline_mode<synchronous>, transform_indices = @transform_4, window_bounds = array<i64: 136, 64>}, {pipeline_mode = #tpu.pipeline_mode<synchronous>, transform_indices = @transform_5, window_bounds = array<i64: 1, 64>}, {pipeline_mode = #tpu.pipeline_mode<synchronous>, transform_indices = @transform_6, window_bounds = array<i64: 1, 64>}, {pipeline_mode = #tpu.pipeline_mode<synchronous>, transform_indices = @transform_7, window_bounds = array<i64: 1, 1>}, {pipeline_mode = #tpu.pipeline_mode<synchronous>, transform_indices = @transform_8, window_bounds = array<i64: 1, 1>}]} {
    %get3A = arith.constant 0 : index
    %get3A_0 = arith.constant 0 : index
    %get3A_1 = vector.load %arg3[%get3A, %get3A_0] : memref<8x128xf32, #tpu.memory_space<vmem>>, vector<1x128xf32>
    %div3A = arith.constant 1.000000e+04 : f32
    %div3A_2 = vector.broadcast %div3A : f32 to vector<1x128xf32>
    %div3A_3 = arith.divf %get3A_1, %div3A_2 : vector<1x128xf32>
    %get3A_4 = arith.constant 1 : index
    %get3A_5 = arith.constant 0 : index
    %get3A_6 = vector.load %arg3[%get3A_4, %get3A_5] : memref<8x128xf32, #tpu.memory_space<vmem>>, vector<1x128xf32>
    %div3A_7 = arith.constant 1.000000e+04 : f32
    %div3A_8 = vector.broadcast %div3A_7 : f32 to vector<1x128xf32>
    %div3A_9 = arith.divf %get3A_6, %div3A_8 : vector<1x128xf32>
    %mul3A = arith.mulf %div3A_3, %div3A_3 : vector<1x128xf32>
    %sub3A = arith.subf %div3A_9, %mul3A : vector<1x128xf32>
    %add3A = arith.constant 9.99999974E-6 : f32
    %add3A_10 = vector.broadcast %add3A : f32 to vector<1x128xf32>
    %add3A_11 = arith.addf %sub3A, %add3A_10 : vector<1x128xf32>
    %rsqrt3A = math.rsqrt %add3A_11 : vector<1x128xf32>
    %get3A_12 = arith.constant 0 : index
    %get3A_13 = arith.constant 0 : index
    %get3A_14 = vector.load %arg1[%get3A_12, %get3A_13] : memref<1000x128xf32, #tpu.memory_space<vmem>>, vector<1000x128xf32>
    %get3A_15 = arith.constant 0 : index
    %get3A_16 = arith.constant 0 : index
    %get3A_17 = vector.load %arg2[%get3A_15, %get3A_16] : memref<1000x128xf32, #tpu.memory_space<vmem>>, vector<1000x128xf32>
    %sub3A_18 = vector.broadcast %div3A_3 : vector<1x128xf32> to vector<1000x128xf32>
    %sub3A_19 = arith.subf %get3A_17, %sub3A_18 : vector<1000x128xf32>
    %mul3A_20 = vector.broadcast %rsqrt3A : vector<1x128xf32> to vector<1000x128xf32>
    %mul3A_21 = arith.mulf %sub3A_19, %mul3A_20 : vector<1000x128xf32>
    %max3A = arith.constant 0.000000e+00 : f32
    %max3A_22 = vector.broadcast %max3A : f32 to vector<1000x128xf32>
    %max3A_23 = arith.maximumf %mul3A_21, %max3A_22 : vector<1000x128xf32>
    %add3A_24 = arith.addf %get3A_14, %max3A_23 : vector<1000x128xf32>
    %reduce_sum3A = arith.constant dense<0.000000e+00> : vector<128xf32>
    %reduce_sum3A_25 = vector.multi_reduction <add>, %add3A_24, %reduce_sum3A [0] : vector<1000x128xf32> to vector<128xf32>
    %broadcast_in_dim3A = vector.shape_cast %reduce_sum3A_25 : vector<128xf32> to vector<1x128xf32>
    %eq3A = arith.constant 0 : i32
    %eq3A_26 = arith.cmpi eq, %arg0, %eq3A : i32
    %convert_element_type3A = arith.extui %eq3A_26 : i1 to i32
    %cond3A = arith.constant 0 : i32
    %cond3A_27 = arith.cmpi ne, %convert_element_type3A, %cond3A : i32
    scf.if %cond3A_27 {
      %broadcast_in_dim3A_39 = arith.constant 0.000000e+00 : f32
      %broadcast_in_dim3A_40 = vector.broadcast %broadcast_in_dim3A_39 : f32 to vector<8x128xf32>
      %swap3A_41 = arith.constant 0 : index
      %swap3A_42 = arith.constant 0 : index
      %swap3A_43 = vector.load %arg10[%swap3A_41, %swap3A_42] : memref<8x128xf32, #tpu.memory_space<vmem>>, vector<8x128xf32>
      tpu.vector_store %arg10[%swap3A_41, %swap3A_42], %broadcast_in_dim3A_40 {strides = array<i32>} : memref<8x128xf32, #tpu.memory_space<vmem>>, vector<8x128xf32>,
    } else {
    }
    %get3A_28 = arith.constant 0 : index
    %get3A_29 = arith.constant 0 : index
    %get3A_30 = vector.load %arg10[%get3A_28, %get3A_29] : memref<8x128xf32, #tpu.memory_space<vmem>>, vector<1x128xf32>
    %add3A_31 = arith.addf %get3A_30, %broadcast_in_dim3A : vector<1x128xf32>
    %swap3A = arith.constant 0 : index
    %swap3A_32 = arith.constant 0 : index
    %swap3A_33 = vector.load %arg10[%swap3A, %swap3A_32] : memref<8x128xf32, #tpu.memory_space<vmem>>, vector<1x128xf32>
    tpu.vector_store %arg10[%swap3A, %swap3A_32], %add3A_31 {strides = array<i32>} : memref<8x128xf32, #tpu.memory_space<vmem>>, vector<1x128xf32>,
    %eq3A_34 = arith.constant 9 : i32
    %eq3A_35 = arith.cmpi eq, %arg0, %eq3A_34 : i32
    %convert_element_type3A_36 = arith.extui %eq3A_35 : i1 to i32
    %cond3A_37 = arith.constant 0 : i32
    %cond3A_38 = arith.cmpi ne, %convert_element_type3A_36, %cond3A_37 : i32
    scf.if %cond3A_38 {
      %get3A_39 = arith.constant 0 : index
      %get3A_40 = arith.constant 0 : index
      %get3A_41 = vector.load %arg10[%get3A_39, %get3A_40] : memref<8x128xf32, #tpu.memory_space<vmem>>, vector<1x128xf32>
      %div3A_42 = arith.constant 1.000000e+04 : f32
      %div3A_43 = vector.broadcast %div3A_42 : f32 to vector<1x128xf32>
      %div3A_44 = arith.divf %get3A_41, %div3A_43 : vector<1x128xf32>
      %get3A_45 = arith.constant 0 : index
      %get3A_46 = arith.constant 0 : index
      %get3A_47 = vector.load %arg4[%get3A_45, %get3A_46] : memref<1x8xf32, #tpu.memory_space<vmem>>, vector<1x8xf32>
      %concatenate3A = tpu.concatenate %div3A_44, %get3A_47 in 1 : vector<1x128xf32>, vector<1x8xf32> -> vector<1x136xf32>
      %get3A_48 = arith.constant 0 : index
      %get3A_49 = arith.constant 0 : index
      %get3A_50 = vector.load %arg5[%get3A_48, %get3A_49] : memref<136x64xf32, #tpu.memory_space<vmem>>, vector<136x64xf32>
      %dot_general3A = arith.constant dense<0.000000e+00> : vector<1x64xf32>
      %dot_general3A_51 = tpu.matmul %concatenate3A, %get3A_50, %dot_general3A {dimension_numbers = #tpu.dot_dimension_numbers<[1], [0], [0], [1], [0, 0, 1, 1], [], []>, transpose_lhs_hint = false} : vector<1x136xf32>, vector<136x64xf32>, vector<1x64xf32> -> vector<1x64xf32>
      %get3A_52 = arith.constant 0 : index
      %get3A_53 = arith.constant 0 : index
      %get3A_54 = vector.load %arg6[%get3A_52, %get3A_53] : memref<1x64xf32, #tpu.memory_space<vmem>>, vector<1x64xf32>
      %add3A_55 = arith.addf %dot_general3A_51, %get3A_54 : vector<1x64xf32>
      %max3A_56 = arith.constant 0.000000e+00 : f32
      %max3A_57 = vector.broadcast %max3A_56 : f32 to vector<1x64xf32>
      %max3A_58 = arith.maximumf %add3A_55, %max3A_57 : vector<1x64xf32>
      %get3A_59 = arith.constant 0 : index
      %get3A_60 = arith.constant 0 : index
      %get3A_61 = vector.load %arg7[%get3A_59, %get3A_60] : memref<1x64xf32, #tpu.memory_space<vmem>>, vector<1x64xf32>
      %mul3A_62 = arith.mulf %max3A_58, %get3A_61 : vector<1x64xf32>
      %reduce_sum3A_63 = arith.constant dense<0.000000e+00> : vector<1xf32>
      %reduce_sum3A_64 = vector.multi_reduction <add>, %mul3A_62, %reduce_sum3A_63 [1] : vector<1x64xf32> to vector<1xf32>
      %broadcast_in_dim3A_65 = vector.shape_cast %reduce_sum3A_64 : vector<1xf32> to vector<1x1xf32>
      %get3A_66 = arith.constant 0 : index
      %get3A_67 = arith.constant 0 : index
      %get3A_68 = vector.load %arg8[%get3A_66, %get3A_67] : memref<1x1xf32, #tpu.memory_space<vmem>>, vector<1x1xf32>
      %add3A_69 = arith.addf %broadcast_in_dim3A_65, %get3A_68 : vector<1x1xf32>
      %swap3A_70 = arith.constant 0 : index
      %swap3A_71 = arith.constant 0 : index
      %swap3A_72 = vector.load %arg9[%swap3A_70, %swap3A_71] : memref<1x1xf32, #tpu.memory_space<vmem>>, vector<1x1xf32>
      tpu.vector_store %arg9[%swap3A_70, %swap3A_71], %add3A_69 {strides = array<i32>} : memref<1x1xf32, #tpu.memory_space<vmem>>, vector<1x1xf32>,
    } else {
    }
    return
  }
  func.func @transform_0(%arg0: i32) -> (i32, i32) {
    %c0_i32 = arith.constant 0 : i32
    %c0_i32_0 = arith.constant 0 : i32
    return %arg0, %c0_i32 : i32, i32
  }
  func.func @transform_1(%arg0: i32) -> (i32, i32) {
    %c0_i32 = arith.constant 0 : i32
    %c0_i32_0 = arith.constant 0 : i32
    return %arg0, %c0_i32 : i32, i32
  }
  func.func @transform_2(%arg0: i32) -> (i32, i32) {
    %c0_i32 = arith.constant 0 : i32
    %c0_i32_0 = arith.constant 0 : i32
    %c0_i32_1 = arith.constant 0 : i32
    return %c0_i32, %c0_i32_0 : i32, i32
  }
  func.func @transform_3(%arg0: i32) -> (i32, i32) {
    %c0_i32 = arith.constant 0 : i32
    %c0_i32_0 = arith.constant 0 : i32
    %c0_i32_1 = arith.constant 0 : i32
    return %c0_i32, %c0_i32_0 : i32, i32
  }
  func.func @transform_4(%arg0: i32) -> (i32, i32) {
    %c0_i32 = arith.constant 0 : i32
    %c0_i32_0 = arith.constant 0 : i32
    %c0_i32_1 = arith.constant 0 : i32
    return %c0_i32, %c0_i32_0 : i32, i32
  }
  func.func @transform_5(%arg0: i32) -> (i32, i32) {
    %c0_i32 = arith.constant 0 : i32
    %c0_i32_0 = arith.constant 0 : i32
    %c0_i32_1 = arith.constant 0 : i32
    return %c0_i32, %c0_i32_0 : i32, i32
  }
  func.func @transform_6(%arg0: i32) -> (i32, i32) {
    %c0_i32 = arith.constant 0 : i32
    %c0_i32_0 = arith.constant 0 : i32
    %c0_i32_1 = arith.constant 0 : i32
    return %c0_i32, %c0_i32_0 : i32, i32
  }
  func.func @transform_7(%arg0: i32) -> (i32, i32) {
    %c0_i32 = arith.constant 0 : i32
    %c0_i32_0 = arith.constant 0 : i32
    %c0_i32_1 = arith.constant 0 : i32
    return %c0_i32, %c0_i32_0 : i32, i32
  }
  func.func @transform_8(%arg0: i32) -> (i32, i32) {
    %c0_i32 = arith.constant 0 : i32
    %c0_i32_0 = arith.constant 0 : i32
    %c0_i32_1 = arith.constant 0 : i32
    return %c0_i32, %c0_i32_0 : i32, i32
  }
}

</mosaic_0001>

<sc_bundles>
// kernel: kernel.12.cloned.1.call-start
scs
__scs_entry_jumppad:
0x0: {  	(pc) =	sbr.rel $0x88, $3  }
0x1: {  	(tag) =	ssettag $0x0;
	lr =	simm.s32 $0x1  }
0x2: {  	[smem:$0x3F8D] =	sst lr;
	_ =	strace $0xD0000000  }
0x3: {  	_ = 	snop  }
0x4: {  	_ = 	snop  }
0x5: {  	_ = 	snop  }
0x6: {  	_ = 	snop  }
0x7: {  	_ = 	snop  }
__scs_overlays_trampoline_lowered:
0x8: {  	[smem:$0x3F9C] =	sst s0  }
0x9: {  	[smem:$0x3F9D] =	sst s1  }
0xa: {  	[smem:$0x3F9E] =	sst s2  }
0xb: {  	[smem:$0x3F9F] =	sst s3  }
0xc: {  	[smem:$0x3FA0] =	sst s4  }
0xd: {  	[smem:$0x3FA1] =	sst s5  }
0xe: {  	[smem:$0x3FA2] =	sst s6  }
0xf: {  	[smem:$0x3FA3] =	sst s7  }
0x10: {  	[smem:$0x3FA4] =	sst s8  }
0x11: {  	[smem:$0x3FA5] =	sst s9;
	s0 =	simm.s32 @!p0 $0x0  }
0x12: {  	s1 =	sld [smem:$0x3F8B];
	s0 =	simm.s32 @p0 $0x1  }
0x13: {  	[smem:$0x3FA6] =	sst s0;
	s0 =	simm.s32 @!p1 $0x0  }
0x14: {  	s2 =	sld [smem:$0x3F8A];
	s0 =	simm.s32 @p1 $0x1  }
0x15: {  	[smem:$0x3FA7] =	sst s0;
	s0 =	simm.s32 @!p2 $0x0  }
0x16: {  	s3 =	sld [smem:$0x3FDB];
	s0 =	simm.s32 @p2 $0x1  }
0x17: {  	s4 =	simm.s32 $0x1BF5;
	[smem:$0x3FA9] =	sst s0  }
0x18: {  	s0 =	sld [smem:$0x3F8C];
	_ =	swait.ge [sflag:s4], $0x0  }
0x19: {  	s7 =	sld [smem:$0x3F8D]  }
0x1a: {  	s8 =	sadd.s32 $0xFFFFE003, lr  }
0x1b: {  	s9 =	sadd.s32 $0xFFFFFEF7, lr;
	s5 =	simm.s32 $0xFFFFFFFF;
	p2 =	slt.u32 s8, $0xFFFFF086  }
0x1c: {  	p1 =	slt.u32 s9, $0xF7A;
	s5 =	simm.s32 @!p2 $0x0  }
0x1d: {  	s5 =	simm.s32 @p1 $0x1;
	p0 =	seq.s32 s7, s2  }
0x1e: {  	s7 =	smul.u32 @!p0 $0xF7A, s2;
	p2 =	seq.s32 @!p0 s5, $0x0  }
0x1f: {  	s9 =	smul.u32 $0xF7A, s1;
	s8 =	simm.s32 @!p0 $0x1BF5;
	p2 =	por !p2, p0  }
0x20: {  	[sflag:s8] =	ssyncset.s32 @!p0 $0xFFFFF086;
	s6 =	sadd.s32 @!p0 s3, s7;
	s7 =	simm.s32 @!p0 $0x108  }
0x21: {  	s3 =	sadd.s32 s3, s9;
	s6 =	sadd.s32 @!p0 $0x88, s6;
	s7 =	simm.s32 @p2 $0x1082  }
0x22: {  	[simem:s7], [sflag:s8] =	dma.local @!p0 [hbm:s6], $0xF7A  }
0x23: {  	s9 =	sor.u32 $0xD0000000, s2;
	s6 =	simm.s32 $0x108;
	_ =	swait.ge @!p0 [sflag:s8], $0x0  }
0x24: {  	s3 =	sadd.s32 $0x88, s3;
	s6 =	simm.s32 @!p1 $0x1082;
	[sflag:s4] =	ssyncset.s32 $0xFFFFF086  }
0x25: {  	[simem:s6], [sflag:s4] =	dma.local [hbm:s3], $0xF7A  }
0x26: {  	[smem:$0x3F8D] =	sst s1;
	(tag) =	ssettag s2;
	_ =	strace s9  }
0x27: {  	s1 =	sld [smem:$0x3F9D]  }
0x28: {  	s2 =	sld [smem:$0x3F9E]  }
0x29: {  	s4 =	sld [smem:$0x3FA0]  }
0x2a: {  	p0 =	seq.s32 s5, $0x0;
	s5 =	sld [smem:$0x3FA1]  }
0x2b: {  	s6 =	sld [smem:$0x3FA2]  }
0x2c: {  	s7 =	sld [smem:$0x3FA3]  }
0x2d: {  	s3 =	simm.s32 $0x108;
	s8 =	sld [smem:$0x3FA4]  }
0x2e: {  	s3 =	simm.s32 @!p0 $0x1082;
	s9 =	sld [smem:$0x3FA5]  }
0x2f: {  	lr =	sadd.s32 s0, s3;
	s0 =	sld [smem:$0x3F9C]  }
0x30: {  	s3 =	sld [smem:$0x3F9F]  }
0x31: {  	[smem:$0x3FA8] =	sst s10  }
0x32: {  	s10 =	sld [smem:$0x3FA6];
	_ =	sdelay $0x3  }
0x33: {  	p0 =	seq.s32 s10, $0x1;
	s10 =	sld [smem:$0x3FA8];
	_ =	sdelay $0x3  }
0x34: {  	[smem:$0x3FA8] =	sst s10  }
0x35: {  	s10 =	sld [smem:$0x3FA7];
	_ =	sdelay $0x3  }
0x36: {  	p1 =	seq.s32 s10, $0x1;
	s10 =	sld [smem:$0x3FA8];
	_ =	sdelay $0x3  }
0x37: {  	[smem:$0x3FA8] =	sst s10  }
0x38: {  	s10 =	sld [smem:$0x3FA9]  }
0x39: {  	_ = 	snop;
	(pc) =	sbr.ind lr, $3  }
0x3a: {  	_ = 	snop  }
0x3b: {  	_ = 	snop  }
0x3c: {  	p2 =	seq.s32 s10, $0x1;
	s10 =	sld [smem:$0x3FA8]  }
0x3d: {  	_ =	shalt  }
0x3e: {  	_ =	shalt  }
0x3f: {  	_ =	shalt  }
0x40: {  	_ =	shalt  }
0x41: {  	_ =	shalt  }
0x42: {  	_ =	shalt  }
0x43: {  	_ =	shalt  }
0x44: {  	_ =	shalt  }
0x45: {  	_ =	shalt  }
0x46: {  	_ =	shalt  }
0x47: {  	_ =	shalt  }
0x48: {  	_ =	shalt  }
0x49: {  	_ =	shalt  }
0x4a: {  	_ =	shalt  }
0x4b: {  	_ =	shalt  }
0x4c: {  	_ =	shalt  }
0x4d: {  	_ =	shalt  }
0x4e: {  	_ =	shalt  }
0x4f: {  	_ =	shalt  }
0x50: {  	_ =	shalt  }
0x51: {  	_ =	shalt  }
0x52: {  	_ =	shalt  }
0x53: {  	_ =	shalt  }
0x54: {  	_ =	shalt  }
0x55: {  	_ =	shalt  }
0x56: {  	_ =	shalt  }
0x57: {  	_ =	shalt  }
0x58: {  	_ =	shalt  }
0x59: {  	_ =	shalt  }
0x5a: {  	_ =	shalt  }
0x5b: {  	_ =	shalt  }
0x5c: {  	_ =	shalt  }
0x5d: {  	_ =	shalt  }
0x5e: {  	_ =	shalt  }
0x5f: {  	_ =	shalt  }
0x60: {  	_ =	shalt  }
0x61: {  	_ =	shalt  }
0x62: {  	_ =	shalt  }
0x63: {  	_ =	shalt  }
0x64: {  	_ =	shalt  }
0x65: {  	_ =	shalt  }
0x66: {  	_ =	shalt  }
0x67: {  	_ =	shalt  }
0x68: {  	_ =	shalt  }
0x69: {  	_ =	shalt  }
0x6a: {  	_ =	shalt  }
0x6b: {  	_ =	shalt  }
0x6c: {  	_ =	shalt  }
0x6d: {  	_ =	shalt  }
0x6e: {  	_ =	shalt  }
0x6f: {  	_ =	shalt  }
0x70: {  	_ =	shalt  }
0x71: {  	_ =	shalt  }
0x72: {  	_ =	shalt  }
0x73: {  	_ =	shalt  }
0x74: {  	_ =	shalt  }
0x75: {  	_ =	shalt  }
0x76: {  	_ =	shalt  }
0x77: {  	_ =	shalt  }
0x78: {  	_ =	shalt  }
0x79: {  	_ =	shalt  }
0x7a: {  	_ =	shalt  }
0x7b: {  	_ =	shalt  }
0x7c: {  	_ =	shalt  }
0x7d: {  	_ =	shalt  }
0x7e: {  	_ =	shalt  }
0x7f: {  	_ =	shalt  }
0x80: {  	_ =	shalt  }
0x81: {  	_ =	shalt  }
0x82: {  	_ =	shalt  }
0x83: {  	_ =	shalt  }
0x84: {  	_ =	shalt  }
0x85: {  	_ =	shalt  }
0x86: {  	_ =	shalt  }
0x87: {  	_ =	shalt  }
.Lfunc_end0:
.L_simem_size_0:
called_computation_lowered:
.L_overlay_start_0:
0x88: {  	s2 =	sld [smem:$0x3FD9]  }
0x89: {  	s3 =	sld [smem:$0x3FFE];
	_ =	sdelay $0x1  }
0x8a: {  	s1 =	srdreg.scid  }
0x8b: {  	s0 =	sand.u32 $0x1, s1  }
0x8c: {  	s16 =	sshll.u32 s0, $0xA;
	s2 =	sadd.s32 s3, s2  }
0x8d: {  	s2 =	sadd.s32 s2, s16  }
0x8e: {  	[smem:$0x3FB4] =	sst s2  }
0x8f: {  	_ = 	snop  }
0x90: {  	(tm) =	ssettm $0x1  }
0x91: {  	s17 =	sld [smem:$0x3FFB];
	_ =	sdelay $0x3  }
0x92: {  	_ =	strace s17  }
0x93: {  	s2 =	sld [smem:$0x3FFC];
	_ =	sdelay $0x3  }
0x94: {  	_ =	strace s2  }
0x95: {  	s2 =	sld [smem:$0x3FFD];
	_ =	sdelay $0x3  }
0x96: {  	_ =	strace s2  }
0x97: {  	_ =	strace $0x8FFFFFFF  }
0x98: {  	s18 =	sld [smem:$0x3FDB];
	_ =	sdelay $0x1  }
0x99: {  	s19 =	simm.s32 $_scs_section_size  }
0x9a: {  	s4 =	simm.s32 $_size__tile_overlayer_lowered;
	s5 =	simm.s32 $_tile_overlayer_lowered  }
0x9b: {  	s22 =	simm.s32 $0x1BFF;
	s21 =	sshll.u32 s5, $0x1;
	s2 =	sadd.s32 s19, s18  }
0x9c: {  	s6 =	simm.s32 $0x0;
	s20 =	sshll.u32 s4, $0x1;
	s4 =	sadd.s32 s21, s2  }
0x9d: {  	[timem:s6], [sflag:s22] =	dma.local [hbm:s4], s20  }
0x9e: {  	_ =	swait.ge [sflag:s22], s20  }
0x9f: {  	s3 =	ssub.s32 $0x0, s20;
	[sflag:s22] =	ssyncset.done $0x0  }
0xa0: {  	[sflag:s22] =	ssyncadd.s32 s3;
	_ =	sdelay $0x1  }
0xa1: {  	s23 =	simm.s32 $0x1B8B  }
0xa2: {  	_ =	swait.ge [sflag:s23], $0x1  }
0xa3: {  	[sflag:s23] =	ssyncset.done $0x0  }
0xa4: {  	s25 =	simm.s32 $0x1B8E;
	s24 =	sld [smem:$0x3FFE];
	[sflag:s23] =	ssyncadd.s32 $0xFFFFFFFF  }
0xa5: {  	s26 =	simm.s32 $execute0_lowered;
	[smem:$0x3FD2] =	sst s25  }
0xa6: {  	s4 =	sshll.u32 s26, $0x1;
	_ =	strace $0x80000046;
	[dreg:$0x1] =	wrdreg $0xFFFFFFFF  }
0xa7: {  	s28 =	simm.s32 $_size_execute0_lowered;
	s2 =	sadd.s32 s2, s4;
	[dreg:$0x0] =	wrdreg $0x0  }
0xa8: {  	s4 =	sshll.u32 s28, $0x1;
	[dreg:$0x2] =	wrdreg s2  }
0xa9: {  	[dreg:$0x3] =	wrdreg s4  }
0xaa: {  	[dreg:$0x4] =	wrdreg $0xC0  }
0xab: {  	_ =	task [dreg:s6], $0x5FFFF  }
0xac: {  	[dreg:$0x1] =	wrdreg $0xFFFFFFFF  }
0xad: {  	[dreg:$0x0] =	wrdreg $0x60  }
0xae: {  	[dreg:$0x2] =	wrdreg s24  }
0xaf: {  	[dreg:$0x3] =	wrdreg $0xB6000  }
0xb0: {  	[dreg:$0x4] =	wrdreg $0x9  }
0xb1: {  	_ =	task.clear_ibuf [dreg:s6], $0x5FFFF;
	_ =	strace $0x90000046  }
0xb2: {  	s29 =	simm.s32 $0x9;
	_ =	strace $0x80000048  }
0xb3: {  	_ =	swait.ge [sflag:s29], $0x1  }
0xb4: {  	[sflag:s29] =	ssyncadd.s32 $0xFFFFFFFF  }
0xb5: {  	_ =	strace $0x90000048  }
0xb6: {  	_ =	sfence  }
0xb7: {  	s30 =	sld [smem:$0x0];
	_ =	sdelay $0x2  }
0xb8: {  	s31 =	sshll.u32 s1, $0xD;
	s1 =	sshrl.u32 s1, $0x2  }
0xb9: {  	s3 =	sand.u32 $0x4000, s31;
	s1 =	sadd.s32 s1, s30  }
0xba: {  	s0 =	sor.u32 s3, s0;
	s1 =	sshll.u32 s1, $0x11  }
0xbb: {  	s0 =	sor.u32 s1, s0  }
0xbc: {  	s0 =	sadd.s32 $0x8F2B, s0  }
0xbd: {  	[sflag:s0] =	ssyncadd.remote.s32 $0x1  }
0xbe: {  	_ =	sfence.sel $0xFFFF  }
0xbf: {  	[dreg:$0x0] =	wrdreg $0xFFFFFFFF;
	(pc) =	sbr.abs _section_cstart, $3  }
0xc0: {  	[dreg:$0x1] =	wrdreg $0xFFFFFFFF  }
0xc1: {  	_ =	task.clear_ibuf [dreg:s6], $0x2FFFF;
	_ =	strace $0x9FFFFFFF  }
0xc2: {  	(tm) =	ssettm $0x7FFFFFFF  }
0xc3: {  	_ =	shalt  }
tec
execute0_lowered:
.L_overlay_start_1:
0x0: {  	(tag) =	ssettag $0x1  }
0x1: {  	s0 =	srdreg.scid;
	s1 =	rddreg [dreg:$0x0]  }
0x2: {  	s7 =	rddreg [dreg:$0x1];
	s8 =	simm.s32 $0x0;
	s6 =	stileid.u32  }
0x3: {  	[smem:$0x7FF] =	sst s8;
	s4 =	smul.u32 $0x1F400, s6;
	s9 =	sadd.s32 $0x6600, s1  }
0x4: {  	s0 =	sand.u32 $0x1, s0;
	s5 =	sadd.s32 $0xA2C200, s1;
	s13 =	sadd.s32 $0xAA1800, s1  }
0x5: {  	s14 =	smul.u32 $0x7D000, s6;
	_ =	strace $0x80000047;
	[dreg:$0x4] =	wrdreg s5  }
0x6: {  	s10 =	sadd.s32 $0x4FC000, s1;
	s11 =	smul.u32 $0x4E20, s6;
	[dreg:$0x6] =	wrdreg s13  }
0x7: {  	s19 =	smul.u32 $0x4E200, s6;
	p0 =	sgt.u32 s6, $0x9;
	[dreg:$0x5] =	wrdreg s10  }
0x8: {  	s2 =	smul.u32 $0x138800, s0;
	s15 =	ssub.s32 $0x2, s0;
	[dreg:$0x3] =	wrdreg s9  }
0x9: {  	s24 =	smul.u32 $0x2710000, s0;
	s0 =	sshll.u32 s0, $0x6;
	s5 =	simm.s32 $0x180  }
0xa: {  	s16 =	sshrl.u32 s15, $0x1;
	s20 =	sadd.s32 $0x28, s11;
	[dreg:$0x7] =	wrdreg s11  }
0xb: {  	s17 =	sshrl.u32 s11, $0x3;
	s22 =	sadd.s32 $0x4E228, s11;
	[dreg:$0xb] =	wrdreg s20  }
0xc: {  	s25 =	sor.u32 $0x5280, s0;
	s26 =	sor.u32 $0x2A80, s0;
	[dreg:$0x10] =	wrdreg s24  }
0xd: {  	s28 =	sor.u32 $0x6680, s0;
	s30 =	sadd.s32 $0x50, s11;
	[dreg:$0x13] =	wrdreg s25  }
0xe: {  	s31 =	sadd.s32 $0x78, s11;
	s3 =	sshrl.u32 s2, $0x3;
	[dreg:$0x14] =	wrdreg s26  }
0xf: {  	s2 =	sadd.s32 s4, s2;
	s4 =	sshrl.u32 s14, $0x2;
	[dreg:$0x15] =	wrdreg s28  }
0x10: {  	s18 =	sadd.s32 s9, s17;
	s21 =	sshrl.u32 s20, $0x3;
	[dreg:$0x17] =	wrdreg s30  }
0x11: {  	s23 =	sshrl.u32 s22, $0x3;
	s20 =	sor.u32 $0x8E80, s0;
	[dreg:$0x18] =	wrdreg s31  }
0x12: {  	s3 =	sadd.s32 s3, s1;
	s4 =	sadd.s32 s4, s7;
	[dreg:$0xa] =	wrdreg s18  }
0x13: {  	s2 =	sshrl.u32 s2, $0x3;
	s29 =	sadd.s32 $0x9C40, s18;
	[dreg:$0x9] =	wrdreg s4  }
0x14: {  	s2 =	sadd.s32 s2, s1;
	s1 =	sadd.s32 $0xAF3A00, s1;
	[dreg:$0x16] =	wrdreg s29  }
0x15: {  	s25 =	sor.u32 $0x3E80, s0;
	s3 =	sadd.s32 $0x9DE000, s3;
	[dreg:$0x8] =	wrdreg s1  }
0x16: {  	s4 =	sadd.s32 s10, s19;
	s1 =	ssub.s32 s15, s16;
	[dreg:$0xc] =	wrdreg s3  }
.Ltmp0:
0x17: {  	[dreg:$0xd] =	wrdreg s4;
	s3 =	sadd.s32 s9, s21;
	(pc) =	sbr.rel .LBB2_1-.Ltmp0, $4  }
0x18: {  	s2 =	sadd.s32 $0xAA5800, s2;
	s4 =	simm.s32 $0x100;
	[dreg:$0xe] =	wrdreg s3  }
0x19: {  	s3 =	sadd.s32 s9, s23;
	[dreg:$0x11] =	wrdreg s2;
	s1 =	smax.u32 s1, $0x1  }
0x1a: {  	s23 =	sor.u32 $0xA280, s0;
	s2 =	simm.s32 $0x28;
	[dreg:$0xf] =	wrdreg s3  }
0x1b: {  	[dreg:$0x12] =	wrdreg s1;
	s1 =	simm.s32 $0x80;
	s3 =	simm.s32 $0x0  }
.LBB2_12:
0x1c: {  	s0 =	simm.s32 $0x5  }
0x1d: {  	_ =	swait.ge [sflag:s0], $0x1400  }
0x1e: {  	[sflag:s0] =	ssyncset.done $0x0  }
0x1f: {  	s29 =	simm.s32 $0x6;
	[sflag:s0] =	ssyncadd.s32 $0xFFFFEC00  }
0x20: {  	_ =	swait.ge [sflag:s29], $0x1400  }
0x21: {  	[sflag:s29] =	ssyncset.done $0x0  }
0x22: {  	[sflag:s29] =	ssyncadd.s32 $0xFFFFEC00  }
0x23: {  	[bflag:$0x0] =	sbarrier.arrive $0xFFFF  }
0x24: {  	s0 =	rddreg [dreg:$0x11]  }
0x25: {  	s1 =	rddreg [dreg:$0x1a]  }
0x26: {  	s3 =	rddreg [dreg:$0x1b]  }
0x27: {  	[hbm:s0], [sflag:s1] =	dma.local @!p0 [spmem:s3], $0x3E80  }
0x28: {  	s0 =	simm.s32 @!p0 $0x7  }
0x29: {  	_ =	swait.ge @!p0 [sflag:s0], $0x3E80  }
0x2a: {  	s30 =	rddreg [dreg:$0x19]  }
0x2b: {  	s31 =	rddreg [dreg:$0x12];
	s3 =	sadd.s32 $0x1, s30  }
0x2c: {  	p1 =	sne.s32 s3, s31  }
.Ltmp1:
0x2d: {  	_ = 	snop;
	(pc) =	sbr.rel @!p1 .LBB2_13-.Ltmp1, $3  }
0x2e: {  	_ =	sdelay $0x1  }
0x2f: {  	[sflag:s0] =	ssyncset.done @!p0 $0x0  }
0x30: {  	s4 =	simm.s32 $0x100;
	s1 =	simm.s32 $0x80;
	[sflag:s0] =	ssyncadd.s32 @!p0 $0xFFFFC180  }
.LBB2_1:
0x31: {  	s0 =	stileid.u32  }
0x32: {  	[dreg:$0x19] =	wrdreg s3;
	s0 =	sshll.u32 @!p0 s0, $0x6  }
0x33: {  	s3 =	sor.u32 @!p0 $0x1C07, s0;
	s0 =	rddreg [dreg:$0x9]  }
0x34: {  	s6 =	sshrl.u32 @!p0 s0, $0x3;
	s0 =	rddreg [dreg:$0x6]  }
0x35: {  	[dreg:$0x1a] =	wrdreg s3  }
0x36: {  	[dreg:$0x1b] =	wrdreg s6  }
0x37: {  	[spmem:s6], [sflag:s3] =	dma.local @!p0 [hbm:s0], $0x3E80  }
0x38: {  	s0 =	simm.s32 @!p0 $0x7  }
0x39: {  	_ =	swait.ge @!p0 [sflag:s0], $0x3E80  }
0x3a: {  	[sflag:s0] =	ssyncset.done @!p0 $0x0  }
0x3b: {  	[sflag:s0] =	ssyncadd.s32 @!p0 $0xFFFFC180  }
0x3c: {  	[bflag:$0x0] =	sbarrier.arrive $0xFFFF  }
0x3d: {  	s17 =	rddreg [dreg:$0xa]  }
0x3e: {  	[tilespmem:s8], [sflag:$0x1] =	stream.linear.gather [hbm4b:s17+s8], $0x28, $0x38;
	[tilespmem:$0x1EE80] =	vst v63  }
0x3f: {  	s19 =	simm.s32 $0x1;
	s18 =	rddreg [dreg:$0x16]  }
0x40: {  	[tilespmem:s1], [sflag:$0x1] =	stream.linear.gather [hbm4b:s18+s8], $0x28, $0x38;
	[tilespmem:$0x1EE80] =	vst v63  }
0x41: {  	_ =	swait.ge [sflag:s19], $0x28  }
0x42: {  	[sflag:s19] =	ssyncset.done $0x0  }
0x43: {  	[sflag:s19] =	ssyncadd.s32 $0xFFFFFFD8  }
0x44: {  	_ =	swait.ge [sflag:s19], $0x28  }
0x45: {  	[sflag:s19] =	ssyncset.done $0x0  }
0x46: {  	s22 =	simm.s32 $0x200;
	s21 =	rddreg [dreg:$0xc];
	[sflag:s19] =	ssyncadd.s32 $0xFFFFFFD8  }
0x47: {  	[tilespmem:s22], [sflag:$0x3] =	stream.indirect.gather [hbm4b:s21+s2], $0x80, s8, s2, $0xb8;
	[tilespmem:$0x1EE80] =	vst v63  }
0x48: {  	s26 =	simm.s32 $0x2A00;
	s24 =	rddreg [dreg:$0x4]  }
0x49: {  	[tilespmem:s26], [sflag:$0x3] =	stream.indirect.gather [hbm4b:s24+s2], $0x80, s1, s2, $0xb8;
	[tilespmem:$0x1EE80] =	vst v63  }
0x4a: {  	s29 =	simm.s32 $0x5200;
	s28 =	rddreg [dreg:$0xd]  }
0x4b: {  	[tilespmem:s29], [sflag:$0x3] =	stream.linear.gather [hbm4b:s28+s8], $0x1400, $0x38;
	[tilespmem:$0x1EE80] =	vst v63  }
0x4c: {  	s30 =	rddreg [dreg:$0xe]  }
0x4d: {  	[tilespmem:s4], [sflag:$0x2] =	stream.linear.gather [hbm4b:s30+s8], $0x28, $0x38;
	[tilespmem:$0x1EE80] =	vst v63  }
0x4e: {  	s3 =	simm.s32 $0x0;
	s31 =	rddreg [dreg:$0xf]  }
0x4f: {  	[tilespmem:s5], [sflag:$0x2] =	stream.linear.gather [hbm4b:s31+s8], $0x28, $0x38;
	[tilespmem:$0x1EE80] =	vst v63  }
.LBB2_2:
0x50: {  	s0 =	simm.s32 $0x3  }
0x51: {  	_ =	swait.ge [sflag:s0], $0x1400  }
0x52: {  	[sflag:s0] =	ssyncset.done $0x0  }
0x53: {  	[sflag:s0] =	ssyncadd.s32 $0xFFFFEC00  }
0x54: {  	_ =	swait.ge [sflag:s0], $0x1400  }
0x55: {  	[sflag:s0] =	ssyncset.done $0x0  }
0x56: {  	[sflag:s0] =	ssyncadd.s32 $0xFFFFEC00  }
0x57: {  	_ =	swait.ge [sflag:s0], $0x1400  }
0x58: {  	[sflag:s0] =	ssyncset.done $0x0  }
0x59: {  	s13 =	simm.s32 $0x2;
	[sflag:s0] =	ssyncadd.s32 $0xFFFFEC00  }
0x5a: {  	_ =	swait.ge [sflag:s13], $0x28  }
0x5b: {  	[sflag:s13] =	ssyncset.done $0x0  }
0x5c: {  	[sflag:s13] =	ssyncadd.s32 $0xFFFFFFD8  }
0x5d: {  	_ =	swait.ge [sflag:s13], $0x28  }
0x5e: {  	s14 =	rddreg [dreg:$0xc]  }
0x5f: {  	s1 =	simm.s32 $0x1600;
	s15 =	smul.u32 $0x50, s3;
	s16 =	rddreg [dreg:$0x4]  }
0x60: {  	s17 =	simm.s32 $0x3E00;
	[sflag:s13] =	ssyncset.done $0x0;
	s18 =	rddreg [dreg:$0xb]  }
0x61: {  	s19 =	rddreg [dreg:$0x5];
	[sflag:s13] =	ssyncadd.s32 $0xFFFFFFD8;
	s0 =	sadd.s32 s15, s18  }
0x62: {  	[tilespmem:s1], [sflag:$0x4] =	stream.indirect.gather [hbm4b:s14+s2], $0x80, s4, s2, $0xb8;
	[tilespmem:$0x1EE80] =	vst v63  }
0x63: {  	s21 =	simm.s32 $0x6600;
	[dreg:$0x1e] =	wrdreg s0;
	s0 =	sshll.u32 s0, $0x4  }
0x64: {  	[tilespmem:s17], [sflag:$0x4] =	stream.indirect.gather [hbm4b:s16+s2], $0x80, s5, s2, $0xb8;
	[tilespmem:$0x1EE80] =	vst v63  }
0x65: {  	p1 =	seq.s32 s3, $0x0;
	[dreg:$0x1d] =	wrdreg s15;
	s0 =	sadd.s32 s19, s0  }
0x66: {  	[tilespmem:s21], [sflag:$0x4] =	stream.linear.gather [hbm4b:s0+s8], $0x1400, $0x38;
	[tilespmem:$0x1EE80] =	vst v63  }
0x67: {  	[dreg:$0x1c] =	wrdreg s3;
	s0 =	simm.s32 @!p1 $0x5  }
0x68: {  	_ =	swait.ge @!p1 [sflag:s0], $0x1400  }
0x69: {  	[sflag:s0] =	ssyncset.done @!p1 $0x0  }
0x6a: {  	s22 =	simm.s32 $0x280;
	[sflag:s0] =	ssyncadd.s32 @!p1 $0xFFFFEC00  }
0x6b: {  	s11 =	rddreg [dreg:$0x14];
	v0 =	vld [tilespmem:s22+$0x0]  }
0x6c: {  	v1 =	vld [tilespmem:s11+$0x0]  }
0x6d: {  	s24 =	rddreg [dreg:$0x13]  }
0x6e: {  	v2 =	vld [tilespmem:s24+$0x0];
	_ =	sdelay $0x2  }
0x6f: {  	v0 =	vadd.f32 v1, v0  }
0x70: {  	v1 =	vld [tilespmem:s11+$0xFFFFFF80]  }
0x71: {  	v0 =	vadd.f32 v2, v0;
	v2 =	vld [tilespmem:s22+$0xFFFFFF80];
	_ =	sdelay $0x1  }
0x72: {  	v4 =	vld [tilespmem:s24+$0xFFFFFF80];
	v3 =	vsub.f32 $0.0e+00, v0;
	_ =	sdelay $0x1  }
0x73: {  	v3 =	vmul.f32 $1.442695020e+00, v3  }
0x74: {  	v1 =	vadd.f32 v1, v2  }
0x75: {  	(erf) = vpow2.f32 v3  }
0x76: {  	v1 =	vadd.f32 v4, v1;
	_ =	sdelay $0x1  }
0x77: {  	v2 =	vsub.f32 $0.0e+00, v1;
	_ =	sdelay $0x1  }
0x78: {  	v2 =	vmul.f32 $1.442695020e+00, v2;
	_ =	sdelay $0x1  }
0x79: {  	(erf) = vpow2.f32 v2;
	_ =	sdelay $0x1  }
0x7a: {  	v2 =	vpop (erf)  }
0x7b: {  	v2 =	vadd.f32 $1.000000000e+00, v2;
	_ =	sdelay $0x1  }
0x7c: {  	(erf) = vrcp.f32 v2;
	_ =	sdelay $0x3  }
0x7d: {  	v2 =	vpop (erf)  }
0x7e: {  	s26 =	sadd.s32 $0x100, s11;
	v3 =	vld [tilespmem:s22+$0x40];
	v2 =	vadd.f32 $1.000000000e+00, v2  }
0x7f: {  	s10 =	simm.s32 $0x380;
	v5 =	vld [tilespmem:s26+$0x0]  }
0x80: {  	v4 =	vld [tilespmem:s10+$0x0];
	(erf) = vrcp.f32 v2  }
0x81: {  	s7 =	sadd.s32 $0x100, s24  }
0x82: {  	v2 =	vld [tilespmem:s7+$0x0];
	v6 =	vpop (erf)  }
0x83: {  	s29 =	simm.s32 $0x7A80;
	v7 =	vld [tilespmem:s22+$0xFFFFFFC0];
	v3 =	vmul.f32 v6, v3  }
0x84: {  	v8 =	vld [tilespmem:s26+$0xFFFFFF80];
	[tilespmem:s29+$0x40] =	vst v6  }
0x85: {  	v4 =	vadd.f32 v5, v4;
	v6 =	vld [tilespmem:s10+$0xFFFFFF80];
	[tilespmem:s29+$0x0] =	vst v3  }
0x86: {  	v3 =	vld [tilespmem:s7+$0xFFFFFF80];
	[tilespmem:s20+$0x0] =	vst v0  }
0x87: {  	v0 =	vadd.f32 v2, v4;
	v2 =	vld [tilespmem:s22+$0x10]  }
0x88: {  	v4 =	vld [tilespmem:s11+$0x10]  }
0x89: {  	v9 =	vpop (erf)  }
0x8a: {  	v5 =	vsub.f32 $0.0e+00, v0;
	v6 =	vadd.f32 v8, v6;
	v8 =	vld [tilespmem:s24+$0x10];
	v7 =	vmul.f32 v9, v7  }
0x8b: {  	[tilespmem:s29+$0xFFFFFFC0] =	vst v9  }
0x8c: {  	v5 =	vmul.f32 $1.442695020e+00, v5;
	[tilespmem:s29+$0xFFFFFF80] =	vst v7  }
0x8d: {  	v3 =	vadd.f32 v3, v6;
	v2 =	vadd.f32 v4, v2;
	[tilespmem:s20+$0xFFFFFF80] =	vst v1  }
0x8e: {  	(erf) = vpow2.f32 v5;
	v4 =	vld [tilespmem:s22+$0xFFFFFF90]  }
0x8f: {  	v1 =	vsub.f32 $0.0e+00, v3;
	v2 =	vadd.f32 v8, v2;
	v5 =	vld [tilespmem:s11+$0xFFFFFF90];
	_ =	sdelay $0x1  }
0x90: {  	v7 =	vld [tilespmem:s24+$0xFFFFFF90];
	v1 =	vmul.f32 $1.442695020e+00, v1;
	v6 =	vsub.f32 $0.0e+00, v2;
	_ =	sdelay $0x1  }
0x91: {  	(erf) = vpow2.f32 v1;
	v1 =	vmul.f32 $1.442695020e+00, v6  }
0x92: {  	v4 =	vadd.f32 v5, v4;
	_ =	sdelay $0x1  }
0x93: {  	v4 =	vadd.f32 v7, v4  }
0x94: {  	(erf) = vpow2.f32 v1;
	v1 =	vpop (erf)  }
0x95: {  	v1 =	vadd.f32 $1.000000000e+00, v1;
	v5 =	vsub.f32 $0.0e+00, v4;
	_ =	sdelay $0x1  }
0x96: {  	(erf) = vrcp.f32 v1;
	_ =	sdelay $0x1  }
0x97: {  	v1 =	vmul.f32 $1.442695020e+00, v5;
	v5 =	vpop (erf)  }
0x98: {  	v5 =	vadd.f32 $1.000000000e+00, v5;
	_ =	sdelay $0x1  }
0x99: {  	s2 =	simm.s32 $0x480;
	(erf) = vpow2.f32 v1;
	v1 =	vld [tilespmem:s10+$0x40]  }
0x9a: {  	s15 =	sadd.s32 $0x100, s26;
	v11 =	vld [tilespmem:s2+$0xFFFFFF80]  }
0x9b: {  	v8 =	vld [tilespmem:s15+$0x0];
	(erf) = vrcp.f32 v5;
	v5 =	vpop (erf)  }
0x9c: {  	v7 =	vld [tilespmem:s2+$0x0];
	v5 =	vadd.f32 $1.000000000e+00, v5  }
0x9d: {  	s19 =	sadd.s32 $0x100, s7;
	v9 =	vld [tilespmem:s15+$0xFFFFFF80];
	v10 =	vpop (erf)  }
0x9e: {  	(erf) = vrcp.f32 v5;
	v5 =	vld [tilespmem:s19+$0x0];
	v1 =	vmul.f32 v10, v1;
	_ =	sdelay $0x1  }
0x9f: {  	s12 =	simm.s32 $0x7B80;
	v6 =	vld [tilespmem:s10+$0xFFFFFFC0]  }
0xa0: {  	v7 =	vadd.f32 v8, v7;
	[tilespmem:s12+$0x40] =	vst v10  }
0xa1: {  	s8 =	sadd.s32 $0x100, s20;
	v9 =	vadd.f32 v9, v11;
	v10 =	vld [tilespmem:s19+$0xFFFFFF80];
	[tilespmem:s12+$0x0] =	vst v1;
	v1 =	vpop (erf)  }
0xa2: {  	[tilespmem:s8+$0x0] =	vst v0;
	v0 =	vld [tilespmem:s22+$0x50];
	v1 =	vadd.f32 $1.000000000e+00, v1;
	v5 =	vadd.f32 v5, v7  }
0xa3: {  	v8 =	vpop (erf)  }
0xa4: {  	v11 =	vld [tilespmem:s26+$0x10];
	v6 =	vmul.f32 v8, v6;
	(erf) = vrcp.f32 v1;
	v1 =	vsub.f32 $0.0e+00, v5  }
0xa5: {  	v7 =	vld [tilespmem:s10+$0x10];
	[tilespmem:s12+$0xFFFFFFC0] =	vst v8  }
0xa6: {  	v8 =	vld [tilespmem:s7+$0x10];
	[tilespmem:s12+$0xFFFFFF80] =	vst v6;
	v6 =	vadd.f32 v10, v9;
	v9 =	vpop (erf);
	v1 =	vmul.f32 $1.442695020e+00, v1  }
0xa7: {  	v10 =	vld [tilespmem:s22+$0xFFFFFFD0];
	[tilespmem:s8+$0xFFFFFF80] =	vst v3;
	v0 =	vmul.f32 v9, v0  }
0xa8: {  	v3 =	vld [tilespmem:s10+$0xFFFFFF90];
	v12 =	vsub.f32 $0.0e+00, v6;
	[tilespmem:s29+$0x50] =	vst v9;
	(erf) = vpow2.f32 v1  }
0xa9: {  	v9 =	vld [tilespmem:s26+$0xFFFFFF90];
	[tilespmem:s29+$0x10] =	vst v0  }
0xaa: {  	v1 =	vadd.f32 v11, v7;
	v0 =	vld [tilespmem:s7+$0xFFFFFF90];
	v7 =	vmul.f32 $1.442695020e+00, v12;
	[tilespmem:s20+$0x10] =	vst v2  }
0xab: {  	v2 =	vld [tilespmem:s22+$0x20]  }
0xac: {  	(erf) = vpow2.f32 v7;
	v7 =	vld [tilespmem:s11+$0x20]  }
0xad: {  	v1 =	vadd.f32 v8, v1;
	v11 =	vpop (erf)  }
0xae: {  	v3 =	vadd.f32 v9, v3;
	v9 =	vld [tilespmem:s24+$0x20];
	v10 =	vmul.f32 v11, v10  }
0xaf: {  	v8 =	vsub.f32 $0.0e+00, v1;
	[tilespmem:s29+$0xFFFFFFD0] =	vst v11  }
0xb0: {  	[tilespmem:s29+$0xFFFFFF90] =	vst v10  }
0xb1: {  	v8 =	vmul.f32 $1.442695020e+00, v8;
	v3 =	vadd.f32 v0, v3;
	v0 =	vadd.f32 v7, v2;
	[tilespmem:s20+$0xFFFFFF90] =	vst v4;
	v4 =	vpop (erf)  }
0xb2: {  	v4 =	vadd.f32 $1.000000000e+00, v4  }
0xb3: {  	(erf) = vpow2.f32 v8;
	v2 =	vsub.f32 $0.0e+00, v3;
	v8 =	vadd.f32 v9, v0  }
0xb4: {  	(erf) = vrcp.f32 v4  }
0xb5: {  	v7 =	vld [tilespmem:s22+$0xFFFFFFA0];
	v2 =	vmul.f32 $1.442695020e+00, v2;
	v9 =	vpop (erf);
	v4 =	vsub.f32 $0.0e+00, v8  }
0xb6: {  	v0 =	vld [tilespmem:s11+$0xFFFFFFA0];
	v9 =	vadd.f32 $1.000000000e+00, v9  }
0xb7: {  	(erf) = vpow2.f32 v2;
	v2 =	vmul.f32 $1.442695020e+00, v4  }
0xb8: {  	v10 =	vld [tilespmem:s24+$0xFFFFFFA0];
	(erf) = vrcp.f32 v9  }
0xb9: {  	(erf) = vpow2.f32 v2;
	v2 =	vld [tilespmem:s2+$0x40];
	_ =	sdelay $0x1  }
0xba: {  	s14 =	simm.s32 $0x580;
	v0 =	vadd.f32 v0, v7  }
0xbb: {  	s13 =	sadd.s32 $0x100, s15;
	v9 =	vld [tilespmem:s14+$0x0];
	v7 =	vpop (erf)  }
0xbc: {  	v0 =	vadd.f32 v10, v0;
	v10 =	vld [tilespmem:s13+$0x0];
	v7 =	vadd.f32 $1.000000000e+00, v7;
	v13 =	vpop (erf)  }
0xbd: {  	v14 =	vld [tilespmem:s14+$0xFFFFFF80];
	s6 =	sadd.s32 $0x100, s19;
	v2 =	vmul.f32 v13, v2  }
0xbe: {  	(erf) = vrcp.f32 v7;
	v7 =	vld [tilespmem:s6+$0x0]  }
0xbf: {  	s1 =	simm.s32 $0x7C80;
	v4 =	vld [tilespmem:s2+$0xFFFFFFC0];
	v11 =	vsub.f32 $0.0e+00, v0  }
0xc0: {  	v12 =	vld [tilespmem:s13+$0xFFFFFF80];
	v15 =	vpop (erf);
	[tilespmem:s1+$0x40] =	vst v13  }
0xc1: {  	s30 =	sadd.s32 $0x100, s8;
	v11 =	vmul.f32 $1.442695020e+00, v11;
	v9 =	vadd.f32 v10, v9;
	v13 =	vadd.f32 $1.000000000e+00, v15;
	v15 =	vld [tilespmem:s6+$0xFFFFFF80];
	[tilespmem:s1+$0x0] =	vst v2;
	v2 =	vpop (erf)  }
0xc2: {  	[tilespmem:s30+$0x0] =	vst v5;
	v5 =	vld [tilespmem:s10+$0x50];
	v10 =	vpop (erf)  }
0xc3: {  	(erf) = vpow2.f32 v11;
	v7 =	vadd.f32 v7, v9;
	v9 =	vld [tilespmem:s2+$0x10];
	v10 =	vadd.f32 $1.000000000e+00, v10  }
0xc4: {  	(erf) = vrcp.f32 v13;
	v11 =	vld [tilespmem:s15+$0x10];
	v4 =	vmul.f32 v2, v4  }
0xc5: {  	[tilespmem:s1+$0xFFFFFFC0] =	vst v2;
	v2 =	vadd.f32 v12, v14  }
0xc6: {  	[tilespmem:s1+$0xFFFFFF80] =	vst v4;
	v4 =	vsub.f32 $0.0e+00, v7  }
0xc7: {  	v12 =	vld [tilespmem:s10+$0xFFFFFFD0];
	(erf) = vrcp.f32 v10;
	[tilespmem:s30+$0xFFFFFF80] =	vst v6;
	v6 =	vadd.f32 v15, v2;
	v10 =	vpop (erf)  }
0xc8: {  	v2 =	vld [tilespmem:s19+$0x10];
	v4 =	vmul.f32 $1.442695020e+00, v4;
	v5 =	vmul.f32 v10, v5  }
0xc9: {  	v13 =	vld [tilespmem:s2+$0xFFFFFF90];
	v9 =	vadd.f32 v11, v9;
	v14 =	vsub.f32 $0.0e+00, v6  }
0xca: {  	v15 =	vld [tilespmem:s15+$0xFFFFFF90];
	[tilespmem:s12+$0x50] =	vst v10;
	(erf) = vpow2.f32 v4  }
0xcb: {  	v4 =	vld [tilespmem:s19+$0xFFFFFF90];
	v10 =	vmul.f32 $1.442695020e+00, v14;
	[tilespmem:s12+$0x10] =	vst v5  }
0xcc: {  	[tilespmem:s8+$0x10] =	vst v1;
	v1 =	vld [tilespmem:s22+$0x60];
	v5 =	vpop (erf)  }
0xcd: {  	v11 =	vadd.f32 v2, v9;
	(erf) = vpow2.f32 v10;
	v2 =	vld [tilespmem:s10+$0x20];
	v9 =	vpop (erf)  }
0xce: {  	v10 =	vmul.f32 v9, v12;
	v12 =	vld [tilespmem:s26+$0x20]  }
0xcf: {  	[tilespmem:s12+$0xFFFFFFD0] =	vst v9;
	v9 =	vsub.f32 $0.0e+00, v11  }
0xd0: {  	v13 =	vadd.f32 v15, v13;
	v5 =	vadd.f32 $1.000000000e+00, v5;
	v14 =	vpop (erf);
	[tilespmem:s12+$0xFFFFFF90] =	vst v10;
	v10 =	vld [tilespmem:s7+$0x20]  }
0xd1: {  	[tilespmem:s29+$0x60] =	vst v14;
	v9 =	vmul.f32 $1.442695020e+00, v9;
	v1 =	vmul.f32 v14, v1  }
0xd2: {  	(erf) = vrcp.f32 v5;
	v5 =	vadd.f32 v4, v13;
	[tilespmem:s8+$0xFFFFFF90] =	vst v3;
	v3 =	vld [tilespmem:s22+$0xFFFFFFE0]  }
0xd3: {  	v4 =	vld [tilespmem:s10+$0xFFFFFFA0];
	(erf) = vpow2.f32 v9;
	[tilespmem:s29+$0x20] =	vst v1;
	v2 =	vadd.f32 v12, v2;
	v12 =	vpop (erf)  }
0xd4: {  	v1 =	vsub.f32 $0.0e+00, v5;
	v9 =	vld [tilespmem:s26+$0xFFFFFFA0];
	[tilespmem:s20+$0x20] =	vst v8;
	v8 =	vadd.f32 $1.000000000e+00, v12  }
0xd5: {  	v12 =	vld [tilespmem:s11+$0x30];
	v10 =	vadd.f32 v10, v2  }
0xd6: {  	v1 =	vmul.f32 $1.442695020e+00, v1;
	v13 =	vpop (erf);
	v2 =	vld [tilespmem:s22+$0x30];
	(erf) = vrcp.f32 v8  }
0xd7: {  	v13 =	vadd.f32 $1.000000000e+00, v13;
	v8 =	vld [tilespmem:s7+$0xFFFFFFA0];
	v14 =	vsub.f32 $0.0e+00, v10  }
0xd8: {  	(erf) = vpow2.f32 v1;
	v1 =	vld [tilespmem:s24+$0x30]  }
0xd9: {  	s9 =	sadd.s32 $0x100, s13;
	(erf) = vrcp.f32 v13;
	v14 =	vmul.f32 $1.442695020e+00, v14  }
0xda: {  	v18 =	vld [tilespmem:s9+$0xFFFFFF80];
	v9 =	vadd.f32 v9, v4  }
0xdb: {  	s4 =	simm.s32 $0x680;
	v13 =	vpop (erf);
	v12 =	vadd.f32 v12, v2;
	(erf) = vpow2.f32 v14;
	v14 =	vld [tilespmem:s14+$0x40]  }
0xdc: {  	v17 =	vpop (erf);
	v2 =	vadd.f32 v8, v9;
	v8 =	vld [tilespmem:s4+$0x0]  }
0xdd: {  	v17 =	vadd.f32 $1.000000000e+00, v17;
	v9 =	vadd.f32 v1, v12;
	v1 =	vmul.f32 v13, v3;
	v12 =	vld [tilespmem:s9+$0x0]  }
0xde: {  	v15 =	vld [tilespmem:s14+$0xFFFFFFC0];
	[tilespmem:s29+$0xFFFFFFE0] =	vst v13  }
0xdf: {  	v13 =	vld [tilespmem:s4+$0xFFFFFF80];
	(erf) = vrcp.f32 v17;
	[tilespmem:s29+$0xFFFFFFA0] =	vst v1;
	v19 =	vpop (erf)  }
0xe0: {  	s5 =	simm.s32 $0x7D80;
	v3 =	vsub.f32 $0.0e+00, v2;
	[tilespmem:s20+$0xFFFFFFA0] =	vst v0;
	v14 =	vmul.f32 v19, v14  }
0xe1: {  	s17 =	sadd.s32 $0x100, s6;
	v17 =	vsub.f32 $0.0e+00, v9;
	v20 =	vpop (erf);
	[tilespmem:s5+$0x40] =	vst v19  }
0xe2: {  	v1 =	vld [tilespmem:s17+$0x0];
	v3 =	vmul.f32 $1.442695020e+00, v3;
	v8 =	vadd.f32 v12, v8;
	v12 =	vpop (erf);
	[tilespmem:s5+$0x0] =	vst v14  }
0xe3: {  	s31 =	sadd.s32 $0x100, s30;
	v21 =	vld [tilespmem:s17+$0xFFFFFF80];
	v17 =	vmul.f32 $1.442695020e+00, v17;
	[tilespmem:s5+$0xFFFFFFC0] =	vst v12  }
0xe4: {  	(erf) = vpow2.f32 v3;
	v0 =	vmul.f32 v12, v15;
	v12 =	vadd.f32 v18, v13;
	[tilespmem:s31+$0x0] =	vst v7;
	v7 =	vld [tilespmem:s2+$0x50]  }
0xe5: {  	v19 =	vadd.f32 $1.000000000e+00, v20;
	(erf) = vpow2.f32 v17;
	_ =	sdelay $0x1  }
0xe6: {  	(erf) = vrcp.f32 v19;
	v15 =	vadd.f32 v1, v8;
	v14 =	vpop (erf);
	v1 =	vld [tilespmem:s14+$0x10];
	[tilespmem:s5+$0xFFFFFF80] =	vst v0  }
0xe7: {  	v13 =	vld [tilespmem:s13+$0x10];
	v8 =	vadd.f32 $1.000000000e+00, v14;
	[tilespmem:s31+$0xFFFFFF80] =	vst v6;
	v6 =	vadd.f32 v21, v12;
	v12 =	vpop (erf)  }
0xe8: {  	v7 =	vmul.f32 v12, v7  }
0xe9: {  	v0 =	vsub.f32 $0.0e+00, v15;
	(erf) = vrcp.f32 v8;
	v8 =	vld [tilespmem:s6+$0x10]  }
0xea: {  	v16 =	vld [tilespmem:s2+$0xFFFFFFD0]  }
0xeb: {  	v17 =	vld [tilespmem:s14+$0xFFFFFF90];
	v0 =	vmul.f32 $1.442695020e+00, v0  }
0xec: {  	v19 =	vld [tilespmem:s13+$0xFFFFFF90];
	v18 =	vsub.f32 $0.0e+00, v6;
	v1 =	vadd.f32 v13, v1;
	[tilespmem:s1+$0x10] =	vst v7;
	v7 =	vpop (erf)  }
0xed: {  	[tilespmem:s1+$0x50] =	vst v12;
	(erf) = vpow2.f32 v0;
	v0 =	vld [tilespmem:s6+$0xFFFFFF90];
	v13 =	vpop (erf)  }
0xee: {  	v12 =	vmul.f32 $1.442695020e+00, v18;
	[tilespmem:s30+$0x10] =	vst v11;
	v11 =	vld [tilespmem:s10+$0x60];
	v18 =	vadd.f32 v8, v1;
	v13 =	vadd.f32 $1.000000000e+00, v13  }
0xef: {  	v1 =	vld [tilespmem:s2+$0x20];
	v8 =	vpop (erf)  }
0xf0: {  	(erf) = vpow2.f32 v12;
	v12 =	vmul.f32 v8, v16;
	v16 =	vld [tilespmem:s15+$0x20];
	[tilespmem:s1+$0xFFFFFFD0] =	vst v8;
	v8 =	vsub.f32 $0.0e+00, v18;
	_ =	sdelay $0x1  }
0xf1: {  	v17 =	vadd.f32 v19, v17;
	(erf) = vrcp.f32 v13;
	[tilespmem:s1+$0xFFFFFF90] =	vst v12;
	v12 =	vld [tilespmem:s19+$0x20];
	v8 =	vmul.f32 $1.442695020e+00, v8;
	v13 =	vpop (erf)  }
0xf2: {  	v7 =	vadd.f32 $1.000000000e+00, v7;
	[tilespmem:s30+$0xFFFFFF90] =	vst v5;
	v5 =	vmul.f32 v13, v11  }
0xf3: {  	v14 =	vld [tilespmem:s22+$0xFFFFFFB0];
	v17 =	vadd.f32 v0, v17;
	[tilespmem:s12+$0x60] =	vst v13  }
0xf4: {  	v19 =	vld [tilespmem:s11+$0xFFFFFFB0];
	(erf) = vrcp.f32 v7;
	v1 =	vadd.f32 v16, v1;
	[tilespmem:s12+$0x20] =	vst v5  }
0xf5: {  	v0 =	vld [tilespmem:s2+$0xFFFFFFA0];
	(erf) = vpow2.f32 v8;
	v5 =	vsub.f32 $0.0e+00, v17;
	v8 =	vpop (erf);
	[tilespmem:s8+$0x20] =	vst v10  }
0xf6: {  	v10 =	vadd.f32 $1.000000000e+00, v8;
	v8 =	vadd.f32 v12, v1;
	v1 =	vld [tilespmem:s10+$0x30]  }
0xf7: {  	v5 =	vmul.f32 $1.442695020e+00, v5;
	v11 =	vld [tilespmem:s26+$0x30]  }
0xf8: {  	v7 =	vld [tilespmem:s15+$0xFFFFFFA0];
	(erf) = vrcp.f32 v10  }
0xf9: {  	v12 =	vpop (erf);
	(erf) = vpow2.f32 v5;
	v5 =	vld [tilespmem:s7+$0x30]  }
0xfa: {  	v16 =	vld [tilespmem:s19+$0xFFFFFFA0];
	v12 =	vadd.f32 $1.000000000e+00, v12;
	v21 =	vsub.f32 $0.0e+00, v8  }
0xfb: {  	s16 =	sadd.s32 $0x100, s9;
	v4 =	vld [tilespmem:s10+$0xFFFFFFE0]  }
0xfc: {  	v57 =	vld [tilespmem:s16+$0xFFFFFF80];
	v22 =	vpop (erf);
	v21 =	vmul.f32 $1.442695020e+00, v21;
	(erf) = vrcp.f32 v12;
	v12 =	vadd.f32 v11, v1  }
0xfd: {  	v0 =	vadd.f32 v7, v0;
	v7 =	vld [tilespmem:s24+$0xFFFFFFB0]  }
0xfe: {  	s0 =	simm.s32 $0x780;
	v23 =	vpop (erf);
	(erf) = vpow2.f32 v21;
	v21 =	vld [tilespmem:s4+$0x40];
	v12 =	vadd.f32 v5, v12;
	v5 =	vadd.f32 v19, v14  }
0xff: {  	v24 =	vpop (erf);
	v1 =	vadd.f32 v16, v0;
	v16 =	vld [tilespmem:s0+$0x0]  }
0x100: {  	v4 =	vmul.f32 v23, v4;
	v0 =	vadd.f32 $1.000000000e+00, v24;
	v14 =	vld [tilespmem:s16+$0x0]  }
0x101: {  	s3 =	sadd.s32 $0x100, s17;
	v3 =	vld [tilespmem:s4+$0xFFFFFFC0];
	v19 =	vsub.f32 $0.0e+00, v1  }
0x102: {  	[tilespmem:s12+$0xFFFFFFA0] =	vst v4;
	v4 =	vld [tilespmem:s3+$0x0];
	(erf) = vrcp.f32 v0;
	v25 =	vsub.f32 $0.0e+00, v12;
	v0 =	vadd.f32 v7, v5;
	v5 =	vpop (erf)  }
0x103: {  	s11 =	simm.s32 $0x7E80;
	[tilespmem:s12+$0xFFFFFFE0] =	vst v23;
	v7 =	vmul.f32 $1.442695020e+00, v19;
	v19 =	vld [tilespmem:s0+$0xFFFFFF80];
	v21 =	vmul.f32 v5, v21  }
0x104: {  	v20 =	vld [tilespmem:s14+$0xFFFFFFD0];
	v25 =	vmul.f32 $1.442695020e+00, v25;
	v23 =	vpop (erf);
	[tilespmem:s11+$0x40] =	vst v5  }
0x105: {  	s18 =	sadd.s32 $0x100, s31;
	(erf) = vpow2.f32 v7;
	v7 =	vld [tilespmem:s3+$0xFFFFFF80];
	v14 =	vadd.f32 v14, v16;
	v23 =	vadd.f32 $1.000000000e+00, v23;
	[tilespmem:s11+$0x0] =	vst v21  }
0x106: {  	v26 =	vsub.f32 $0.0e+00, v0;
	v16 =	vpop (erf);
	[tilespmem:s18+$0x0] =	vst v15;
	v15 =	vld [tilespmem:s14+$0x50]  }
0x107: {  	[tilespmem:s8+$0xFFFFFFA0] =	vst v2;
	(erf) = vpow2.f32 v25;
	v2 =	vmul.f32 v16, v3;
	v3 =	vadd.f32 v4, v14;
	v4 =	vld [tilespmem:s4+$0x10]  }
0x108: {  	[tilespmem:s11+$0xFFFFFFC0] =	vst v16;
	v16 =	vadd.f32 v57, v19;
	(erf) = vrcp.f32 v23;
	v19 =	vld [tilespmem:s9+$0x10]  }
0x109: {  	v13 =	vld [tilespmem:s22+$0x70];
	v21 =	vmul.f32 $1.442695020e+00, v26;
	v23 =	vpop (erf)  }
0x10a: {  	v10 =	vld [tilespmem:s2+$0xFFFFFFE0];
	v14 =	vadd.f32 $1.000000000e+00, v23  }
0x10b: {  	v11 =	vld [tilespmem:s22+$0xFFFFFFF0];
	[tilespmem:s11+$0xFFFFFF80] =	vst v2;
	(erf) = vpow2.f32 v21;
	v21 =	vsub.f32 $0.0e+00, v3  }
0x10c: {  	v2 =	vadd.f32 v7, v16;
	[tilespmem:s18+$0xFFFFFF80] =	vst v6;
	v6 =	vld [tilespmem:s17+$0x10];
	v7 =	vpop (erf);
	(erf) = vrcp.f32 v14  }
0x10d: {  	v16 =	vld [tilespmem:s4+$0xFFFFFF90];
	v14 =	vmul.f32 $1.442695020e+00, v21;
	v15 =	vmul.f32 v7, v15;
	v4 =	vadd.f32 v19, v4  }
0x10e: {  	v58 =	vld [tilespmem:s9+$0xFFFFFF90];
	[tilespmem:s5+$0x50] =	vst v7;
	v21 =	vsub.f32 $0.0e+00, v2  }
0x10f: {  	v7 =	vpop (erf);
	(erf) = vpow2.f32 v14;
	v14 =	vld [tilespmem:s17+$0xFFFFFF90];
	[tilespmem:s5+$0x10] =	vst v15  }
0x110: {  	v15 =	vmul.f32 $1.442695020e+00, v21;
	v19 =	vpop (erf);
	[tilespmem:s31+$0x10] =	vst v18;
	v18 =	vld [tilespmem:s2+$0x60]  }
0x111: {  	v6 =	vadd.f32 v6, v4;
	v21 =	vld [tilespmem:s14+$0x20];
	v4 =	vpop (erf)  }
0x112: {  	v19 =	vadd.f32 $1.000000000e+00, v19;
	(erf) = vpow2.f32 v15;
	v15 =	vmul.f32 v4, v20;
	v20 =	vld [tilespmem:s13+$0x20]  }
0x113: {  	v5 =	vld [tilespmem:s0+$0xFFFFFFC0];
	[tilespmem:s5+$0xFFFFFFD0] =	vst v4  }
0x114: {  	v16 =	vadd.f32 v58, v16;
	(erf) = vrcp.f32 v19;
	v19 =	vsub.f32 $0.0e+00, v6;
	v4 =	vpop (erf);
	[tilespmem:s5+$0xFFFFFF90] =	vst v15;
	v15 =	vld [tilespmem:s6+$0x20]  }
0x115: {  	v23 =	vld [tilespmem:s10+$0xFFFFFFB0];
	v59 =	vadd.f32 $1.000000000e+00, v7;
	v61 =	vadd.f32 $1.000000000e+00, v4;
	v60 =	vpop (erf)  }
0x116: {  	v7 =	vld [tilespmem:s4+$0xFFFFFFD0];
	v19 =	vmul.f32 $1.442695020e+00, v19;
	v4 =	vadd.f32 v14, v16;
	[tilespmem:s31+$0xFFFFFF90] =	vst v17;
	v17 =	vmul.f32 v60, v18  }
0x117: {  	(erf) = vrcp.f32 v59;
	v18 =	vld [tilespmem:s26+$0xFFFFFFB0];
	[tilespmem:s1+$0x60] =	vst v60;
	v14 =	vadd.f32 v20, v21  }
0x118: {  	(erf) = vrcp.f32 v61;
	v16 =	vld [tilespmem:s14+$0xFFFFFFA0];
	[tilespmem:s1+$0x20] =	vst v17;
	v17 =	vsub.f32 $0.0e+00, v4  }
0x119: {  	(erf) = vpow2.f32 v19;
	v20 =	vld [tilespmem:s10+$0x70];
	[tilespmem:s30+$0x20] =	vst v8;
	v8 =	vadd.f32 v15, v14  }
0x11a: {  	v13 =	vmul.f32 v22, v13;
	v62 =	vld [tilespmem:s13+$0xFFFFFFA0];
	v19 =	vpop (erf)  }
0x11b: {  	[tilespmem:s29+$0x70] =	vst v22;
	v19 =	vadd.f32 $1.000000000e+00, v19;
	v15 =	vld [tilespmem:s2+$0x30];
	v22 =	vsub.f32 $0.0e+00, v8  }
0x11c: {  	[tilespmem:s29+$0x30] =	vst v13;
	v14 =	vmul.f32 $1.442695020e+00, v17;
	v21 =	vld [tilespmem:s15+$0x30];
	v17 =	vpop (erf)  }
0x11d: {  	[tilespmem:s20+$0x30] =	vst v9;
	v63 =	vld [tilespmem:s6+$0xFFFFFFA0];
	(erf) = vrcp.f32 v19;
	v13 =	vadd.f32 $1.000000000e+00, v17;
	v17 =	vpop (erf);
	v9 =	vmul.f32 $1.442695020e+00, v22  }
0x11e: {  	v19 =	vld [tilespmem:s19+$0x30];
	(erf) = vpow2.f32 v14;
	v22 =	vmul.f32 v17, v20  }
0x11f: {  	v14 =	vld [tilespmem:s14+$0xFFFFFFE0]  }
0x120: {  	s21 =	smov.u32 s18;
	v24 =	vadd.f32 v62, v16;
	v16 =	vpop (erf);
	[tilespmem:s12+$0x70] =	vst v17;
	v20 =	vld [tilespmem:s7+$0xFFFFFFB0];
	v17 =	vadd.f32 v18, v23;
	(erf) = vrcp.f32 v13  }
0x121: {  	s28 =	smov.u32 s16;
	s24 =	simm.s32 $0x880;
	s22 =	simm.s32 $0xA;
	v18 =	vmul.f32 v16, v10;
	v10 =	vld [tilespmem:s10+$0xFFFFFFF0];
	v13 =	vadd.f32 v21, v15;
	(erf) = vpow2.f32 v9;
	[tilespmem:s12+$0x30] =	vst v22;
	v9 =	vpop (erf)  }
0x122: {  	s26 =	smov.u32 s20;
	s7 =	simm.s32 $0x7E80;
	v21 =	vld [tilespmem:s0+$0x40];
	v15 =	vadd.f32 v63, v24;
	s10 =	smov.u32 s3;
	[tilespmem:s8+$0x30] =	vst v12;
	v22 =	vpop (erf);
	v11 =	vmul.f32 v9, v11  }
.LBB2_3:
0x123: {  	v23 =	vld [tilespmem:s24+$0x0];
	s16 =	sadd.s32 $0x100, s16;
	v22 =	vadd.f32 $1.000000000e+00, v22;
	[tilespmem:s1+$0xFFFFFFA0] =	vst v18;
	v12 =	vadd.f32 v19, v13  }
0x124: {  	v18 =	vld [tilespmem:s16+$0x0];
	v19 =	vsub.f32 $0.0e+00, v15;
	[tilespmem:s1+$0xFFFFFFE0] =	vst v16;
	v13 =	vmov v14  }
0x125: {  	s3 =	sadd.s32 $0x100, s3;
	v14 =	vld [tilespmem:s16+$0xFFFFFF80];
	(erf) = vrcp.f32 v22;
	[tilespmem:s30+$0xFFFFFFA0] =	vst v1;
	v16 =	vsub.f32 $0.0e+00, v12;
	v17 =	vadd.f32 v20, v17;
	v1 =	vmovc v15  }
0x126: {  	v15 =	vld [tilespmem:s3+$0x0];
	v20 =	vpop (erf);
	v19 =	vmul.f32 $1.442695020e+00, v19;
	[tilespmem:s29+$0xFFFFFFB0] =	vst v11;
	v11 =	vmov v10  }
0x127: {  	s11 =	sadd.s32 $0x100, s11;
	v10 =	vld [tilespmem:s24+$0xFFFFFF80];
	v25 =	vmul.f32 v20, v21;
	v22 =	vpop (erf);
	v16 =	vmul.f32 $1.442695020e+00, v16;
	v24 =	vsub.f32 $0.0e+00, v17;
	[tilespmem:s29+$0xFFFFFFF0] =	vst v9;
	s29 =	smov.u32 s12;
	s12 =	smov.u32 s1  }
0x128: {  	s1 =	smov.u32 s5;
	s5 =	smov.u32 s7;
	s7 =	smov.u32 s11;
	v9 =	vld [tilespmem:s3+$0xFFFFFF80];
	[tilespmem:s11+$0x40] =	vst v20;
	v26 =	vadd.f32 $1.000000000e+00, v22;
	(erf) = vpow2.f32 v19  }
0x129: {  	s18 =	sadd.s32 $0x100, s18;
	v19 =	vld [tilespmem:s24+$0xFFFFFFC0];
	v18 =	vadd.f32 v18, v23;
	[tilespmem:s11+$0x0] =	vst v25;
	v21 =	vpop (erf);
	(erf) = vpow2.f32 v16;
	v16 =	vmul.f32 $1.442695020e+00, v24  }
0x12a: {  	v5 =	vmul.f32 v21, v5;
	[tilespmem:s18+$0x0] =	vst v3;
	v22 =	vld [tilespmem:s4+$0x50];
	(erf) = vrcp.f32 v26;
	v20 =	vpop (erf)  }
0x12b: {  	s22 =	sadd.s32 $0x2, s22;
	v3 =	vadd.f32 v15, v18;
	[tilespmem:s11+$0xFFFFFFC0] =	vst v21;
	v15 =	vld [tilespmem:s0+$0x10];
	v18 =	vadd.f32 $1.000000000e+00, v20;
	(erf) = vpow2.f32 v16  }
0x12c: {  	p2 =	slt.u32 s22, $0x26;
	v20 =	vadd.f32 v14, v10;
	[tilespmem:s11+$0xFFFFFF80] =	vst v5;
	v14 =	vld [tilespmem:s28+$0x10]  }
0x12d: {  	v16 =	vsub.f32 $0.0e+00, v3;
	[tilespmem:s18+$0xFFFFFF80] =	vst v2;
	(erf) = vrcp.f32 v18;
	v18 =	vld [tilespmem:s2+$0xFFFFFFB0]  }
0x12e: {  	v2 =	vadd.f32 v9, v20;
	v9 =	vld [tilespmem:s10+$0x10];
	v10 =	vpop (erf);
	[tilespmem:s26+$0xFFFFFFB0] =	vst v0;
	v0 =	vmov v17;
	v5 =	vmov v19;
	s26 =	smov.u32 s8;
	s8 =	smov.u32 s30;
	s30 =	smov.u32 s31  }
0x12f: {  	s31 =	smov.u32 s21;
	s21 =	smov.u32 s18;
	v16 =	vmul.f32 $1.442695020e+00, v16;
	v17 =	vld [tilespmem:s0+$0xFFFFFF90];
	v19 =	vmul.f32 v10, v22  }
0x130: {  	v22 =	vsub.f32 $0.0e+00, v2;
	v21 =	vld [tilespmem:s28+$0xFFFFFF90];
	[tilespmem:s5+$0x50] =	vst v10  }
0x131: {  	(erf) = vpow2.f32 v16;
	v10 =	vld [tilespmem:s10+$0xFFFFFF90];
	v23 =	vadd.f32 v14, v15;
	[tilespmem:s5+$0x10] =	vst v19;
	v15 =	vpop (erf)  }
0x132: {  	v16 =	vmul.f32 $1.442695020e+00, v22;
	[tilespmem:s31+$0x10] =	vst v6;
	v15 =	vadd.f32 $1.000000000e+00, v15;
	v19 =	vld [tilespmem:s14+$0x60];
	v20 =	vpop (erf)  }
0x133: {  	v6 =	vadd.f32 v9, v23;
	v9 =	vld [tilespmem:s4+$0x20];
	v14 =	vpop (erf);
	v20 =	vadd.f32 $1.000000000e+00, v20  }
0x134: {  	(erf) = vpow2.f32 v16;
	v16 =	vmul.f32 v14, v7;
	[tilespmem:s5+$0xFFFFFFD0] =	vst v14;
	v14 =	vld [tilespmem:s9+$0x20];
	v22 =	vpop (erf)  }
0x135: {  	v17 =	vadd.f32 v21, v17;
	v7 =	vld [tilespmem:s0+$0xFFFFFFD0];
	v21 =	vsub.f32 $0.0e+00, v6;
	(erf) = vrcp.f32 v20  }
0x136: {  	v20 =	vadd.f32 $1.000000000e+00, v22;
	[tilespmem:s5+$0xFFFFFF90] =	vst v16;
	v16 =	vld [tilespmem:s17+$0x20];
	(erf) = vrcp.f32 v15;
	v15 =	vpop (erf)  }
0x137: {  	v21 =	vmul.f32 $1.442695020e+00, v21;
	[tilespmem:s31+$0xFFFFFF90] =	vst v4;
	v4 =	vadd.f32 v10, v17;
	v22 =	vmul.f32 v15, v19;
	v17 =	vld [tilespmem:s15+$0xFFFFFFB0];
	s15 =	smov.u32 s13;
	s13 =	smov.u32 s9;
	s9 =	smov.u32 s28  }
0x138: {  	s28 =	smov.u32 s16;
	v19 =	vld [tilespmem:s4+$0xFFFFFFA0];
	[tilespmem:s1+$0x60] =	vst v15;
	(erf) = vrcp.f32 v20  }
0x139: {  	v15 =	vsub.f32 $0.0e+00, v4;
	(erf) = vpow2.f32 v21;
	v20 =	vld [tilespmem:s13+$0xFFFFFFA0];
	v9 =	vadd.f32 v14, v9;
	[tilespmem:s1+$0x20] =	vst v22  }
0x13a: {  	v10 =	vpop (erf);
	[tilespmem:s30+$0x20] =	vst v8;
	v21 =	vld [tilespmem:s2+$0x70]  }
0x13b: {  	v10 =	vadd.f32 $1.000000000e+00, v10;
	v14 =	vmul.f32 $1.442695020e+00, v15;
	v8 =	vadd.f32 v16, v9;
	v9 =	vld [tilespmem:s14+$0x30]  }
0x13c: {  	v15 =	vld [tilespmem:s15+$0x30];
	v17 =	vadd.f32 v17, v18  }
0x13d: {  	v16 =	vpop (erf);
	(erf) = vrcp.f32 v10;
	v23 =	vld [tilespmem:s17+$0xFFFFFFA0];
	v10 =	vsub.f32 $0.0e+00, v8  }
.Ltmp2:
0x13e: {  	v18 =	vadd.f32 $1.000000000e+00, v16;
	(erf) = vpow2.f32 v14;
	v24 =	vadd.f32 v20, v19;
	v19 =	vld [tilespmem:s6+$0x30];
	v22 =	vpop (erf);
	(pc) =	sbr.rel @p2 .LBB2_3-.Ltmp2, $4  }
0x13f: {  	v14 =	vld [tilespmem:s4+$0xFFFFFFE0];
	v10 =	vmul.f32 $1.442695020e+00, v10;
	v16 =	vpop (erf);
	v21 =	vmul.f32 v22, v21  }
0x140: {  	(erf) = vrcp.f32 v18;
	v18 =	vmul.f32 v16, v13;
	v20 =	vld [tilespmem:s19+$0xFFFFFFB0];
	[tilespmem:s12+$0x70] =	vst v22;
	s19 =	smov.u32 s6;
	s6 =	smov.u32 s17;
	s17 =	smov.u32 s10  }
0x141: {  	s10 =	smov.u32 s3;
	(erf) = vpow2.f32 v10;
	v13 =	vadd.f32 v15, v9;
	v10 =	vld [tilespmem:s2+$0xFFFFFFF0];
	[tilespmem:s12+$0x30] =	vst v21;
	v9 =	vpop (erf);
	s2 =	smov.u32 s14;
	s14 =	smov.u32 s4  }
0x142: {  	s4 =	smov.u32 s0;
	s0 =	smov.u32 s24;
	v21 =	vld [tilespmem:s24+$0x40];
	v22 =	vpop (erf);
	v15 =	vadd.f32 v23, v24;
	[tilespmem:s8+$0x30] =	vst v12;
	v11 =	vmul.f32 v9, v11;
	s24 =	sadd.s32 $0x100, s24  }
0x143: {  	_ = 	snop  }
0x144: {  	v22 =	vadd.f32 $1.000000000e+00, v22;
	v12 =	vadd.f32 v19, v13  }
0x145: {  	v47 =	vsub.f32 $0.0e+00, v15  }
0x146: {  	(erf) = vrcp.f32 v22;
	v48 =	vsub.f32 $0.0e+00, v12;
	v13 =	vadd.f32 v20, v17;
	v49 =	vpop (erf)  }
0x147: {  	s3 =	sadd.s32 $0x100, s11;
	v19 =	vmul.f32 $1.442695020e+00, v47;
	v50 =	vmul.f32 v49, v21  }
0x148: {  	v51 =	vpop (erf);
	v22 =	vmul.f32 $1.442695020e+00, v48;
	v23 =	vsub.f32 $0.0e+00, v13;
	[tilespmem:s3+$0x40] =	vst v49  }
0x149: {  	s18 =	sadd.s32 $0x100, s18;
	v52 =	vadd.f32 $1.000000000e+00, v51;
	(erf) = vpow2.f32 v19;
	[tilespmem:s3+$0x0] =	vst v50  }
0x14a: {  	v54 =	vld [tilespmem:s4+$0x50];
	(erf) = vpow2.f32 v22;
	v53 =	vmul.f32 $1.442695020e+00, v23;
	[tilespmem:s18+$0x0] =	vst v3  }
0x14b: {  	v55 =	vpop (erf);
	(erf) = vrcp.f32 v52;
	v56 =	vld [tilespmem:s0+$0x10]  }
0x14c: {  	v57 =	vpop (erf);
	(erf) = vpow2.f32 v53;
	v58 =	vld [tilespmem:s28+$0x10]  }
0x14d: {  	v21 =	vadd.f32 $1.000000000e+00, v57  }
0x14e: {  	[tilespmem:s1+$0xFFFFFFA0] =	vst v18;
	v5 =	vmul.f32 v55, v5;
	v59 =	vld [tilespmem:s10+$0x10]  }
0x14f: {  	[tilespmem:s3+$0xFFFFFFC0] =	vst v55;
	(erf) = vrcp.f32 v21  }
0x150: {  	[tilespmem:s3+$0xFFFFFF80] =	vst v5;
	v60 =	vpop (erf)  }
0x151: {  	v25 =	vld [tilespmem:s14+$0x60];
	[tilespmem:s18+$0xFFFFFF80] =	vst v2;
	v3 =	vmul.f32 v60, v54;
	v17 =	vadd.f32 v58, v56  }
0x152: {  	v5 =	vld [tilespmem:s0+$0xFFFFFF90];
	[tilespmem:s7+$0x50] =	vst v60;
	v62 =	vpop (erf)  }
0x153: {  	v61 =	vld [tilespmem:s28+$0xFFFFFF90];
	[tilespmem:s7+$0x10] =	vst v3;
	v24 =	vpop (erf);
	v17 =	vadd.f32 v59, v17  }
0x154: {  	v63 =	vld [tilespmem:s10+$0xFFFFFF90];
	[tilespmem:s21+$0x10] =	vst v6;
	v26 =	vpop (erf);
	v3 =	vadd.f32 $1.000000000e+00, v24  }
0x155: {  	[tilespmem:s1+$0xFFFFFFE0] =	vst v16;
	v2 =	vadd.f32 $1.000000000e+00, v62;
	v27 =	vld [tilespmem:s4+$0x20];
	v28 =	vpop (erf);
	v29 =	vsub.f32 $0.0e+00, v17  }
0x156: {  	[tilespmem:s30+$0xFFFFFFA0] =	vst v1;
	v31 =	vld [tilespmem:s9+$0x20];
	v30 =	vmul.f32 v26, v7;
	(erf) = vrcp.f32 v3;
	v32 =	vadd.f32 $1.000000000e+00, v28  }
0x157: {  	[tilespmem:s7+$0xFFFFFFD0] =	vst v26;
	(erf) = vrcp.f32 v2;
	v33 =	vmul.f32 $1.442695020e+00, v29  }
0x158: {  	v5 =	vadd.f32 v61, v5;
	v34 =	vld [tilespmem:s17+$0x20];
	[tilespmem:s7+$0xFFFFFF90] =	vst v30;
	v35 =	vpop (erf);
	(erf) = vrcp.f32 v32  }
0x159: {  	[tilespmem:s21+$0xFFFFFF90] =	vst v4;
	v36 =	vmul.f32 v35, v25;
	(erf) = vpow2.f32 v33  }
0x15a: {  	v37 =	vld [tilespmem:s15+$0xFFFFFFB0];
	v5 =	vadd.f32 v63, v5;
	[tilespmem:s5+$0x60] =	vst v35  }
0x15b: {  	v38 =	vld [tilespmem:s4+$0xFFFFFFA0];
	v39 =	vadd.f32 v31, v27;
	[tilespmem:s5+$0x20] =	vst v36  }
0x15c: {  	v40 =	vsub.f32 $0.0e+00, v5;
	v41 =	vld [tilespmem:s9+$0xFFFFFFA0];
	[tilespmem:s31+$0x20] =	vst v8  }
0x15d: {  	v42 =	vadd.f32 v34, v39;
	v43 =	vld [tilespmem:s14+$0x30]  }
0x15e: {  	v3 =	vmul.f32 $1.442695020e+00, v40;
	v44 =	vld [tilespmem:s13+$0x30]  }
0x15f: {  	v45 =	vld [tilespmem:s17+$0xFFFFFFA0];
	v46 =	vsub.f32 $0.0e+00, v42;
	v2 =	vpop (erf)  }
0x160: {  	v47 =	vld [tilespmem:s6+$0x30];
	(erf) = vpow2.f32 v3;
	v48 =	vpop (erf)  }
0x161: {  	v49 =	vld [tilespmem:s2+$0xFFFFFFB0];
	v50 =	vmul.f32 $1.442695020e+00, v46;
	v4 =	vpop (erf)  }
0x162: {  	v7 =	vadd.f32 v41, v38;
	v51 =	vpop (erf)  }
0x163: {  	v52 =	vld [tilespmem:s19+$0xFFFFFFB0];
	(erf) = vpow2.f32 v50;
	v1 =	vadd.f32 v44, v43;
	v53 =	vadd.f32 $1.000000000e+00, v51  }
0x164: {  	v7 =	vadd.f32 v45, v7  }
0x165: {  	v1 =	vadd.f32 v47, v1;
	(erf) = vrcp.f32 v53  }
0x166: {  	v54 =	vadd.f32 v37, v49;
	v55 =	vsub.f32 $0.0e+00, v7  }
0x167: {  	v56 =	vsub.f32 $0.0e+00, v1  }
0x168: {  	v3 =	vadd.f32 v52, v54;
	v6 =	vmul.f32 $1.442695020e+00, v55  }
0x169: {  	v16 =	vmul.f32 $1.442695020e+00, v56;
	v57 =	vpop (erf)  }
0x16a: {  	v59 =	vld [tilespmem:s0+$0x50];
	v58 =	vsub.f32 $0.0e+00, v3;
	(erf) = vpow2.f32 v6;
	v18 =	vadd.f32 $1.000000000e+00, v57  }
0x16b: {  	(erf) = vpow2.f32 v16  }
0x16c: {  	v60 =	vmul.f32 $1.442695020e+00, v58;
	v61 =	vpop (erf);
	(erf) = vrcp.f32 v18  }
0x16d: {  	v18 =	vadd.f32 $1.000000000e+00, v61  }
0x16e: {  	(erf) = vpow2.f32 v60;
	v62 =	vpop (erf)  }
0x16f: {  	(erf) = vrcp.f32 v18;
	v6 =	vmul.f32 v62, v59  }
0x170: {  	[tilespmem:s3+$0x50] =	vst v62  }
0x171: {  	v63 =	vld [tilespmem:s0+$0xFFFFFFD0];
	[tilespmem:s3+$0x10] =	vst v6  }
0x172: {  	v25 =	vld [tilespmem:s4+$0x60];
	[tilespmem:s18+$0x10] =	vst v17  }
0x173: {  	v24 =	vmul.f32 v48, v14;
	v26 =	vpop (erf);
	v27 =	vld [tilespmem:s0+$0x20]  }
0x174: {  	[tilespmem:s5+$0xFFFFFFE0] =	vst v48;
	v28 =	vpop (erf);
	v29 =	vld [tilespmem:s28+$0x20]  }
0x175: {  	[tilespmem:s5+$0xFFFFFFA0] =	vst v24;
	v30 =	vpop (erf)  }
0x176: {  	[tilespmem:s31+$0xFFFFFFA0] =	vst v15;
	v32 =	vld [tilespmem:s10+$0x20];
	v31 =	vmul.f32 v30, v63  }
0x177: {  	[tilespmem:s3+$0xFFFFFFD0] =	vst v30;
	v33 =	vpop (erf)  }
0x178: {  	[tilespmem:s3+$0xFFFFFF90] =	vst v31;
	v34 =	vpop (erf)  }
0x179: {  	v35 =	vld [tilespmem:s13+$0xFFFFFFB0];
	[tilespmem:s18+$0xFFFFFF90] =	vst v5;
	v36 =	vmul.f32 v34, v25;
	v37 =	vadd.f32 v29, v27  }
0x17a: {  	v38 =	vld [tilespmem:s14+$0xFFFFFFB0];
	[tilespmem:s7+$0x60] =	vst v34  }
0x17b: {  	v39 =	vld [tilespmem:s0+$0xFFFFFFA0];
	[tilespmem:s7+$0x20] =	vst v36;
	v40 =	vadd.f32 v32, v37  }
0x17c: {  	v6 =	vadd.f32 $1.000000000e+00, v28;
	v41 =	vld [tilespmem:s28+$0xFFFFFFA0];
	[tilespmem:s21+$0x20] =	vst v42  }
0x17d: {  	v42 =	vadd.f32 $1.000000000e+00, v26;
	v43 =	vld [tilespmem:s4+$0x30];
	v44 =	vsub.f32 $0.0e+00, v40  }
0x17e: {  	(erf) = vrcp.f32 v6;
	v45 =	vadd.f32 $1.000000000e+00, v33;
	v46 =	vld [tilespmem:s9+$0x30]  }
0x17f: {  	v47 =	vld [tilespmem:s10+$0xFFFFFFA0];
	(erf) = vrcp.f32 v42;
	v17 =	vmul.f32 $1.442695020e+00, v44  }
0x180: {  	v48 =	vld [tilespmem:s17+$0x30];
	(erf) = vrcp.f32 v45  }
0x181: {  	v49 =	vld [tilespmem:s6+$0xFFFFFFB0];
	(erf) = vpow2.f32 v17  }
0x182: {  	v14 =	vadd.f32 v41, v39  }
0x183: {  	v50 =	vadd.f32 v46, v43  }
0x184: {  	v51 =	vadd.f32 v35, v38;
	v8 =	vadd.f32 v47, v14  }
0x185: {  	v6 =	vadd.f32 v48, v50  }
0x186: {  	v15 =	vadd.f32 v49, v51;
	v14 =	vsub.f32 $0.0e+00, v8  }
0x187: {  	v16 =	vpop (erf);
	v52 =	vsub.f32 $0.0e+00, v6  }
0x188: {  	v54 =	vsub.f32 $0.0e+00, v15;
	v14 =	vmul.f32 $1.442695020e+00, v14;
	v53 =	vpop (erf)  }
0x189: {  	v55 =	vpop (erf);
	v17 =	vmul.f32 $1.442695020e+00, v52  }
0x18a: {  	v56 =	vmul.f32 $1.442695020e+00, v54;
	(erf) = vpow2.f32 v14;
	v57 =	vpop (erf)  }
0x18b: {  	(erf) = vpow2.f32 v17;
	v58 =	vadd.f32 $1.000000000e+00, v57  }
0x18c: {  	(erf) = vpow2.f32 v56  }
0x18d: {  	(erf) = vrcp.f32 v58;
	_ =	sdelay $0x1  }
0x18e: {  	v59 =	vld [tilespmem:s4+$0xFFFFFFE0];
	_ =	sdelay $0x2  }
0x18f: {  	v60 =	vld [tilespmem:s0+$0x60]  }
0x190: {  	v61 =	vpop (erf)  }
0x191: {  	v14 =	vmul.f32 v53, v59;
	v62 =	vpop (erf)  }
0x192: {  	[tilespmem:s7+$0xFFFFFFE0] =	vst v53;
	v63 =	vpop (erf)  }
0x193: {  	[tilespmem:s7+$0xFFFFFFA0] =	vst v14;
	v24 =	vpop (erf)  }
0x194: {  	[tilespmem:s21+$0xFFFFFFA0] =	vst v7;
	v17 =	vmul.f32 v24, v60  }
0x195: {  	v25 =	vadd.f32 $1.000000000e+00, v62;
	[tilespmem:s3+$0x60] =	vst v24  }
0x196: {  	v19 =	vadd.f32 $1.000000000e+00, v61;
	[tilespmem:s3+$0x20] =	vst v17  }
0x197: {  	v26 =	vld [tilespmem:s9+$0xFFFFFFB0];
	(erf) = vrcp.f32 v25;
	[tilespmem:s18+$0x20] =	vst v40  }
0x198: {  	(erf) = vrcp.f32 v19;
	v5 =	vld [tilespmem:s0+$0x30]  }
0x199: {  	v17 =	vld [tilespmem:s28+$0x30]  }
0x19a: {  	v28 =	vld [tilespmem:s4+$0xFFFFFFB0]  }
0x19b: {  	v29 =	vld [tilespmem:s10+$0x30]  }
0x19c: {  	v27 =	vld [tilespmem:s17+$0xFFFFFFB0]  }
0x19d: {  	v30 =	vld [tilespmem:s0+$0xFFFFFFE0]  }
0x19e: {  	v5 =	vadd.f32 v17, v5  }
0x19f: {  	v31 =	vadd.f32 v26, v28  }
0x1a0: {  	v32 =	vpop (erf);
	v5 =	vadd.f32 v29, v5  }
0x1a1: {  	v7 =	vadd.f32 v27, v31;
	v33 =	vpop (erf)  }
0x1a2: {  	v34 =	vmul.f32 v33, v30;
	v35 =	vsub.f32 $0.0e+00, v5  }
0x1a3: {  	v14 =	vadd.f32 $1.000000000e+00, v63;
	v36 =	vsub.f32 $0.0e+00, v7;
	[tilespmem:s3+$0xFFFFFFE0] =	vst v33  }
0x1a4: {  	[tilespmem:s3+$0xFFFFFFA0] =	vst v34;
	v17 =	vmul.f32 $1.442695020e+00, v35  }
0x1a5: {  	v37 =	vmul.f32 $1.442695020e+00, v36;
	(erf) = vrcp.f32 v14;
	[tilespmem:s18+$0xFFFFFFA0] =	vst v8  }
0x1a6: {  	v38 =	vld [tilespmem:s28+$0xFFFFFFB0];
	(erf) = vpow2.f32 v17  }
0x1a7: {  	v39 =	vld [tilespmem:s0+$0xFFFFFFB0];
	(erf) = vpow2.f32 v37;
	_ =	sdelay $0x1  }
0x1a8: {  	v40 =	vld [tilespmem:s10+$0xFFFFFFB0];
	_ =	sdelay $0x2  }
0x1a9: {  	v8 =	vadd.f32 v38, v39;
	_ =	sdelay $0x1  }
0x1aa: {  	v41 =	vpop (erf);
	v8 =	vadd.f32 v40, v8  }
0x1ab: {  	v42 =	vpop (erf)  }
0x1ac: {  	[tilespmem:s29+$0xFFFFFFF0] =	vst v9;
	v44 =	vsub.f32 $0.0e+00, v8;
	v17 =	vadd.f32 $1.000000000e+00, v42;
	v43 =	vpop (erf)  }
0x1ad: {  	[tilespmem:s29+$0xFFFFFFB0] =	vst v11;
	v10 =	vmul.f32 v4, v10;
	v45 =	vld [tilespmem:s2+$0x70];
	v19 =	vadd.f32 $1.000000000e+00, v43  }
0x1ae: {  	[tilespmem:s26+$0xFFFFFFB0] =	vst v0;
	v49 =	vld [tilespmem:s14+$0x70];
	v46 =	vmul.f32 $1.442695020e+00, v44;
	(erf) = vrcp.f32 v17  }
0x1af: {  	[tilespmem:s12+$0xFFFFFFF0] =	vst v4;
	(erf) = vrcp.f32 v19  }
0x1b0: {  	[tilespmem:s12+$0xFFFFFFB0] =	vst v10;
	(erf) = vpow2.f32 v46  }
0x1b1: {  	[tilespmem:s8+$0xFFFFFFB0] =	vst v13;
	v47 =	vld [tilespmem:s2+$0xFFFFFFF0]  }
0x1b2: {  	[tilespmem:s1+$0x70] =	vst v2;
	v48 =	vmul.f32 v2, v45  }
0x1b3: {  	[tilespmem:s5+$0x70] =	vst v16;
	v2 =	vmul.f32 v16, v49  }
0x1b4: {  	[tilespmem:s1+$0x30] =	vst v48  }
0x1b5: {  	[tilespmem:s5+$0x30] =	vst v2  }
0x1b6: {  	v50 =	vmul.f32 v55, v47;
	[tilespmem:s1+$0xFFFFFFF0] =	vst v55;
	v55 =	vld [tilespmem:s4+$0x70]  }
0x1b7: {  	[tilespmem:s30+$0x30] =	vst v12;
	v52 =	vpop (erf)  }
0x1b8: {  	v51 =	vld [tilespmem:s14+$0xFFFFFFF0];
	[tilespmem:s31+$0x30] =	vst v1;
	v53 =	vpop (erf)  }
0x1b9: {  	[tilespmem:s1+$0xFFFFFFB0] =	vst v50;
	v54 =	vpop (erf)  }
0x1ba: {  	[tilespmem:s30+$0xFFFFFFB0] =	vst v3;
	v3 =	vadd.f32 $1.000000000e+00, v54  }
0x1bb: {  	v57 =	vmul.f32 v32, v55;
	[tilespmem:s7+$0x70] =	vst v32  }
0x1bc: {  	v58 =	vld [tilespmem:s0+$0x70];
	[tilespmem:s5+$0xFFFFFFF0] =	vst v41;
	(erf) = vrcp.f32 v3  }
0x1bd: {  	v56 =	vld [tilespmem:s4+$0xFFFFFFF0];
	v9 =	vmul.f32 v41, v51;
	[tilespmem:s7+$0x30] =	vst v57  }
0x1be: {  	[tilespmem:s21+$0x30] =	vst v6  }
0x1bf: {  	[tilespmem:s5+$0xFFFFFFB0] =	vst v9  }
0x1c0: {  	[tilespmem:s31+$0xFFFFFFB0] =	vst v15  }
0x1c1: {  	v60 =	vld [tilespmem:s0+$0xFFFFFFF0];
	v61 =	vmul.f32 v52, v58;
	[tilespmem:s3+$0x70] =	vst v52  }
0x1c2: {  	v59 =	vmul.f32 v53, v56;
	[tilespmem:s7+$0xFFFFFFF0] =	vst v53  }
0x1c3: {  	[tilespmem:s3+$0x30] =	vst v61  }
0x1c4: {  	[tilespmem:s7+$0xFFFFFFB0] =	vst v59  }
0x1c5: {  	[tilespmem:s18+$0x30] =	vst v5;
	v62 =	vpop (erf)  }
0x1c6: {  	[tilespmem:s21+$0xFFFFFFB0] =	vst v7;
	v63 =	vmul.f32 v62, v60  }
0x1c7: {  	[tilespmem:s3+$0xFFFFFFF0] =	vst v62  }
0x1c8: {  	s22 =	simm.s32 $0x7A00;
	[tilespmem:s3+$0xFFFFFFB0] =	vst v63  }
0x1c9: {  	s4 =	simm.s32 $0x80;
	s5 =	simm.s32 $0x28;
	s21 =	rddreg [dreg:$0x1];
	[tilespmem:s18+$0xFFFFFFB0] =	vst v8  }
0x1ca: {  	[spmem:s21] =	stream.indirect.scatter.add.f32 [tilespmem:s22], [sflag:$0x7], $0x80, s4, s5, $0xb8;
	[tilespmem:$0x1EE80] =	vst v63  }
0x1cb: {  	s26 =	simm.s32 $0x7;
	s24 =	rddreg [dreg:$0x7]  }
0x1cc: {  	s3 =	rddreg [dreg:$0x1d];
	_ =	swait.ge [sflag:s26], $0x1400  }
0x1cd: {  	s31 =	rddreg [dreg:$0x1c]  }
0x1ce: {  	s0 =	sadd.s32 s24, s3;
	p2 =	sne.s32 s31, $0xF9  }
.Ltmp3:
0x1cf: {  	s0 =	sshll.u32 s0, $0x7;
	s28 =	rddreg [dreg:$0x10];
	(pc) =	sbr.rel @p2 .LBB2_6-.Ltmp3, $4  }
0x1d0: {  	s2 =	simm.s32 $0x0;
	s0 =	sadd.s32 s28, s0  }
0x1d1: {  	[sflag:s26] =	ssyncset.done $0x0;
	s29 =	rddreg [dreg:$0x8];
	s0 =	sshrl.u32 s0, $0x3  }
0x1d2: {  	s30 =	simm.s32 $0x8E00;
	[sflag:s26] =	ssyncadd.s32 $0xFFFFEC00;
	s0 =	sadd.s32 s29, s0  }
0x1d3: {  	[hbm4b:s0+s2] =	stream.linear.scatter [tilespmem:s30], [sflag:$0x5], $0x1400, $0x38;
	[tilespmem:$0x1EE80] =	vst v63  }
0x1d4: {  	s0 =	simm.s32 $0x4  }
0x1d5: {  	_ =	swait.ge [sflag:s0], $0x1400  }
0x1d6: {  	[sflag:s0] =	ssyncset.done $0x0  }
0x1d7: {  	[sflag:s0] =	ssyncadd.s32 $0xFFFFEC00  }
0x1d8: {  	_ =	swait.ge [sflag:s0], $0x1400  }
.Ltmp4:
0x1d9: {  	[sflag:s0] =	ssyncset.done $0x0;
	(pc) =	sbr.rel .LBB2_7-.Ltmp4, $4  }
0x1da: {  	[sflag:s0] =	ssyncadd.s32 $0xFFFFEC00  }
0x1db: {  	_ =	swait.ge [sflag:s0], $0x1400  }
0x1dc: {  	[sflag:s0] =	ssyncset.done $0x0  }
0x1dd: {  	[sflag:s0] =	ssyncadd.s32 $0xFFFFEC00  }
.LBB2_6:
0x1de: {  	s0 =	rddreg [dreg:$0x17]  }
0x1df: {  	s0 =	sadd.s32 s3, s0  }
0x1e0: {  	s19 =	rddreg [dreg:$0x3];
	s1 =	sshrl.u32 s0, $0x3  }
0x1e1: {  	s1 =	sadd.s32 s19, s1  }
0x1e2: {  	[tilespmem:s2], [sflag:$0x1] =	stream.linear.gather [hbm4b:s1+s2], $0x28, $0x38;
	[tilespmem:$0x1EE80] =	vst v63  }
0x1e3: {  	s21 =	simm.s32 $0x4;
	s1 =	sadd.s32 $0x9C40, s1  }
0x1e4: {  	[tilespmem:s4], [sflag:$0x1] =	stream.linear.gather [hbm4b:s1+s2], $0x28, $0x38;
	[tilespmem:$0x1EE80] =	vst v63  }
0x1e5: {  	_ =	swait.ge [sflag:s21], $0x1400  }
0x1e6: {  	[sflag:s21] =	ssyncset.done $0x0  }
0x1e7: {  	[sflag:s21] =	ssyncadd.s32 $0xFFFFEC00  }
0x1e8: {  	_ =	swait.ge [sflag:s21], $0x1400  }
0x1e9: {  	[sflag:s21] =	ssyncset.done $0x0  }
0x1ea: {  	[sflag:s21] =	ssyncadd.s32 $0xFFFFEC00  }
0x1eb: {  	_ =	swait.ge [sflag:s21], $0x1400  }
0x1ec: {  	[sflag:s21] =	ssyncset.done $0x0  }
0x1ed: {  	s22 =	simm.s32 $0x1;
	[sflag:s21] =	ssyncadd.s32 $0xFFFFEC00  }
0x1ee: {  	_ =	swait.ge [sflag:s22], $0x28  }
0x1ef: {  	[sflag:s22] =	ssyncset.done $0x0  }
0x1f0: {  	[sflag:s22] =	ssyncadd.s32 $0xFFFFFFD8  }
0x1f1: {  	_ =	swait.ge [sflag:s22], $0x28  }
0x1f2: {  	[sflag:s22] =	ssyncset.done $0x0  }
0x1f3: {  	s26 =	simm.s32 $0x200;
	s24 =	rddreg [dreg:$0xc];
	[sflag:s22] =	ssyncadd.s32 $0xFFFFFFD8  }
0x1f4: {  	[tilespmem:s26], [sflag:$0x3] =	stream.indirect.gather [hbm4b:s24+s5], $0x80, s2, s5, $0xb8;
	[tilespmem:$0x1EE80] =	vst v63  }
.Ltmp5:
0x1f5: {  	s28 =	rddreg [dreg:$0x4];
	(pc) =	sbr.rel @p1 .LBB2_8-.Ltmp5, $4  }
0x1f6: {  	s29 =	simm.s32 $0x2A00;
	s0 =	sshll.u32 s0, $0x4;
	s30 =	rddreg [dreg:$0x5]  }
0x1f7: {  	[tilespmem:s29], [sflag:$0x3] =	stream.indirect.gather [hbm4b:s28+s5], $0x80, s4, s5, $0xb8;
	[tilespmem:$0x1EE80] =	vst v63  }
0x1f8: {  	s31 =	simm.s32 $0x5200;
	s0 =	sadd.s32 s30, s0  }
0x1f9: {  	[tilespmem:s31], [sflag:$0x3] =	stream.linear.gather [hbm4b:s0+s2], $0x1400, $0x38;
	[tilespmem:$0x1EE80] =	vst v63  }
.LBB2_7:
0x1fa: {  	s0 =	simm.s32 $0x6  }
0x1fb: {  	_ =	swait.ge [sflag:s0], $0x1400  }
0x1fc: {  	[sflag:s0] =	ssyncset.done $0x0  }
0x1fd: {  	[sflag:s0] =	ssyncadd.s32 $0xFFFFEC00  }
.LBB2_8:
0x1fe: {  	s0 =	simm.s32 $0x1680;
	v1 =	vld [tilespmem:s25+$0x0]  }
0x1ff: {  	v0 =	vld [tilespmem:s0+$0x0]  }
0x200: {  	s3 =	rddreg [dreg:$0x15]  }
0x201: {  	v2 =	vld [tilespmem:s3+$0x0];
	_ =	sdelay $0x2  }
0x202: {  	v0 =	vadd.f32 v1, v0  }
0x203: {  	v1 =	vld [tilespmem:s25+$0xFFFFFF80]  }
0x204: {  	v0 =	vadd.f32 v2, v0;
	v2 =	vld [tilespmem:s0+$0xFFFFFF80];
	_ =	sdelay $0x1  }
0x205: {  	v4 =	vld [tilespmem:s3+$0xFFFFFF80];
	v3 =	vsub.f32 $0.0e+00, v0;
	_ =	sdelay $0x1  }
0x206: {  	v3 =	vmul.f32 $1.442695020e+00, v3  }
0x207: {  	v1 =	vadd.f32 v1, v2  }
0x208: {  	(erf) = vpow2.f32 v3  }
0x209: {  	v1 =	vadd.f32 v4, v1;
	_ =	sdelay $0x1  }
0x20a: {  	v2 =	vsub.f32 $0.0e+00, v1;
	_ =	sdelay $0x1  }
0x20b: {  	v2 =	vmul.f32 $1.442695020e+00, v2;
	_ =	sdelay $0x1  }
0x20c: {  	(erf) = vpow2.f32 v2;
	_ =	sdelay $0x1  }
0x20d: {  	v2 =	vpop (erf)  }
0x20e: {  	v2 =	vadd.f32 $1.000000000e+00, v2;
	_ =	sdelay $0x1  }
0x20f: {  	(erf) = vrcp.f32 v2;
	_ =	sdelay $0x3  }
0x210: {  	v2 =	vpop (erf)  }
0x211: {  	s26 =	sadd.s32 $0x100, s25;
	v3 =	vld [tilespmem:s0+$0x40];
	v2 =	vadd.f32 $1.000000000e+00, v2  }
0x212: {  	s18 =	simm.s32 $0x1780;
	v5 =	vld [tilespmem:s26+$0x0]  }
0x213: {  	v4 =	vld [tilespmem:s18+$0x0];
	(erf) = vrcp.f32 v2  }
0x214: {  	s7 =	sadd.s32 $0x100, s3  }
0x215: {  	v2 =	vld [tilespmem:s7+$0x0];
	v6 =	vpop (erf)  }
0x216: {  	s29 =	simm.s32 $0x7A80;
	v7 =	vld [tilespmem:s0+$0xFFFFFFC0];
	v3 =	vmul.f32 v6, v3  }
0x217: {  	v8 =	vld [tilespmem:s26+$0xFFFFFF80];
	[tilespmem:s29+$0x40] =	vst v6  }
0x218: {  	v4 =	vadd.f32 v5, v4;
	v6 =	vld [tilespmem:s18+$0xFFFFFF80];
	[tilespmem:s29+$0x0] =	vst v3  }
0x219: {  	v3 =	vld [tilespmem:s7+$0xFFFFFF80];
	[tilespmem:s23+$0x0] =	vst v0  }
0x21a: {  	v0 =	vadd.f32 v2, v4;
	v2 =	vld [tilespmem:s0+$0x10]  }
0x21b: {  	v4 =	vld [tilespmem:s25+$0x10]  }
0x21c: {  	v9 =	vpop (erf)  }
0x21d: {  	v5 =	vsub.f32 $0.0e+00, v0;
	v6 =	vadd.f32 v8, v6;
	v8 =	vld [tilespmem:s3+$0x10];
	v7 =	vmul.f32 v9, v7  }
0x21e: {  	[tilespmem:s29+$0xFFFFFFC0] =	vst v9  }
0x21f: {  	v5 =	vmul.f32 $1.442695020e+00, v5;
	[tilespmem:s29+$0xFFFFFF80] =	vst v7  }
0x220: {  	v3 =	vadd.f32 v3, v6;
	v2 =	vadd.f32 v4, v2;
	[tilespmem:s23+$0xFFFFFF80] =	vst v1  }
0x221: {  	(erf) = vpow2.f32 v5;
	v4 =	vld [tilespmem:s0+$0xFFFFFF90]  }
0x222: {  	v1 =	vsub.f32 $0.0e+00, v3;
	v2 =	vadd.f32 v8, v2;
	v5 =	vld [tilespmem:s25+$0xFFFFFF90];
	_ =	sdelay $0x1  }
0x223: {  	v7 =	vld [tilespmem:s3+$0xFFFFFF90];
	v1 =	vmul.f32 $1.442695020e+00, v1;
	v6 =	vsub.f32 $0.0e+00, v2;
	_ =	sdelay $0x1  }
0x224: {  	(erf) = vpow2.f32 v1;
	v1 =	vmul.f32 $1.442695020e+00, v6  }
0x225: {  	v4 =	vadd.f32 v5, v4;
	_ =	sdelay $0x1  }
0x226: {  	v4 =	vadd.f32 v7, v4  }
0x227: {  	(erf) = vpow2.f32 v1;
	v1 =	vpop (erf)  }
0x228: {  	v1 =	vadd.f32 $1.000000000e+00, v1;
	v5 =	vsub.f32 $0.0e+00, v4;
	_ =	sdelay $0x1  }
0x229: {  	(erf) = vrcp.f32 v1;
	_ =	sdelay $0x1  }
0x22a: {  	v1 =	vmul.f32 $1.442695020e+00, v5;
	v5 =	vpop (erf)  }
0x22b: {  	v5 =	vadd.f32 $1.000000000e+00, v5;
	_ =	sdelay $0x1  }
0x22c: {  	s2 =	simm.s32 $0x1880;
	(erf) = vpow2.f32 v1;
	v1 =	vld [tilespmem:s18+$0x40]  }
0x22d: {  	s15 =	sadd.s32 $0x100, s26;
	v11 =	vld [tilespmem:s2+$0xFFFFFF80]  }
0x22e: {  	v8 =	vld [tilespmem:s15+$0x0];
	(erf) = vrcp.f32 v5;
	v5 =	vpop (erf)  }
0x22f: {  	v7 =	vld [tilespmem:s2+$0x0];
	v5 =	vadd.f32 $1.000000000e+00, v5  }
0x230: {  	s19 =	sadd.s32 $0x100, s7;
	v9 =	vld [tilespmem:s15+$0xFFFFFF80];
	v10 =	vpop (erf)  }
0x231: {  	(erf) = vrcp.f32 v5;
	v5 =	vld [tilespmem:s19+$0x0];
	v1 =	vmul.f32 v10, v1;
	_ =	sdelay $0x1  }
0x232: {  	s12 =	simm.s32 $0x7B80;
	v6 =	vld [tilespmem:s18+$0xFFFFFFC0]  }
0x233: {  	v7 =	vadd.f32 v8, v7;
	[tilespmem:s12+$0x40] =	vst v10  }
0x234: {  	s8 =	sadd.s32 $0x100, s23;
	v9 =	vadd.f32 v9, v11;
	v10 =	vld [tilespmem:s19+$0xFFFFFF80];
	[tilespmem:s12+$0x0] =	vst v1;
	v1 =	vpop (erf)  }
0x235: {  	[tilespmem:s8+$0x0] =	vst v0;
	v0 =	vld [tilespmem:s0+$0x50];
	v1 =	vadd.f32 $1.000000000e+00, v1;
	v5 =	vadd.f32 v5, v7  }
0x236: {  	v8 =	vpop (erf)  }
0x237: {  	v11 =	vld [tilespmem:s26+$0x10];
	v6 =	vmul.f32 v8, v6;
	(erf) = vrcp.f32 v1;
	v1 =	vsub.f32 $0.0e+00, v5  }
0x238: {  	v7 =	vld [tilespmem:s18+$0x10];
	[tilespmem:s12+$0xFFFFFFC0] =	vst v8  }
0x239: {  	v8 =	vld [tilespmem:s7+$0x10];
	[tilespmem:s12+$0xFFFFFF80] =	vst v6;
	v6 =	vadd.f32 v10, v9;
	v9 =	vpop (erf);
	v1 =	vmul.f32 $1.442695020e+00, v1  }
0x23a: {  	v10 =	vld [tilespmem:s0+$0xFFFFFFD0];
	[tilespmem:s8+$0xFFFFFF80] =	vst v3;
	v0 =	vmul.f32 v9, v0  }
0x23b: {  	v3 =	vld [tilespmem:s18+$0xFFFFFF90];
	v12 =	vsub.f32 $0.0e+00, v6;
	[tilespmem:s29+$0x50] =	vst v9;
	(erf) = vpow2.f32 v1  }
0x23c: {  	v9 =	vld [tilespmem:s26+$0xFFFFFF90];
	[tilespmem:s29+$0x10] =	vst v0  }
0x23d: {  	v1 =	vadd.f32 v11, v7;
	v0 =	vld [tilespmem:s7+$0xFFFFFF90];
	v7 =	vmul.f32 $1.442695020e+00, v12;
	[tilespmem:s23+$0x10] =	vst v2  }
0x23e: {  	v2 =	vld [tilespmem:s0+$0x20]  }
0x23f: {  	(erf) = vpow2.f32 v7;
	v7 =	vld [tilespmem:s25+$0x20]  }
0x240: {  	v1 =	vadd.f32 v8, v1;
	v11 =	vpop (erf)  }
0x241: {  	v3 =	vadd.f32 v9, v3;
	v9 =	vld [tilespmem:s3+$0x20];
	v10 =	vmul.f32 v11, v10  }
0x242: {  	v8 =	vsub.f32 $0.0e+00, v1;
	[tilespmem:s29+$0xFFFFFFD0] =	vst v11  }
0x243: {  	[tilespmem:s29+$0xFFFFFF90] =	vst v10  }
0x244: {  	v8 =	vmul.f32 $1.442695020e+00, v8;
	v3 =	vadd.f32 v0, v3;
	v0 =	vadd.f32 v7, v2;
	[tilespmem:s23+$0xFFFFFF90] =	vst v4;
	v4 =	vpop (erf)  }
0x245: {  	v4 =	vadd.f32 $1.000000000e+00, v4  }
0x246: {  	(erf) = vpow2.f32 v8;
	v2 =	vsub.f32 $0.0e+00, v3;
	v8 =	vadd.f32 v9, v0  }
0x247: {  	(erf) = vrcp.f32 v4  }
0x248: {  	v7 =	vld [tilespmem:s0+$0xFFFFFFA0];
	v2 =	vmul.f32 $1.442695020e+00, v2;
	v9 =	vpop (erf);
	v4 =	vsub.f32 $0.0e+00, v8  }
0x249: {  	v0 =	vld [tilespmem:s25+$0xFFFFFFA0];
	v9 =	vadd.f32 $1.000000000e+00, v9  }
0x24a: {  	(erf) = vpow2.f32 v2;
	v2 =	vmul.f32 $1.442695020e+00, v4  }
0x24b: {  	v10 =	vld [tilespmem:s3+$0xFFFFFFA0];
	(erf) = vrcp.f32 v9  }
0x24c: {  	(erf) = vpow2.f32 v2;
	v2 =	vld [tilespmem:s2+$0x40];
	_ =	sdelay $0x1  }
0x24d: {  	s14 =	simm.s32 $0x1980;
	v0 =	vadd.f32 v0, v7  }
0x24e: {  	s13 =	sadd.s32 $0x100, s15;
	v9 =	vld [tilespmem:s14+$0x0];
	v7 =	vpop (erf)  }
0x24f: {  	v0 =	vadd.f32 v10, v0;
	v10 =	vld [tilespmem:s13+$0x0];
	v7 =	vadd.f32 $1.000000000e+00, v7;
	v13 =	vpop (erf)  }
0x250: {  	v14 =	vld [tilespmem:s14+$0xFFFFFF80];
	s6 =	sadd.s32 $0x100, s19;
	v2 =	vmul.f32 v13, v2  }
0x251: {  	(erf) = vrcp.f32 v7;
	v7 =	vld [tilespmem:s6+$0x0]  }
0x252: {  	s1 =	simm.s32 $0x7C80;
	v4 =	vld [tilespmem:s2+$0xFFFFFFC0];
	v11 =	vsub.f32 $0.0e+00, v0  }
0x253: {  	v12 =	vld [tilespmem:s13+$0xFFFFFF80];
	v15 =	vpop (erf);
	[tilespmem:s1+$0x40] =	vst v13  }
0x254: {  	s30 =	sadd.s32 $0x100, s8;
	v11 =	vmul.f32 $1.442695020e+00, v11;
	v9 =	vadd.f32 v10, v9;
	v13 =	vadd.f32 $1.000000000e+00, v15;
	v15 =	vld [tilespmem:s6+$0xFFFFFF80];
	[tilespmem:s1+$0x0] =	vst v2;
	v2 =	vpop (erf)  }
0x255: {  	[tilespmem:s30+$0x0] =	vst v5;
	v5 =	vld [tilespmem:s18+$0x50];
	v10 =	vpop (erf)  }
0x256: {  	(erf) = vpow2.f32 v11;
	v7 =	vadd.f32 v7, v9;
	v9 =	vld [tilespmem:s2+$0x10];
	v10 =	vadd.f32 $1.000000000e+00, v10  }
0x257: {  	(erf) = vrcp.f32 v13;
	v11 =	vld [tilespmem:s15+$0x10];
	v4 =	vmul.f32 v2, v4  }
0x258: {  	[tilespmem:s1+$0xFFFFFFC0] =	vst v2;
	v2 =	vadd.f32 v12, v14  }
0x259: {  	[tilespmem:s1+$0xFFFFFF80] =	vst v4;
	v4 =	vsub.f32 $0.0e+00, v7  }
0x25a: {  	v12 =	vld [tilespmem:s18+$0xFFFFFFD0];
	(erf) = vrcp.f32 v10;
	[tilespmem:s30+$0xFFFFFF80] =	vst v6;
	v6 =	vadd.f32 v15, v2;
	v10 =	vpop (erf)  }
0x25b: {  	v2 =	vld [tilespmem:s19+$0x10];
	v4 =	vmul.f32 $1.442695020e+00, v4;
	v5 =	vmul.f32 v10, v5  }
0x25c: {  	v13 =	vld [tilespmem:s2+$0xFFFFFF90];
	v9 =	vadd.f32 v11, v9;
	v14 =	vsub.f32 $0.0e+00, v6  }
0x25d: {  	v15 =	vld [tilespmem:s15+$0xFFFFFF90];
	[tilespmem:s12+$0x50] =	vst v10;
	(erf) = vpow2.f32 v4  }
0x25e: {  	v4 =	vld [tilespmem:s19+$0xFFFFFF90];
	v10 =	vmul.f32 $1.442695020e+00, v14;
	[tilespmem:s12+$0x10] =	vst v5  }
0x25f: {  	[tilespmem:s8+$0x10] =	vst v1;
	v1 =	vld [tilespmem:s0+$0x60];
	v5 =	vpop (erf)  }
0x260: {  	v11 =	vadd.f32 v2, v9;
	(erf) = vpow2.f32 v10;
	v2 =	vld [tilespmem:s18+$0x20];
	v9 =	vpop (erf)  }
0x261: {  	v10 =	vmul.f32 v9, v12;
	v12 =	vld [tilespmem:s26+$0x20]  }
0x262: {  	[tilespmem:s12+$0xFFFFFFD0] =	vst v9;
	v9 =	vsub.f32 $0.0e+00, v11  }
0x263: {  	v13 =	vadd.f32 v15, v13;
	v5 =	vadd.f32 $1.000000000e+00, v5;
	v14 =	vpop (erf);
	[tilespmem:s12+$0xFFFFFF90] =	vst v10;
	v10 =	vld [tilespmem:s7+$0x20]  }
0x264: {  	[tilespmem:s29+$0x60] =	vst v14;
	v9 =	vmul.f32 $1.442695020e+00, v9;
	v1 =	vmul.f32 v14, v1  }
0x265: {  	(erf) = vrcp.f32 v5;
	v5 =	vadd.f32 v4, v13;
	[tilespmem:s8+$0xFFFFFF90] =	vst v3;
	v3 =	vld [tilespmem:s0+$0xFFFFFFE0]  }
0x266: {  	v4 =	vld [tilespmem:s18+$0xFFFFFFA0];
	(erf) = vpow2.f32 v9;
	[tilespmem:s29+$0x20] =	vst v1;
	v2 =	vadd.f32 v12, v2;
	v12 =	vpop (erf)  }
0x267: {  	v1 =	vsub.f32 $0.0e+00, v5;
	v9 =	vld [tilespmem:s26+$0xFFFFFFA0];
	[tilespmem:s23+$0x20] =	vst v8;
	v8 =	vadd.f32 $1.000000000e+00, v12  }
0x268: {  	v12 =	vld [tilespmem:s25+$0x30];
	v10 =	vadd.f32 v10, v2  }
0x269: {  	v1 =	vmul.f32 $1.442695020e+00, v1;
	v13 =	vpop (erf);
	v2 =	vld [tilespmem:s0+$0x30];
	(erf) = vrcp.f32 v8  }
0x26a: {  	v13 =	vadd.f32 $1.000000000e+00, v13;
	v8 =	vld [tilespmem:s7+$0xFFFFFFA0];
	v14 =	vsub.f32 $0.0e+00, v10  }
0x26b: {  	(erf) = vpow2.f32 v1;
	v1 =	vld [tilespmem:s3+$0x30]  }
0x26c: {  	s9 =	sadd.s32 $0x100, s13;
	(erf) = vrcp.f32 v13;
	v14 =	vmul.f32 $1.442695020e+00, v14  }
0x26d: {  	v18 =	vld [tilespmem:s9+$0xFFFFFF80];
	v9 =	vadd.f32 v9, v4  }
0x26e: {  	s4 =	simm.s32 $0x1A80;
	v13 =	vpop (erf);
	v12 =	vadd.f32 v12, v2;
	(erf) = vpow2.f32 v14;
	v14 =	vld [tilespmem:s14+$0x40]  }
0x26f: {  	v17 =	vpop (erf);
	v2 =	vadd.f32 v8, v9;
	v8 =	vld [tilespmem:s4+$0x0]  }
0x270: {  	v17 =	vadd.f32 $1.000000000e+00, v17;
	v9 =	vadd.f32 v1, v12;
	v1 =	vmul.f32 v13, v3;
	v12 =	vld [tilespmem:s9+$0x0]  }
0x271: {  	v15 =	vld [tilespmem:s14+$0xFFFFFFC0];
	[tilespmem:s29+$0xFFFFFFE0] =	vst v13  }
0x272: {  	v13 =	vld [tilespmem:s4+$0xFFFFFF80];
	(erf) = vrcp.f32 v17;
	[tilespmem:s29+$0xFFFFFFA0] =	vst v1;
	v19 =	vpop (erf)  }
0x273: {  	s5 =	simm.s32 $0x7D80;
	v3 =	vsub.f32 $0.0e+00, v2;
	[tilespmem:s23+$0xFFFFFFA0] =	vst v0;
	v14 =	vmul.f32 v19, v14  }
0x274: {  	s17 =	sadd.s32 $0x100, s6;
	v17 =	vsub.f32 $0.0e+00, v9;
	v20 =	vpop (erf);
	[tilespmem:s5+$0x40] =	vst v19  }
0x275: {  	v1 =	vld [tilespmem:s17+$0x0];
	v3 =	vmul.f32 $1.442695020e+00, v3;
	v8 =	vadd.f32 v12, v8;
	v12 =	vpop (erf);
	[tilespmem:s5+$0x0] =	vst v14  }
0x276: {  	s31 =	sadd.s32 $0x100, s30;
	v21 =	vld [tilespmem:s17+$0xFFFFFF80];
	v17 =	vmul.f32 $1.442695020e+00, v17;
	[tilespmem:s5+$0xFFFFFFC0] =	vst v12  }
0x277: {  	(erf) = vpow2.f32 v3;
	v0 =	vmul.f32 v12, v15;
	v12 =	vadd.f32 v18, v13;
	[tilespmem:s31+$0x0] =	vst v7;
	v7 =	vld [tilespmem:s2+$0x50]  }
0x278: {  	v19 =	vadd.f32 $1.000000000e+00, v20;
	(erf) = vpow2.f32 v17;
	_ =	sdelay $0x1  }
0x279: {  	(erf) = vrcp.f32 v19;
	v15 =	vadd.f32 v1, v8;
	v14 =	vpop (erf);
	v1 =	vld [tilespmem:s14+$0x10];
	[tilespmem:s5+$0xFFFFFF80] =	vst v0  }
0x27a: {  	v13 =	vld [tilespmem:s13+$0x10];
	v8 =	vadd.f32 $1.000000000e+00, v14;
	[tilespmem:s31+$0xFFFFFF80] =	vst v6;
	v6 =	vadd.f32 v21, v12;
	v12 =	vpop (erf)  }
0x27b: {  	v7 =	vmul.f32 v12, v7  }
0x27c: {  	v0 =	vsub.f32 $0.0e+00, v15;
	(erf) = vrcp.f32 v8;
	v8 =	vld [tilespmem:s6+$0x10]  }
0x27d: {  	v16 =	vld [tilespmem:s2+$0xFFFFFFD0]  }
0x27e: {  	v17 =	vld [tilespmem:s14+$0xFFFFFF90];
	v0 =	vmul.f32 $1.442695020e+00, v0  }
0x27f: {  	v19 =	vld [tilespmem:s13+$0xFFFFFF90];
	v18 =	vsub.f32 $0.0e+00, v6;
	v1 =	vadd.f32 v13, v1;
	[tilespmem:s1+$0x10] =	vst v7;
	v7 =	vpop (erf)  }
0x280: {  	[tilespmem:s1+$0x50] =	vst v12;
	(erf) = vpow2.f32 v0;
	v0 =	vld [tilespmem:s6+$0xFFFFFF90];
	v13 =	vpop (erf)  }
0x281: {  	v12 =	vmul.f32 $1.442695020e+00, v18;
	[tilespmem:s30+$0x10] =	vst v11;
	v11 =	vld [tilespmem:s18+$0x60];
	v18 =	vadd.f32 v8, v1;
	v13 =	vadd.f32 $1.000000000e+00, v13  }
0x282: {  	v1 =	vld [tilespmem:s2+$0x20];
	v8 =	vpop (erf)  }
0x283: {  	s28 =	sadd.s32 $0x100, s9;
	(erf) = vpow2.f32 v12;
	v12 =	vmul.f32 v8, v16;
	v16 =	vld [tilespmem:s15+$0x20];
	[tilespmem:s1+$0xFFFFFFD0] =	vst v8;
	v8 =	vsub.f32 $0.0e+00, v18  }
0x284: {  	v57 =	vld [tilespmem:s28+$0xFFFFFF80]  }
0x285: {  	v17 =	vadd.f32 v19, v17;
	(erf) = vrcp.f32 v13;
	[tilespmem:s1+$0xFFFFFF90] =	vst v12;
	v12 =	vld [tilespmem:s19+$0x20];
	v8 =	vmul.f32 $1.442695020e+00, v8;
	v13 =	vpop (erf)  }
0x286: {  	v4 =	vld [tilespmem:s18+$0xFFFFFFE0];
	v7 =	vadd.f32 $1.000000000e+00, v7;
	[tilespmem:s30+$0xFFFFFF90] =	vst v5;
	v5 =	vmul.f32 v13, v11  }
0x287: {  	v14 =	vld [tilespmem:s0+$0xFFFFFFB0];
	v17 =	vadd.f32 v0, v17;
	[tilespmem:s12+$0x60] =	vst v13  }
0x288: {  	(erf) = vrcp.f32 v7;
	v0 =	vld [tilespmem:s2+$0xFFFFFFA0];
	v1 =	vadd.f32 v16, v1;
	[tilespmem:s12+$0x20] =	vst v5  }
0x289: {  	(erf) = vpow2.f32 v8;
	v7 =	vld [tilespmem:s15+$0xFFFFFFA0];
	v5 =	vsub.f32 $0.0e+00, v17;
	v8 =	vpop (erf);
	[tilespmem:s8+$0x20] =	vst v10  }
0x28a: {  	v10 =	vadd.f32 $1.000000000e+00, v8;
	v8 =	vadd.f32 v12, v1;
	v1 =	vld [tilespmem:s18+$0x30]  }
0x28b: {  	v5 =	vmul.f32 $1.442695020e+00, v5;
	v11 =	vld [tilespmem:s26+$0x30]  }
0x28c: {  	v19 =	vld [tilespmem:s25+$0xFFFFFFB0];
	(erf) = vrcp.f32 v10  }
0x28d: {  	v12 =	vpop (erf);
	(erf) = vpow2.f32 v5;
	v5 =	vld [tilespmem:s7+$0x30]  }
0x28e: {  	v16 =	vld [tilespmem:s19+$0xFFFFFFA0];
	v12 =	vadd.f32 $1.000000000e+00, v12;
	v21 =	vsub.f32 $0.0e+00, v8  }
0x28f: {  	v13 =	vld [tilespmem:s0+$0x70];
	v0 =	vadd.f32 v7, v0  }
0x290: {  	v7 =	vld [tilespmem:s3+$0xFFFFFFB0];
	v22 =	vpop (erf);
	v21 =	vmul.f32 $1.442695020e+00, v21;
	(erf) = vrcp.f32 v12;
	v12 =	vadd.f32 v11, v1  }
0x291: {  	v11 =	vld [tilespmem:s0+$0xFFFFFFF0]  }
0x292: {  	v23 =	vpop (erf);
	(erf) = vpow2.f32 v21;
	v21 =	vld [tilespmem:s4+$0x40];
	s0 =	simm.s32 $0x1B80;
	v12 =	vadd.f32 v5, v12;
	v5 =	vadd.f32 v19, v14  }
0x293: {  	v24 =	vpop (erf);
	v1 =	vadd.f32 v16, v0;
	v16 =	vld [tilespmem:s0+$0x0]  }
0x294: {  	v4 =	vmul.f32 v23, v4;
	v0 =	vadd.f32 $1.000000000e+00, v24;
	v14 =	vld [tilespmem:s28+$0x0]  }
0x295: {  	s10 =	sadd.s32 $0x100, s17;
	v3 =	vld [tilespmem:s4+$0xFFFFFFC0];
	v19 =	vsub.f32 $0.0e+00, v1  }
0x296: {  	[tilespmem:s12+$0xFFFFFFA0] =	vst v4;
	v4 =	vld [tilespmem:s10+$0x0];
	(erf) = vrcp.f32 v0;
	v25 =	vsub.f32 $0.0e+00, v12;
	v0 =	vadd.f32 v7, v5;
	v5 =	vpop (erf)  }
0x297: {  	s11 =	simm.s32 $0x7E80;
	[tilespmem:s12+$0xFFFFFFE0] =	vst v23;
	v7 =	vmul.f32 $1.442695020e+00, v19;
	v19 =	vld [tilespmem:s0+$0xFFFFFF80];
	v21 =	vmul.f32 v5, v21  }
0x298: {  	v25 =	vmul.f32 $1.442695020e+00, v25;
	v23 =	vpop (erf);
	[tilespmem:s11+$0x40] =	vst v5  }
0x299: {  	s21 =	sadd.s32 $0x100, s31;
	(erf) = vpow2.f32 v7;
	v7 =	vld [tilespmem:s10+$0xFFFFFF80];
	v14 =	vadd.f32 v14, v16;
	v23 =	vadd.f32 $1.000000000e+00, v23;
	[tilespmem:s11+$0x0] =	vst v21  }
0x29a: {  	v26 =	vsub.f32 $0.0e+00, v0;
	v16 =	vpop (erf);
	[tilespmem:s21+$0x0] =	vst v15;
	v15 =	vld [tilespmem:s14+$0x50]  }
0x29b: {  	[tilespmem:s8+$0xFFFFFFA0] =	vst v2;
	(erf) = vpow2.f32 v25;
	v2 =	vmul.f32 v16, v3;
	v3 =	vadd.f32 v4, v14;
	v4 =	vld [tilespmem:s4+$0x10]  }
0x29c: {  	[tilespmem:s11+$0xFFFFFFC0] =	vst v16;
	v16 =	vadd.f32 v57, v19;
	(erf) = vrcp.f32 v23;
	v19 =	vld [tilespmem:s9+$0x10]  }
0x29d: {  	v21 =	vmul.f32 $1.442695020e+00, v26;
	v23 =	vpop (erf)  }
0x29e: {  	v20 =	vld [tilespmem:s14+$0xFFFFFFD0];
	v14 =	vadd.f32 $1.000000000e+00, v23  }
0x29f: {  	v10 =	vld [tilespmem:s2+$0xFFFFFFE0];
	[tilespmem:s11+$0xFFFFFF80] =	vst v2;
	(erf) = vpow2.f32 v21;
	v21 =	vsub.f32 $0.0e+00, v3  }
0x2a0: {  	v2 =	vadd.f32 v7, v16;
	[tilespmem:s21+$0xFFFFFF80] =	vst v6;
	v6 =	vld [tilespmem:s17+$0x10];
	v7 =	vpop (erf);
	(erf) = vrcp.f32 v14  }
0x2a1: {  	v16 =	vld [tilespmem:s4+$0xFFFFFF90];
	v14 =	vmul.f32 $1.442695020e+00, v21;
	v15 =	vmul.f32 v7, v15;
	v4 =	vadd.f32 v19, v4  }
0x2a2: {  	v58 =	vld [tilespmem:s9+$0xFFFFFF90];
	[tilespmem:s5+$0x50] =	vst v7;
	v21 =	vsub.f32 $0.0e+00, v2  }
0x2a3: {  	v7 =	vpop (erf);
	(erf) = vpow2.f32 v14;
	v14 =	vld [tilespmem:s17+$0xFFFFFF90];
	[tilespmem:s5+$0x10] =	vst v15  }
0x2a4: {  	v15 =	vmul.f32 $1.442695020e+00, v21;
	v19 =	vpop (erf);
	[tilespmem:s31+$0x10] =	vst v18;
	v18 =	vld [tilespmem:s2+$0x60]  }
0x2a5: {  	v6 =	vadd.f32 v6, v4;
	v21 =	vld [tilespmem:s14+$0x20];
	v4 =	vpop (erf)  }
0x2a6: {  	v19 =	vadd.f32 $1.000000000e+00, v19;
	(erf) = vpow2.f32 v15;
	v15 =	vmul.f32 v4, v20;
	v20 =	vld [tilespmem:s13+$0x20]  }
0x2a7: {  	v5 =	vld [tilespmem:s0+$0xFFFFFFC0];
	[tilespmem:s5+$0xFFFFFFD0] =	vst v4  }
0x2a8: {  	v16 =	vadd.f32 v58, v16;
	(erf) = vrcp.f32 v19;
	v19 =	vsub.f32 $0.0e+00, v6;
	v4 =	vpop (erf);
	[tilespmem:s5+$0xFFFFFF90] =	vst v15;
	v15 =	vld [tilespmem:s6+$0x20]  }
0x2a9: {  	v23 =	vld [tilespmem:s18+$0xFFFFFFB0];
	v59 =	vadd.f32 $1.000000000e+00, v7;
	v61 =	vadd.f32 $1.000000000e+00, v4;
	v60 =	vpop (erf)  }
0x2aa: {  	v7 =	vld [tilespmem:s4+$0xFFFFFFD0];
	v19 =	vmul.f32 $1.442695020e+00, v19;
	v4 =	vadd.f32 v14, v16;
	[tilespmem:s31+$0xFFFFFF90] =	vst v17;
	v17 =	vmul.f32 v60, v18  }
0x2ab: {  	(erf) = vrcp.f32 v59;
	v18 =	vld [tilespmem:s26+$0xFFFFFFB0];
	[tilespmem:s1+$0x60] =	vst v60;
	v14 =	vadd.f32 v20, v21  }
0x2ac: {  	(erf) = vrcp.f32 v61;
	v16 =	vld [tilespmem:s14+$0xFFFFFFA0];
	[tilespmem:s1+$0x20] =	vst v17;
	v17 =	vsub.f32 $0.0e+00, v4  }
0x2ad: {  	(erf) = vpow2.f32 v19;
	v20 =	vld [tilespmem:s18+$0x70];
	[tilespmem:s30+$0x20] =	vst v8;
	v8 =	vadd.f32 v15, v14  }
0x2ae: {  	v13 =	vmul.f32 v22, v13;
	v62 =	vld [tilespmem:s13+$0xFFFFFFA0];
	v19 =	vpop (erf)  }
0x2af: {  	[tilespmem:s29+$0x70] =	vst v22;
	v19 =	vadd.f32 $1.000000000e+00, v19;
	v15 =	vld [tilespmem:s2+$0x30];
	v22 =	vsub.f32 $0.0e+00, v8  }
0x2b0: {  	[tilespmem:s29+$0x30] =	vst v13;
	v14 =	vmul.f32 $1.442695020e+00, v17;
	v21 =	vld [tilespmem:s15+$0x30];
	v17 =	vpop (erf)  }
0x2b1: {  	[tilespmem:s23+$0x30] =	vst v9;
	v63 =	vld [tilespmem:s6+$0xFFFFFFA0];
	(erf) = vrcp.f32 v19;
	v13 =	vadd.f32 $1.000000000e+00, v17;
	v17 =	vpop (erf);
	v9 =	vmul.f32 $1.442695020e+00, v22  }
0x2b2: {  	v19 =	vld [tilespmem:s19+$0x30];
	(erf) = vpow2.f32 v14;
	v22 =	vmul.f32 v17, v20  }
0x2b3: {  	v14 =	vld [tilespmem:s14+$0xFFFFFFE0]  }
0x2b4: {  	s22 =	simm.s32 $0xA;
	v24 =	vadd.f32 v62, v16;
	v16 =	vpop (erf);
	[tilespmem:s12+$0x70] =	vst v17;
	v20 =	vld [tilespmem:s7+$0xFFFFFFB0];
	v17 =	vadd.f32 v18, v23;
	(erf) = vrcp.f32 v13  }
0x2b5: {  	s24 =	simm.s32 $0x1C80;
	s16 =	smov.u32 s28;
	s3 =	smov.u32 s10;
	v18 =	vmul.f32 v16, v10;
	v10 =	vld [tilespmem:s18+$0xFFFFFFF0];
	v13 =	vadd.f32 v21, v15;
	(erf) = vpow2.f32 v9;
	[tilespmem:s12+$0x30] =	vst v22;
	v9 =	vpop (erf)  }
0x2b6: {  	s26 =	smov.u32 s23;
	s7 =	simm.s32 $0x7E80;
	v21 =	vld [tilespmem:s0+$0x40];
	v15 =	vadd.f32 v63, v24;
	s18 =	smov.u32 s21;
	[tilespmem:s8+$0x30] =	vst v12;
	v22 =	vpop (erf);
	v11 =	vmul.f32 v9, v11  }
.LBB2_9:
0x2b7: {  	v23 =	vld [tilespmem:s24+$0x0];
	s28 =	sadd.s32 $0x100, s28;
	v22 =	vadd.f32 $1.000000000e+00, v22;
	[tilespmem:s1+$0xFFFFFFA0] =	vst v18;
	v12 =	vadd.f32 v19, v13  }
0x2b8: {  	v18 =	vld [tilespmem:s28+$0x0];
	v19 =	vsub.f32 $0.0e+00, v15;
	[tilespmem:s1+$0xFFFFFFE0] =	vst v16;
	v13 =	vmov v14  }
0x2b9: {  	s10 =	sadd.s32 $0x100, s10;
	v14 =	vld [tilespmem:s28+$0xFFFFFF80];
	(erf) = vrcp.f32 v22;
	[tilespmem:s30+$0xFFFFFFA0] =	vst v1;
	v16 =	vsub.f32 $0.0e+00, v12;
	v17 =	vadd.f32 v20, v17;
	v1 =	vmovc v15  }
0x2ba: {  	v15 =	vld [tilespmem:s10+$0x0];
	v20 =	vpop (erf);
	v19 =	vmul.f32 $1.442695020e+00, v19;
	[tilespmem:s29+$0xFFFFFFB0] =	vst v11;
	v11 =	vmov v10  }
0x2bb: {  	s11 =	sadd.s32 $0x100, s11;
	v10 =	vld [tilespmem:s24+$0xFFFFFF80];
	v25 =	vmul.f32 v20, v21;
	v22 =	vpop (erf);
	v16 =	vmul.f32 $1.442695020e+00, v16;
	v24 =	vsub.f32 $0.0e+00, v17;
	[tilespmem:s29+$0xFFFFFFF0] =	vst v9;
	s29 =	smov.u32 s12;
	s12 =	smov.u32 s1  }
0x2bc: {  	s1 =	smov.u32 s5;
	s5 =	smov.u32 s7;
	s7 =	smov.u32 s11;
	v9 =	vld [tilespmem:s10+$0xFFFFFF80];
	[tilespmem:s11+$0x40] =	vst v20;
	v26 =	vadd.f32 $1.000000000e+00, v22;
	(erf) = vpow2.f32 v19  }
0x2bd: {  	s21 =	sadd.s32 $0x100, s21;
	v19 =	vld [tilespmem:s24+$0xFFFFFFC0];
	v18 =	vadd.f32 v18, v23;
	[tilespmem:s11+$0x0] =	vst v25;
	v21 =	vpop (erf);
	(erf) = vpow2.f32 v16;
	v16 =	vmul.f32 $1.442695020e+00, v24  }
0x2be: {  	v5 =	vmul.f32 v21, v5;
	[tilespmem:s21+$0x0] =	vst v3;
	v22 =	vld [tilespmem:s4+$0x50];
	(erf) = vrcp.f32 v26;
	v20 =	vpop (erf)  }
0x2bf: {  	s22 =	sadd.s32 $0x2, s22;
	v3 =	vadd.f32 v15, v18;
	[tilespmem:s11+$0xFFFFFFC0] =	vst v21;
	v15 =	vld [tilespmem:s0+$0x10];
	v18 =	vadd.f32 $1.000000000e+00, v20;
	(erf) = vpow2.f32 v16  }
0x2c0: {  	p1 =	slt.u32 s22, $0x26;
	v20 =	vadd.f32 v14, v10;
	[tilespmem:s11+$0xFFFFFF80] =	vst v5;
	v14 =	vld [tilespmem:s16+$0x10]  }
0x2c1: {  	v16 =	vsub.f32 $0.0e+00, v3;
	[tilespmem:s21+$0xFFFFFF80] =	vst v2;
	(erf) = vrcp.f32 v18;
	v18 =	vld [tilespmem:s2+$0xFFFFFFB0]  }
0x2c2: {  	v2 =	vadd.f32 v9, v20;
	v9 =	vld [tilespmem:s3+$0x10];
	v10 =	vpop (erf);
	[tilespmem:s26+$0xFFFFFFB0] =	vst v0;
	v0 =	vmov v17;
	v5 =	vmov v19;
	s26 =	smov.u32 s8;
	s8 =	smov.u32 s30;
	s30 =	smov.u32 s31  }
0x2c3: {  	s31 =	smov.u32 s18;
	s18 =	smov.u32 s21;
	v16 =	vmul.f32 $1.442695020e+00, v16;
	v17 =	vld [tilespmem:s0+$0xFFFFFF90];
	v19 =	vmul.f32 v10, v22  }
0x2c4: {  	v22 =	vsub.f32 $0.0e+00, v2;
	v21 =	vld [tilespmem:s16+$0xFFFFFF90];
	[tilespmem:s5+$0x50] =	vst v10  }
0x2c5: {  	(erf) = vpow2.f32 v16;
	v10 =	vld [tilespmem:s3+$0xFFFFFF90];
	v23 =	vadd.f32 v14, v15;
	[tilespmem:s5+$0x10] =	vst v19;
	v15 =	vpop (erf)  }
0x2c6: {  	v16 =	vmul.f32 $1.442695020e+00, v22;
	[tilespmem:s31+$0x10] =	vst v6;
	v15 =	vadd.f32 $1.000000000e+00, v15;
	v19 =	vld [tilespmem:s14+$0x60];
	v20 =	vpop (erf)  }
0x2c7: {  	v6 =	vadd.f32 v9, v23;
	v9 =	vld [tilespmem:s4+$0x20];
	v14 =	vpop (erf);
	v20 =	vadd.f32 $1.000000000e+00, v20  }
0x2c8: {  	(erf) = vpow2.f32 v16;
	v16 =	vmul.f32 v14, v7;
	[tilespmem:s5+$0xFFFFFFD0] =	vst v14;
	v14 =	vld [tilespmem:s9+$0x20];
	v22 =	vpop (erf)  }
0x2c9: {  	v17 =	vadd.f32 v21, v17;
	v7 =	vld [tilespmem:s0+$0xFFFFFFD0];
	v21 =	vsub.f32 $0.0e+00, v6;
	(erf) = vrcp.f32 v20  }
0x2ca: {  	v20 =	vadd.f32 $1.000000000e+00, v22;
	[tilespmem:s5+$0xFFFFFF90] =	vst v16;
	v16 =	vld [tilespmem:s17+$0x20];
	(erf) = vrcp.f32 v15;
	v15 =	vpop (erf)  }
0x2cb: {  	v21 =	vmul.f32 $1.442695020e+00, v21;
	[tilespmem:s31+$0xFFFFFF90] =	vst v4;
	v4 =	vadd.f32 v10, v17;
	v22 =	vmul.f32 v15, v19;
	v17 =	vld [tilespmem:s15+$0xFFFFFFB0];
	s15 =	smov.u32 s13;
	s13 =	smov.u32 s9;
	s9 =	smov.u32 s16  }
0x2cc: {  	s16 =	smov.u32 s28;
	v19 =	vld [tilespmem:s4+$0xFFFFFFA0];
	[tilespmem:s1+$0x60] =	vst v15;
	(erf) = vrcp.f32 v20  }
0x2cd: {  	v15 =	vsub.f32 $0.0e+00, v4;
	(erf) = vpow2.f32 v21;
	v20 =	vld [tilespmem:s13+$0xFFFFFFA0];
	v9 =	vadd.f32 v14, v9;
	[tilespmem:s1+$0x20] =	vst v22  }
0x2ce: {  	v10 =	vpop (erf);
	[tilespmem:s30+$0x20] =	vst v8;
	v21 =	vld [tilespmem:s2+$0x70]  }
0x2cf: {  	v10 =	vadd.f32 $1.000000000e+00, v10;
	v14 =	vmul.f32 $1.442695020e+00, v15;
	v8 =	vadd.f32 v16, v9;
	v9 =	vld [tilespmem:s14+$0x30]  }
0x2d0: {  	v15 =	vld [tilespmem:s15+$0x30];
	v17 =	vadd.f32 v17, v18  }
0x2d1: {  	v16 =	vpop (erf);
	(erf) = vrcp.f32 v10;
	v23 =	vld [tilespmem:s17+$0xFFFFFFA0];
	v10 =	vsub.f32 $0.0e+00, v8  }
.Ltmp6:
0x2d2: {  	v18 =	vadd.f32 $1.000000000e+00, v16;
	(erf) = vpow2.f32 v14;
	v24 =	vadd.f32 v20, v19;
	v19 =	vld [tilespmem:s6+$0x30];
	v22 =	vpop (erf);
	(pc) =	sbr.rel @p1 .LBB2_9-.Ltmp6, $4  }
0x2d3: {  	v14 =	vld [tilespmem:s4+$0xFFFFFFE0];
	v10 =	vmul.f32 $1.442695020e+00, v10;
	v16 =	vpop (erf);
	v21 =	vmul.f32 v22, v21  }
0x2d4: {  	(erf) = vrcp.f32 v18;
	v18 =	vmul.f32 v16, v13;
	v20 =	vld [tilespmem:s19+$0xFFFFFFB0];
	[tilespmem:s12+$0x70] =	vst v22;
	s19 =	smov.u32 s6;
	s6 =	smov.u32 s17;
	s17 =	smov.u32 s3  }
0x2d5: {  	s3 =	smov.u32 s10;
	(erf) = vpow2.f32 v10;
	v13 =	vadd.f32 v15, v9;
	v10 =	vld [tilespmem:s2+$0xFFFFFFF0];
	[tilespmem:s12+$0x30] =	vst v21;
	v9 =	vpop (erf);
	s2 =	smov.u32 s14;
	s14 =	smov.u32 s4  }
0x2d6: {  	s4 =	smov.u32 s0;
	s0 =	smov.u32 s24;
	v21 =	vld [tilespmem:s24+$0x40];
	v22 =	vpop (erf);
	v15 =	vadd.f32 v23, v24;
	[tilespmem:s8+$0x30] =	vst v12;
	v11 =	vmul.f32 v9, v11;
	s24 =	sadd.s32 $0x100, s24  }
0x2d7: {  	_ = 	snop  }
0x2d8: {  	v22 =	vadd.f32 $1.000000000e+00, v22;
	v12 =	vadd.f32 v19, v13  }
0x2d9: {  	v47 =	vsub.f32 $0.0e+00, v15  }
0x2da: {  	(erf) = vrcp.f32 v22;
	v48 =	vsub.f32 $0.0e+00, v12;
	v13 =	vadd.f32 v20, v17;
	v49 =	vpop (erf)  }
0x2db: {  	s10 =	sadd.s32 $0x100, s11;
	v19 =	vmul.f32 $1.442695020e+00, v47;
	v50 =	vmul.f32 v49, v21  }
0x2dc: {  	v51 =	vpop (erf);
	v22 =	vmul.f32 $1.442695020e+00, v48;
	v23 =	vsub.f32 $0.0e+00, v13;
	[tilespmem:s10+$0x40] =	vst v49  }
0x2dd: {  	s21 =	sadd.s32 $0x100, s21;
	v52 =	vadd.f32 $1.000000000e+00, v51;
	(erf) = vpow2.f32 v19;
	[tilespmem:s10+$0x0] =	vst v50  }
0x2de: {  	v54 =	vld [tilespmem:s4+$0x50];
	(erf) = vpow2.f32 v22;
	v53 =	vmul.f32 $1.442695020e+00, v23;
	[tilespmem:s21+$0x0] =	vst v3  }
0x2df: {  	v55 =	vpop (erf);
	(erf) = vrcp.f32 v52;
	v56 =	vld [tilespmem:s0+$0x10]  }
0x2e0: {  	v57 =	vpop (erf);
	(erf) = vpow2.f32 v53;
	v58 =	vld [tilespmem:s16+$0x10]  }
0x2e1: {  	v21 =	vadd.f32 $1.000000000e+00, v57  }
0x2e2: {  	[tilespmem:s1+$0xFFFFFFA0] =	vst v18;
	v5 =	vmul.f32 v55, v5;
	v59 =	vld [tilespmem:s3+$0x10]  }
0x2e3: {  	[tilespmem:s10+$0xFFFFFFC0] =	vst v55;
	(erf) = vrcp.f32 v21  }
0x2e4: {  	[tilespmem:s10+$0xFFFFFF80] =	vst v5;
	v60 =	vpop (erf)  }
0x2e5: {  	v25 =	vld [tilespmem:s14+$0x60];
	[tilespmem:s21+$0xFFFFFF80] =	vst v2;
	v3 =	vmul.f32 v60, v54;
	v17 =	vadd.f32 v58, v56  }
0x2e6: {  	v5 =	vld [tilespmem:s0+$0xFFFFFF90];
	[tilespmem:s7+$0x50] =	vst v60;
	v62 =	vpop (erf)  }
0x2e7: {  	v61 =	vld [tilespmem:s16+$0xFFFFFF90];
	[tilespmem:s7+$0x10] =	vst v3;
	v24 =	vpop (erf);
	v17 =	vadd.f32 v59, v17  }
0x2e8: {  	v63 =	vld [tilespmem:s3+$0xFFFFFF90];
	[tilespmem:s18+$0x10] =	vst v6;
	v26 =	vpop (erf);
	v3 =	vadd.f32 $1.000000000e+00, v24  }
0x2e9: {  	[tilespmem:s1+$0xFFFFFFE0] =	vst v16;
	v2 =	vadd.f32 $1.000000000e+00, v62;
	v27 =	vld [tilespmem:s4+$0x20];
	v28 =	vpop (erf);
	v29 =	vsub.f32 $0.0e+00, v17  }
0x2ea: {  	[tilespmem:s30+$0xFFFFFFA0] =	vst v1;
	v31 =	vld [tilespmem:s9+$0x20];
	v30 =	vmul.f32 v26, v7;
	(erf) = vrcp.f32 v3;
	v32 =	vadd.f32 $1.000000000e+00, v28  }
0x2eb: {  	[tilespmem:s7+$0xFFFFFFD0] =	vst v26;
	(erf) = vrcp.f32 v2;
	v33 =	vmul.f32 $1.442695020e+00, v29  }
0x2ec: {  	v5 =	vadd.f32 v61, v5;
	v34 =	vld [tilespmem:s17+$0x20];
	[tilespmem:s7+$0xFFFFFF90] =	vst v30;
	v35 =	vpop (erf);
	(erf) = vrcp.f32 v32  }
0x2ed: {  	[tilespmem:s18+$0xFFFFFF90] =	vst v4;
	v36 =	vmul.f32 v35, v25;
	(erf) = vpow2.f32 v33  }
0x2ee: {  	v37 =	vld [tilespmem:s15+$0xFFFFFFB0];
	v5 =	vadd.f32 v63, v5;
	[tilespmem:s5+$0x60] =	vst v35  }
0x2ef: {  	v38 =	vld [tilespmem:s4+$0xFFFFFFA0];
	v39 =	vadd.f32 v31, v27;
	[tilespmem:s5+$0x20] =	vst v36  }
0x2f0: {  	v40 =	vsub.f32 $0.0e+00, v5;
	v41 =	vld [tilespmem:s9+$0xFFFFFFA0];
	[tilespmem:s31+$0x20] =	vst v8  }
0x2f1: {  	v42 =	vadd.f32 v34, v39;
	v43 =	vld [tilespmem:s14+$0x30]  }
0x2f2: {  	v3 =	vmul.f32 $1.442695020e+00, v40;
	v44 =	vld [tilespmem:s13+$0x30]  }
0x2f3: {  	v45 =	vld [tilespmem:s17+$0xFFFFFFA0];
	v46 =	vsub.f32 $0.0e+00, v42;
	v2 =	vpop (erf)  }
0x2f4: {  	v47 =	vld [tilespmem:s6+$0x30];
	(erf) = vpow2.f32 v3;
	v48 =	vpop (erf)  }
0x2f5: {  	v49 =	vld [tilespmem:s2+$0xFFFFFFB0];
	v50 =	vmul.f32 $1.442695020e+00, v46;
	v4 =	vpop (erf)  }
0x2f6: {  	v7 =	vadd.f32 v41, v38;
	v51 =	vpop (erf)  }
0x2f7: {  	v52 =	vld [tilespmem:s19+$0xFFFFFFB0];
	(erf) = vpow2.f32 v50;
	v1 =	vadd.f32 v44, v43;
	v53 =	vadd.f32 $1.000000000e+00, v51  }
0x2f8: {  	v7 =	vadd.f32 v45, v7  }
0x2f9: {  	v1 =	vadd.f32 v47, v1;
	(erf) = vrcp.f32 v53  }
0x2fa: {  	v54 =	vadd.f32 v37, v49;
	v55 =	vsub.f32 $0.0e+00, v7  }
0x2fb: {  	v56 =	vsub.f32 $0.0e+00, v1  }
0x2fc: {  	v3 =	vadd.f32 v52, v54;
	v6 =	vmul.f32 $1.442695020e+00, v55  }
0x2fd: {  	v16 =	vmul.f32 $1.442695020e+00, v56;
	v57 =	vpop (erf)  }
0x2fe: {  	v59 =	vld [tilespmem:s0+$0x50];
	v58 =	vsub.f32 $0.0e+00, v3;
	(erf) = vpow2.f32 v6;
	v18 =	vadd.f32 $1.000000000e+00, v57  }
0x2ff: {  	(erf) = vpow2.f32 v16  }
0x300: {  	v60 =	vmul.f32 $1.442695020e+00, v58;
	v61 =	vpop (erf);
	(erf) = vrcp.f32 v18  }
0x301: {  	v18 =	vadd.f32 $1.000000000e+00, v61  }
0x302: {  	(erf) = vpow2.f32 v60;
	v62 =	vpop (erf)  }
0x303: {  	(erf) = vrcp.f32 v18;
	v6 =	vmul.f32 v62, v59  }
0x304: {  	[tilespmem:s10+$0x50] =	vst v62  }
0x305: {  	v63 =	vld [tilespmem:s0+$0xFFFFFFD0];
	[tilespmem:s10+$0x10] =	vst v6  }
0x306: {  	v25 =	vld [tilespmem:s4+$0x60];
	[tilespmem:s21+$0x10] =	vst v17  }
0x307: {  	v24 =	vmul.f32 v48, v14;
	v26 =	vpop (erf);
	v27 =	vld [tilespmem:s0+$0x20]  }
0x308: {  	[tilespmem:s5+$0xFFFFFFE0] =	vst v48;
	v28 =	vpop (erf);
	v29 =	vld [tilespmem:s16+$0x20]  }
0x309: {  	[tilespmem:s5+$0xFFFFFFA0] =	vst v24;
	v30 =	vpop (erf)  }
0x30a: {  	[tilespmem:s31+$0xFFFFFFA0] =	vst v15;
	v32 =	vld [tilespmem:s3+$0x20];
	v31 =	vmul.f32 v30, v63  }
0x30b: {  	[tilespmem:s10+$0xFFFFFFD0] =	vst v30;
	v33 =	vpop (erf)  }
0x30c: {  	[tilespmem:s10+$0xFFFFFF90] =	vst v31;
	v34 =	vpop (erf)  }
0x30d: {  	v35 =	vld [tilespmem:s13+$0xFFFFFFB0];
	[tilespmem:s21+$0xFFFFFF90] =	vst v5;
	v36 =	vmul.f32 v34, v25;
	v37 =	vadd.f32 v29, v27  }
0x30e: {  	v38 =	vld [tilespmem:s14+$0xFFFFFFB0];
	[tilespmem:s7+$0x60] =	vst v34  }
0x30f: {  	v39 =	vld [tilespmem:s0+$0xFFFFFFA0];
	[tilespmem:s7+$0x20] =	vst v36;
	v40 =	vadd.f32 v32, v37  }
0x310: {  	v6 =	vadd.f32 $1.000000000e+00, v28;
	v41 =	vld [tilespmem:s16+$0xFFFFFFA0];
	[tilespmem:s18+$0x20] =	vst v42  }
0x311: {  	v42 =	vadd.f32 $1.000000000e+00, v26;
	v43 =	vld [tilespmem:s4+$0x30];
	v44 =	vsub.f32 $0.0e+00, v40  }
0x312: {  	(erf) = vrcp.f32 v6;
	v45 =	vadd.f32 $1.000000000e+00, v33;
	v46 =	vld [tilespmem:s9+$0x30]  }
0x313: {  	v47 =	vld [tilespmem:s3+$0xFFFFFFA0];
	(erf) = vrcp.f32 v42;
	v17 =	vmul.f32 $1.442695020e+00, v44  }
0x314: {  	v48 =	vld [tilespmem:s17+$0x30];
	(erf) = vrcp.f32 v45  }
0x315: {  	v49 =	vld [tilespmem:s6+$0xFFFFFFB0];
	(erf) = vpow2.f32 v17  }
0x316: {  	v14 =	vadd.f32 v41, v39  }
0x317: {  	v50 =	vadd.f32 v46, v43  }
0x318: {  	v51 =	vadd.f32 v35, v38;
	v8 =	vadd.f32 v47, v14  }
0x319: {  	v6 =	vadd.f32 v48, v50  }
0x31a: {  	v15 =	vadd.f32 v49, v51;
	v14 =	vsub.f32 $0.0e+00, v8  }
0x31b: {  	v16 =	vpop (erf);
	v52 =	vsub.f32 $0.0e+00, v6  }
0x31c: {  	v54 =	vsub.f32 $0.0e+00, v15;
	v14 =	vmul.f32 $1.442695020e+00, v14;
	v53 =	vpop (erf)  }
0x31d: {  	v55 =	vpop (erf);
	v17 =	vmul.f32 $1.442695020e+00, v52  }
0x31e: {  	v56 =	vmul.f32 $1.442695020e+00, v54;
	(erf) = vpow2.f32 v14;
	v57 =	vpop (erf)  }
0x31f: {  	(erf) = vpow2.f32 v17;
	v58 =	vadd.f32 $1.000000000e+00, v57  }
0x320: {  	(erf) = vpow2.f32 v56  }
0x321: {  	(erf) = vrcp.f32 v58;
	_ =	sdelay $0x1  }
0x322: {  	v59 =	vld [tilespmem:s4+$0xFFFFFFE0];
	_ =	sdelay $0x2  }
0x323: {  	v60 =	vld [tilespmem:s0+$0x60]  }
0x324: {  	v61 =	vpop (erf)  }
0x325: {  	v14 =	vmul.f32 v53, v59;
	v62 =	vpop (erf)  }
0x326: {  	[tilespmem:s7+$0xFFFFFFE0] =	vst v53;
	v63 =	vpop (erf)  }
0x327: {  	[tilespmem:s7+$0xFFFFFFA0] =	vst v14;
	v24 =	vpop (erf)  }
0x328: {  	[tilespmem:s18+$0xFFFFFFA0] =	vst v7;
	v17 =	vmul.f32 v24, v60  }
0x329: {  	v25 =	vadd.f32 $1.000000000e+00, v62;
	[tilespmem:s10+$0x60] =	vst v24  }
0x32a: {  	v19 =	vadd.f32 $1.000000000e+00, v61;
	[tilespmem:s10+$0x20] =	vst v17  }
0x32b: {  	v26 =	vld [tilespmem:s9+$0xFFFFFFB0];
	(erf) = vrcp.f32 v25;
	[tilespmem:s21+$0x20] =	vst v40  }
0x32c: {  	(erf) = vrcp.f32 v19;
	v5 =	vld [tilespmem:s0+$0x30]  }
0x32d: {  	v17 =	vld [tilespmem:s16+$0x30]  }
0x32e: {  	v28 =	vld [tilespmem:s4+$0xFFFFFFB0]  }
0x32f: {  	v29 =	vld [tilespmem:s3+$0x30]  }
0x330: {  	v27 =	vld [tilespmem:s17+$0xFFFFFFB0]  }
0x331: {  	v30 =	vld [tilespmem:s0+$0xFFFFFFE0]  }
0x332: {  	v5 =	vadd.f32 v17, v5  }
0x333: {  	v31 =	vadd.f32 v26, v28  }
0x334: {  	v32 =	vpop (erf);
	v5 =	vadd.f32 v29, v5  }
0x335: {  	v7 =	vadd.f32 v27, v31;
	v33 =	vpop (erf)  }
0x336: {  	v34 =	vmul.f32 v33, v30;
	v35 =	vsub.f32 $0.0e+00, v5  }
0x337: {  	v14 =	vadd.f32 $1.000000000e+00, v63;
	v36 =	vsub.f32 $0.0e+00, v7;
	[tilespmem:s10+$0xFFFFFFE0] =	vst v33  }
0x338: {  	[tilespmem:s10+$0xFFFFFFA0] =	vst v34;
	v17 =	vmul.f32 $1.442695020e+00, v35  }
0x339: {  	v37 =	vmul.f32 $1.442695020e+00, v36;
	(erf) = vrcp.f32 v14;
	[tilespmem:s21+$0xFFFFFFA0] =	vst v8  }
0x33a: {  	v38 =	vld [tilespmem:s16+$0xFFFFFFB0];
	(erf) = vpow2.f32 v17  }
0x33b: {  	v39 =	vld [tilespmem:s0+$0xFFFFFFB0];
	(erf) = vpow2.f32 v37;
	_ =	sdelay $0x1  }
0x33c: {  	v40 =	vld [tilespmem:s3+$0xFFFFFFB0];
	_ =	sdelay $0x2  }
0x33d: {  	v8 =	vadd.f32 v38, v39;
	_ =	sdelay $0x1  }
0x33e: {  	v41 =	vpop (erf);
	v8 =	vadd.f32 v40, v8  }
0x33f: {  	v42 =	vpop (erf)  }
0x340: {  	[tilespmem:s29+$0xFFFFFFF0] =	vst v9;
	v44 =	vsub.f32 $0.0e+00, v8;
	v17 =	vadd.f32 $1.000000000e+00, v42;
	v43 =	vpop (erf)  }
0x341: {  	[tilespmem:s29+$0xFFFFFFB0] =	vst v11;
	v10 =	vmul.f32 v4, v10;
	v45 =	vld [tilespmem:s2+$0x70];
	v19 =	vadd.f32 $1.000000000e+00, v43  }
0x342: {  	[tilespmem:s26+$0xFFFFFFB0] =	vst v0;
	v49 =	vld [tilespmem:s14+$0x70];
	v46 =	vmul.f32 $1.442695020e+00, v44;
	(erf) = vrcp.f32 v17  }
0x343: {  	[tilespmem:s12+$0xFFFFFFF0] =	vst v4;
	(erf) = vrcp.f32 v19  }
0x344: {  	[tilespmem:s12+$0xFFFFFFB0] =	vst v10;
	(erf) = vpow2.f32 v46  }
0x345: {  	[tilespmem:s8+$0xFFFFFFB0] =	vst v13;
	v47 =	vld [tilespmem:s2+$0xFFFFFFF0]  }
0x346: {  	[tilespmem:s1+$0x70] =	vst v2;
	v48 =	vmul.f32 v2, v45  }
0x347: {  	[tilespmem:s5+$0x70] =	vst v16;
	v2 =	vmul.f32 v16, v49  }
0x348: {  	[tilespmem:s1+$0x30] =	vst v48  }
0x349: {  	[tilespmem:s5+$0x30] =	vst v2  }
0x34a: {  	v50 =	vmul.f32 v55, v47;
	[tilespmem:s1+$0xFFFFFFF0] =	vst v55;
	v55 =	vld [tilespmem:s4+$0x70]  }
0x34b: {  	[tilespmem:s30+$0x30] =	vst v12;
	v52 =	vpop (erf)  }
0x34c: {  	v51 =	vld [tilespmem:s14+$0xFFFFFFF0];
	[tilespmem:s31+$0x30] =	vst v1;
	v53 =	vpop (erf)  }
0x34d: {  	[tilespmem:s1+$0xFFFFFFB0] =	vst v50;
	v54 =	vpop (erf)  }
0x34e: {  	[tilespmem:s30+$0xFFFFFFB0] =	vst v3;
	v3 =	vadd.f32 $1.000000000e+00, v54  }
0x34f: {  	v57 =	vmul.f32 v32, v55;
	[tilespmem:s7+$0x70] =	vst v32  }
0x350: {  	v58 =	vld [tilespmem:s0+$0x70];
	[tilespmem:s5+$0xFFFFFFF0] =	vst v41;
	(erf) = vrcp.f32 v3  }
0x351: {  	v56 =	vld [tilespmem:s4+$0xFFFFFFF0];
	v9 =	vmul.f32 v41, v51;
	[tilespmem:s7+$0x30] =	vst v57  }
0x352: {  	[tilespmem:s18+$0x30] =	vst v6  }
0x353: {  	[tilespmem:s5+$0xFFFFFFB0] =	vst v9  }
0x354: {  	[tilespmem:s31+$0xFFFFFFB0] =	vst v15  }
0x355: {  	v60 =	vld [tilespmem:s0+$0xFFFFFFF0];
	v61 =	vmul.f32 v52, v58;
	[tilespmem:s10+$0x70] =	vst v52  }
0x356: {  	v59 =	vmul.f32 v53, v56;
	[tilespmem:s7+$0xFFFFFFF0] =	vst v53  }
0x357: {  	[tilespmem:s10+$0x30] =	vst v61  }
0x358: {  	[tilespmem:s7+$0xFFFFFFB0] =	vst v59  }
0x359: {  	[tilespmem:s21+$0x30] =	vst v5;
	v62 =	vpop (erf)  }
0x35a: {  	[tilespmem:s18+$0xFFFFFFB0] =	vst v7;
	v63 =	vmul.f32 v62, v60  }
0x35b: {  	[tilespmem:s10+$0xFFFFFFF0] =	vst v62  }
0x35c: {  	s22 =	rddreg [dreg:$0x1];
	s24 =	simm.s32 $0x7A00;
	[tilespmem:s10+$0xFFFFFFB0] =	vst v63  }
0x35d: {  	s28 =	simm.s32 $0x7;
	s2 =	simm.s32 $0x28;
	s5 =	simm.s32 $0x180;
	[tilespmem:s21+$0xFFFFFFB0] =	vst v8  }
0x35e: {  	[spmem:s22] =	stream.indirect.scatter.add.f32 [tilespmem:s24], [sflag:$0x7], $0x80, s5, s2, $0xb8;
	[tilespmem:$0x1EE80] =	vst v63  }
0x35f: {  	s26 =	rddreg [dreg:$0x1e];
	_ =	swait.ge [sflag:s28], $0x1400  }
0x360: {  	s3 =	rddreg [dreg:$0x1c]  }
0x361: {  	p1 =	seq.s32 s3, $0xF9  }
.Ltmp7:
0x362: {  	s0 =	sshll.u32 s26, $0x7;
	s29 =	rddreg [dreg:$0x10];
	(pc) =	sbr.rel @p1 .LBB2_12-.Ltmp7, $4  }
0x363: {  	s8 =	simm.s32 $0x0;
	s0 =	sadd.s32 s29, s0  }
0x364: {  	[sflag:s28] =	ssyncset.done $0x0;
	s30 =	rddreg [dreg:$0x8];
	s0 =	sshrl.u32 s0, $0x3  }
0x365: {  	s31 =	simm.s32 $0xA200;
	[sflag:s28] =	ssyncadd.s32 $0xFFFFEC00;
	s0 =	sadd.s32 s30, s0  }
0x366: {  	[hbm4b:s0+s8] =	stream.linear.scatter [tilespmem:s31], [sflag:$0x6], $0x1400, $0x38;
	[tilespmem:$0x1EE80] =	vst v63  }
0x367: {  	s0 =	rddreg [dreg:$0x18]  }
0x368: {  	s1 =	rddreg [dreg:$0x1d]  }
0x369: {  	s0 =	sadd.s32 s1, s0  }
.Ltmp8:
0x36a: {  	s31 =	rddreg [dreg:$0x3];
	s0 =	sshrl.u32 s0, $0x3;
	(pc) =	sbr.rel .LBB2_2-.Ltmp8, $4  }
0x36b: {  	s4 =	simm.s32 $0x100;
	s0 =	sadd.s32 s31, s0  }
0x36c: {  	[tilespmem:s4], [sflag:$0x2] =	stream.linear.gather [hbm4b:s0+s8], $0x28, $0x38;
	[tilespmem:$0x1EE80] =	vst v63  }
0x36d: {  	s3 =	sadd.s32 $0x1, s3;
	s0 =	sadd.s32 $0x9C40, s0  }
0x36e: {  	[tilespmem:s5], [sflag:$0x2] =	stream.linear.gather [hbm4b:s0+s8], $0x28, $0x38;
	[tilespmem:$0x1EE80] =	vst v63  }
.LBB2_13:
0x36f: {  	_ =	sfence.sel $0x180000  }
0x370: {  	[bflag:$0x0] =	sbarrier.arrive $0xFFFF  }
0x371: {  	_ =	strace $0x90000047  }
0x372: {  	s0 =	stileid.u32;
	[bflag:$0x2] =	sbarrier.arrive $0xFFFF  }
0x373: {  	p0 =	sne.s32 s0, $0x0;
	s0 =	rddreg [dreg:$0x2]  }
0x374: {  	s0 =	sadd.s32 @!p0 $0x100000, s0  }
0x375: {  	[sflag:s0] =	ssyncadd.tile.s32 @!p0 $0x1;
	_ =	shalt  }
.Lfunc_end2:
_tile_overlayer_lowered:
.L_overlay_start_2:
0x376: {  	(tag) =	ssettag $0x2  }
0x377: {  	s0 =	rddreg [dreg:$0x0];
	s2 =	stileid.u32  }
0x378: {  	s1 =	rddreg [dreg:$0x1];
	p0 =	sne.s32 s2, $0x0  }
0x379: {  	s3 =	rddreg [dreg:$0x2];
	[bflag:$0x3] =	sbarrier.arrive $0xFFFF;
	s2 =	simm.s32 @!p0 $0x1C07  }
0x37a: {  	[timem:s3], [sflag:s2] =	dma.local @!p0 [hbm:s0], s1  }
0x37b: {  	s0 =	simm.s32 @!p0 $0x7  }
0x37c: {  	_ =	swait.ge @!p0 [sflag:s0], s1  }
0x37d: {  	s1 =	ssub.s32 @!p0 $0x0, s1;
	[sflag:s0] =	ssyncset.done @!p0 $0x0  }
0x37e: {  	[sflag:s0] =	ssyncadd.s32 @!p0 s1  }
0x37f: {  	[bflag:$0x3] =	sbarrier.arrive $0xFFFF  }
0x380: {  	_ =	shalt  }

// kernel: kernel.15.cloned.1.call-start
scs
__scs_entry_jumppad:
0x0: {  	(pc) =	sbr.rel $0x88, $3  }
0x1: {  	(tag) =	ssettag $0x0;
	lr =	simm.s32 $0x1  }
0x2: {  	[smem:$0x3F8D] =	sst lr;
	_ =	strace $0xD0000000  }
0x3: {  	_ = 	snop  }
0x4: {  	_ = 	snop  }
0x5: {  	_ = 	snop  }
0x6: {  	_ = 	snop  }
0x7: {  	_ = 	snop  }
__scs_overlays_trampoline_lowered:
0x8: {  	[smem:$0x3F9C] =	sst s0  }
0x9: {  	[smem:$0x3F9D] =	sst s1  }
0xa: {  	[smem:$0x3F9E] =	sst s2  }
0xb: {  	[smem:$0x3F9F] =	sst s3  }
0xc: {  	[smem:$0x3FA0] =	sst s4  }
0xd: {  	[smem:$0x3FA1] =	sst s5  }
0xe: {  	[smem:$0x3FA2] =	sst s6  }
0xf: {  	[smem:$0x3FA3] =	sst s7  }
0x10: {  	[smem:$0x3FA4] =	sst s8  }
0x11: {  	[smem:$0x3FA5] =	sst s9;
	s0 =	simm.s32 @!p0 $0x0  }
0x12: {  	s1 =	sld [smem:$0x3F8B];
	s0 =	simm.s32 @p0 $0x1  }
0x13: {  	[smem:$0x3FA6] =	sst s0;
	s0 =	simm.s32 @!p1 $0x0  }
0x14: {  	s2 =	sld [smem:$0x3F8A];
	s0 =	simm.s32 @p1 $0x1  }
0x15: {  	[smem:$0x3FA7] =	sst s0;
	s0 =	simm.s32 @!p2 $0x0  }
0x16: {  	s3 =	sld [smem:$0x3FDB];
	s0 =	simm.s32 @p2 $0x1  }
0x17: {  	s4 =	simm.s32 $0x1BF5;
	[smem:$0x3FA9] =	sst s0  }
0x18: {  	s0 =	sld [smem:$0x3F8C];
	_ =	swait.ge [sflag:s4], $0x0  }
0x19: {  	s7 =	sld [smem:$0x3F8D]  }
0x1a: {  	s8 =	sadd.s32 $0xFFFFE003, lr  }
0x1b: {  	s9 =	sadd.s32 $0xFFFFFEF7, lr;
	s5 =	simm.s32 $0xFFFFFFFF;
	p2 =	slt.u32 s8, $0xFFFFF086  }
0x1c: {  	p1 =	slt.u32 s9, $0xF7A;
	s5 =	simm.s32 @!p2 $0x0  }
0x1d: {  	s5 =	simm.s32 @p1 $0x1;
	p0 =	seq.s32 s7, s2  }
0x1e: {  	s7 =	smul.u32 @!p0 $0xF7A, s2;
	p2 =	seq.s32 @!p0 s5, $0x0  }
0x1f: {  	s9 =	smul.u32 $0xF7A, s1;
	s8 =	simm.s32 @!p0 $0x1BF5;
	p2 =	por !p2, p0  }
0x20: {  	[sflag:s8] =	ssyncset.s32 @!p0 $0xFFFFF086;
	s6 =	sadd.s32 @!p0 s3, s7;
	s7 =	simm.s32 @!p0 $0x108  }
0x21: {  	s3 =	sadd.s32 s3, s9;
	s6 =	sadd.s32 @!p0 $0x88, s6;
	s7 =	simm.s32 @p2 $0x1082  }
0x22: {  	[simem:s7], [sflag:s8] =	dma.local @!p0 [hbm:s6], $0xF7A  }
0x23: {  	s9 =	sor.u32 $0xD0000000, s2;
	s6 =	simm.s32 $0x108;
	_ =	swait.ge @!p0 [sflag:s8], $0x0  }
0x24: {  	s3 =	sadd.s32 $0x88, s3;
	s6 =	simm.s32 @!p1 $0x1082;
	[sflag:s4] =	ssyncset.s32 $0xFFFFF086  }
0x25: {  	[simem:s6], [sflag:s4] =	dma.local [hbm:s3], $0xF7A  }
0x26: {  	[smem:$0x3F8D] =	sst s1;
	(tag) =	ssettag s2;
	_ =	strace s9  }
0x27: {  	s1 =	sld [smem:$0x3F9D]  }
0x28: {  	s2 =	sld [smem:$0x3F9E]  }
0x29: {  	s4 =	sld [smem:$0x3FA0]  }
0x2a: {  	p0 =	seq.s32 s5, $0x0;
	s5 =	sld [smem:$0x3FA1]  }
0x2b: {  	s6 =	sld [smem:$0x3FA2]  }
0x2c: {  	s7 =	sld [smem:$0x3FA3]  }
0x2d: {  	s3 =	simm.s32 $0x108;
	s8 =	sld [smem:$0x3FA4]  }
0x2e: {  	s3 =	simm.s32 @!p0 $0x1082;
	s9 =	sld [smem:$0x3FA5]  }
0x2f: {  	lr =	sadd.s32 s0, s3;
	s0 =	sld [smem:$0x3F9C]  }
0x30: {  	s3 =	sld [smem:$0x3F9F]  }
0x31: {  	[smem:$0x3FA8] =	sst s10  }
0x32: {  	s10 =	sld [smem:$0x3FA6];
	_ =	sdelay $0x3  }
0x33: {  	p0 =	seq.s32 s10, $0x1;
	s10 =	sld [smem:$0x3FA8];
	_ =	sdelay $0x3  }
0x34: {  	[smem:$0x3FA8] =	sst s10  }
0x35: {  	s10 =	sld [smem:$0x3FA7];
	_ =	sdelay $0x3  }
0x36: {  	p1 =	seq.s32 s10, $0x1;
	s10 =	sld [smem:$0x3FA8];
	_ =	sdelay $0x3  }
0x37: {  	[smem:$0x3FA8] =	sst s10  }
0x38: {  	s10 =	sld [smem:$0x3FA9]  }
0x39: {  	_ = 	snop;
	(pc) =	sbr.ind lr, $3  }
0x3a: {  	_ = 	snop  }
0x3b: {  	_ = 	snop  }
0x3c: {  	p2 =	seq.s32 s10, $0x1;
	s10 =	sld [smem:$0x3FA8]  }
0x3d: {  	_ =	shalt  }
0x3e: {  	_ =	shalt  }
0x3f: {  	_ =	shalt  }
0x40: {  	_ =	shalt  }
0x41: {  	_ =	shalt  }
0x42: {  	_ =	shalt  }
0x43: {  	_ =	shalt  }
0x44: {  	_ =	shalt  }
0x45: {  	_ =	shalt  }
0x46: {  	_ =	shalt  }
0x47: {  	_ =	shalt  }
0x48: {  	_ =	shalt  }
0x49: {  	_ =	shalt  }
0x4a: {  	_ =	shalt  }
0x4b: {  	_ =	shalt  }
0x4c: {  	_ =	shalt  }
0x4d: {  	_ =	shalt  }
0x4e: {  	_ =	shalt  }
0x4f: {  	_ =	shalt  }
0x50: {  	_ =	shalt  }
0x51: {  	_ =	shalt  }
0x52: {  	_ =	shalt  }
0x53: {  	_ =	shalt  }
0x54: {  	_ =	shalt  }
0x55: {  	_ =	shalt  }
0x56: {  	_ =	shalt  }
0x57: {  	_ =	shalt  }
0x58: {  	_ =	shalt  }
0x59: {  	_ =	shalt  }
0x5a: {  	_ =	shalt  }
0x5b: {  	_ =	shalt  }
0x5c: {  	_ =	shalt  }
0x5d: {  	_ =	shalt  }
0x5e: {  	_ =	shalt  }
0x5f: {  	_ =	shalt  }
0x60: {  	_ =	shalt  }
0x61: {  	_ =	shalt  }
0x62: {  	_ =	shalt  }
0x63: {  	_ =	shalt  }
0x64: {  	_ =	shalt  }
0x65: {  	_ =	shalt  }
0x66: {  	_ =	shalt  }
0x67: {  	_ =	shalt  }
0x68: {  	_ =	shalt  }
0x69: {  	_ =	shalt  }
0x6a: {  	_ =	shalt  }
0x6b: {  	_ =	shalt  }
0x6c: {  	_ =	shalt  }
0x6d: {  	_ =	shalt  }
0x6e: {  	_ =	shalt  }
0x6f: {  	_ =	shalt  }
0x70: {  	_ =	shalt  }
0x71: {  	_ =	shalt  }
0x72: {  	_ =	shalt  }
0x73: {  	_ =	shalt  }
0x74: {  	_ =	shalt  }
0x75: {  	_ =	shalt  }
0x76: {  	_ =	shalt  }
0x77: {  	_ =	shalt  }
0x78: {  	_ =	shalt  }
0x79: {  	_ =	shalt  }
0x7a: {  	_ =	shalt  }
0x7b: {  	_ =	shalt  }
0x7c: {  	_ =	shalt  }
0x7d: {  	_ =	shalt  }
0x7e: {  	_ =	shalt  }
0x7f: {  	_ =	shalt  }
0x80: {  	_ =	shalt  }
0x81: {  	_ =	shalt  }
0x82: {  	_ =	shalt  }
0x83: {  	_ =	shalt  }
0x84: {  	_ =	shalt  }
0x85: {  	_ =	shalt  }
0x86: {  	_ =	shalt  }
0x87: {  	_ =	shalt  }
.Lfunc_end0:
.L_simem_size_0:
called_computation.1_lowered:
.L_overlay_start_0:
0x88: {  	s2 =	sld [smem:$0x3FD9]  }
0x89: {  	s3 =	sld [smem:$0x3FFE];
	_ =	sdelay $0x1  }
0x8a: {  	s1 =	srdreg.scid  }
0x8b: {  	s0 =	sand.u32 $0x1, s1  }
0x8c: {  	s16 =	sshll.u32 s0, $0xA;
	s2 =	sadd.s32 s3, s2  }
0x8d: {  	s2 =	sadd.s32 s2, s16  }
0x8e: {  	[smem:$0x3FB4] =	sst s2  }
0x8f: {  	_ = 	snop  }
0x90: {  	(tm) =	ssettm $0x1  }
0x91: {  	s17 =	sld [smem:$0x3FFB];
	_ =	sdelay $0x3  }
0x92: {  	_ =	strace s17  }
0x93: {  	s2 =	sld [smem:$0x3FFC];
	_ =	sdelay $0x3  }
0x94: {  	_ =	strace s2  }
0x95: {  	s2 =	sld [smem:$0x3FFD];
	_ =	sdelay $0x3  }
0x96: {  	_ =	strace s2  }
0x97: {  	_ =	strace $0x8FFFFFFF  }
0x98: {  	s18 =	sld [smem:$0x3FDB];
	_ =	sdelay $0x1  }
0x99: {  	s19 =	simm.s32 $_scs_section_size  }
0x9a: {  	s4 =	simm.s32 $_size__tile_overlayer_lowered;
	s5 =	simm.s32 $_tile_overlayer_lowered  }
0x9b: {  	s22 =	simm.s32 $0x1BFF;
	s21 =	sshll.u32 s5, $0x1;
	s2 =	sadd.s32 s19, s18  }
0x9c: {  	s6 =	simm.s32 $0x0;
	s20 =	sshll.u32 s4, $0x1;
	s4 =	sadd.s32 s21, s2  }
0x9d: {  	[timem:s6], [sflag:s22] =	dma.local [hbm:s4], s20  }
0x9e: {  	_ =	swait.ge [sflag:s22], s20  }
0x9f: {  	s3 =	ssub.s32 $0x0, s20;
	[sflag:s22] =	ssyncset.done $0x0  }
0xa0: {  	[sflag:s22] =	ssyncadd.s32 s3;
	_ =	sdelay $0x1  }
0xa1: {  	s23 =	simm.s32 $0x1B8B  }
0xa2: {  	_ =	swait.ge [sflag:s23], $0x1  }
0xa3: {  	[sflag:s23] =	ssyncset.done $0x0  }
0xa4: {  	s25 =	simm.s32 $0x1B8E;
	s24 =	sld [smem:$0x3FFE];
	[sflag:s23] =	ssyncadd.s32 $0xFFFFFFFF  }
0xa5: {  	s26 =	simm.s32 $execute0_lowered;
	[smem:$0x3FD2] =	sst s25  }
0xa6: {  	s4 =	sshll.u32 s26, $0x1;
	_ =	strace $0x80000049;
	[dreg:$0x1] =	wrdreg $0xFFFFFFFF  }
0xa7: {  	s28 =	simm.s32 $_size_execute0_lowered;
	s2 =	sadd.s32 s2, s4;
	[dreg:$0x0] =	wrdreg $0x0  }
0xa8: {  	s4 =	sshll.u32 s28, $0x1;
	[dreg:$0x2] =	wrdreg s2  }
0xa9: {  	[dreg:$0x3] =	wrdreg s4  }
0xaa: {  	[dreg:$0x4] =	wrdreg $0xC0  }
0xab: {  	_ =	task [dreg:s6], $0x5FFFF  }
0xac: {  	[dreg:$0x1] =	wrdreg $0xFFFFFFFF  }
0xad: {  	[dreg:$0x0] =	wrdreg $0x60  }
0xae: {  	[dreg:$0x2] =	wrdreg s24  }
0xaf: {  	[dreg:$0x3] =	wrdreg $0x8E000  }
0xb0: {  	[dreg:$0x4] =	wrdreg $0x9  }
0xb1: {  	_ =	task.clear_ibuf [dreg:s6], $0x5FFFF;
	_ =	strace $0x90000049  }
0xb2: {  	s29 =	simm.s32 $0x9;
	_ =	strace $0x8000004B  }
0xb3: {  	_ =	swait.ge [sflag:s29], $0x1  }
0xb4: {  	[sflag:s29] =	ssyncadd.s32 $0xFFFFFFFF  }
0xb5: {  	_ =	strace $0x9000004B  }
0xb6: {  	_ =	sfence  }
0xb7: {  	s30 =	sld [smem:$0x0];
	_ =	sdelay $0x2  }
0xb8: {  	s31 =	sshll.u32 s1, $0xD;
	s1 =	sshrl.u32 s1, $0x2  }
0xb9: {  	s3 =	sand.u32 $0x4000, s31;
	s1 =	sadd.s32 s1, s30  }
0xba: {  	s0 =	sor.u32 s3, s0;
	s1 =	sshll.u32 s1, $0x11  }
0xbb: {  	s0 =	sor.u32 s1, s0  }
0xbc: {  	s0 =	sadd.s32 $0x8F2B, s0  }
0xbd: {  	[sflag:s0] =	ssyncadd.remote.s32 $0x1  }
0xbe: {  	_ =	sfence.sel $0xFFFF  }
0xbf: {  	[dreg:$0x0] =	wrdreg $0xFFFFFFFF;
	(pc) =	sbr.abs _section_cstart, $3  }
0xc0: {  	[dreg:$0x1] =	wrdreg $0xFFFFFFFF  }
0xc1: {  	_ =	task.clear_ibuf [dreg:s6], $0x2FFFF;
	_ =	strace $0x9FFFFFFF  }
0xc2: {  	(tm) =	ssettm $0x7FFFFFFF  }
0xc3: {  	_ =	shalt  }
tec
execute0_lowered:
.L_overlay_start_1:
0x0: {  	(tag) =	ssettag $0x1  }
0x1: {  	s0 =	rddreg [dreg:$0x0]  }
0x2: {  	s8 =	rddreg [dreg:$0x1]  }
0x3: {  	s1 =	srdreg.scid;
	s9 =	simm.s32 $0x0;
	s10 =	stileid.u32  }
0x4: {  	s29 =	simm.s32 $0x3;
	s30 =	simm.s32 $0x2;
	s13 =	simm.s32 $0x5  }
0x5: {  	[smem:$0x7FF] =	sst s9;
	s11 =	sadd.s32 $0x6600, s0;
	s4 =	smul.u32 $0x1F400, s10  }
0x6: {  	s1 =	sand.u32 $0x1, s1;
	s5 =	sadd.s32 $0xA2C200, s0;
	s14 =	sadd.s32 $0xAA1800, s0  }
0x7: {  	s15 =	smul.u32 $0x4E20, s10;
	_ =	strace $0x8000004A;
	[dreg:$0x4] =	wrdreg s5  }
0x8: {  	s12 =	sadd.s32 $0x4FC000, s0;
	s6 =	smul.u32 $0x7D000, s10;
	[dreg:$0x6] =	wrdreg s14  }
0x9: {  	s21 =	smul.u32 $0x4E200, s10;
	p0 =	sgt.u32 s10, $0x9;
	[dreg:$0x5] =	wrdreg s12  }
0xa: {  	s2 =	smul.u32 $0x138800, s1;
	s16 =	ssub.s32 $0x2, s1;
	[dreg:$0x3] =	wrdreg s11  }
0xb: {  	s28 =	sshll.u32 s1, $0x6;
	s1 =	sshll.u32 @!p0 s10, $0x6;
	s17 =	sshrl.u32 s16, $0x1  }
0xc: {  	s7 =	sshrl.u32 s15, $0x3;
	s18 =	sshrl.u32 s6, $0x2;
	s22 =	sadd.s32 $0x28, s15  }
0xd: {  	s23 =	sadd.s32 $0x4E228, s15;
	s25 =	sadd.s32 $0x50, s15;
	s26 =	sadd.s32 $0x78, s15  }
0xe: {  	s3 =	sshrl.u32 s2, $0x3;
	s2 =	sadd.s32 s4, s2;
	[dreg:$0xb] =	wrdreg s22  }
0xf: {  	s19 =	sadd.s32 s11, s7;
	s5 =	sadd.s32 s18, s8;
	[dreg:$0xf] =	wrdreg s25  }
0x10: {  	s24 =	sshrl.u32 s22, $0x3;
	[dreg:$0x10] =	wrdreg s26;
	s22 =	sor.u32 $0x6680, s28  }
0x11: {  	s4 =	simm.s32 $0x100;
	s3 =	sadd.s32 s3, s0;
	[dreg:$0x8] =	wrdreg s5  }
0x12: {  	s2 =	sshrl.u32 s2, $0x3;
	[dreg:$0x7] =	wrdreg s19;
	s20 =	sadd.s32 $0x9C40, s19  }
0x13: {  	s5 =	sadd.s32 s12, s21;
	s21 =	sor.u32 $0x2A80, s28;
	[dreg:$0x9] =	wrdreg s20  }
0x14: {  	s0 =	sadd.s32 s2, s0;
	s3 =	sadd.s32 $0x9DE000, s3;
	[dreg:$0xc] =	wrdreg s5  }
0x15: {  	s2 =	ssub.s32 s16, s17;
	s5 =	sadd.s32 s11, s24;
	[dreg:$0xa] =	wrdreg s3  }
.Ltmp0:
0x16: {  	[dreg:$0xd] =	wrdreg s5;
	s0 =	sadd.s32 $0x1A000, s0;
	(pc) =	sbr.rel .LBB2_1-.Ltmp0, $4  }
0x17: {  	s20 =	sor.u32 $0x5280, s28;
	s31 =	smax.u32 s2, $0x1;
	[dreg:$0x11] =	wrdreg s0  }
0x18: {  	s3 =	sshrl.u32 s23, $0x3;
	s2 =	sor.u32 @!p0 $0x1C05, s1;
	[dreg:$0x12] =	wrdreg s31  }
0x19: {  	s23 =	sor.u32 $0x3E80, s28;
	s3 =	sadd.s32 s11, s3;
	[dreg:$0x13] =	wrdreg s2  }
0x1a: {  	s5 =	simm.s32 $0x180;
	[dreg:$0xe] =	wrdreg s3;
	s3 =	simm.s32 $0x0  }
.LBB2_8:
0x1b: {  	[bflag:$0x0] =	sbarrier.arrive $0xFFFF  }
0x1c: {  	s0 =	rddreg [dreg:$0x11]  }
0x1d: {  	s2 =	rddreg [dreg:$0x13]  }
0x1e: {  	s1 =	rddreg [dreg:$0x15]  }
0x1f: {  	[hbm:s0], [sflag:s2] =	dma.local @!p0 [spmem:s1], $0x3E80  }
0x20: {  	s0 =	simm.s32 @!p0 $0x5  }
0x21: {  	_ =	swait.ge @!p0 [sflag:s0], $0x3E80  }
0x22: {  	s3 =	rddreg [dreg:$0x14]  }
0x23: {  	s31 =	rddreg [dreg:$0x12];
	s3 =	sadd.s32 $0x1, s3  }
0x24: {  	p1 =	sne.s32 s3, s31  }
.Ltmp1:
0x25: {  	_ = 	snop;
	(pc) =	sbr.rel @!p1 .LBB2_9-.Ltmp1, $3  }
0x26: {  	_ =	sdelay $0x1  }
0x27: {  	[sflag:s0] =	ssyncset.done @!p0 $0x0  }
0x28: {  	s9 =	simm.s32 $0x0;
	s4 =	simm.s32 $0x100;
	[sflag:s0] =	ssyncadd.s32 @!p0 $0xFFFFC180  }
.LBB2_1:
0x29: {  	[dreg:$0x14] =	wrdreg s3  }
0x2a: {  	s0 =	rddreg [dreg:$0x8]  }
0x2b: {  	s1 =	sshrl.u32 @!p0 s0, $0x3;
	s0 =	rddreg [dreg:$0x6]  }
0x2c: {  	[dreg:$0x15] =	wrdreg s1  }
0x2d: {  	[spmem:s1], [sflag:s2] =	dma.local @!p0 [hbm:s0], $0x3E80  }
0x2e: {  	s0 =	simm.s32 @!p0 $0x5  }
0x2f: {  	_ =	swait.ge @!p0 [sflag:s0], $0x3E80  }
0x30: {  	[sflag:s0] =	ssyncset.done @!p0 $0x0  }
0x31: {  	[sflag:s0] =	ssyncadd.s32 @!p0 $0xFFFFC180  }
0x32: {  	[bflag:$0x0] =	sbarrier.arrive $0xFFFF  }
0x33: {  	s11 =	rddreg [dreg:$0x7]  }
0x34: {  	[tilespmem:s9], [sflag:$0x1] =	stream.linear.gather [hbm4b:s11+s9], $0x28, $0x38;
	[tilespmem:$0x1C680] =	vst v63  }
0x35: {  	s14 =	simm.s32 $0x80;
	s15 =	simm.s32 $0x1;
	s12 =	rddreg [dreg:$0x9]  }
0x36: {  	[tilespmem:s14], [sflag:$0x1] =	stream.linear.gather [hbm4b:s12+s9], $0x28, $0x38;
	[tilespmem:$0x1C680] =	vst v63  }
0x37: {  	_ =	swait.ge [sflag:s15], $0x28  }
0x38: {  	[sflag:s15] =	ssyncset.done $0x0  }
0x39: {  	[sflag:s15] =	ssyncadd.s32 $0xFFFFFFD8  }
0x3a: {  	_ =	swait.ge [sflag:s15], $0x28  }
0x3b: {  	s17 =	simm.s32 $0x28;
	[sflag:s15] =	ssyncset.done $0x0  }
0x3c: {  	s18 =	simm.s32 $0x200;
	s16 =	rddreg [dreg:$0xa];
	[sflag:s15] =	ssyncadd.s32 $0xFFFFFFD8  }
0x3d: {  	[tilespmem:s18], [sflag:$0x3] =	stream.indirect.gather [hbm4b:s16+s17], $0x80, s9, s17, $0xb8;
	[tilespmem:$0x1C680] =	vst v63  }
0x3e: {  	s24 =	simm.s32 $0x2A00;
	s19 =	rddreg [dreg:$0x4]  }
0x3f: {  	[tilespmem:s24], [sflag:$0x3] =	stream.indirect.gather [hbm4b:s19+s17], $0x80, s14, s17, $0xb8;
	[tilespmem:$0x1C680] =	vst v63  }
0x40: {  	s26 =	simm.s32 $0x5200;
	s25 =	rddreg [dreg:$0xc]  }
0x41: {  	[tilespmem:s26], [sflag:$0x3] =	stream.linear.gather [hbm4b:s25+s9], $0x1400, $0x38;
	[tilespmem:$0x1C680] =	vst v63  }
0x42: {  	s28 =	rddreg [dreg:$0xd]  }
0x43: {  	[tilespmem:s4], [sflag:$0x2] =	stream.linear.gather [hbm4b:s28+s9], $0x28, $0x38;
	[tilespmem:$0x1C680] =	vst v63  }
0x44: {  	s31 =	rddreg [dreg:$0xe];
	s18 =	simm.s32 $0x0  }
0x45: {  	[tilespmem:s5], [sflag:$0x2] =	stream.linear.gather [hbm4b:s31+s9], $0x28, $0x38;
	[tilespmem:$0x1C680] =	vst v63  }
.LBB2_2:
0x46: {  	_ =	swait.ge [sflag:s29], $0x1400  }
0x47: {  	[sflag:s29] =	ssyncset.done $0x0  }
0x48: {  	[sflag:s29] =	ssyncadd.s32 $0xFFFFEC00  }
0x49: {  	_ =	swait.ge [sflag:s29], $0x1400  }
0x4a: {  	[sflag:s29] =	ssyncset.done $0x0  }
0x4b: {  	[sflag:s29] =	ssyncadd.s32 $0xFFFFEC00  }
0x4c: {  	_ =	swait.ge [sflag:s29], $0x1400  }
0x4d: {  	[sflag:s29] =	ssyncset.done $0x0  }
0x4e: {  	[sflag:s29] =	ssyncadd.s32 $0xFFFFEC00  }
0x4f: {  	_ =	swait.ge [sflag:s30], $0x28  }
0x50: {  	[sflag:s30] =	ssyncset.done $0x0  }
0x51: {  	[sflag:s30] =	ssyncadd.s32 $0xFFFFFFD8  }
0x52: {  	s1 =	simm.s32 $0x28;
	_ =	swait.ge [sflag:s30], $0x28  }
0x53: {  	s2 =	simm.s32 $0x1600;
	[sflag:s30] =	ssyncset.done $0x0;
	s0 =	rddreg [dreg:$0xa]  }
0x54: {  	s19 =	smul.u32 $0x50, s18;
	s6 =	rddreg [dreg:$0xb];
	[sflag:s30] =	ssyncadd.s32 $0xFFFFFFD8  }
0x55: {  	[tilespmem:s2], [sflag:$0x4] =	stream.indirect.gather [hbm4b:s0+s1], $0x80, s4, s1, $0xb8;
	[tilespmem:$0x1C680] =	vst v63  }
0x56: {  	s3 =	rddreg [dreg:$0x4];
	s0 =	sadd.s32 s19, s6  }
0x57: {  	s7 =	rddreg [dreg:$0x5];
	s4 =	simm.s32 $0x3E00;
	s0 =	sshll.u32 s0, $0x4  }
0x58: {  	[tilespmem:s4], [sflag:$0x4] =	stream.indirect.gather [hbm4b:s3+s1], $0x80, s5, s1, $0xb8;
	[tilespmem:$0x1C680] =	vst v63  }
0x59: {  	s8 =	simm.s32 $0x6600;
	s10 =	simm.s32 $0x280;
	s0 =	sadd.s32 s7, s0  }
0x5a: {  	[tilespmem:s8], [sflag:$0x4] =	stream.linear.gather [hbm4b:s0+s9], $0x1400, $0x38;
	[tilespmem:$0x1C680] =	vst v63  }
0x5b: {  	v0 =	vld [tilespmem:s10+$0x0]  }
0x5c: {  	v1 =	vld [tilespmem:s21+$0x0];
	_ =	sdelay $0x1  }
0x5d: {  	v2 =	vld [tilespmem:s20+$0x0];
	_ =	sdelay $0x2  }
0x5e: {  	v0 =	vadd.f32 v1, v0  }
0x5f: {  	v1 =	vld [tilespmem:s21+$0xFFFFFF80]  }
0x60: {  	v0 =	vadd.f32 v2, v0;
	v2 =	vld [tilespmem:s10+$0xFFFFFF80];
	_ =	sdelay $0x1  }
0x61: {  	v3 =	vld [tilespmem:s20+$0xFFFFFF80];
	v0 =	vsub.f32 $0.0e+00, v0;
	_ =	sdelay $0x1  }
0x62: {  	v0 =	vmul.f32 $1.442695020e+00, v0  }
0x63: {  	v1 =	vadd.f32 v1, v2  }
0x64: {  	(erf) = vpow2.f32 v0  }
0x65: {  	v0 =	vadd.f32 v3, v1;
	_ =	sdelay $0x1  }
0x66: {  	v0 =	vsub.f32 $0.0e+00, v0;
	_ =	sdelay $0x1  }
0x67: {  	v0 =	vmul.f32 $1.442695020e+00, v0;
	_ =	sdelay $0x2  }
0x68: {  	(erf) = vpow2.f32 v0  }
0x69: {  	v0 =	vpop (erf)  }
0x6a: {  	v0 =	vadd.f32 $1.000000000e+00, v0;
	_ =	sdelay $0x1  }
0x6b: {  	(erf) = vrcp.f32 v0;
	_ =	sdelay $0x2  }
0x6c: {  	s6 =	simm.s32 $0x380  }
0x6d: {  	v2 =	vld [tilespmem:s6+$0x0]  }
0x6e: {  	s11 =	sadd.s32 $0x100, s21;
	v0 =	vld [tilespmem:s10+$0x40];
	v1 =	vpop (erf)  }
0x6f: {  	v3 =	vld [tilespmem:s11+$0x0];
	v1 =	vadd.f32 $1.000000000e+00, v1  }
0x70: {  	s28 =	sadd.s32 $0x100, s20  }
0x71: {  	(erf) = vrcp.f32 v1;
	v1 =	vld [tilespmem:s28+$0x0]  }
0x72: {  	v4 =	vld [tilespmem:s10+$0xFFFFFFC0];
	v5 =	vpop (erf)  }
0x73: {  	s1 =	simm.s32 $0x7A80;
	v6 =	vld [tilespmem:s11+$0xFFFFFF80];
	v0 =	vmul.f32 v5, v0  }
0x74: {  	v7 =	vld [tilespmem:s6+$0xFFFFFF80];
	v2 =	vadd.f32 v3, v2;
	[tilespmem:s1+$0x40] =	vst v5  }
0x75: {  	v3 =	vld [tilespmem:s28+$0xFFFFFF80];
	[tilespmem:s1+$0x0] =	vst v0  }
0x76: {  	v1 =	vadd.f32 v1, v2;
	v0 =	vld [tilespmem:s10+$0x10]  }
0x77: {  	v2 =	vld [tilespmem:s21+$0x10]  }
0x78: {  	v1 =	vsub.f32 $0.0e+00, v1  }
0x79: {  	v5 =	vld [tilespmem:s20+$0x10]  }
0x7a: {  	v6 =	vadd.f32 v6, v7;
	v8 =	vpop (erf);
	v1 =	vmul.f32 $1.442695020e+00, v1  }
0x7b: {  	v4 =	vmul.f32 v8, v4  }
0x7c: {  	v3 =	vadd.f32 v3, v6;
	[tilespmem:s1+$0xFFFFFFC0] =	vst v8;
	v0 =	vadd.f32 v2, v0;
	(erf) = vpow2.f32 v1  }
0x7d: {  	[tilespmem:s1+$0xFFFFFF80] =	vst v4  }
0x7e: {  	v1 =	vsub.f32 $0.0e+00, v3;
	v0 =	vadd.f32 v5, v0;
	v2 =	vld [tilespmem:s10+$0xFFFFFF90]  }
0x7f: {  	v3 =	vld [tilespmem:s21+$0xFFFFFF90]  }
0x80: {  	v1 =	vmul.f32 $1.442695020e+00, v1;
	v0 =	vsub.f32 $0.0e+00, v0  }
0x81: {  	v4 =	vld [tilespmem:s20+$0xFFFFFF90]  }
0x82: {  	(erf) = vpow2.f32 v1;
	v0 =	vmul.f32 $1.442695020e+00, v0;
	_ =	sdelay $0x1  }
0x83: {  	(erf) = vpow2.f32 v0;
	v0 =	vadd.f32 v3, v2  }
0x84: {  	v1 =	vpop (erf)  }
0x85: {  	v1 =	vadd.f32 $1.000000000e+00, v1;
	v0 =	vadd.f32 v4, v0;
	_ =	sdelay $0x1  }
0x86: {  	(erf) = vrcp.f32 v1;
	v0 =	vsub.f32 $0.0e+00, v0;
	_ =	sdelay $0x1  }
0x87: {  	v0 =	vmul.f32 $1.442695020e+00, v0  }
0x88: {  	v1 =	vpop (erf)  }
0x89: {  	s14 =	sadd.s32 $0x100, s11;
	v3 =	vld [tilespmem:s6+$0x40];
	v1 =	vadd.f32 $1.000000000e+00, v1;
	(erf) = vpow2.f32 v0  }
0x8a: {  	s8 =	simm.s32 $0x480;
	v4 =	vld [tilespmem:s14+$0x0]  }
0x8b: {  	(erf) = vrcp.f32 v1;
	v1 =	vld [tilespmem:s8+$0x0];
	v0 =	vpop (erf)  }
0x8c: {  	s31 =	sadd.s32 $0x100, s28;
	v7 =	vld [tilespmem:s8+$0xFFFFFF80];
	v0 =	vadd.f32 $1.000000000e+00, v0  }
0x8d: {  	v5 =	vld [tilespmem:s31+$0x0]  }
0x8e: {  	v8 =	vld [tilespmem:s31+$0xFFFFFF80];
	(erf) = vrcp.f32 v0;
	v6 =	vpop (erf)  }
0x8f: {  	s24 =	simm.s32 $0x7B80;
	v2 =	vld [tilespmem:s6+$0xFFFFFFC0];
	v3 =	vmul.f32 v6, v3  }
0x90: {  	v0 =	vld [tilespmem:s14+$0xFFFFFF80];
	[tilespmem:s24+$0x40] =	vst v6;
	v1 =	vadd.f32 v4, v1  }
0x91: {  	[tilespmem:s24+$0x0] =	vst v3;
	v3 =	vld [tilespmem:s10+$0x50]  }
0x92: {  	v1 =	vadd.f32 v5, v1;
	v4 =	vld [tilespmem:s6+$0x10];
	v6 =	vpop (erf)  }
0x93: {  	v5 =	vld [tilespmem:s11+$0x10];
	v6 =	vadd.f32 $1.000000000e+00, v6  }
0x94: {  	v9 =	vpop (erf);
	v1 =	vsub.f32 $0.0e+00, v1  }
0x95: {  	v0 =	vadd.f32 v0, v7;
	v7 =	vld [tilespmem:s28+$0x10];
	v2 =	vmul.f32 v9, v2  }
0x96: {  	[tilespmem:s24+$0xFFFFFFC0] =	vst v9;
	(erf) = vrcp.f32 v6;
	v1 =	vmul.f32 $1.442695020e+00, v1  }
0x97: {  	v9 =	vld [tilespmem:s10+$0xFFFFFFD0];
	v0 =	vadd.f32 v8, v0;
	[tilespmem:s24+$0xFFFFFF80] =	vst v2;
	v6 =	vpop (erf)  }
0x98: {  	v4 =	vadd.f32 v5, v4;
	v5 =	vld [tilespmem:s11+$0xFFFFFF90];
	(erf) = vpow2.f32 v1;
	v2 =	vmul.f32 v6, v3  }
0x99: {  	v0 =	vsub.f32 $0.0e+00, v0;
	v3 =	vld [tilespmem:s6+$0xFFFFFF90];
	[tilespmem:s1+$0x50] =	vst v6  }
0x9a: {  	v6 =	vld [tilespmem:s28+$0xFFFFFF90];
	[tilespmem:s1+$0x10] =	vst v2;
	v2 =	vadd.f32 v7, v4  }
0x9b: {  	v0 =	vmul.f32 $1.442695020e+00, v0;
	v1 =	vld [tilespmem:s10+$0x20]  }
0x9c: {  	v4 =	vld [tilespmem:s21+$0x20];
	v2 =	vsub.f32 $0.0e+00, v2  }
0x9d: {  	(erf) = vpow2.f32 v0  }
0x9e: {  	v7 =	vld [tilespmem:s20+$0x20];
	v0 =	vmul.f32 $1.442695020e+00, v2;
	v2 =	vadd.f32 v5, v3  }
0x9f: {  	v3 =	vpop (erf)  }
0xa0: {  	(erf) = vpow2.f32 v0;
	v0 =	vmul.f32 v3, v9;
	v2 =	vadd.f32 v6, v2  }
0xa1: {  	[tilespmem:s1+$0xFFFFFFD0] =	vst v3;
	v1 =	vadd.f32 v4, v1;
	v3 =	vpop (erf)  }
0xa2: {  	[tilespmem:s1+$0xFFFFFF90] =	vst v0;
	v0 =	vsub.f32 $0.0e+00, v2;
	v2 =	vadd.f32 $1.000000000e+00, v3  }
0xa3: {  	v1 =	vadd.f32 v7, v1  }
0xa4: {  	v3 =	vld [tilespmem:s10+$0xFFFFFFA0]  }
0xa5: {  	v4 =	vld [tilespmem:s21+$0xFFFFFFA0];
	v1 =	vsub.f32 $0.0e+00, v1;
	v0 =	vmul.f32 $1.442695020e+00, v0  }
0xa6: {  	(erf) = vrcp.f32 v2;
	v2 =	vpop (erf)  }
0xa7: {  	v5 =	vld [tilespmem:s20+$0xFFFFFFA0];
	v1 =	vmul.f32 $1.442695020e+00, v1;
	(erf) = vpow2.f32 v0;
	v0 =	vadd.f32 $1.000000000e+00, v2  }
0xa8: {  	s26 =	simm.s32 $0x580  }
0xa9: {  	s9 =	sadd.s32 $0x100, s31;
	v8 =	vld [tilespmem:s26+$0xFFFFFF80];
	(erf) = vpow2.f32 v1  }
0xaa: {  	v6 =	vld [tilespmem:s9+$0x0];
	v2 =	vadd.f32 v4, v3;
	(erf) = vrcp.f32 v0  }
0xab: {  	v3 =	vld [tilespmem:s8+$0x40];
	v0 =	vpop (erf)  }
0xac: {  	s7 =	sadd.s32 $0x100, s14;
	v4 =	vld [tilespmem:s26+$0x0];
	v2 =	vadd.f32 v5, v2;
	v0 =	vadd.f32 $1.000000000e+00, v0  }
0xad: {  	v5 =	vld [tilespmem:s7+$0x0]  }
0xae: {  	v1 =	vld [tilespmem:s8+$0xFFFFFFC0];
	v2 =	vsub.f32 $0.0e+00, v2;
	(erf) = vrcp.f32 v0  }
0xaf: {  	v7 =	vpop (erf);
	v0 =	vld [tilespmem:s7+$0xFFFFFF80]  }
0xb0: {  	s15 =	simm.s32 $0x7C80;
	v3 =	vmul.f32 v7, v3;
	v2 =	vmul.f32 $1.442695020e+00, v2;
	v9 =	vpop (erf)  }
0xb1: {  	v10 =	vld [tilespmem:s9+$0xFFFFFF80];
	[tilespmem:s15+$0x40] =	vst v7;
	v7 =	vadd.f32 $1.000000000e+00, v9  }
0xb2: {  	v4 =	vadd.f32 v5, v4;
	[tilespmem:s15+$0x0] =	vst v3;
	v3 =	vld [tilespmem:s6+$0x50];
	(erf) = vpow2.f32 v2;
	v9 =	vpop (erf)  }
0xb3: {  	v2 =	vld [tilespmem:s8+$0x10];
	v5 =	vadd.f32 $1.000000000e+00, v9;
	v9 =	vpop (erf);
	(erf) = vrcp.f32 v7  }
0xb4: {  	v4 =	vadd.f32 v6, v4;
	v6 =	vld [tilespmem:s14+$0x10];
	v1 =	vmul.f32 v9, v1;
	v0 =	vadd.f32 v0, v8  }
0xb5: {  	v7 =	vld [tilespmem:s6+$0xFFFFFFD0];
	[tilespmem:s15+$0xFFFFFFC0] =	vst v9;
	(erf) = vrcp.f32 v5  }
0xb6: {  	v4 =	vsub.f32 $0.0e+00, v4;
	[tilespmem:s15+$0xFFFFFF80] =	vst v1;
	v1 =	vld [tilespmem:s31+$0x10];
	v0 =	vadd.f32 v10, v0  }
0xb7: {  	v8 =	vld [tilespmem:s8+$0xFFFFFF90];
	v5 =	vpop (erf)  }
0xb8: {  	v4 =	vmul.f32 $1.442695020e+00, v4;
	v9 =	vld [tilespmem:s14+$0xFFFFFF90];
	v0 =	vsub.f32 $0.0e+00, v0;
	v3 =	vmul.f32 v5, v3  }
0xb9: {  	v2 =	vadd.f32 v6, v2;
	v6 =	vld [tilespmem:s31+$0xFFFFFF90];
	[tilespmem:s24+$0x50] =	vst v5  }
0xba: {  	(erf) = vpow2.f32 v4;
	v0 =	vmul.f32 $1.442695020e+00, v0;
	[tilespmem:s24+$0x10] =	vst v3;
	v3 =	vld [tilespmem:s10+$0x60]  }
0xbb: {  	v5 =	vpop (erf);
	v1 =	vadd.f32 v1, v2;
	v4 =	vld [tilespmem:s6+$0x20]  }
0xbc: {  	v5 =	vadd.f32 $1.000000000e+00, v5;
	v2 =	vld [tilespmem:s11+$0x20];
	v10 =	vpop (erf);
	(erf) = vpow2.f32 v0  }
0xbd: {  	v1 =	vsub.f32 $0.0e+00, v1  }
0xbe: {  	v11 =	vld [tilespmem:s28+$0x20];
	[tilespmem:s24+$0xFFFFFFD0] =	vst v10;
	v12 =	vpop (erf);
	(erf) = vrcp.f32 v5;
	v5 =	vmul.f32 v10, v7  }
0xbf: {  	v0 =	vadd.f32 v9, v8;
	v1 =	vmul.f32 $1.442695020e+00, v1;
	[tilespmem:s1+$0x60] =	vst v12;
	v3 =	vmul.f32 v12, v3  }
0xc0: {  	[tilespmem:s24+$0xFFFFFF90] =	vst v5  }
0xc1: {  	v0 =	vadd.f32 v6, v0;
	v2 =	vadd.f32 v2, v4;
	(erf) = vpow2.f32 v1;
	v6 =	vld [tilespmem:s6+$0xFFFFFFA0];
	[tilespmem:s1+$0x20] =	vst v3  }
0xc2: {  	v1 =	vld [tilespmem:s10+$0x30]  }
0xc3: {  	v5 =	vpop (erf);
	v2 =	vadd.f32 v11, v2;
	v3 =	vld [tilespmem:s21+$0x30]  }
0xc4: {  	v0 =	vsub.f32 $0.0e+00, v0;
	v7 =	vld [tilespmem:s11+$0xFFFFFFA0];
	v5 =	vadd.f32 $1.000000000e+00, v5  }
0xc5: {  	v8 =	vld [tilespmem:s20+$0x30];
	v2 =	vsub.f32 $0.0e+00, v2;
	v9 =	vpop (erf)  }
0xc6: {  	v0 =	vmul.f32 $1.442695020e+00, v0;
	(erf) = vrcp.f32 v5;
	v5 =	vld [tilespmem:s28+$0xFFFFFFA0];
	v9 =	vadd.f32 $1.000000000e+00, v9  }
0xc7: {  	s25 =	simm.s32 $0x680;
	v2 =	vmul.f32 $1.442695020e+00, v2  }
0xc8: {  	s0 =	simm.s32 $0x780;
	v13 =	vld [tilespmem:s25+$0xFFFFFF80];
	(erf) = vpow2.f32 v0;
	v1 =	vadd.f32 v3, v1  }
0xc9: {  	v54 =	vld [tilespmem:s0+$0xFFFFFF80];
	v6 =	vadd.f32 v7, v6;
	v3 =	vpop (erf);
	(erf) = vpow2.f32 v2  }
0xca: {  	s12 =	sadd.s32 $0x100, s7;
	v7 =	vld [tilespmem:s26+$0x40];
	(erf) = vrcp.f32 v9;
	v9 =	vpop (erf);
	v1 =	vadd.f32 v8, v1  }
0xcb: {  	v5 =	vadd.f32 v5, v6;
	v6 =	vld [tilespmem:s12+$0x0];
	v8 =	vadd.f32 $1.000000000e+00, v9  }
0xcc: {  	v9 =	vld [tilespmem:s25+$0x0];
	v1 =	vsub.f32 $0.0e+00, v1  }
0xcd: {  	s16 =	sadd.s32 $0x100, s9;
	v10 =	vld [tilespmem:s8+$0xFFFFFFD0];
	(erf) = vrcp.f32 v8  }
0xce: {  	v11 =	vld [tilespmem:s16+$0x0];
	v1 =	vmul.f32 $1.442695020e+00, v1  }
0xcf: {  	v0 =	vld [tilespmem:s26+$0xFFFFFFC0];
	v5 =	vsub.f32 $0.0e+00, v5;
	v12 =	vpop (erf)  }
0xd0: {  	s17 =	simm.s32 $0x7D80;
	v8 =	vld [tilespmem:s12+$0xFFFFFF80];
	v7 =	vmul.f32 v12, v7;
	(erf) = vpow2.f32 v1  }
0xd1: {  	v5 =	vmul.f32 $1.442695020e+00, v5;
	v14 =	vpop (erf);
	[tilespmem:s17+$0x40] =	vst v12;
	v1 =	vld [tilespmem:s16+$0xFFFFFF80];
	v6 =	vadd.f32 v6, v9  }
0xd2: {  	v12 =	vadd.f32 $1.000000000e+00, v14;
	[tilespmem:s17+$0x0] =	vst v7;
	v7 =	vld [tilespmem:s8+$0x50];
	v14 =	vpop (erf)  }
0xd3: {  	(erf) = vpow2.f32 v5;
	v5 =	vld [tilespmem:s26+$0x10];
	v6 =	vadd.f32 v11, v6;
	v9 =	vadd.f32 $1.000000000e+00, v14;
	v14 =	vpop (erf)  }
0xd4: {  	(erf) = vrcp.f32 v12;
	v11 =	vld [tilespmem:s7+$0x10];
	v0 =	vmul.f32 v14, v0  }
0xd5: {  	v4 =	vld [tilespmem:s10+$0xFFFFFFE0];
	v8 =	vadd.f32 v8, v13;
	[tilespmem:s17+$0xFFFFFFC0] =	vst v14;
	v6 =	vsub.f32 $0.0e+00, v6;
	(erf) = vrcp.f32 v9  }
0xd6: {  	[tilespmem:s17+$0xFFFFFF80] =	vst v0;
	v0 =	vld [tilespmem:s9+$0x10];
	v12 =	vpop (erf)  }
0xd7: {  	v1 =	vadd.f32 v1, v8;
	v6 =	vmul.f32 $1.442695020e+00, v6;
	v13 =	vld [tilespmem:s26+$0xFFFFFF90];
	v7 =	vmul.f32 v12, v7  }
0xd8: {  	v8 =	vld [tilespmem:s7+$0xFFFFFF90];
	[tilespmem:s15+$0x50] =	vst v12  }
0xd9: {  	v5 =	vadd.f32 v11, v5;
	v1 =	vsub.f32 $0.0e+00, v1;
	(erf) = vpow2.f32 v6;
	[tilespmem:s15+$0x10] =	vst v7;
	v7 =	vld [tilespmem:s6+$0x60];
	v11 =	vpop (erf)  }
0xda: {  	v6 =	vld [tilespmem:s8+$0x20];
	v11 =	vadd.f32 $1.000000000e+00, v11  }
0xdb: {  	v1 =	vmul.f32 $1.442695020e+00, v1;
	v0 =	vadd.f32 v0, v5;
	v5 =	vld [tilespmem:s14+$0x20]  }
0xdc: {  	v4 =	vmul.f32 v3, v4;
	v14 =	vld [tilespmem:s9+$0xFFFFFF90];
	v12 =	vpop (erf);
	(erf) = vrcp.f32 v11  }
0xdd: {  	[tilespmem:s1+$0xFFFFFFE0] =	vst v3;
	v15 =	vpop (erf);
	v11 =	vld [tilespmem:s31+$0x20];
	(erf) = vpow2.f32 v1  }
0xde: {  	v2 =	vld [tilespmem:s6+$0xFFFFFFE0];
	[tilespmem:s1+$0xFFFFFFA0] =	vst v4;
	v0 =	vsub.f32 $0.0e+00, v0;
	v3 =	vpop (erf)  }
0xdf: {  	v16 =	vld [tilespmem:s20+$0xFFFFFFB0];
	v12 =	vadd.f32 $1.000000000e+00, v12;
	v1 =	vmul.f32 v3, v7;
	v7 =	vadd.f32 v8, v13  }
0xe0: {  	v9 =	vld [tilespmem:s25+$0xFFFFFFC0];
	v0 =	vmul.f32 $1.442695020e+00, v0;
	[tilespmem:s24+$0x60] =	vst v3;
	v5 =	vadd.f32 v5, v6  }
0xe1: {  	v4 =	vld [tilespmem:s26+$0xFFFFFFD0];
	v10 =	vmul.f32 v15, v10;
	(erf) = vrcp.f32 v12;
	[tilespmem:s24+$0x20] =	vst v1;
	v1 =	vadd.f32 v14, v7  }
0xe2: {  	[tilespmem:s15+$0xFFFFFFD0] =	vst v15;
	(erf) = vpow2.f32 v0;
	v6 =	vpop (erf);
	v0 =	vld [tilespmem:s6+$0x30];
	v5 =	vadd.f32 v11, v5  }
0xe3: {  	[tilespmem:s15+$0xFFFFFF90] =	vst v10;
	v7 =	vld [tilespmem:s11+$0x30];
	v6 =	vadd.f32 $1.000000000e+00, v6;
	v1 =	vsub.f32 $0.0e+00, v1  }
0xe4: {  	v10 =	vld [tilespmem:s8+$0xFFFFFFA0]  }
0xe5: {  	v11 =	vld [tilespmem:s28+$0x30];
	v5 =	vsub.f32 $0.0e+00, v5;
	(erf) = vrcp.f32 v6;
	v1 =	vmul.f32 $1.442695020e+00, v1;
	v13 =	vpop (erf)  }
0xe6: {  	v12 =	vld [tilespmem:s14+$0xFFFFFFA0];
	v15 =	vpop (erf)  }
0xe7: {  	v8 =	vld [tilespmem:s10+$0xFFFFFFB0];
	v5 =	vmul.f32 $1.442695020e+00, v5;
	(erf) = vpow2.f32 v1;
	v1 =	vadd.f32 $1.000000000e+00, v15  }
0xe8: {  	v14 =	vld [tilespmem:s31+$0xFFFFFFA0];
	v7 =	vadd.f32 v7, v0  }
0xe9: {  	(erf) = vpow2.f32 v5;
	v5 =	vld [tilespmem:s21+$0xFFFFFFB0]  }
0xea: {  	v15 =	vpop (erf);
	(erf) = vrcp.f32 v1;
	v7 =	vadd.f32 v11, v7;
	v11 =	vld [tilespmem:s25+$0x40]  }
0xeb: {  	v3 =	vld [tilespmem:s10+$0x70];
	v10 =	vadd.f32 v12, v10;
	v1 =	vpop (erf)  }
0xec: {  	s3 =	sadd.s32 $0x100, s12;
	v12 =	vld [tilespmem:s0+$0x0];
	v1 =	vadd.f32 $1.000000000e+00, v1  }
0xed: {  	v10 =	vadd.f32 v14, v10;
	v14 =	vld [tilespmem:s3+$0x0]  }
0xee: {  	v0 =	vld [tilespmem:s10+$0xFFFFFFF0];
	v7 =	vsub.f32 $0.0e+00, v7;
	v17 =	vpop (erf);
	(erf) = vrcp.f32 v1;
	v1 =	vadd.f32 v5, v8  }
0xef: {  	s2 =	sadd.s32 $0x100, s16;
	s10 =	simm.s32 $0x7E80;
	v5 =	vld [tilespmem:s3+$0xFFFFFF80];
	v8 =	vsub.f32 $0.0e+00, v10;
	v11 =	vmul.f32 v17, v11  }
0xf0: {  	v7 =	vmul.f32 $1.442695020e+00, v7;
	v10 =	vld [tilespmem:s2+$0x0];
	[tilespmem:s10+$0x40] =	vst v17;
	v1 =	vadd.f32 v16, v1  }
0xf1: {  	v18 =	vpop (erf);
	v8 =	vmul.f32 $1.442695020e+00, v8;
	[tilespmem:s10+$0x0] =	vst v11;
	v11 =	vld [tilespmem:s26+$0x50]  }
0xf2: {  	(erf) = vpow2.f32 v7;
	v55 =	vadd.f32 $1.000000000e+00, v18;
	v56 =	vpop (erf);
	v19 =	vld [tilespmem:s12+$0x10];
	v1 =	vsub.f32 $0.0e+00, v1  }
0xf3: {  	v18 =	vadd.f32 $1.000000000e+00, v56;
	(erf) = vpow2.f32 v8;
	v8 =	vadd.f32 v14, v12;
	v12 =	vld [tilespmem:s25+$0x10];
	v14 =	vpop (erf)  }
0xf4: {  	v7 =	vld [tilespmem:s2+$0xFFFFFF80];
	(erf) = vrcp.f32 v55;
	v9 =	vmul.f32 v14, v9  }
0xf5: {  	v6 =	vld [tilespmem:s8+$0xFFFFFFE0];
	v57 =	vmul.f32 $1.442695020e+00, v1;
	(erf) = vrcp.f32 v18;
	v8 =	vadd.f32 v10, v8  }
0xf6: {  	[tilespmem:s10+$0xFFFFFFC0] =	vst v14;
	v1 =	vld [tilespmem:s0+$0xFFFFFFC0]  }
0xf7: {  	v5 =	vadd.f32 v5, v54;
	[tilespmem:s10+$0xFFFFFF80] =	vst v9;
	v9 =	vld [tilespmem:s16+$0x10];
	(erf) = vpow2.f32 v57;
	v8 =	vsub.f32 $0.0e+00, v8;
	v10 =	vpop (erf)  }
0xf8: {  	v14 =	vld [tilespmem:s25+$0xFFFFFF90];
	v11 =	vmul.f32 v10, v11;
	[tilespmem:s17+$0x50] =	vst v10;
	v10 =	vadd.f32 v19, v12  }
0xf9: {  	v5 =	vadd.f32 v7, v5;
	v7 =	vld [tilespmem:s12+$0xFFFFFF90];
	v8 =	vmul.f32 $1.442695020e+00, v8  }
0xfa: {  	[tilespmem:s17+$0x10] =	vst v11;
	v11 =	vld [tilespmem:s8+$0x60]  }
0xfb: {  	v5 =	vsub.f32 $0.0e+00, v5;
	v12 =	vpop (erf);
	(erf) = vpow2.f32 v8;
	v58 =	vld [tilespmem:s26+$0x20]  }
0xfc: {  	v12 =	vadd.f32 $1.000000000e+00, v12;
	v8 =	vadd.f32 v9, v10;
	v9 =	vld [tilespmem:s7+$0x20];
	v10 =	vpop (erf)  }
0xfd: {  	v2 =	vmul.f32 v15, v2;
	v59 =	vld [tilespmem:s16+$0xFFFFFF90];
	v5 =	vmul.f32 $1.442695020e+00, v5;
	v60 =	vpop (erf)  }
0xfe: {  	[tilespmem:s24+$0xFFFFFFE0] =	vst v15;
	(erf) = vrcp.f32 v12;
	v8 =	vsub.f32 $0.0e+00, v8;
	v12 =	vld [tilespmem:s9+$0x20];
	v10 =	vadd.f32 $1.000000000e+00, v10;
	v15 =	vpop (erf)  }
0xff: {  	[tilespmem:s24+$0xFFFFFFA0] =	vst v2;
	v2 =	vld [tilespmem:s25+$0xFFFFFFD0];
	(erf) = vpow2.f32 v5;
	v11 =	vmul.f32 v15, v11  }
0x100: {  	v7 =	vadd.f32 v7, v14;
	v5 =	vld [tilespmem:s6+$0xFFFFFFB0];
	v8 =	vmul.f32 $1.442695020e+00, v8;
	[tilespmem:s15+$0x60] =	vst v15;
	v15 =	vpop (erf);
	(erf) = vrcp.f32 v10  }
0x101: {  	v4 =	vmul.f32 v60, v4;
	v10 =	vadd.f32 $1.000000000e+00, v15;
	v9 =	vadd.f32 v9, v58;
	[tilespmem:s15+$0x20] =	vst v11;
	v11 =	vld [tilespmem:s6+$0x70]  }
0x102: {  	v7 =	vadd.f32 v59, v7;
	[tilespmem:s17+$0xFFFFFFD0] =	vst v60;
	(erf) = vpow2.f32 v8;
	v8 =	vld [tilespmem:s8+$0x30]  }
0x103: {  	[tilespmem:s17+$0xFFFFFF90] =	vst v4;
	v4 =	vld [tilespmem:s14+$0x30];
	(erf) = vrcp.f32 v10;
	v9 =	vadd.f32 v12, v9  }
0x104: {  	v7 =	vsub.f32 $0.0e+00, v7;
	v15 =	vld [tilespmem:s7+$0xFFFFFFA0];
	v12 =	vpop (erf)  }
0x105: {  	v3 =	vmul.f32 v13, v3;
	[tilespmem:s1+$0x70] =	vst v13;
	v14 =	vld [tilespmem:s31+$0x30];
	v12 =	vadd.f32 $1.000000000e+00, v12;
	v13 =	vsub.f32 $0.0e+00, v9  }
0x106: {  	v7 =	vmul.f32 $1.442695020e+00, v7;
	v10 =	vld [tilespmem:s26+$0xFFFFFFA0]  }
0x107: {  	v9 =	vld [tilespmem:s9+$0xFFFFFFA0];
	v61 =	vpop (erf);
	(erf) = vrcp.f32 v12;
	v13 =	vmul.f32 $1.442695020e+00, v13  }
0x108: {  	[tilespmem:s1+$0x30] =	vst v3;
	v3 =	vmul.f32 v61, v11;
	v11 =	vpop (erf);
	v12 =	vadd.f32 v4, v8;
	v4 =	vld [tilespmem:s26+$0xFFFFFFE0];
	(erf) = vpow2.f32 v7  }
0x109: {  	[tilespmem:s24+$0x70] =	vst v61;
	v8 =	vld [tilespmem:s11+$0xFFFFFFB0];
	v11 =	vadd.f32 $1.000000000e+00, v11;
	v62 =	vpop (erf);
	(erf) = vpow2.f32 v13  }
0x10a: {  	v7 =	vld [tilespmem:s28+$0xFFFFFFB0];
	[tilespmem:s24+$0x30] =	vst v3;
	v63 =	vmul.f32 v62, v6;
	v12 =	vadd.f32 v14, v12  }
0x10b: {  	s5 =	simm.s32 $0xA;
	v3 =	vld [tilespmem:s6+$0xFFFFFFF0];
	[tilespmem:s15+$0xFFFFFFE0] =	vst v62;
	v6 =	vadd.f32 v15, v10;
	(erf) = vrcp.f32 v11;
	v13 =	vpop (erf)  }
0x10c: {  	s4 =	smov.u32 s3;
	s11 =	simm.s32 $0x880;
	s6 =	smov.u32 s2;
	v10 =	vld [tilespmem:s0+$0x40];
	v11 =	vadd.f32 $1.000000000e+00, v13;
	[tilespmem:s15+$0xFFFFFFA0] =	vst v63;
	v12 =	vsub.f32 $0.0e+00, v12;
	v13 =	vpop (erf)  }
.LBB2_3:
0x10d: {  	v14 =	vld [tilespmem:s11+$0x0];
	s3 =	sadd.s32 $0x100, s3;
	v9 =	vadd.f32 v9, v6;
	v15 =	vmul.f32 v13, v0;
	[tilespmem:s1+$0xFFFFFFF0] =	vst v13;
	v6 =	vmov v4;
	s28 =	smov.u32 s0;
	s0 =	smov.u32 s11  }
0x10e: {  	v4 =	vld [tilespmem:s3+$0x0];
	(erf) = vrcp.f32 v11;
	v11 =	vmul.f32 $1.442695020e+00, v12;
	v5 =	vadd.f32 v8, v5  }
0x10f: {  	s2 =	sadd.s32 $0x100, s2;
	v8 =	vld [tilespmem:s3+$0xFFFFFF80];
	v9 =	vsub.f32 $0.0e+00, v9;
	[tilespmem:s1+$0xFFFFFFB0] =	vst v15;
	s1 =	smov.u32 s24;
	s24 =	smov.u32 s15  }
0x110: {  	s15 =	smov.u32 s17;
	s17 =	smov.u32 s10;
	v12 =	vld [tilespmem:s2+$0x0];
	v13 =	vpop (erf);
	(erf) = vpow2.f32 v11;
	v5 =	vadd.f32 v7, v5;
	v0 =	vmov v3  }
0x111: {  	s5 =	sadd.s32 $0x2, s5;
	s10 =	sadd.s32 $0x100, s10;
	v3 =	vld [tilespmem:s11+$0xFFFFFF80];
	v7 =	vmul.f32 v13, v10;
	v10 =	vpop (erf);
	v9 =	vmul.f32 $1.442695020e+00, v9  }
0x112: {  	p1 =	slt.u32 s5, $0x26;
	v11 =	vld [tilespmem:s2+$0xFFFFFF80];
	[tilespmem:s10+$0x40] =	vst v13;
	v10 =	vadd.f32 $1.000000000e+00, v10;
	v13 =	vpop (erf);
	v5 =	vsub.f32 $0.0e+00, v5  }
0x113: {  	v4 =	vadd.f32 v4, v14;
	[tilespmem:s10+$0x0] =	vst v7;
	v7 =	vld [tilespmem:s25+$0x50];
	v13 =	vadd.f32 $1.000000000e+00, v13;
	(erf) = vpow2.f32 v9  }
0x114: {  	v9 =	vld [tilespmem:s28+$0x10];
	v14 =	vpop (erf);
	(erf) = vrcp.f32 v10;
	v5 =	vmul.f32 $1.442695020e+00, v5  }
0x115: {  	v4 =	vadd.f32 v12, v4;
	v10 =	vmul.f32 v14, v1;
	[tilespmem:s10+$0xFFFFFFC0] =	vst v14;
	v12 =	vld [tilespmem:s4+$0x10];
	(erf) = vrcp.f32 v13  }
0x116: {  	v3 =	vadd.f32 v8, v3;
	v1 =	vld [tilespmem:s11+$0xFFFFFFC0];
	(erf) = vpow2.f32 v5  }
0x117: {  	v4 =	vsub.f32 $0.0e+00, v4;
	[tilespmem:s10+$0xFFFFFF80] =	vst v10;
	v5 =	vld [tilespmem:s6+$0x10];
	v8 =	vpop (erf)  }
0x118: {  	v3 =	vadd.f32 v11, v3;
	v10 =	vld [tilespmem:s28+$0xFFFFFF90];
	v7 =	vmul.f32 v8, v7  }
0x119: {  	v4 =	vmul.f32 $1.442695020e+00, v4;
	v11 =	vld [tilespmem:s4+$0xFFFFFF90];
	[tilespmem:s17+$0x50] =	vst v8;
	v8 =	vpop (erf)  }
0x11a: {  	v9 =	vadd.f32 v12, v9;
	[tilespmem:s17+$0x10] =	vst v7;
	v7 =	vld [tilespmem:s26+$0x60];
	v8 =	vadd.f32 $1.000000000e+00, v8  }
0x11b: {  	v3 =	vsub.f32 $0.0e+00, v3;
	(erf) = vpow2.f32 v4;
	v4 =	vld [tilespmem:s25+$0x20]  }
0x11c: {  	v5 =	vadd.f32 v5, v9;
	v9 =	vld [tilespmem:s12+$0x20];
	v12 =	vpop (erf);
	(erf) = vrcp.f32 v8  }
0x11d: {  	v3 =	vmul.f32 $1.442695020e+00, v3;
	v8 =	vld [tilespmem:s6+$0xFFFFFF90];
	v13 =	vpop (erf);
	v12 =	vadd.f32 $1.000000000e+00, v12  }
0x11e: {  	v10 =	vadd.f32 v11, v10;
	v5 =	vsub.f32 $0.0e+00, v5;
	v11 =	vmul.f32 v13, v2;
	[tilespmem:s17+$0xFFFFFFD0] =	vst v13;
	v13 =	vld [tilespmem:s16+$0x20];
	v14 =	vpop (erf)  }
0x11f: {  	(erf) = vpow2.f32 v3;
	v2 =	vld [tilespmem:s28+$0xFFFFFFD0];
	v3 =	vmul.f32 v14, v7;
	v7 =	vpop (erf)  }
0x120: {  	v15 =	vmul.f32 $1.442695020e+00, v5;
	[tilespmem:s15+$0x60] =	vst v14;
	(erf) = vrcp.f32 v12;
	v5 =	vld [tilespmem:s8+$0xFFFFFFB0];
	v7 =	vadd.f32 $1.000000000e+00, v7  }
0x121: {  	v4 =	vadd.f32 v9, v4;
	[tilespmem:s15+$0x20] =	vst v3;
	v3 =	vld [tilespmem:s8+$0x70]  }
0x122: {  	v8 =	vadd.f32 v8, v10;
	(erf) = vpow2.f32 v15;
	[tilespmem:s17+$0xFFFFFF90] =	vst v11;
	v10 =	vld [tilespmem:s26+$0x30]  }
0x123: {  	v4 =	vadd.f32 v13, v4;
	v11 =	vld [tilespmem:s7+$0x30];
	(erf) = vrcp.f32 v7  }
0x124: {  	v7 =	vpop (erf);
	v8 =	vsub.f32 $0.0e+00, v8;
	v12 =	vld [tilespmem:s25+$0xFFFFFFA0]  }
0x125: {  	v7 =	vadd.f32 $1.000000000e+00, v7;
	v4 =	vsub.f32 $0.0e+00, v4;
	v13 =	vld [tilespmem:s9+$0x30];
	v9 =	vpop (erf)  }
0x126: {  	v8 =	vmul.f32 $1.442695020e+00, v8;
	v14 =	vld [tilespmem:s12+$0xFFFFFFA0];
	v3 =	vmul.f32 v9, v3;
	[tilespmem:s24+$0x70] =	vst v9  }
0x127: {  	(erf) = vrcp.f32 v7;
	v9 =	vld [tilespmem:s16+$0xFFFFFFA0];
	v16 =	vmul.f32 $1.442695020e+00, v4  }
.Ltmp2:
0x128: {  	v15 =	vpop (erf);
	(erf) = vpow2.f32 v8;
	v4 =	vld [tilespmem:s25+$0xFFFFFFE0];
	v10 =	vadd.f32 v11, v10;
	[tilespmem:s24+$0x30] =	vst v3;
	(pc) =	sbr.rel @p1 .LBB2_3-.Ltmp2, $4  }
0x129: {  	v3 =	vadd.f32 $1.000000000e+00, v15;
	(erf) = vpow2.f32 v16;
	v7 =	vpop (erf);
	v8 =	vld [tilespmem:s14+$0xFFFFFFB0];
	s14 =	smov.u32 s7;
	s7 =	smov.u32 s12;
	s12 =	smov.u32 s4  }
0x12a: {  	s4 =	smov.u32 s3;
	v15 =	vmul.f32 v7, v6;
	[tilespmem:s15+$0xFFFFFFE0] =	vst v7;
	v16 =	vadd.f32 v13, v10;
	v7 =	vld [tilespmem:s31+$0xFFFFFFB0];
	s31 =	smov.u32 s9;
	s9 =	smov.u32 s16  }
0x12b: {  	s16 =	smov.u32 s6;
	s6 =	smov.u32 s2;
	(erf) = vrcp.f32 v3;
	v11 =	vpop (erf);
	v6 =	vadd.f32 v14, v12;
	v3 =	vld [tilespmem:s8+$0xFFFFFFF0];
	s8 =	smov.u32 s26  }
0x12c: {  	s11 =	sadd.s32 $0x100, s11;
	s26 =	smov.u32 s25;
	s25 =	smov.u32 s28;
	v10 =	vld [tilespmem:s0+$0x40];
	v11 =	vadd.f32 $1.000000000e+00, v11;
	[tilespmem:s15+$0xFFFFFFA0] =	vst v15;
	v12 =	vsub.f32 $0.0e+00, v16;
	v13 =	vpop (erf)  }
0x12d: {  	v0 =	vmul.f32 v13, v0;
	_ =	sdelay $0x2  }
0x12e: {  	v6 =	vadd.f32 v9, v6;
	v9 =	vmul.f32 $1.442695020e+00, v12  }
0x12f: {  	(erf) = vrcp.f32 v11;
	[tilespmem:s1+$0xFFFFFFB0] =	vst v0;
	v0 =	vpop (erf)  }
0x130: {  	(erf) = vpow2.f32 v9;
	v9 =	vmul.f32 v0, v10;
	_ =	sdelay $0x1  }
0x131: {  	[tilespmem:s1+$0xFFFFFFF0] =	vst v13;
	s5 =	sadd.s32 $0x100, s10;
	v5 =	vadd.f32 v8, v5;
	v6 =	vsub.f32 $0.0e+00, v6  }
0x132: {  	[tilespmem:s5+$0x40] =	vst v0  }
0x133: {  	v5 =	vadd.f32 v7, v5;
	v0 =	vmul.f32 $1.442695020e+00, v6;
	v6 =	vld [tilespmem:s25+$0x50];
	[tilespmem:s5+$0x0] =	vst v9;
	v9 =	vpop (erf)  }
0x134: {  	v10 =	vld [tilespmem:s0+$0x10];
	v8 =	vadd.f32 $1.000000000e+00, v9;
	v9 =	vpop (erf)  }
0x135: {  	v5 =	vsub.f32 $0.0e+00, v5;
	v11 =	vpop (erf)  }
0x136: {  	(erf) = vpow2.f32 v0;
	v0 =	vld [tilespmem:s4+$0x10];
	v9 =	vadd.f32 $1.000000000e+00, v9;
	v1 =	vmul.f32 v11, v1  }
0x137: {  	v5 =	vmul.f32 $1.442695020e+00, v5;
	(erf) = vrcp.f32 v8  }
0x138: {  	v7 =	vld [tilespmem:s6+$0x10];
	[tilespmem:s5+$0xFFFFFFC0] =	vst v11;
	(erf) = vrcp.f32 v9  }
0x139: {  	[tilespmem:s5+$0xFFFFFF80] =	vst v1  }
0x13a: {  	v8 =	vld [tilespmem:s0+$0xFFFFFF90];
	v1 =	vpop (erf)  }
0x13b: {  	v9 =	vld [tilespmem:s4+$0xFFFFFF90];
	v0 =	vadd.f32 v0, v10;
	(erf) = vpow2.f32 v5;
	v6 =	vmul.f32 v1, v6;
	v5 =	vpop (erf)  }
0x13c: {  	v11 =	vld [tilespmem:s6+$0xFFFFFF90];
	[tilespmem:s10+$0x50] =	vst v1;
	v5 =	vadd.f32 $1.000000000e+00, v5  }
0x13d: {  	v1 =	vld [tilespmem:s26+$0x60];
	v0 =	vadd.f32 v7, v0;
	[tilespmem:s10+$0x10] =	vst v6  }
0x13e: {  	v6 =	vld [tilespmem:s25+$0x20]  }
0x13f: {  	v7 =	vld [tilespmem:s12+$0x20];
	v10 =	vpop (erf);
	v0 =	vsub.f32 $0.0e+00, v0  }
0x140: {  	(erf) = vrcp.f32 v5;
	v10 =	vadd.f32 $1.000000000e+00, v10;
	v5 =	vpop (erf)  }
0x141: {  	v12 =	vld [tilespmem:s16+$0x20];
	v0 =	vmul.f32 $1.442695020e+00, v0;
	v13 =	vpop (erf);
	v2 =	vmul.f32 v5, v2  }
0x142: {  	v8 =	vadd.f32 v9, v8;
	(erf) = vrcp.f32 v10;
	[tilespmem:s10+$0xFFFFFFD0] =	vst v5;
	v1 =	vmul.f32 v13, v1  }
0x143: {  	(erf) = vpow2.f32 v0;
	[tilespmem:s10+$0xFFFFFF90] =	vst v2  }
0x144: {  	v0 =	vadd.f32 v7, v6;
	[tilespmem:s17+$0x20] =	vst v1;
	v1 =	vadd.f32 v11, v8  }
0x145: {  	[tilespmem:s17+$0x60] =	vst v13;
	v7 =	vld [tilespmem:s25+$0xFFFFFFA0]  }
0x146: {  	v5 =	vld [tilespmem:s26+$0x30];
	v0 =	vadd.f32 v12, v0;
	v1 =	vsub.f32 $0.0e+00, v1  }
0x147: {  	v6 =	vpop (erf);
	v2 =	vld [tilespmem:s7+$0x30]  }
0x148: {  	v6 =	vadd.f32 $1.000000000e+00, v6;
	v9 =	vld [tilespmem:s12+$0xFFFFFFA0];
	v8 =	vsub.f32 $0.0e+00, v0;
	v1 =	vmul.f32 $1.442695020e+00, v1  }
0x149: {  	v10 =	vld [tilespmem:s16+$0xFFFFFFA0]  }
0x14a: {  	(erf) = vrcp.f32 v6;
	v6 =	vld [tilespmem:s9+$0x30];
	v0 =	vpop (erf);
	v8 =	vmul.f32 $1.442695020e+00, v8  }
0x14b: {  	(erf) = vpow2.f32 v1;
	v11 =	vpop (erf)  }
0x14c: {  	v2 =	vadd.f32 v2, v5;
	(erf) = vpow2.f32 v8;
	v1 =	vpop (erf)  }
0x14d: {  	v5 =	vadd.f32 v9, v7;
	v1 =	vadd.f32 $1.000000000e+00, v1;
	_ =	sdelay $0x1  }
0x14e: {  	v7 =	vld [tilespmem:s8+$0xFFFFFFB0];
	v2 =	vadd.f32 v6, v2;
	(erf) = vrcp.f32 v1;
	v1 =	vadd.f32 v10, v5  }
0x14f: {  	v6 =	vld [tilespmem:s14+$0xFFFFFFB0]  }
0x150: {  	v2 =	vsub.f32 $0.0e+00, v2  }
0x151: {  	v5 =	vld [tilespmem:s31+$0xFFFFFFB0];
	v8 =	vsub.f32 $0.0e+00, v1  }
0x152: {  	v2 =	vmul.f32 $1.442695020e+00, v2;
	v1 =	vpop (erf)  }
0x153: {  	v8 =	vmul.f32 $1.442695020e+00, v8;
	v9 =	vpop (erf)  }
0x154: {  	v6 =	vadd.f32 v6, v7;
	(erf) = vpow2.f32 v2;
	v2 =	vadd.f32 $1.000000000e+00, v9;
	v7 =	vpop (erf)  }
0x155: {  	v10 =	vld [tilespmem:s0+$0x50];
	(erf) = vpow2.f32 v8;
	v7 =	vadd.f32 $1.000000000e+00, v7  }
0x156: {  	v5 =	vadd.f32 v5, v6;
	(erf) = vrcp.f32 v2  }
0x157: {  	(erf) = vrcp.f32 v7  }
0x158: {  	v5 =	vsub.f32 $0.0e+00, v5  }
0x159: {  	v2 =	vpop (erf)  }
0x15a: {  	v6 =	vmul.f32 v2, v10;
	[tilespmem:s5+$0x50] =	vst v2;
	v2 =	vmul.f32 $1.442695020e+00, v5  }
0x15b: {  	v7 =	vld [tilespmem:s0+$0xFFFFFFD0]  }
0x15c: {  	v5 =	vld [tilespmem:s25+$0x60];
	[tilespmem:s5+$0x10] =	vst v6;
	(erf) = vpow2.f32 v2  }
0x15d: {  	v8 =	vpop (erf);
	v6 =	vld [tilespmem:s0+$0x20]  }
0x15e: {  	v2 =	vld [tilespmem:s4+$0x20];
	v9 =	vpop (erf)  }
0x15f: {  	v12 =	vpop (erf)  }
0x160: {  	v10 =	vld [tilespmem:s6+$0x20];
	v13 =	vpop (erf)  }
0x161: {  	v5 =	vmul.f32 v13, v5  }
0x162: {  	[tilespmem:s10+$0x60] =	vst v13  }
0x163: {  	v2 =	vadd.f32 v2, v6;
	v6 =	vmul.f32 v12, v7;
	[tilespmem:s10+$0x20] =	vst v5  }
0x164: {  	[tilespmem:s5+$0xFFFFFFD0] =	vst v12;
	v5 =	vadd.f32 $1.000000000e+00, v8;
	v7 =	vld [tilespmem:s25+$0x30]  }
0x165: {  	v2 =	vadd.f32 v10, v2;
	v8 =	vadd.f32 $1.000000000e+00, v9;
	[tilespmem:s5+$0xFFFFFF90] =	vst v6;
	v9 =	vpop (erf);
	v6 =	vld [tilespmem:s12+$0x30]  }
0x166: {  	(erf) = vrcp.f32 v5;
	v5 =	vadd.f32 $1.000000000e+00, v9;
	v9 =	vld [tilespmem:s0+$0xFFFFFFA0]  }
0x167: {  	v2 =	vsub.f32 $0.0e+00, v2;
	(erf) = vrcp.f32 v8;
	v8 =	vld [tilespmem:s4+$0xFFFFFFA0]  }
0x168: {  	v10 =	vld [tilespmem:s6+$0xFFFFFFA0]  }
0x169: {  	v2 =	vmul.f32 $1.442695020e+00, v2;
	(erf) = vrcp.f32 v5;
	v5 =	vld [tilespmem:s16+$0x30];
	_ =	sdelay $0x1  }
0x16a: {  	(erf) = vpow2.f32 v2  }
0x16b: {  	v2 =	vadd.f32 v6, v7;
	v6 =	vadd.f32 v8, v9;
	_ =	sdelay $0x1  }
0x16c: {  	v2 =	vadd.f32 v5, v2;
	v5 =	vadd.f32 v10, v6;
	_ =	sdelay $0x1  }
0x16d: {  	v5 =	vsub.f32 $0.0e+00, v5  }
0x16e: {  	v4 =	vmul.f32 v11, v4;
	v2 =	vsub.f32 $0.0e+00, v2;
	v6 =	vpop (erf)  }
0x16f: {  	[tilespmem:s17+$0xFFFFFFE0] =	vst v11;
	v7 =	vpop (erf)  }
0x170: {  	[tilespmem:s17+$0xFFFFFFA0] =	vst v4;
	v2 =	vmul.f32 $1.442695020e+00, v2;
	v8 =	vpop (erf)  }
0x171: {  	v9 =	vld [tilespmem:s26+$0xFFFFFFB0];
	v4 =	vmul.f32 $1.442695020e+00, v5;
	v5 =	vpop (erf)  }
0x172: {  	(erf) = vpow2.f32 v2;
	v2 =	vadd.f32 $1.000000000e+00, v5;
	v5 =	vld [tilespmem:s7+$0xFFFFFFB0]  }
0x173: {  	(erf) = vpow2.f32 v4  }
0x174: {  	(erf) = vrcp.f32 v2  }
0x175: {  	v2 =	vld [tilespmem:s9+$0xFFFFFFB0];
	_ =	sdelay $0x1  }
0x176: {  	v4 =	vld [tilespmem:s25+$0xFFFFFFE0];
	v5 =	vadd.f32 v5, v9;
	_ =	sdelay $0x1  }
0x177: {  	v9 =	vld [tilespmem:s0+$0x60]  }
0x178: {  	v2 =	vadd.f32 v2, v5  }
0x179: {  	v5 =	vpop (erf)  }
0x17a: {  	v4 =	vmul.f32 v7, v4;
	v2 =	vsub.f32 $0.0e+00, v2;
	v10 =	vpop (erf)  }
0x17b: {  	[tilespmem:s10+$0xFFFFFFE0] =	vst v7;
	v7 =	vpop (erf)  }
0x17c: {  	[tilespmem:s10+$0xFFFFFFA0] =	vst v4;
	v2 =	vmul.f32 $1.442695020e+00, v2;
	v4 =	vmul.f32 v7, v9  }
0x17d: {  	v5 =	vadd.f32 $1.000000000e+00, v5;
	[tilespmem:s5+$0x60] =	vst v7  }
0x17e: {  	v7 =	vld [tilespmem:s25+$0xFFFFFFB0];
	(erf) = vpow2.f32 v2;
	v2 =	vadd.f32 $1.000000000e+00, v10;
	[tilespmem:s5+$0x20] =	vst v4  }
0x17f: {  	(erf) = vrcp.f32 v5;
	v4 =	vld [tilespmem:s0+$0x30]  }
0x180: {  	(erf) = vrcp.f32 v2;
	v2 =	vld [tilespmem:s4+$0x30]  }
0x181: {  	v5 =	vld [tilespmem:s12+$0xFFFFFFB0]  }
0x182: {  	v9 =	vld [tilespmem:s6+$0x30]  }
0x183: {  	v10 =	vld [tilespmem:s16+$0xFFFFFFB0];
	_ =	sdelay $0x1  }
0x184: {  	v11 =	vld [tilespmem:s0+$0xFFFFFFE0];
	v2 =	vadd.f32 v2, v4  }
0x185: {  	v4 =	vadd.f32 v5, v7  }
0x186: {  	v5 =	vpop (erf);
	v2 =	vadd.f32 v9, v2  }
0x187: {  	v4 =	vadd.f32 v10, v4;
	v7 =	vpop (erf)  }
0x188: {  	v9 =	vpop (erf);
	v2 =	vsub.f32 $0.0e+00, v2  }
0x189: {  	v5 =	vadd.f32 $1.000000000e+00, v5;
	v4 =	vsub.f32 $0.0e+00, v4;
	v10 =	vmul.f32 v9, v11  }
0x18a: {  	[tilespmem:s5+$0xFFFFFFE0] =	vst v9;
	v2 =	vmul.f32 $1.442695020e+00, v2  }
0x18b: {  	(erf) = vrcp.f32 v5;
	v4 =	vmul.f32 $1.442695020e+00, v4;
	[tilespmem:s5+$0xFFFFFFA0] =	vst v10  }
0x18c: {  	(erf) = vpow2.f32 v2;
	v2 =	vld [tilespmem:s0+$0xFFFFFFB0]  }
0x18d: {  	(erf) = vpow2.f32 v4;
	v4 =	vld [tilespmem:s4+$0xFFFFFFB0];
	_ =	sdelay $0x1  }
0x18e: {  	v5 =	vld [tilespmem:s6+$0xFFFFFFB0];
	_ =	sdelay $0x2  }
0x18f: {  	v2 =	vadd.f32 v4, v2;
	_ =	sdelay $0x1  }
0x190: {  	v4 =	vpop (erf);
	v2 =	vadd.f32 v5, v2  }
0x191: {  	v5 =	vpop (erf)  }
0x192: {  	v5 =	vadd.f32 $1.000000000e+00, v5;
	v9 =	vpop (erf);
	v2 =	vsub.f32 $0.0e+00, v2  }
0x193: {  	v9 =	vadd.f32 $1.000000000e+00, v9  }
0x194: {  	(erf) = vrcp.f32 v5;
	v2 =	vmul.f32 $1.442695020e+00, v2  }
0x195: {  	(erf) = vrcp.f32 v9  }
0x196: {  	(erf) = vpow2.f32 v2  }
0x197: {  	v2 =	vld [tilespmem:s8+$0x70];
	_ =	sdelay $0x3  }
0x198: {  	v5 =	vld [tilespmem:s26+$0x70]  }
0x199: {  	v2 =	vmul.f32 v0, v2  }
0x19a: {  	[tilespmem:s15+$0x70] =	vst v0;
	v0 =	vld [tilespmem:s8+$0xFFFFFFF0];
	v9 =	vpop (erf)  }
0x19b: {  	[tilespmem:s15+$0x30] =	vst v2;
	v2 =	vmul.f32 v1, v3;
	v3 =	vpop (erf)  }
0x19c: {  	[tilespmem:s24+$0xFFFFFFF0] =	vst v1;
	v1 =	vld [tilespmem:s25+$0x70];
	v10 =	vpop (erf)  }
0x19d: {  	[tilespmem:s24+$0xFFFFFFB0] =	vst v2;
	v2 =	vmul.f32 v6, v5;
	v5 =	vadd.f32 $1.000000000e+00, v10  }
0x19e: {  	[tilespmem:s17+$0x70] =	vst v6;
	v6 =	vld [tilespmem:s26+$0xFFFFFFF0]  }
0x19f: {  	[tilespmem:s15+$0xFFFFFFF0] =	vst v8;
	v0 =	vmul.f32 v8, v0;
	(erf) = vrcp.f32 v5  }
0x1a0: {  	[tilespmem:s17+$0x30] =	vst v2;
	v2 =	vld [tilespmem:s0+$0x70]  }
0x1a1: {  	[tilespmem:s15+$0xFFFFFFB0] =	vst v0;
	v0 =	vmul.f32 v7, v1  }
0x1a2: {  	[tilespmem:s10+$0x70] =	vst v7;
	v1 =	vld [tilespmem:s25+$0xFFFFFFF0]  }
0x1a3: {  	[tilespmem:s10+$0x30] =	vst v0;
	v0 =	vmul.f32 v4, v6  }
0x1a4: {  	[tilespmem:s17+$0xFFFFFFF0] =	vst v4;
	v4 =	vld [tilespmem:s0+$0xFFFFFFF0]  }
0x1a5: {  	[tilespmem:s17+$0xFFFFFFB0] =	vst v0;
	v0 =	vmul.f32 v9, v2  }
0x1a6: {  	[tilespmem:s5+$0x70] =	vst v9  }
0x1a7: {  	[tilespmem:s5+$0x30] =	vst v0;
	v0 =	vmul.f32 v3, v1  }
0x1a8: {  	[tilespmem:s10+$0xFFFFFFF0] =	vst v3;
	v1 =	vpop (erf)  }
0x1a9: {  	[tilespmem:s10+$0xFFFFFFB0] =	vst v0;
	v0 =	vmul.f32 v1, v4  }
0x1aa: {  	s2 =	simm.s32 $0x28;
	[tilespmem:s5+$0xFFFFFFF0] =	vst v1  }
0x1ab: {  	s3 =	simm.s32 $0x7A00;
	s9 =	simm.s32 $0x80;
	s8 =	rddreg [dreg:$0x1];
	[tilespmem:s5+$0xFFFFFFB0] =	vst v0  }
0x1ac: {  	[spmem:s8] =	stream.indirect.scatter.add.f32 [tilespmem:s3], [sflag:$0x5], $0x80, s9, s2, $0xb8;
	[tilespmem:$0x1C680] =	vst v63  }
0x1ad: {  	_ =	swait.ge [sflag:s13], $0x1400  }
0x1ae: {  	p1 =	seq.s32 s18, $0xF9;
	[sflag:s13] =	ssyncset.done $0x0  }
0x1af: {  	s0 =	simm.s32 @p1 $0x4;
	[sflag:s13] =	ssyncadd.s32 $0xFFFFEC00  }
0x1b0: {  	_ =	swait.ge @p1 [sflag:s0], $0x1400  }
0x1b1: {  	[sflag:s0] =	ssyncset.done @p1 $0x0  }
0x1b2: {  	[sflag:s0] =	ssyncadd.s32 @p1 $0xFFFFEC00  }
0x1b3: {  	_ =	swait.ge @p1 [sflag:s0], $0x1400  }
0x1b4: {  	[sflag:s0] =	ssyncset.done @p1 $0x0  }
0x1b5: {  	[sflag:s0] =	ssyncadd.s32 @p1 $0xFFFFEC00  }
0x1b6: {  	_ =	swait.ge @p1 [sflag:s0], $0x1400  }
0x1b7: {  	s1 =	rddreg [dreg:$0xf]  }
0x1b8: {  	[sflag:s0] =	ssyncset.done @p1 $0x0;
	s1 =	sadd.s32 @!p1 s19, s1  }
0x1b9: {  	[sflag:s0] =	ssyncadd.s32 @p1 $0xFFFFEC00;
	s0 =	rddreg [dreg:$0x3];
	s2 =	sshrl.u32 @!p1 s1, $0x3  }
0x1ba: {  	s0 =	sadd.s32 @!p1 s0, s2;
	s2 =	simm.s32 @!p1 $0x0  }
0x1bb: {  	[tilespmem:s2], [sflag:$0x1] =	stream.linear.gather @!p1 [hbm4b:s0+s2], $0x28, $0x38;
	[tilespmem:$0x1C680] =	vst v63  }
0x1bc: {  	s3 =	simm.s32 @!p1 $0x80;
	s0 =	sadd.s32 @!p1 $0x9C40, s0  }
0x1bd: {  	[tilespmem:s3], [sflag:$0x1] =	stream.linear.gather @!p1 [hbm4b:s0+s2], $0x28, $0x38;
	[tilespmem:$0x1C680] =	vst v63  }
0x1be: {  	s0 =	simm.s32 @!p1 $0x4  }
0x1bf: {  	_ =	swait.ge @!p1 [sflag:s0], $0x1400  }
0x1c0: {  	[sflag:s0] =	ssyncset.done @!p1 $0x0  }
0x1c1: {  	[sflag:s0] =	ssyncadd.s32 @!p1 $0xFFFFEC00  }
0x1c2: {  	_ =	swait.ge @!p1 [sflag:s0], $0x1400  }
0x1c3: {  	[sflag:s0] =	ssyncset.done @!p1 $0x0  }
0x1c4: {  	[sflag:s0] =	ssyncadd.s32 @!p1 $0xFFFFEC00  }
0x1c5: {  	_ =	swait.ge @!p1 [sflag:s0], $0x1400  }
0x1c6: {  	[sflag:s0] =	ssyncset.done @!p1 $0x0  }
0x1c7: {  	[sflag:s0] =	ssyncadd.s32 @!p1 $0xFFFFEC00;
	s0 =	simm.s32 @!p1 $0x1  }
0x1c8: {  	_ =	swait.ge @!p1 [sflag:s0], $0x28  }
0x1c9: {  	[sflag:s0] =	ssyncset.done @!p1 $0x0  }
0x1ca: {  	[sflag:s0] =	ssyncadd.s32 @!p1 $0xFFFFFFD8  }
0x1cb: {  	_ =	swait.ge @!p1 [sflag:s0], $0x28  }
0x1cc: {  	s4 =	simm.s32 @!p1 $0x200;
	[sflag:s0] =	ssyncset.done @!p1 $0x0  }
0x1cd: {  	s5 =	rddreg [dreg:$0xa];
	[sflag:s0] =	ssyncadd.s32 @!p1 $0xFFFFFFD8;
	s0 =	simm.s32 @!p1 $0x28  }
0x1ce: {  	[tilespmem:s4], [sflag:$0x3] =	stream.indirect.gather @!p1 [hbm4b:s5+s0], $0x80, s2, s0, $0xb8;
	[tilespmem:$0x1C680] =	vst v63  }
0x1cf: {  	s4 =	simm.s32 @!p1 $0x2A00;
	s5 =	rddreg [dreg:$0x4]  }
0x1d0: {  	[tilespmem:s4], [sflag:$0x3] =	stream.indirect.gather @!p1 [hbm4b:s5+s0], $0x80, s3, s0, $0xb8;
	[tilespmem:$0x1C680] =	vst v63  }
0x1d1: {  	s0 =	sshll.u32 @!p1 s1, $0x4;
	s1 =	rddreg [dreg:$0x5]  }
0x1d2: {  	s10 =	simm.s32 $0x1680;
	s0 =	sadd.s32 @!p1 s1, s0;
	s1 =	simm.s32 @!p1 $0x5200  }
0x1d3: {  	[tilespmem:s1], [sflag:$0x3] =	stream.linear.gather @!p1 [hbm4b:s0+s2], $0x1400, $0x38;
	[tilespmem:$0x1C680] =	vst v63  }
0x1d4: {  	v0 =	vld [tilespmem:s10+$0x0]  }
0x1d5: {  	v1 =	vld [tilespmem:s23+$0x0];
	_ =	sdelay $0x1  }
0x1d6: {  	v2 =	vld [tilespmem:s22+$0x0];
	_ =	sdelay $0x2  }
0x1d7: {  	v0 =	vadd.f32 v1, v0  }
0x1d8: {  	v1 =	vld [tilespmem:s23+$0xFFFFFF80]  }
0x1d9: {  	v0 =	vadd.f32 v2, v0;
	v2 =	vld [tilespmem:s10+$0xFFFFFF80];
	_ =	sdelay $0x1  }
0x1da: {  	v3 =	vld [tilespmem:s22+$0xFFFFFF80];
	v0 =	vsub.f32 $0.0e+00, v0;
	_ =	sdelay $0x1  }
0x1db: {  	v0 =	vmul.f32 $1.442695020e+00, v0  }
0x1dc: {  	v1 =	vadd.f32 v1, v2  }
0x1dd: {  	(erf) = vpow2.f32 v0  }
0x1de: {  	v0 =	vadd.f32 v3, v1;
	_ =	sdelay $0x1  }
0x1df: {  	v0 =	vsub.f32 $0.0e+00, v0;
	_ =	sdelay $0x1  }
0x1e0: {  	v0 =	vmul.f32 $1.442695020e+00, v0;
	_ =	sdelay $0x2  }
0x1e1: {  	(erf) = vpow2.f32 v0  }
0x1e2: {  	v0 =	vpop (erf)  }
0x1e3: {  	v0 =	vadd.f32 $1.000000000e+00, v0;
	_ =	sdelay $0x1  }
0x1e4: {  	(erf) = vrcp.f32 v0;
	_ =	sdelay $0x2  }
0x1e5: {  	s3 =	simm.s32 $0x1780  }
0x1e6: {  	v2 =	vld [tilespmem:s3+$0x0]  }
0x1e7: {  	s11 =	sadd.s32 $0x100, s23;
	v0 =	vld [tilespmem:s10+$0x40];
	v1 =	vpop (erf)  }
0x1e8: {  	v3 =	vld [tilespmem:s11+$0x0];
	v1 =	vadd.f32 $1.000000000e+00, v1  }
0x1e9: {  	s28 =	sadd.s32 $0x100, s22  }
0x1ea: {  	(erf) = vrcp.f32 v1;
	v1 =	vld [tilespmem:s28+$0x0]  }
0x1eb: {  	v4 =	vld [tilespmem:s10+$0xFFFFFFC0];
	v5 =	vpop (erf)  }
0x1ec: {  	s8 =	simm.s32 $0x7A80;
	v6 =	vld [tilespmem:s11+$0xFFFFFF80];
	v0 =	vmul.f32 v5, v0  }
0x1ed: {  	v7 =	vld [tilespmem:s3+$0xFFFFFF80];
	v2 =	vadd.f32 v3, v2;
	[tilespmem:s8+$0x40] =	vst v5  }
0x1ee: {  	v3 =	vld [tilespmem:s28+$0xFFFFFF80];
	[tilespmem:s8+$0x0] =	vst v0  }
0x1ef: {  	v1 =	vadd.f32 v1, v2;
	v0 =	vld [tilespmem:s10+$0x10]  }
0x1f0: {  	v2 =	vld [tilespmem:s23+$0x10]  }
0x1f1: {  	v1 =	vsub.f32 $0.0e+00, v1  }
0x1f2: {  	v5 =	vld [tilespmem:s22+$0x10]  }
0x1f3: {  	v6 =	vadd.f32 v6, v7;
	v8 =	vpop (erf);
	v1 =	vmul.f32 $1.442695020e+00, v1  }
0x1f4: {  	v4 =	vmul.f32 v8, v4  }
0x1f5: {  	v3 =	vadd.f32 v3, v6;
	[tilespmem:s8+$0xFFFFFFC0] =	vst v8;
	v0 =	vadd.f32 v2, v0;
	(erf) = vpow2.f32 v1  }
0x1f6: {  	[tilespmem:s8+$0xFFFFFF80] =	vst v4  }
0x1f7: {  	v1 =	vsub.f32 $0.0e+00, v3;
	v0 =	vadd.f32 v5, v0;
	v2 =	vld [tilespmem:s10+$0xFFFFFF90]  }
0x1f8: {  	v3 =	vld [tilespmem:s23+$0xFFFFFF90]  }
0x1f9: {  	v1 =	vmul.f32 $1.442695020e+00, v1;
	v0 =	vsub.f32 $0.0e+00, v0  }
0x1fa: {  	v4 =	vld [tilespmem:s22+$0xFFFFFF90]  }
0x1fb: {  	(erf) = vpow2.f32 v1;
	v0 =	vmul.f32 $1.442695020e+00, v0;
	_ =	sdelay $0x1  }
0x1fc: {  	(erf) = vpow2.f32 v0;
	v0 =	vadd.f32 v3, v2  }
0x1fd: {  	v1 =	vpop (erf)  }
0x1fe: {  	v1 =	vadd.f32 $1.000000000e+00, v1;
	v0 =	vadd.f32 v4, v0;
	_ =	sdelay $0x1  }
0x1ff: {  	(erf) = vrcp.f32 v1;
	v0 =	vsub.f32 $0.0e+00, v0;
	_ =	sdelay $0x1  }
0x200: {  	v0 =	vmul.f32 $1.442695020e+00, v0  }
0x201: {  	v1 =	vpop (erf)  }
0x202: {  	s31 =	sadd.s32 $0x100, s11;
	v3 =	vld [tilespmem:s3+$0x40];
	v1 =	vadd.f32 $1.000000000e+00, v1;
	(erf) = vpow2.f32 v0  }
0x203: {  	s24 =	simm.s32 $0x1880;
	v4 =	vld [tilespmem:s31+$0x0]  }
0x204: {  	(erf) = vrcp.f32 v1;
	v1 =	vld [tilespmem:s24+$0x0];
	v0 =	vpop (erf)  }
0x205: {  	s7 =	sadd.s32 $0x100, s28;
	v7 =	vld [tilespmem:s24+$0xFFFFFF80];
	v0 =	vadd.f32 $1.000000000e+00, v0  }
0x206: {  	v5 =	vld [tilespmem:s7+$0x0]  }
0x207: {  	v8 =	vld [tilespmem:s7+$0xFFFFFF80];
	(erf) = vrcp.f32 v0;
	v6 =	vpop (erf)  }
0x208: {  	s26 =	simm.s32 $0x7B80;
	v2 =	vld [tilespmem:s3+$0xFFFFFFC0];
	v3 =	vmul.f32 v6, v3  }
0x209: {  	v0 =	vld [tilespmem:s31+$0xFFFFFF80];
	[tilespmem:s26+$0x40] =	vst v6;
	v1 =	vadd.f32 v4, v1  }
0x20a: {  	[tilespmem:s26+$0x0] =	vst v3;
	v3 =	vld [tilespmem:s10+$0x50]  }
0x20b: {  	v1 =	vadd.f32 v5, v1;
	v4 =	vld [tilespmem:s3+$0x10];
	v6 =	vpop (erf)  }
0x20c: {  	v5 =	vld [tilespmem:s11+$0x10];
	v6 =	vadd.f32 $1.000000000e+00, v6  }
0x20d: {  	v9 =	vpop (erf);
	v1 =	vsub.f32 $0.0e+00, v1  }
0x20e: {  	v0 =	vadd.f32 v0, v7;
	v7 =	vld [tilespmem:s28+$0x10];
	v2 =	vmul.f32 v9, v2  }
0x20f: {  	[tilespmem:s26+$0xFFFFFFC0] =	vst v9;
	(erf) = vrcp.f32 v6;
	v1 =	vmul.f32 $1.442695020e+00, v1  }
0x210: {  	v9 =	vld [tilespmem:s10+$0xFFFFFFD0];
	v0 =	vadd.f32 v8, v0;
	[tilespmem:s26+$0xFFFFFF80] =	vst v2;
	v6 =	vpop (erf)  }
0x211: {  	v4 =	vadd.f32 v5, v4;
	v5 =	vld [tilespmem:s11+$0xFFFFFF90];
	(erf) = vpow2.f32 v1;
	v2 =	vmul.f32 v6, v3  }
0x212: {  	v0 =	vsub.f32 $0.0e+00, v0;
	v3 =	vld [tilespmem:s3+$0xFFFFFF90];
	[tilespmem:s8+$0x50] =	vst v6  }
0x213: {  	v6 =	vld [tilespmem:s28+$0xFFFFFF90];
	[tilespmem:s8+$0x10] =	vst v2;
	v2 =	vadd.f32 v7, v4  }
0x214: {  	v0 =	vmul.f32 $1.442695020e+00, v0;
	v1 =	vld [tilespmem:s10+$0x20]  }
0x215: {  	v4 =	vld [tilespmem:s23+$0x20];
	v2 =	vsub.f32 $0.0e+00, v2  }
0x216: {  	(erf) = vpow2.f32 v0  }
0x217: {  	v7 =	vld [tilespmem:s22+$0x20];
	v0 =	vmul.f32 $1.442695020e+00, v2;
	v2 =	vadd.f32 v5, v3  }
0x218: {  	v3 =	vpop (erf)  }
0x219: {  	(erf) = vpow2.f32 v0;
	v0 =	vmul.f32 v3, v9;
	v2 =	vadd.f32 v6, v2  }
0x21a: {  	[tilespmem:s8+$0xFFFFFFD0] =	vst v3;
	v1 =	vadd.f32 v4, v1;
	v3 =	vpop (erf)  }
0x21b: {  	[tilespmem:s8+$0xFFFFFF90] =	vst v0;
	v0 =	vsub.f32 $0.0e+00, v2;
	v2 =	vadd.f32 $1.000000000e+00, v3  }
0x21c: {  	v1 =	vadd.f32 v7, v1  }
0x21d: {  	v3 =	vld [tilespmem:s10+$0xFFFFFFA0]  }
0x21e: {  	v4 =	vld [tilespmem:s23+$0xFFFFFFA0];
	v1 =	vsub.f32 $0.0e+00, v1;
	v0 =	vmul.f32 $1.442695020e+00, v0  }
0x21f: {  	(erf) = vrcp.f32 v2;
	v2 =	vpop (erf)  }
0x220: {  	v5 =	vld [tilespmem:s22+$0xFFFFFFA0];
	v1 =	vmul.f32 $1.442695020e+00, v1;
	(erf) = vpow2.f32 v0;
	v0 =	vadd.f32 $1.000000000e+00, v2;
	_ =	sdelay $0x1  }
0x221: {  	(erf) = vpow2.f32 v1  }
0x222: {  	s15 =	simm.s32 $0x1980;
	v2 =	vadd.f32 v4, v3;
	v3 =	vld [tilespmem:s24+$0x40];
	(erf) = vrcp.f32 v0  }
0x223: {  	s9 =	sadd.s32 $0x100, s31;
	v4 =	vld [tilespmem:s15+$0x0];
	v0 =	vpop (erf)  }
0x224: {  	v2 =	vadd.f32 v5, v2;
	v5 =	vld [tilespmem:s9+$0x0];
	v0 =	vadd.f32 $1.000000000e+00, v0  }
0x225: {  	s25 =	sadd.s32 $0x100, s7;
	v8 =	vld [tilespmem:s15+$0xFFFFFF80]  }
0x226: {  	v6 =	vld [tilespmem:s25+$0x0];
	v2 =	vsub.f32 $0.0e+00, v2;
	(erf) = vrcp.f32 v0  }
0x227: {  	v1 =	vld [tilespmem:s24+$0xFFFFFFC0];
	v7 =	vpop (erf)  }
0x228: {  	s14 =	simm.s32 $0x7C80;
	v0 =	vld [tilespmem:s9+$0xFFFFFF80];
	v3 =	vmul.f32 v7, v3;
	v2 =	vmul.f32 $1.442695020e+00, v2  }
0x229: {  	v10 =	vld [tilespmem:s25+$0xFFFFFF80];
	[tilespmem:s14+$0x40] =	vst v7;
	v9 =	vpop (erf);
	v4 =	vadd.f32 v5, v4  }
0x22a: {  	v7 =	vadd.f32 $1.000000000e+00, v9;
	[tilespmem:s14+$0x0] =	vst v3;
	v3 =	vld [tilespmem:s3+$0x50];
	(erf) = vpow2.f32 v2;
	v9 =	vpop (erf)  }
0x22b: {  	v2 =	vld [tilespmem:s24+$0x10];
	v4 =	vadd.f32 v6, v4;
	v5 =	vadd.f32 $1.000000000e+00, v9;
	v9 =	vpop (erf)  }
0x22c: {  	v6 =	vld [tilespmem:s31+$0x10];
	(erf) = vrcp.f32 v7;
	v1 =	vmul.f32 v9, v1  }
0x22d: {  	v7 =	vld [tilespmem:s3+$0xFFFFFFD0];
	[tilespmem:s14+$0xFFFFFFC0] =	vst v9;
	v0 =	vadd.f32 v0, v8;
	v4 =	vsub.f32 $0.0e+00, v4;
	(erf) = vrcp.f32 v5  }
0x22e: {  	[tilespmem:s14+$0xFFFFFF80] =	vst v1;
	v1 =	vld [tilespmem:s7+$0x10]  }
0x22f: {  	v0 =	vadd.f32 v10, v0;
	v4 =	vmul.f32 $1.442695020e+00, v4;
	v8 =	vld [tilespmem:s24+$0xFFFFFF90];
	v5 =	vpop (erf)  }
0x230: {  	v9 =	vld [tilespmem:s31+$0xFFFFFF90];
	v3 =	vmul.f32 v5, v3  }
0x231: {  	v2 =	vadd.f32 v6, v2;
	v6 =	vld [tilespmem:s7+$0xFFFFFF90];
	v0 =	vsub.f32 $0.0e+00, v0;
	(erf) = vpow2.f32 v4;
	[tilespmem:s26+$0x50] =	vst v5  }
0x232: {  	[tilespmem:s26+$0x10] =	vst v3;
	v3 =	vld [tilespmem:s10+$0x60]  }
0x233: {  	v5 =	vpop (erf);
	v0 =	vmul.f32 $1.442695020e+00, v0;
	v4 =	vld [tilespmem:s3+$0x20]  }
0x234: {  	v1 =	vadd.f32 v1, v2;
	v5 =	vadd.f32 $1.000000000e+00, v5;
	v2 =	vld [tilespmem:s11+$0x20]  }
0x235: {  	v10 =	vpop (erf);
	(erf) = vpow2.f32 v0  }
0x236: {  	v11 =	vld [tilespmem:s28+$0x20];
	v1 =	vsub.f32 $0.0e+00, v1;
	[tilespmem:s26+$0xFFFFFFD0] =	vst v10;
	v12 =	vpop (erf);
	(erf) = vrcp.f32 v5;
	v5 =	vmul.f32 v10, v7  }
0x237: {  	v0 =	vadd.f32 v9, v8;
	[tilespmem:s8+$0x60] =	vst v12;
	v3 =	vmul.f32 v12, v3  }
0x238: {  	v1 =	vmul.f32 $1.442695020e+00, v1;
	[tilespmem:s26+$0xFFFFFF90] =	vst v5  }
0x239: {  	v0 =	vadd.f32 v6, v0;
	v2 =	vadd.f32 v2, v4;
	v6 =	vld [tilespmem:s3+$0xFFFFFFA0];
	[tilespmem:s8+$0x20] =	vst v3  }
0x23a: {  	(erf) = vpow2.f32 v1;
	v5 =	vpop (erf);
	v1 =	vld [tilespmem:s10+$0x30]  }
0x23b: {  	v2 =	vadd.f32 v11, v2;
	v3 =	vld [tilespmem:s23+$0x30];
	v5 =	vadd.f32 $1.000000000e+00, v5  }
0x23c: {  	v0 =	vsub.f32 $0.0e+00, v0;
	v7 =	vld [tilespmem:s11+$0xFFFFFFA0]  }
0x23d: {  	v8 =	vld [tilespmem:s22+$0x30];
	v2 =	vsub.f32 $0.0e+00, v2;
	(erf) = vrcp.f32 v5  }
0x23e: {  	v0 =	vmul.f32 $1.442695020e+00, v0;
	v5 =	vld [tilespmem:s28+$0xFFFFFFA0];
	v9 =	vpop (erf)  }
0x23f: {  	v9 =	vadd.f32 $1.000000000e+00, v9;
	v2 =	vmul.f32 $1.442695020e+00, v2  }
0x240: {  	s17 =	simm.s32 $0x1A80;
	(erf) = vpow2.f32 v0;
	v1 =	vadd.f32 v3, v1  }
0x241: {  	v13 =	vld [tilespmem:s17+$0xFFFFFF80];
	v6 =	vadd.f32 v7, v6;
	(erf) = vpow2.f32 v2  }
0x242: {  	s12 =	sadd.s32 $0x100, s9;
	v7 =	vld [tilespmem:s15+$0x40];
	v3 =	vpop (erf);
	v1 =	vadd.f32 v8, v1  }
0x243: {  	(erf) = vrcp.f32 v9;
	v9 =	vpop (erf);
	v5 =	vadd.f32 v5, v6;
	v6 =	vld [tilespmem:s12+$0x0]  }
0x244: {  	s16 =	sadd.s32 $0x100, s25;
	v8 =	vadd.f32 $1.000000000e+00, v9;
	v9 =	vld [tilespmem:s17+$0x0];
	v1 =	vsub.f32 $0.0e+00, v1  }
0x245: {  	v11 =	vld [tilespmem:s16+$0x0]  }
0x246: {  	v0 =	vld [tilespmem:s15+$0xFFFFFFC0];
	v5 =	vsub.f32 $0.0e+00, v5;
	(erf) = vrcp.f32 v8;
	v1 =	vmul.f32 $1.442695020e+00, v1;
	v12 =	vpop (erf)  }
0x247: {  	s1 =	simm.s32 $0x7D80;
	v8 =	vld [tilespmem:s12+$0xFFFFFF80];
	v7 =	vmul.f32 v12, v7  }
0x248: {  	v5 =	vmul.f32 $1.442695020e+00, v5;
	[tilespmem:s1+$0x40] =	vst v12;
	(erf) = vpow2.f32 v1;
	v1 =	vld [tilespmem:s16+$0xFFFFFF80]  }
0x249: {  	v14 =	vpop (erf);
	v6 =	vadd.f32 v6, v9;
	[tilespmem:s1+$0x0] =	vst v7;
	v7 =	vld [tilespmem:s24+$0x50]  }
0x24a: {  	v12 =	vadd.f32 $1.000000000e+00, v14;
	(erf) = vpow2.f32 v5;
	v14 =	vpop (erf);
	v5 =	vld [tilespmem:s15+$0x10]  }
0x24b: {  	v6 =	vadd.f32 v11, v6;
	v11 =	vld [tilespmem:s9+$0x10];
	v9 =	vadd.f32 $1.000000000e+00, v14  }
0x24c: {  	(erf) = vrcp.f32 v12;
	v14 =	vpop (erf)  }
0x24d: {  	v10 =	vld [tilespmem:s24+$0xFFFFFFD0];
	v8 =	vadd.f32 v8, v13;
	v0 =	vmul.f32 v14, v0;
	(erf) = vrcp.f32 v9  }
0x24e: {  	v4 =	vld [tilespmem:s10+$0xFFFFFFE0];
	[tilespmem:s1+$0xFFFFFFC0] =	vst v14;
	v6 =	vsub.f32 $0.0e+00, v6  }
0x24f: {  	v1 =	vadd.f32 v1, v8;
	[tilespmem:s1+$0xFFFFFF80] =	vst v0;
	v0 =	vld [tilespmem:s25+$0x10];
	v12 =	vpop (erf)  }
0x250: {  	v6 =	vmul.f32 $1.442695020e+00, v6;
	v13 =	vld [tilespmem:s15+$0xFFFFFF90];
	v7 =	vmul.f32 v12, v7;
	v5 =	vadd.f32 v11, v5  }
0x251: {  	v8 =	vld [tilespmem:s9+$0xFFFFFF90];
	v1 =	vsub.f32 $0.0e+00, v1;
	v11 =	vpop (erf)  }
0x252: {  	(erf) = vpow2.f32 v6;
	[tilespmem:s14+$0x10] =	vst v7;
	v7 =	vld [tilespmem:s3+$0x60];
	v11 =	vadd.f32 $1.000000000e+00, v11  }
0x253: {  	[tilespmem:s14+$0x50] =	vst v12;
	v14 =	vld [tilespmem:s25+$0xFFFFFF90];
	v1 =	vmul.f32 $1.442695020e+00, v1  }
0x254: {  	v4 =	vmul.f32 v3, v4;
	v6 =	vld [tilespmem:s24+$0x20];
	v0 =	vadd.f32 v0, v5;
	v5 =	vpop (erf);
	(erf) = vrcp.f32 v11  }
0x255: {  	s0 =	simm.s32 $0x1B80;
	[tilespmem:s8+$0xFFFFFFE0] =	vst v3;
	v12 =	vld [tilespmem:s31+$0x20];
	v15 =	vpop (erf);
	(erf) = vpow2.f32 v1  }
0x256: {  	v55 =	vld [tilespmem:s0+$0xFFFFFF80];
	[tilespmem:s8+$0xFFFFFFA0] =	vst v4;
	v0 =	vsub.f32 $0.0e+00, v0;
	v10 =	vmul.f32 v15, v10;
	v3 =	vpop (erf)  }
0x257: {  	v11 =	vld [tilespmem:s7+$0x20];
	v4 =	vadd.f32 $1.000000000e+00, v5;
	[tilespmem:s14+$0xFFFFFFD0] =	vst v15;
	v1 =	vmul.f32 v3, v7;
	v7 =	vadd.f32 v8, v13  }
0x258: {  	v16 =	vld [tilespmem:s22+$0xFFFFFFB0];
	v0 =	vmul.f32 $1.442695020e+00, v0;
	[tilespmem:s14+$0xFFFFFF90] =	vst v10  }
0x259: {  	v9 =	vld [tilespmem:s17+$0xFFFFFFC0];
	(erf) = vrcp.f32 v4;
	[tilespmem:s26+$0x20] =	vst v1;
	v1 =	vadd.f32 v14, v7  }
0x25a: {  	[tilespmem:s26+$0x60] =	vst v3;
	v4 =	vadd.f32 v12, v6;
	v10 =	vld [tilespmem:s24+$0xFFFFFFA0];
	(erf) = vpow2.f32 v0  }
0x25b: {  	v0 =	vld [tilespmem:s3+$0x30];
	v7 =	vpop (erf);
	v1 =	vsub.f32 $0.0e+00, v1  }
0x25c: {  	v4 =	vadd.f32 v11, v4;
	v6 =	vld [tilespmem:s11+$0x30];
	v7 =	vadd.f32 $1.000000000e+00, v7  }
0x25d: {  	v12 =	vld [tilespmem:s31+$0xFFFFFFA0];
	v1 =	vmul.f32 $1.442695020e+00, v1;
	v13 =	vpop (erf)  }
0x25e: {  	v11 =	vld [tilespmem:s28+$0x30];
	v4 =	vsub.f32 $0.0e+00, v4;
	(erf) = vrcp.f32 v7;
	v15 =	vpop (erf)  }
0x25f: {  	v8 =	vld [tilespmem:s10+$0xFFFFFFB0];
	(erf) = vpow2.f32 v1;
	v1 =	vadd.f32 $1.000000000e+00, v15  }
0x260: {  	v14 =	vmul.f32 $1.442695020e+00, v4;
	v7 =	vld [tilespmem:s7+$0xFFFFFFA0]  }
0x261: {  	v3 =	vld [tilespmem:s10+$0x70];
	v6 =	vadd.f32 v6, v0  }
0x262: {  	v15 =	vpop (erf);
	(erf) = vpow2.f32 v14;
	v14 =	vld [tilespmem:s23+$0xFFFFFFB0]  }
0x263: {  	v10 =	vadd.f32 v12, v10;
	(erf) = vrcp.f32 v1;
	v6 =	vadd.f32 v11, v6;
	v11 =	vld [tilespmem:s17+$0x40];
	v1 =	vpop (erf)  }
0x264: {  	v12 =	vld [tilespmem:s0+$0x0];
	v1 =	vadd.f32 $1.000000000e+00, v1  }
0x265: {  	s6 =	sadd.s32 $0x100, s12;
	v0 =	vld [tilespmem:s10+$0xFFFFFFF0];
	v7 =	vadd.f32 v7, v10;
	v6 =	vsub.f32 $0.0e+00, v6  }
0x266: {  	v10 =	vld [tilespmem:s6+$0x0];
	(erf) = vrcp.f32 v1  }
0x267: {  	s5 =	sadd.s32 $0x100, s16;
	v7 =	vsub.f32 $0.0e+00, v7;
	v6 =	vmul.f32 $1.442695020e+00, v6;
	v1 =	vadd.f32 v14, v8;
	v8 =	vld [tilespmem:s6+$0xFFFFFF80];
	v17 =	vpop (erf)  }
0x268: {  	s10 =	simm.s32 $0x7E80;
	v14 =	vld [tilespmem:s5+$0x0];
	v11 =	vmul.f32 v17, v11  }
0x269: {  	v7 =	vmul.f32 $1.442695020e+00, v7;
	(erf) = vpow2.f32 v6;
	v6 =	vld [tilespmem:s5+$0xFFFFFF80];
	[tilespmem:s10+$0x40] =	vst v17  }
0x26a: {  	v18 =	vpop (erf);
	[tilespmem:s10+$0x0] =	vst v11;
	v11 =	vld [tilespmem:s15+$0x50]  }
0x26b: {  	v1 =	vadd.f32 v16, v1;
	v57 =	vpop (erf);
	(erf) = vpow2.f32 v7;
	v7 =	vadd.f32 v10, v12;
	v10 =	vld [tilespmem:s17+$0x10]  }
0x26c: {  	v56 =	vadd.f32 $1.000000000e+00, v18;
	v12 =	vpop (erf);
	v19 =	vld [tilespmem:s12+$0x10]  }
0x26d: {  	v2 =	vld [tilespmem:s3+$0xFFFFFFE0];
	v1 =	vsub.f32 $0.0e+00, v1;
	v18 =	vadd.f32 $1.000000000e+00, v57;
	v9 =	vmul.f32 v12, v9  }
0x26e: {  	v5 =	vld [tilespmem:s15+$0xFFFFFFD0];
	(erf) = vrcp.f32 v56;
	v7 =	vadd.f32 v14, v7;
	[tilespmem:s10+$0xFFFFFFC0] =	vst v12  }
0x26f: {  	v8 =	vadd.f32 v8, v55;
	v58 =	vmul.f32 $1.442695020e+00, v1;
	(erf) = vrcp.f32 v18;
	[tilespmem:s10+$0xFFFFFF80] =	vst v9;
	v9 =	vld [tilespmem:s16+$0x10];
	v12 =	vpop (erf)  }
0x270: {  	v4 =	vld [tilespmem:s24+$0xFFFFFFE0];
	v7 =	vsub.f32 $0.0e+00, v7;
	v11 =	vmul.f32 v12, v11  }
0x271: {  	v6 =	vadd.f32 v6, v8;
	(erf) = vpow2.f32 v58;
	v14 =	vld [tilespmem:s17+$0xFFFFFF90];
	[tilespmem:s1+$0x50] =	vst v12;
	v10 =	vadd.f32 v19, v10  }
0x272: {  	v7 =	vmul.f32 $1.442695020e+00, v7;
	[tilespmem:s1+$0x10] =	vst v11;
	v11 =	vld [tilespmem:s24+$0x60]  }
0x273: {  	v6 =	vsub.f32 $0.0e+00, v6;
	v12 =	vpop (erf);
	v59 =	vld [tilespmem:s15+$0x20]  }
0x274: {  	v12 =	vadd.f32 $1.000000000e+00, v12;
	(erf) = vpow2.f32 v7;
	v7 =	vadd.f32 v9, v10;
	v9 =	vld [tilespmem:s9+$0x20]  }
0x275: {  	v8 =	vld [tilespmem:s12+$0xFFFFFF90];
	v6 =	vmul.f32 $1.442695020e+00, v6;
	v10 =	vpop (erf)  }
0x276: {  	(erf) = vrcp.f32 v12;
	v12 =	vld [tilespmem:s25+$0x20];
	v10 =	vadd.f32 $1.000000000e+00, v10  }
0x277: {  	[tilespmem:s8+$0x70] =	vst v13;
	v2 =	vmul.f32 v15, v2;
	v60 =	vld [tilespmem:s16+$0xFFFFFF90];
	v61 =	vpop (erf);
	(erf) = vpow2.f32 v6  }
0x278: {  	[tilespmem:s26+$0xFFFFFFE0] =	vst v15;
	v1 =	vld [tilespmem:s0+$0xFFFFFFC0];
	v7 =	vsub.f32 $0.0e+00, v7;
	v15 =	vpop (erf);
	(erf) = vrcp.f32 v10  }
0x279: {  	[tilespmem:s26+$0xFFFFFFA0] =	vst v2;
	v2 =	vld [tilespmem:s17+$0xFFFFFFD0];
	v11 =	vmul.f32 v15, v11;
	v9 =	vadd.f32 v9, v59  }
0x27a: {  	v8 =	vadd.f32 v8, v14;
	v6 =	vld [tilespmem:s3+$0xFFFFFFB0];
	v7 =	vmul.f32 $1.442695020e+00, v7;
	[tilespmem:s14+$0x60] =	vst v15;
	v15 =	vpop (erf)  }
0x27b: {  	v5 =	vmul.f32 v61, v5;
	v10 =	vadd.f32 $1.000000000e+00, v15;
	[tilespmem:s14+$0x20] =	vst v11;
	v11 =	vld [tilespmem:s3+$0x70];
	v9 =	vadd.f32 v12, v9  }
0x27c: {  	v8 =	vadd.f32 v60, v8;
	[tilespmem:s1+$0xFFFFFFD0] =	vst v61;
	(erf) = vpow2.f32 v7;
	v7 =	vld [tilespmem:s24+$0x30]  }
0x27d: {  	v3 =	vmul.f32 v13, v3;
	[tilespmem:s1+$0xFFFFFF90] =	vst v5;
	v5 =	vld [tilespmem:s31+$0x30];
	(erf) = vrcp.f32 v10;
	v13 =	vsub.f32 $0.0e+00, v9  }
0x27e: {  	v8 =	vsub.f32 $0.0e+00, v8;
	v15 =	vld [tilespmem:s9+$0xFFFFFFA0];
	v12 =	vpop (erf)  }
0x27f: {  	v14 =	vld [tilespmem:s7+$0x30];
	v12 =	vadd.f32 $1.000000000e+00, v12;
	v62 =	vpop (erf)  }
0x280: {  	[tilespmem:s8+$0x30] =	vst v3;
	v8 =	vmul.f32 $1.442695020e+00, v8;
	v10 =	vld [tilespmem:s15+$0xFFFFFFA0];
	v3 =	vmul.f32 v62, v11;
	v11 =	vpop (erf)  }
0x281: {  	v9 =	vld [tilespmem:s25+$0xFFFFFFA0];
	(erf) = vrcp.f32 v12;
	v12 =	vmul.f32 $1.442695020e+00, v13;
	v13 =	vpop (erf)  }
0x282: {  	(erf) = vpow2.f32 v8;
	v7 =	vadd.f32 v5, v7;
	v5 =	vld [tilespmem:s15+$0xFFFFFFE0];
	v4 =	vmul.f32 v13, v4  }
0x283: {  	[tilespmem:s26+$0x70] =	vst v62;
	v8 =	vld [tilespmem:s11+$0xFFFFFFB0];
	v63 =	vadd.f32 $1.000000000e+00, v11;
	(erf) = vpow2.f32 v12  }
0x284: {  	[tilespmem:s26+$0x30] =	vst v3;
	v3 =	vld [tilespmem:s3+$0xFFFFFFF0];
	v14 =	vadd.f32 v14, v7  }
0x285: {  	s4 =	simm.s32 $0xA;
	v11 =	vadd.f32 v15, v10;
	v7 =	vld [tilespmem:s28+$0xFFFFFFB0];
	[tilespmem:s14+$0xFFFFFFE0] =	vst v13;
	(erf) = vrcp.f32 v63;
	v12 =	vpop (erf)  }
0x286: {  	s2 =	smov.u32 s5;
	s11 =	simm.s32 $0x1C80;
	v10 =	vld [tilespmem:s0+$0x40];
	s3 =	smov.u32 s6;
	v13 =	vadd.f32 $1.000000000e+00, v12;
	[tilespmem:s14+$0xFFFFFFA0] =	vst v4;
	v12 =	vsub.f32 $0.0e+00, v14;
	v4 =	vpop (erf)  }
.LBB2_5:
0x287: {  	v14 =	vld [tilespmem:s11+$0x0];
	s6 =	sadd.s32 $0x100, s6;
	v9 =	vadd.f32 v9, v11;
	v15 =	vmul.f32 v4, v0;
	[tilespmem:s8+$0xFFFFFFF0] =	vst v4;
	v4 =	vmov v5;
	s28 =	smov.u32 s0;
	s0 =	smov.u32 s11  }
0x288: {  	v5 =	vld [tilespmem:s6+$0x0];
	(erf) = vrcp.f32 v13;
	v11 =	vmul.f32 $1.442695020e+00, v12;
	v6 =	vadd.f32 v8, v6  }
0x289: {  	s5 =	sadd.s32 $0x100, s5;
	v8 =	vld [tilespmem:s6+$0xFFFFFF80];
	v9 =	vsub.f32 $0.0e+00, v9;
	[tilespmem:s8+$0xFFFFFFB0] =	vst v15;
	s8 =	smov.u32 s26;
	s26 =	smov.u32 s14  }
0x28a: {  	s14 =	smov.u32 s1;
	s1 =	smov.u32 s10;
	v12 =	vld [tilespmem:s5+$0x0];
	v13 =	vpop (erf);
	(erf) = vpow2.f32 v11;
	v6 =	vadd.f32 v7, v6;
	v0 =	vmov v3  }
0x28b: {  	s4 =	sadd.s32 $0x2, s4;
	s10 =	sadd.s32 $0x100, s10;
	v3 =	vld [tilespmem:s11+$0xFFFFFF80];
	v7 =	vmul.f32 v13, v10;
	v10 =	vpop (erf);
	v9 =	vmul.f32 $1.442695020e+00, v9  }
0x28c: {  	p2 =	slt.u32 s4, $0x26;
	v11 =	vld [tilespmem:s5+$0xFFFFFF80];
	[tilespmem:s10+$0x40] =	vst v13;
	v10 =	vadd.f32 $1.000000000e+00, v10;
	v13 =	vpop (erf);
	v6 =	vsub.f32 $0.0e+00, v6  }
0x28d: {  	v5 =	vadd.f32 v5, v14;
	[tilespmem:s10+$0x0] =	vst v7;
	v7 =	vld [tilespmem:s17+$0x50];
	v13 =	vadd.f32 $1.000000000e+00, v13;
	(erf) = vpow2.f32 v9  }
0x28e: {  	v9 =	vld [tilespmem:s28+$0x10];
	v14 =	vpop (erf);
	(erf) = vrcp.f32 v10;
	v6 =	vmul.f32 $1.442695020e+00, v6  }
0x28f: {  	v5 =	vadd.f32 v12, v5;
	v10 =	vmul.f32 v14, v1;
	[tilespmem:s10+$0xFFFFFFC0] =	vst v14;
	v12 =	vld [tilespmem:s3+$0x10];
	(erf) = vrcp.f32 v13  }
0x290: {  	v3 =	vadd.f32 v8, v3;
	v1 =	vld [tilespmem:s11+$0xFFFFFFC0];
	(erf) = vpow2.f32 v6  }
0x291: {  	v5 =	vsub.f32 $0.0e+00, v5;
	[tilespmem:s10+$0xFFFFFF80] =	vst v10;
	v6 =	vld [tilespmem:s2+$0x10];
	v8 =	vpop (erf)  }
0x292: {  	v3 =	vadd.f32 v11, v3;
	v10 =	vld [tilespmem:s28+$0xFFFFFF90];
	v7 =	vmul.f32 v8, v7  }
0x293: {  	v5 =	vmul.f32 $1.442695020e+00, v5;
	v11 =	vld [tilespmem:s3+$0xFFFFFF90];
	[tilespmem:s1+$0x50] =	vst v8;
	v8 =	vpop (erf)  }
0x294: {  	v9 =	vadd.f32 v12, v9;
	[tilespmem:s1+$0x10] =	vst v7;
	v7 =	vld [tilespmem:s15+$0x60];
	v8 =	vadd.f32 $1.000000000e+00, v8  }
0x295: {  	v3 =	vsub.f32 $0.0e+00, v3;
	(erf) = vpow2.f32 v5;
	v5 =	vld [tilespmem:s17+$0x20]  }
0x296: {  	v6 =	vadd.f32 v6, v9;
	v9 =	vld [tilespmem:s12+$0x20];
	v12 =	vpop (erf);
	(erf) = vrcp.f32 v8  }
0x297: {  	v3 =	vmul.f32 $1.442695020e+00, v3;
	v8 =	vld [tilespmem:s2+$0xFFFFFF90];
	v13 =	vpop (erf);
	v12 =	vadd.f32 $1.000000000e+00, v12  }
0x298: {  	v10 =	vadd.f32 v11, v10;
	v6 =	vsub.f32 $0.0e+00, v6;
	v11 =	vmul.f32 v13, v2;
	[tilespmem:s1+$0xFFFFFFD0] =	vst v13;
	v13 =	vld [tilespmem:s16+$0x20];
	v14 =	vpop (erf)  }
0x299: {  	(erf) = vpow2.f32 v3;
	v2 =	vld [tilespmem:s28+$0xFFFFFFD0];
	v3 =	vmul.f32 v14, v7;
	v7 =	vpop (erf)  }
0x29a: {  	v15 =	vmul.f32 $1.442695020e+00, v6;
	[tilespmem:s14+$0x60] =	vst v14;
	(erf) = vrcp.f32 v12;
	v6 =	vld [tilespmem:s24+$0xFFFFFFB0];
	v7 =	vadd.f32 $1.000000000e+00, v7  }
0x29b: {  	v5 =	vadd.f32 v9, v5;
	[tilespmem:s14+$0x20] =	vst v3;
	v3 =	vld [tilespmem:s24+$0x70]  }
0x29c: {  	v8 =	vadd.f32 v8, v10;
	(erf) = vpow2.f32 v15;
	[tilespmem:s1+$0xFFFFFF90] =	vst v11;
	v10 =	vld [tilespmem:s15+$0x30]  }
0x29d: {  	v5 =	vadd.f32 v13, v5;
	v11 =	vld [tilespmem:s9+$0x30];
	(erf) = vrcp.f32 v7  }
0x29e: {  	v7 =	vpop (erf);
	v8 =	vsub.f32 $0.0e+00, v8;
	v12 =	vld [tilespmem:s17+$0xFFFFFFA0]  }
0x29f: {  	v7 =	vadd.f32 $1.000000000e+00, v7;
	v5 =	vsub.f32 $0.0e+00, v5;
	v13 =	vld [tilespmem:s25+$0x30];
	v9 =	vpop (erf)  }
0x2a0: {  	v8 =	vmul.f32 $1.442695020e+00, v8;
	v14 =	vld [tilespmem:s12+$0xFFFFFFA0];
	v3 =	vmul.f32 v9, v3;
	[tilespmem:s26+$0x70] =	vst v9  }
0x2a1: {  	(erf) = vrcp.f32 v7;
	v9 =	vld [tilespmem:s16+$0xFFFFFFA0];
	v16 =	vmul.f32 $1.442695020e+00, v5  }
.Ltmp3:
0x2a2: {  	v15 =	vpop (erf);
	(erf) = vpow2.f32 v8;
	v5 =	vld [tilespmem:s17+$0xFFFFFFE0];
	v10 =	vadd.f32 v11, v10;
	[tilespmem:s26+$0x30] =	vst v3;
	(pc) =	sbr.rel @p2 .LBB2_5-.Ltmp3, $4  }
0x2a3: {  	v3 =	vadd.f32 $1.000000000e+00, v15;
	(erf) = vpow2.f32 v16;
	v7 =	vpop (erf);
	v8 =	vld [tilespmem:s31+$0xFFFFFFB0];
	s31 =	smov.u32 s9;
	s9 =	smov.u32 s12;
	s12 =	smov.u32 s3  }
0x2a4: {  	s3 =	smov.u32 s6;
	v16 =	vmul.f32 v7, v4;
	[tilespmem:s14+$0xFFFFFFE0] =	vst v7;
	v15 =	vadd.f32 v13, v10;
	v7 =	vld [tilespmem:s7+$0xFFFFFFB0];
	s7 =	smov.u32 s25;
	s25 =	smov.u32 s16  }
0x2a5: {  	s16 =	smov.u32 s2;
	s2 =	smov.u32 s5;
	(erf) = vrcp.f32 v3;
	v13 =	vpop (erf);
	v11 =	vadd.f32 v14, v12;
	v3 =	vld [tilespmem:s24+$0xFFFFFFF0];
	s24 =	smov.u32 s15  }
0x2a6: {  	s11 =	sadd.s32 $0x100, s11;
	s15 =	smov.u32 s17;
	s17 =	smov.u32 s28;
	v10 =	vld [tilespmem:s0+$0x40];
	v13 =	vadd.f32 $1.000000000e+00, v13;
	[tilespmem:s14+$0xFFFFFFA0] =	vst v16;
	v12 =	vsub.f32 $0.0e+00, v15;
	v4 =	vpop (erf)  }
0x2a7: {  	_ =	sdelay $0x1  }
0x2a8: {  	v9 =	vadd.f32 v9, v11  }
0x2a9: {  	v47 =	vpop (erf)  }
0x2aa: {  	s4 =	sadd.s32 $0x100, s10;
	(erf) = vrcp.f32 v13;
	v9 =	vsub.f32 $0.0e+00, v9;
	v10 =	vmul.f32 v47, v10  }
0x2ab: {  	v12 =	vmul.f32 $1.442695020e+00, v12;
	[tilespmem:s4+$0x40] =	vst v47  }
0x2ac: {  	v9 =	vmul.f32 $1.442695020e+00, v9;
	[tilespmem:s4+$0x0] =	vst v10  }
0x2ad: {  	(erf) = vpow2.f32 v12;
	v50 =	vld [tilespmem:s0+$0x10]  }
0x2ae: {  	v6 =	vadd.f32 v8, v6;
	v49 =	vpop (erf);
	(erf) = vpow2.f32 v9;
	v53 =	vld [tilespmem:s3+$0x10]  }
0x2af: {  	v48 =	vld [tilespmem:s17+$0x50];
	v51 =	vadd.f32 $1.000000000e+00, v49;
	v52 =	vpop (erf)  }
0x2b0: {  	v6 =	vadd.f32 v7, v6;
	v11 =	vadd.f32 $1.000000000e+00, v52;
	v54 =	vpop (erf);
	v55 =	vld [tilespmem:s2+$0x10]  }
0x2b1: {  	(erf) = vrcp.f32 v51;
	v1 =	vmul.f32 v54, v1  }
0x2b2: {  	v6 =	vsub.f32 $0.0e+00, v6;
	[tilespmem:s4+$0xFFFFFFC0] =	vst v54;
	(erf) = vrcp.f32 v11  }
0x2b3: {  	v59 =	vld [tilespmem:s15+$0x60];
	[tilespmem:s4+$0xFFFFFF80] =	vst v1;
	v56 =	vpop (erf);
	v9 =	vadd.f32 v53, v50  }
0x2b4: {  	v6 =	vmul.f32 $1.442695020e+00, v6;
	v57 =	vld [tilespmem:s0+$0xFFFFFF90];
	v10 =	vmul.f32 v56, v48  }
0x2b5: {  	v58 =	vld [tilespmem:s3+$0xFFFFFF90];
	[tilespmem:s10+$0x50] =	vst v56;
	v7 =	vadd.f32 v55, v9  }
0x2b6: {  	(erf) = vpow2.f32 v6;
	v13 =	vld [tilespmem:s2+$0xFFFFFF90];
	v60 =	vpop (erf);
	[tilespmem:s10+$0x10] =	vst v10  }
0x2b7: {  	v6 =	vadd.f32 $1.000000000e+00, v60;
	v61 =	vld [tilespmem:s17+$0x20];
	v62 =	vpop (erf);
	v7 =	vsub.f32 $0.0e+00, v7  }
0x2b8: {  	v10 =	vld [tilespmem:s12+$0x20];
	v12 =	vadd.f32 $1.000000000e+00, v62  }
0x2b9: {  	(erf) = vrcp.f32 v6;
	v7 =	vmul.f32 $1.442695020e+00, v7  }
0x2ba: {  	v14 =	vld [tilespmem:s16+$0x20];
	v63 =	vpop (erf);
	v8 =	vadd.f32 v58, v57;
	(erf) = vrcp.f32 v12  }
0x2bb: {  	v15 =	vpop (erf);
	v2 =	vmul.f32 v63, v2;
	[tilespmem:s10+$0xFFFFFFD0] =	vst v63;
	(erf) = vpow2.f32 v7  }
0x2bc: {  	v1 =	vmul.f32 v15, v59;
	[tilespmem:s1+$0x60] =	vst v15;
	v17 =	vadd.f32 v13, v8  }
0x2bd: {  	v16 =	vadd.f32 v10, v61;
	[tilespmem:s10+$0xFFFFFF90] =	vst v2  }
0x2be: {  	[tilespmem:s1+$0x20] =	vst v1;
	v1 =	vsub.f32 $0.0e+00, v17;
	v21 =	vld [tilespmem:s17+$0xFFFFFFA0]  }
0x2bf: {  	v19 =	vpop (erf);
	v18 =	vld [tilespmem:s15+$0x30];
	v7 =	vadd.f32 v14, v16  }
0x2c0: {  	v8 =	vadd.f32 $1.000000000e+00, v19;
	v20 =	vld [tilespmem:s9+$0x30]  }
0x2c1: {  	v23 =	vld [tilespmem:s12+$0xFFFFFFA0];
	v22 =	vmul.f32 $1.442695020e+00, v1;
	v7 =	vsub.f32 $0.0e+00, v7  }
0x2c2: {  	v24 =	vld [tilespmem:s25+$0x30];
	(erf) = vrcp.f32 v8;
	v1 =	vpop (erf)  }
0x2c3: {  	v25 =	vld [tilespmem:s16+$0xFFFFFFA0];
	(erf) = vpow2.f32 v22;
	v7 =	vmul.f32 $1.442695020e+00, v7;
	v26 =	vpop (erf)  }
0x2c4: {  	v27 =	vpop (erf)  }
0x2c5: {  	v2 =	vadd.f32 v20, v18;
	(erf) = vpow2.f32 v7;
	v28 =	vadd.f32 $1.000000000e+00, v27  }
0x2c6: {  	v29 =	vadd.f32 v23, v21  }
0x2c7: {  	v30 =	vld [tilespmem:s31+$0xFFFFFFB0];
	v2 =	vadd.f32 v24, v2;
	(erf) = vrcp.f32 v28  }
0x2c8: {  	v31 =	vld [tilespmem:s24+$0xFFFFFFB0];
	v7 =	vadd.f32 v25, v29  }
0x2c9: {  	v8 =	vsub.f32 $0.0e+00, v2  }
0x2ca: {  	v32 =	vld [tilespmem:s7+$0xFFFFFFB0];
	v7 =	vsub.f32 $0.0e+00, v7  }
0x2cb: {  	v2 =	vpop (erf);
	v8 =	vmul.f32 $1.442695020e+00, v8  }
0x2cc: {  	v34 =	vld [tilespmem:s0+$0x50];
	v7 =	vmul.f32 $1.442695020e+00, v7;
	v33 =	vpop (erf)  }
0x2cd: {  	v6 =	vadd.f32 v30, v31;
	(erf) = vpow2.f32 v8;
	v35 =	vadd.f32 $1.000000000e+00, v33  }
0x2ce: {  	(erf) = vpow2.f32 v7;
	v36 =	vpop (erf)  }
0x2cf: {  	v6 =	vadd.f32 v32, v6;
	(erf) = vrcp.f32 v35;
	v9 =	vadd.f32 $1.000000000e+00, v36  }
0x2d0: {  	v37 =	vpop (erf)  }
0x2d1: {  	v6 =	vsub.f32 $0.0e+00, v6;
	(erf) = vrcp.f32 v9;
	v38 =	vmul.f32 v37, v34  }
0x2d2: {  	[tilespmem:s4+$0x50] =	vst v37  }
0x2d3: {  	v41 =	vld [tilespmem:s0+$0xFFFFFFD0];
	v6 =	vmul.f32 $1.442695020e+00, v6;
	[tilespmem:s4+$0x10] =	vst v38  }
0x2d4: {  	v8 =	vld [tilespmem:s0+$0x20]  }
0x2d5: {  	(erf) = vpow2.f32 v6;
	v40 =	vld [tilespmem:s3+$0x20]  }
0x2d6: {  	v39 =	vld [tilespmem:s17+$0x60];
	v42 =	vpop (erf)  }
0x2d7: {  	v43 =	vpop (erf);
	v44 =	vld [tilespmem:s2+$0x20]  }
0x2d8: {  	v45 =	vpop (erf)  }
0x2d9: {  	v47 =	vmul.f32 v45, v41  }
0x2da: {  	[tilespmem:s4+$0xFFFFFFD0] =	vst v45;
	v46 =	vpop (erf);
	v6 =	vadd.f32 v40, v8  }
0x2db: {  	[tilespmem:s4+$0xFFFFFF90] =	vst v47;
	v7 =	vmul.f32 v46, v39  }
0x2dc: {  	[tilespmem:s10+$0x60] =	vst v46;
	v6 =	vadd.f32 v44, v6  }
0x2dd: {  	v48 =	vadd.f32 $1.000000000e+00, v42;
	v54 =	vld [tilespmem:s0+$0xFFFFFFA0];
	[tilespmem:s10+$0x20] =	vst v7  }
0x2de: {  	v50 =	vadd.f32 $1.000000000e+00, v43;
	v51 =	vpop (erf);
	v49 =	vld [tilespmem:s17+$0x30];
	v6 =	vsub.f32 $0.0e+00, v6  }
0x2df: {  	(erf) = vrcp.f32 v48;
	v53 =	vadd.f32 $1.000000000e+00, v51;
	v52 =	vld [tilespmem:s12+$0x30]  }
0x2e0: {  	(erf) = vrcp.f32 v50;
	v55 =	vld [tilespmem:s3+$0xFFFFFFA0];
	v6 =	vmul.f32 $1.442695020e+00, v6  }
0x2e1: {  	v56 =	vld [tilespmem:s16+$0x30];
	(erf) = vrcp.f32 v53  }
0x2e2: {  	v57 =	vld [tilespmem:s2+$0xFFFFFFA0];
	(erf) = vpow2.f32 v6;
	_ =	sdelay $0x1  }
0x2e3: {  	v58 =	vadd.f32 v52, v49  }
0x2e4: {  	v59 =	vadd.f32 v55, v54  }
0x2e5: {  	v6 =	vadd.f32 v56, v58  }
0x2e6: {  	v60 =	vadd.f32 v57, v59  }
0x2e7: {  	v61 =	vpop (erf);
	v6 =	vsub.f32 $0.0e+00, v6  }
0x2e8: {  	v5 =	vmul.f32 v26, v5;
	v62 =	vpop (erf);
	v7 =	vsub.f32 $0.0e+00, v60  }
0x2e9: {  	[tilespmem:s1+$0xFFFFFFE0] =	vst v26;
	v63 =	vpop (erf);
	v6 =	vmul.f32 $1.442695020e+00, v6  }
0x2ea: {  	[tilespmem:s1+$0xFFFFFFA0] =	vst v5;
	v12 =	vmul.f32 $1.442695020e+00, v7;
	v13 =	vpop (erf)  }
0x2eb: {  	v14 =	vld [tilespmem:s15+$0xFFFFFFB0];
	(erf) = vpow2.f32 v6;
	v15 =	vadd.f32 $1.000000000e+00, v13  }
0x2ec: {  	v16 =	vld [tilespmem:s9+$0xFFFFFFB0];
	(erf) = vpow2.f32 v12  }
0x2ed: {  	(erf) = vrcp.f32 v15  }
0x2ee: {  	v17 =	vld [tilespmem:s25+$0xFFFFFFB0];
	_ =	sdelay $0x1  }
0x2ef: {  	v18 =	vld [tilespmem:s17+$0xFFFFFFE0]  }
0x2f0: {  	v7 =	vadd.f32 v16, v14  }
0x2f1: {  	v19 =	vld [tilespmem:s0+$0x60]  }
0x2f2: {  	v5 =	vadd.f32 v17, v7  }
0x2f3: {  	v20 =	vpop (erf)  }
0x2f4: {  	v5 =	vsub.f32 $0.0e+00, v5;
	v6 =	vmul.f32 v62, v18;
	v21 =	vpop (erf)  }
0x2f5: {  	[tilespmem:s10+$0xFFFFFFE0] =	vst v62;
	v22 =	vpop (erf)  }
0x2f6: {  	v5 =	vmul.f32 $1.442695020e+00, v5;
	[tilespmem:s10+$0xFFFFFFA0] =	vst v6;
	v23 =	vmul.f32 v22, v19  }
0x2f7: {  	v7 =	vadd.f32 $1.000000000e+00, v20;
	[tilespmem:s4+$0x60] =	vst v22  }
0x2f8: {  	v25 =	vld [tilespmem:s17+$0xFFFFFFB0];
	(erf) = vpow2.f32 v5;
	v24 =	vadd.f32 $1.000000000e+00, v21;
	[tilespmem:s4+$0x20] =	vst v23  }
0x2f9: {  	(erf) = vrcp.f32 v7;
	v6 =	vld [tilespmem:s0+$0x30]  }
0x2fa: {  	(erf) = vrcp.f32 v24;
	v26 =	vld [tilespmem:s3+$0x30]  }
0x2fb: {  	v27 =	vld [tilespmem:s12+$0xFFFFFFB0]  }
0x2fc: {  	v28 =	vld [tilespmem:s2+$0x30]  }
0x2fd: {  	v29 =	vld [tilespmem:s16+$0xFFFFFFB0];
	_ =	sdelay $0x1  }
0x2fe: {  	v30 =	vld [tilespmem:s0+$0xFFFFFFE0];
	v5 =	vadd.f32 v26, v6  }
0x2ff: {  	v31 =	vadd.f32 v27, v25  }
0x300: {  	v32 =	vpop (erf);
	v5 =	vadd.f32 v28, v5  }
0x301: {  	v33 =	vpop (erf);
	v6 =	vadd.f32 v29, v31  }
0x302: {  	v34 =	vpop (erf);
	v5 =	vsub.f32 $0.0e+00, v5  }
0x303: {  	v7 =	vadd.f32 $1.000000000e+00, v32;
	v35 =	vmul.f32 v34, v30;
	v6 =	vsub.f32 $0.0e+00, v6  }
0x304: {  	[tilespmem:s4+$0xFFFFFFE0] =	vst v34;
	v5 =	vmul.f32 $1.442695020e+00, v5  }
0x305: {  	(erf) = vrcp.f32 v7;
	[tilespmem:s4+$0xFFFFFFA0] =	vst v35;
	v6 =	vmul.f32 $1.442695020e+00, v6  }
0x306: {  	v36 =	vld [tilespmem:s0+$0xFFFFFFB0];
	(erf) = vpow2.f32 v5  }
0x307: {  	v37 =	vld [tilespmem:s3+$0xFFFFFFB0];
	(erf) = vpow2.f32 v6;
	_ =	sdelay $0x1  }
0x308: {  	v38 =	vld [tilespmem:s2+$0xFFFFFFB0];
	_ =	sdelay $0x2  }
0x309: {  	v5 =	vadd.f32 v37, v36;
	_ =	sdelay $0x1  }
0x30a: {  	v39 =	vpop (erf);
	v5 =	vadd.f32 v38, v5  }
0x30b: {  	v40 =	vpop (erf)  }
0x30c: {  	v5 =	vsub.f32 $0.0e+00, v5;
	v7 =	vadd.f32 $1.000000000e+00, v40;
	v41 =	vpop (erf)  }
0x30d: {  	v11 =	vadd.f32 $1.000000000e+00, v41  }
0x30e: {  	v5 =	vmul.f32 $1.442695020e+00, v5;
	(erf) = vrcp.f32 v7  }
0x30f: {  	(erf) = vrcp.f32 v11  }
0x310: {  	(erf) = vpow2.f32 v5;
	_ =	sdelay $0x2  }
0x311: {  	v42 =	vld [tilespmem:s24+$0x70]  }
0x312: {  	v0 =	vmul.f32 v4, v0  }
0x313: {  	[tilespmem:s8+$0xFFFFFFF0] =	vst v4;
	v43 =	vld [tilespmem:s15+$0x70]  }
0x314: {  	[tilespmem:s8+$0xFFFFFFB0] =	vst v0  }
0x315: {  	[tilespmem:s26+$0xFFFFFFF0] =	vst v2;
	v45 =	vld [tilespmem:s24+$0xFFFFFFF0];
	v47 =	vmul.f32 v2, v3;
	v46 =	vpop (erf)  }
0x316: {  	[tilespmem:s14+$0x70] =	vst v1;
	v44 =	vmul.f32 v1, v42;
	v48 =	vpop (erf)  }
0x317: {  	[tilespmem:s26+$0xFFFFFFB0] =	vst v47;
	v49 =	vld [tilespmem:s17+$0x70];
	v50 =	vpop (erf)  }
0x318: {  	[tilespmem:s14+$0x30] =	vst v44;
	v51 =	vmul.f32 v61, v43;
	v52 =	vadd.f32 $1.000000000e+00, v50  }
0x319: {  	v53 =	vld [tilespmem:s15+$0xFFFFFFF0];
	[tilespmem:s1+$0x70] =	vst v61  }
0x31a: {  	[tilespmem:s1+$0x30] =	vst v51;
	v54 =	vmul.f32 v63, v45;
	(erf) = vrcp.f32 v52  }
0x31b: {  	[tilespmem:s14+$0xFFFFFFF0] =	vst v63  }
0x31c: {  	[tilespmem:s14+$0xFFFFFFB0] =	vst v54;
	v55 =	vld [tilespmem:s0+$0x70];
	v56 =	vmul.f32 v33, v49  }
0x31d: {  	v57 =	vld [tilespmem:s17+$0xFFFFFFF0];
	[tilespmem:s10+$0x70] =	vst v33  }
0x31e: {  	[tilespmem:s10+$0x30] =	vst v56;
	v58 =	vmul.f32 v39, v53  }
0x31f: {  	v59 =	vld [tilespmem:s0+$0xFFFFFFF0];
	[tilespmem:s1+$0xFFFFFFF0] =	vst v39  }
0x320: {  	[tilespmem:s1+$0xFFFFFFB0] =	vst v58  }
0x321: {  	v60 =	vmul.f32 v46, v55;
	[tilespmem:s4+$0x70] =	vst v46  }
0x322: {  	v61 =	vmul.f32 v48, v57;
	[tilespmem:s10+$0xFFFFFFF0] =	vst v48  }
0x323: {  	[tilespmem:s4+$0x30] =	vst v60;
	v62 =	vpop (erf)  }
0x324: {  	[tilespmem:s10+$0xFFFFFFB0] =	vst v61;
	v63 =	vmul.f32 v62, v59  }
0x325: {  	s28 =	simm.s32 $0x28;
	s5 =	simm.s32 $0x180;
	[tilespmem:s4+$0xFFFFFFF0] =	vst v62  }
.Ltmp4:
0x326: {  	s31 =	simm.s32 $0x7A00;
	s26 =	rddreg [dreg:$0x1];
	[tilespmem:s4+$0xFFFFFFB0] =	vst v63;
	(pc) =	sbr.rel @p1 .LBB2_8-.Ltmp4, $4  }
0x327: {  	[spmem:s26] =	stream.indirect.scatter.add.f32 [tilespmem:s31], [sflag:$0x5], $0x80, s5, s28, $0xb8;
	[tilespmem:$0x1C680] =	vst v63  }
0x328: {  	_ =	swait.ge [sflag:s13], $0x1400  }
0x329: {  	[sflag:s13] =	ssyncset.done $0x0  }
0x32a: {  	[sflag:s13] =	ssyncadd.s32 $0xFFFFEC00  }
0x32b: {  	s0 =	rddreg [dreg:$0x10]  }
0x32c: {  	s0 =	sadd.s32 s19, s0  }
.Ltmp5:
0x32d: {  	s1 =	rddreg [dreg:$0x3];
	s0 =	sshrl.u32 s0, $0x3;
	(pc) =	sbr.rel .LBB2_2-.Ltmp5, $4  }
0x32e: {  	s9 =	simm.s32 $0x0;
	s4 =	simm.s32 $0x100;
	s0 =	sadd.s32 s1, s0  }
0x32f: {  	[tilespmem:s4], [sflag:$0x2] =	stream.linear.gather [hbm4b:s0+s9], $0x28, $0x38;
	[tilespmem:$0x1C680] =	vst v63  }
0x330: {  	s18 =	sadd.s32 $0x1, s18;
	s0 =	sadd.s32 $0x9C40, s0  }
0x331: {  	[tilespmem:s5], [sflag:$0x2] =	stream.linear.gather [hbm4b:s0+s9], $0x28, $0x38;
	[tilespmem:$0x1C680] =	vst v63  }
.LBB2_9:
0x332: {  	_ =	sfence.sel $0x180000  }
0x333: {  	[bflag:$0x0] =	sbarrier.arrive $0xFFFF  }
0x334: {  	_ =	strace $0x9000004A  }
0x335: {  	s0 =	stileid.u32;
	[bflag:$0x2] =	sbarrier.arrive $0xFFFF  }
0x336: {  	p0 =	sne.s32 s0, $0x0;
	s0 =	rddreg [dreg:$0x2]  }
0x337: {  	s0 =	sadd.s32 @!p0 $0x100000, s0  }
0x338: {  	[sflag:s0] =	ssyncadd.tile.s32 @!p0 $0x1;
	_ =	shalt  }
.Lfunc_end2:
_tile_overlayer_lowered:
.L_overlay_start_2:
0x339: {  	(tag) =	ssettag $0x2  }
0x33a: {  	s0 =	rddreg [dreg:$0x0];
	s2 =	stileid.u32  }
0x33b: {  	s1 =	rddreg [dreg:$0x1];
	p0 =	sne.s32 s2, $0x0  }
0x33c: {  	s3 =	rddreg [dreg:$0x2];
	[bflag:$0x3] =	sbarrier.arrive $0xFFFF;
	s2 =	simm.s32 @!p0 $0x1C05  }
0x33d: {  	[timem:s3], [sflag:s2] =	dma.local @!p0 [hbm:s0], s1  }
0x33e: {  	s0 =	simm.s32 @!p0 $0x5  }
0x33f: {  	_ =	swait.ge @!p0 [sflag:s0], s1  }
0x340: {  	s1 =	ssub.s32 @!p0 $0x0, s1;
	[sflag:s0] =	ssyncset.done @!p0 $0x0  }
0x341: {  	[sflag:s0] =	ssyncadd.s32 @!p0 s1  }
0x342: {  	[bflag:$0x3] =	sbarrier.arrive $0xFFFF  }
0x343: {  	_ =	shalt  }

</sc_bundles>
